<compile_context>
chip_gen: v7x
topology: tpu7x:2x2x1
jax: 0.10.2.dev20260603
libtpu: 0.0.44.dev20260713+nightly
codegen_flags: <defaults>
</compile_context>

<pallas_src>
import functools

import jax
import jax.numpy as jnp
from jax import lax
from jax.experimental import pallas as pl
from jax.experimental.pallas import tpu as pltpu
from jax.experimental.pallas import tpu_sc as plsc

_N = 10000
_E = 320000
_F_IN = 128
_H = 8
_C = 8
_HC = 64
_OUT = 10
_G = 128

_NC = 2
_NS = 16
_NW = _NC * _NS
_SUB = 128
_K = 2
_CH = _SUB * _K
_NSUP = 40
_NSUP0 = 60
_EPW = _CH * _NSUP
_EPAD = _NW * _EPW
_NPAD = 10240
_RPT = _NPAD // _NS

_mesh = plsc.VectorSubcoreMesh(core_axis_name="c", subcore_axis_name="s")

_GDN = lax.GatherDimensionNumbers(
    offset_dims=(), collapsed_slice_dims=(0,), start_index_map=(0,))


def _gather16(vec, idx16):
    return lax.gather(vec, idx16[:, None], _GDN, slice_sizes=(1,),
                      mode=lax.GatherScatterMode.PROMISE_IN_BOUNDS)


def _tc1_body(x_ref, w1_ref, as_ref, ad_ref, hs_ref, ad_out_ref):
    h = jnp.dot(x_ref[...], w1_ref[...], preferred_element_type=jnp.float32)
    a_s = jnp.dot(h, as_ref[...], preferred_element_type=jnp.float32)
    a_d = jnp.dot(h, ad_ref[...], preferred_element_type=jnp.float32)
    z8 = jnp.zeros_like(a_s)
    hs_ref[...] = jnp.concatenate([h, a_s, z8], axis=1)
    ad_out_ref[...] = jnp.concatenate([a_d, z8], axis=1)


def _make_sc_body(wide):
    ws = 80 if wide else 16

    def body(ei_ref, src_tbl, dst_tbl, z_ref, out_ref,
             idxA, idxB, gsA, gsB, gdA, gdB, obuf, acc_sh, semA, semB):
        cid = lax.axis_index("c")
        sid = lax.axis_index("s")
        wid = cid * _NS + sid
        r0 = sid * _RPT

        pltpu.sync_copy(z_ref.at[pl.ds(r0, _RPT)], acc_sh.at[pl.ds(r0, _RPT)])
        plsc.subcore_barrier()

        ns0 = _NSUP0 if wide else 44
        nsup = jnp.where(cid == 0, ns0, 2 * _NSUP - ns0)
        t0 = jnp.where(cid == 0, sid * ns0,
                       _NS * ns0 + sid * (2 * _NSUP - ns0))

        def issue(t, idx, gs, gd, sem):
            pltpu.sync_copy(ei_ref.at[pl.ds(4 * t, 4)], idx)
            for r in range(_K):
                pltpu.async_copy(src_tbl.at[idx.at[r]],
                                 gs.at[pl.ds(r * _SUB, _SUB)], sem)
                pltpu.async_copy(dst_tbl.at[idx.at[_K + r]],
                                 gd.at[pl.ds(r * _SUB, _SUB)], sem)

        def drain(gs, gd, sem):
            pltpu.make_async_copy(src_tbl.at[pl.ds(0, _CH)], gs, sem).wait()
            pltpu.make_async_copy(dst_tbl.at[pl.ds(0, _CH)], gd, sem).wait()

        def edge_body_wide(i, c2, gs, gd):
            a_d = gd[i, :]
            a_s = gs[i, pl.ds(64, 16)]
            al = a_s + a_d
            al = jnp.where(al > 0.0, al, 0.2 * al)
            exv = jnp.exp(al)
            obuf[i, pl.ds(64, 16)] = exv
            lane = lax.broadcasted_iota(jnp.int32, (16,), 0)
            half = lax.shift_right_logical(lane, 3)
            for k in range(4):
                exb = _gather16(exv, half + (2 * k))
                obuf[i, pl.ds(16 * k, 16)] = gs[i, pl.ds(16 * k, 16)] * exb
            return c2

        def edge_body_narrow(i, c2, gs, gd):
            rs = gs[i, :]
            rd = gd[i, :]
            lane = lax.broadcasted_iota(jnp.int32, (16,), 0)
            zero = lane * 0
            a_s = _gather16(rs, zero + 10)
            a_d = _gather16(rd, zero + 11)
            al = a_s + a_d
            al = jnp.where(al > 0.0, al, 0.2 * al)
            exv = jnp.exp(al)
            rs1 = jnp.where(lane == 10, 1.0, rs)
            obuf[i, :] = rs1 * exv
            return c2

        edge_body = edge_body_wide if wide else edge_body_narrow

        def compute_scatter(idx, gs, gd):
            @plsc.parallel_loop(0, _CH, 1, unroll=4)
            def _(i):
                edge_body(i, 0, gs, gd)
            for r in range(_K):
                pltpu.sync_copy(obuf.at[pl.ds(r * _SUB, _SUB)],
                                acc_sh.at[idx.at[_K + r]], add=True)

        issue(t0, idxA, gsA, gdA, semA)

        def pair_body(m, carry):
            t = t0 + 2 * m
            issue(t + 1, idxB, gsB, gdB, semB)
            drain(gsA, gdA, semA)
            compute_scatter(idxA, gsA, gdA)
            issue(jnp.minimum(t + 2, t0 + nsup - 1), idxA, gsA, gdA, semA)
            drain(gsB, gdB, semB)
            compute_scatter(idxB, gsB, gdB)
            return carry

        lax.fori_loop(0, nsup // 2, pair_body, 0)
        drain(gsA, gdA, semA)

        plsc.subcore_barrier()
        pltpu.sync_copy(acc_sh.at[pl.ds(r0, _RPT)],
                        out_ref.at[cid, pl.ds(r0, _RPT)])

    wd = 16 if not wide else 16
    kern = functools.partial(
        pl.kernel,
        out_type=jax.ShapeDtypeStruct((_NC, _NPAD, ws), jnp.float32),
        mesh=_mesh,
        compiler_params=pltpu.CompilerParams(use_tc_tiling_on_sc=False),
        scratch_types=[
            pltpu.VMEM((4, _SUB), jnp.int32),
            pltpu.VMEM((4, _SUB), jnp.int32),
            pltpu.VMEM((_CH, ws), jnp.float32),
            pltpu.VMEM((_CH, ws), jnp.float32),
            pltpu.VMEM((_CH, wd), jnp.float32),
            pltpu.VMEM((_CH, wd), jnp.float32),
            pltpu.VMEM((_CH, ws), jnp.float32),
            pltpu.VMEM_SHARED((_NPAD, ws), jnp.float32),
            pltpu.SemaphoreType.DMA,
            pltpu.SemaphoreType.DMA,
        ],
    )
    return kern(body)


def _tc2_body(acc_ref, w2_ref, m2_ref, b1_ref, rexp_ref, t2_ref):
    p = acc_ref[0] + acc_ref[1]
    msg = p[:, 0:64]
    den = p[:, 64:72]
    den_exp = jnp.dot(den, rexp_ref[...], preferred_element_type=jnp.float32)
    out1 = msg / (den_exp + 1e-16) + b1_ref[...]
    h1 = jnp.where(out1 > 0.0, out1, jnp.exp(jnp.minimum(out1, 0.0)) - 1.0)
    h2 = jnp.dot(h1, w2_ref[...], preferred_element_type=jnp.float32)
    t2_ref[...] = jnp.dot(h2, m2_ref[...], preferred_element_type=jnp.float32)


def _tc3_body(acc_ref, b2_ref, batch_ref, out_ref):
    p = (acc_ref[0] + acc_ref[1])[0:_N]
    den = p[:, 10:11]
    h = p[:, 0:10] / (den + 1e-16) + b2_ref[...]
    gid = lax.broadcasted_iota(jnp.int32, (_N, _G), 1)
    oh = (batch_ref[...] == gid).astype(jnp.float32)
    pooled = lax.dot_general(oh, h, (((0,), (0,)), ((), ())),
                             preferred_element_type=jnp.float32)
    counts = lax.dot_general(oh, jnp.ones((_N, 1), jnp.float32),
                             (((0,), (0,)), ((), ())),
                             preferred_element_type=jnp.float32)
    out_ref[...] = pooled / jnp.maximum(counts, 1.0)


def kernel(x, edge_index, batch, W1, att_src1, att_dst1, b1,
           W2, att_src2, att_dst2, b2):
    f32 = jnp.float32
    x = x.astype(f32)

    x_pad = jnp.concatenate([x, jnp.zeros((_NPAD - _N, _F_IN), f32)], axis=0)

    n_extra = _EPAD - _E
    pad_src = jnp.zeros((n_extra,), jnp.int32)
    pad_dst = (_N + (jnp.arange(n_extra, dtype=jnp.int32) % 16)).astype(jnp.int32)
    src_m = jnp.concatenate([edge_index[0], pad_src]).reshape(-1, _K, _SUB)
    dst_m = jnp.concatenate([edge_index[1], pad_dst]).reshape(-1, _K, _SUB)
    ei4 = jnp.concatenate([src_m, dst_m], axis=1).reshape(-1, _SUB)

    eye8 = jnp.eye(_H, dtype=f32)
    a1s = att_src1.reshape(_H, _C)
    a1d = att_dst1.reshape(_H, _C)
    As = (a1s[:, :, None] * eye8[:, None, :]).reshape(_HC, _H)
    Ad = (a1d[:, :, None] * eye8[:, None, :]).reshape(_HC, _H)

    as2 = att_src2.reshape(_OUT)
    ad2 = att_dst2.reshape(_OUT)
    M2 = jnp.concatenate([
        jnp.eye(_OUT, dtype=f32), as2[:, None], ad2[:, None],
        jnp.zeros((_OUT, 4), f32)], axis=1)

    Rexp = jnp.kron(jnp.eye(_H, dtype=f32), jnp.ones((1, _C), f32))

    b1r = b1.reshape(1, _HC).astype(f32)
    b2r = b2.reshape(1, _OUT).astype(f32)
    batch2d = batch.reshape(_N, 1).astype(jnp.int32)

    zeros80 = jnp.zeros((_NPAD, 80), f32)
    zeros16 = jnp.zeros((_NPAD, 16), f32)

    hs_tbl, ad_tbl = pl.pallas_call(
        _tc1_body,
        out_shape=[jax.ShapeDtypeStruct((_NPAD, 80), f32),
                   jax.ShapeDtypeStruct((_NPAD, 16), f32)],
    )(x_pad, W1.astype(f32), As, Ad)

    acc1 = _make_sc_body(True)(ei4, hs_tbl, ad_tbl, zeros80)

    t2_tbl = pl.pallas_call(
        _tc2_body,
        out_shape=jax.ShapeDtypeStruct((_NPAD, 16), f32),
    )(acc1, W2.astype(f32), M2, b1r, Rexp)

    acc2 = _make_sc_body(False)(ei4, t2_tbl, t2_tbl, zeros16)

    out = pl.pallas_call(
        _tc3_body,
        out_shape=jax.ShapeDtypeStruct((_G, _OUT), f32),
    )(acc2, b2r, batch2d)
    return out

# --- scband reference (transcript-rebuilt; emitter-appended) ---
"""Pipeline reference for scband-gat-17489106829855 (READ-ONLY COPY).

The authoritative reference and input builder live on the scoring server;
editing this copy changes nothing except your own understanding.
"""

import jax, jax.numpy as jnp
import numpy as np

N = 10000
E = 320000
F_IN = 128
H = 8
C = 8
OUT = 10
G = 128


def setup_inputs(seed: int = 0):
    key = jax.random.key(seed)
    ks = jax.random.split(key, 12)
    x = jax.random.normal(ks[0], (N, F_IN), dtype=jnp.float32)
    edge_index = jax.random.randint(ks[1], (2, E), 0, N, dtype=jnp.int32)
    batch = jnp.sort(jax.random.randint(ks[2], (N,), 0, G, dtype=jnp.int32))
    s1 = 1.0 / np.sqrt(F_IN)
    W1 = jax.random.uniform(ks[3], (F_IN, H * C), minval=-s1, maxval=s1, dtype=jnp.float32)
    att_src1 = jax.random.normal(ks[4], (1, H, C), dtype=jnp.float32) * 0.1
    att_dst1 = jax.random.normal(ks[5], (1, H, C), dtype=jnp.float32) * 0.1
    b1 = jnp.zeros((H * C,), dtype=jnp.float32)
    s2 = 1.0 / np.sqrt(H * C)
    W2 = jax.random.uniform(ks[6], (H * C, OUT), minval=-s2, maxval=s2, dtype=jnp.float32)
    att_src2 = jax.random.normal(ks[7], (1, 1, OUT), dtype=jnp.float32) * 0.1
    att_dst2 = jax.random.normal(ks[8], (1, 1, OUT), dtype=jnp.float32) * 0.1
    b2 = jnp.zeros((OUT,), dtype=jnp.float32)
    return {"x": x, "edge_index": edge_index, "batch": batch,
            "W1": W1, "att_src1": att_src1, "att_dst1": att_dst1, "b1": b1,
            "W2": W2, "att_src2": att_src2, "att_dst2": att_dst2, "b2": b2}


def gat_conv(x, edge_index, W, att_src, att_dst, bias, heads, out_ch, concat):
    # Faithful PyG GATConv (eval mode: dropout is identity)
    n = x.shape[0]
    src = edge_index[0]
    dst = edge_index[1]
    h = (x @ W).reshape(n, heads, out_ch)
    a_src = jnp.sum(h * att_src, axis=-1)  # [n, heads]
    a_dst = jnp.sum(h * att_dst, axis=-1)  # [n, heads]
    alpha = a_src[src] + a_dst[dst]        # [E, heads]
    alpha = jnp.where(alpha > 0, alpha, 0.2 * alpha)  # leaky_relu(0.2)
    amax = jax.ops.segment_max(alpha, dst, num_segments=n)
    amax = jnp.where(jnp.isfinite(amax), amax, 0.0)
    ex = jnp.exp(alpha - amax[dst])
    denom = jax.ops.segment_sum(ex, dst, num_segments=n)
    coef = ex / (denom[dst] + 1e-16)
    msg = h[src] * coef[:, :, None]
    out = jax.ops.segment_sum(msg, dst, num_segments=n)
    if concat:
        out = out.reshape(n, heads * out_ch)
    else:
        out = out.mean(axis=1)
    return out + bias


def reference(x, edge_index, batch, W1, att_src1, att_dst1, b1, W2, att_src2, att_dst2, b2):
    x = x.astype(jnp.float32)
    # dropout p=0.6 is identity in eval mode
    h = gat_conv(x, edge_index, W1, att_src1, att_dst1, b1, H, C, True)
    h = jax.nn.elu(h)
    h = gat_conv(h, edge_index, W2, att_src2, att_dst2, b2, 1, OUT, False)
    sums = jax.ops.segment_sum(h, batch, num_segments=G)
    counts = jax.ops.segment_sum(jnp.ones((h.shape[0],), dtype=jnp.float32), batch, num_segments=G)
    return sums / jnp.clip(counts, 1.0)[:, None]

if __name__ == "__main__":
    import jax
    _d = setup_inputs()
    print(jax.jit(kernel)(*tuple(_d.values())))

</pallas_src>

<mosaic_0001>
#map = affine_map<(d0, d1) -> (0, 0)>
#map1 = affine_map<(d0, d1) -> (0, 0, 0)>
module attributes {stable_mosaic.version = 14 : i64} {
  func.func @body(%arg0: i32, %arg1: i32, %arg2: memref<5120x128xi32, #tpu.memory_space<hbm>>, %arg3: memref<10240x80xf32, #tpu.memory_space<hbm>>, %arg4: memref<10240x16xf32, #tpu.memory_space<hbm>>, %arg5: memref<10240x80xf32, #tpu.memory_space<hbm>>, %arg6: memref<2x10240x80xf32, #tpu.memory_space<hbm>>, %arg7: memref<4x128xi32, #tpu.memory_space<vmem>>, %arg8: memref<4x128xi32, #tpu.memory_space<vmem>>, %arg9: memref<256x80xf32, #tpu.memory_space<vmem>>, %arg10: memref<256x80xf32, #tpu.memory_space<vmem>>, %arg11: memref<256x16xf32, #tpu.memory_space<vmem>>, %arg12: memref<256x16xf32, #tpu.memory_space<vmem>>, %arg13: memref<256x80xf32, #tpu.memory_space<vmem>>, %arg14: memref<10240x80xf32, #tpu.memory_space<vmem_shared>>, %arg15: memref<!tpu.dma_semaphore, #tpu.memory_space<semaphore_mem>>, %arg16: memref<!tpu.dma_semaphore, #tpu.memory_space<semaphore_mem>>) attributes {dimension_semantics = [#tpu.dimension_semantics<core_parallel>, #tpu.dimension_semantics<subcore_parallel>], iteration_bounds = array<i64: 2, 16>, scalar_prefetch = 0 : i64, scratch_operands = 10 : i64, tpu.core_type = #tpu.core_type<sc_vector_subcore>, window_params = [{transform_indices = #map}, {transform_indices = #map}, {transform_indices = #map}, {transform_indices = #map}, {transform_indices = #map1}]} {
    %mul3A = arith.constant 16 : i32
    %mul3A_0 = arith.muli %arg0, %mul3A : i32
    %add3A = arith.addi %mul3A_0, %arg1 : i32
    %mul3A_1 = arith.constant 640 : i32
    %mul3A_2 = arith.muli %arg1, %mul3A_1 : i32
    "tpu.region"() ({
      %run_scoped3A = tpu.sem_alloc : memref<!tpu.dma_semaphore, #tpu.memory_space<semaphore_mem>>
      %dma_start3A_94 = arith.constant 0 : i32
      %dma_start3A_95 = tpu.memref_slice %arg14[%mul3A_2, %dma_start3A_94] : memref<10240x80xf32, #tpu.memory_space<vmem_shared>> -> memref<640x80xf32, #tpu.memory_space<vmem_shared>>
      %dma_start3A_96 = arith.constant 0 : i32
      %dma_start3A_97 = tpu.memref_slice %arg5[%mul3A_2, %dma_start3A_96] : memref<10240x80xf32, #tpu.memory_space<hbm>> -> memref<640x80xf32, #tpu.memory_space<hbm>>
      tpu.enqueue_dma source(%dma_start3A_97 : memref<640x80xf32, #tpu.memory_space<hbm>>) target(%dma_start3A_95 : memref<640x80xf32, #tpu.memory_space<vmem_shared>>) target_semaphore(%run_scoped3A : memref<!tpu.dma_semaphore, #tpu.memory_space<semaphore_mem>>)
      %dma_wait3A_98 = arith.constant 0 : i32
      %dma_wait3A_99 = tpu.memref_slice %arg14[%mul3A_2, %dma_wait3A_98] : memref<10240x80xf32, #tpu.memory_space<vmem_shared>> -> memref<640x80xf32, #tpu.memory_space<vmem_shared>>
      %dma_wait3A_100 = arith.constant 0 : i32
      %dma_wait3A_101 = tpu.memref_slice %arg5[%mul3A_2, %dma_wait3A_100] : memref<10240x80xf32, #tpu.memory_space<hbm>> -> memref<640x80xf32, #tpu.memory_space<hbm>>
      tpu.wait_dma2 semaphore(%run_scoped3A : memref<!tpu.dma_semaphore, #tpu.memory_space<semaphore_mem>>) src(%dma_wait3A_101 : memref<640x80xf32, #tpu.memory_space<hbm>>) dst(%dma_wait3A_99 : memref<640x80xf32, #tpu.memory_space<vmem_shared>>)
      tpu.yield
    }) : () -> ()
    %barrier3A = arith.constant 0 : index
    tpu.barrier barrier_id(%barrier3A)
    %eq3A = arith.constant 0 : i32
    %eq3A_3 = arith.cmpi eq, %arg0, %eq3A : i32
    %jit3A = arith.constant 60 : i32
    %jit3A_4 = arith.constant 20 : i32
    %select_n3A = arith.select %eq3A_3, %jit3A, %jit3A_4 : i32
    %eq3A_5 = arith.constant 0 : i32
    %eq3A_6 = arith.cmpi eq, %arg0, %eq3A_5 : i32
    %mul3A_7 = arith.constant 60 : i32
    %mul3A_8 = arith.muli %arg1, %mul3A_7 : i32
    %mul3A_9 = arith.constant 20 : i32
    %mul3A_10 = arith.muli %arg1, %mul3A_9 : i32
    %add3A_11 = arith.constant 960 : i32
    %add3A_12 = arith.addi %add3A_11, %mul3A_10 : i32
    %select_n3A_13 = arith.select %eq3A_6, %mul3A_8, %add3A_12 : i32
    %mul3A_14 = arith.constant 4 : i32
    %mul3A_15 = arith.muli %mul3A_14, %select_n3A_13 : i32
    "tpu.region"() ({
      %run_scoped3A = tpu.sem_alloc : memref<!tpu.dma_semaphore, #tpu.memory_space<semaphore_mem>>
      %dma_start3A_94 = arith.constant 0 : i32
      %dma_start3A_95 = tpu.memref_slice %arg2[%mul3A_15, %dma_start3A_94] : memref<5120x128xi32, #tpu.memory_space<hbm>> -> memref<4x128xi32, #tpu.memory_space<hbm>>
      %dma_start3A_96 = arith.constant 0 : i32
      %dma_start3A_97 = tpu.memref_slice %arg2[%mul3A_15, %dma_start3A_96] : memref<5120x128xi32, #tpu.memory_space<hbm>> -> memref<4x128xi32, #tpu.memory_space<hbm>>
      tpu.enqueue_dma source(%dma_start3A_97 : memref<4x128xi32, #tpu.memory_space<hbm>>) target(%arg7 : memref<4x128xi32, #tpu.memory_space<vmem>>) target_semaphore(%run_scoped3A : memref<!tpu.dma_semaphore, #tpu.memory_space<semaphore_mem>>)
      %dma_wait3A_98 = arith.constant 0 : i32
      %dma_wait3A_99 = tpu.memref_slice %arg2[%mul3A_15, %dma_wait3A_98] : memref<5120x128xi32, #tpu.memory_space<hbm>> -> memref<4x128xi32, #tpu.memory_space<hbm>>
      %dma_wait3A_100 = arith.constant 0 : i32
      %dma_wait3A_101 = tpu.memref_slice %arg2[%mul3A_15, %dma_wait3A_100] : memref<5120x128xi32, #tpu.memory_space<hbm>> -> memref<4x128xi32, #tpu.memory_space<hbm>>
      tpu.wait_dma2 semaphore(%run_scoped3A : memref<!tpu.dma_semaphore, #tpu.memory_space<semaphore_mem>>) src(%dma_wait3A_101 : memref<4x128xi32, #tpu.memory_space<hbm>>) dst(%arg7 : memref<4x128xi32, #tpu.memory_space<vmem>>)
      tpu.yield
    }) : () -> ()
    %dma_start3A = arith.constant 0 : i32
    %dma_start3A_16 = arith.constant 0 : i32
    %dma_start3A_17 = arith.constant 0 : i32
    %dma_start3A_18 = tpu.memref_slice %arg9[%dma_start3A_16, %dma_start3A_17] : memref<256x80xf32, #tpu.memory_space<vmem>> -> memref<128x80xf32, #tpu.memory_space<vmem>>
    %dma_start3A_19 = arith.constant 0 : i32
    %dma_start3A_20 = tpu.memref_slice %arg7[%dma_start3A, %dma_start3A_19] : memref<4x128xi32, #tpu.memory_space<vmem>> -> memref<1x128xi32, #tpu.memory_space<vmem>>
    %dma_start3A_21 = tpu.memref_squeeze %dma_start3A_20 : memref<1x128xi32, #tpu.memory_space<vmem>> -> memref<128xi32, #tpu.memory_space<vmem>>
    %dma_start3A_22 = arith.constant 0 : i32
    %dma_start3A_23 = arith.constant 0 : i32
    %dma_start3A_24 = tpu.memref_slice %arg3[%dma_start3A_22, %dma_start3A_23] : memref<10240x80xf32, #tpu.memory_space<hbm>> -> memref<10240x80xf32, #tpu.memory_space<hbm>>
    tpu.enqueue_indirect_dma source(%dma_start3A_24 : memref<10240x80xf32, #tpu.memory_space<hbm>>) target(%dma_start3A_18 : memref<128x80xf32, #tpu.memory_space<vmem>>) offsets(%dma_start3A_21 : memref<128xi32, #tpu.memory_space<vmem>>) semaphore(%arg15 : memref<!tpu.dma_semaphore, #tpu.memory_space<semaphore_mem>>)
    %dma_start3A_25 = arith.constant 2 : i32
    %dma_start3A_26 = arith.constant 0 : i32
    %dma_start3A_27 = arith.constant 0 : i32
    %dma_start3A_28 = tpu.memref_slice %arg11[%dma_start3A_26, %dma_start3A_27] : memref<256x16xf32, #tpu.memory_space<vmem>> -> memref<128x16xf32, #tpu.memory_space<vmem>>
    %dma_start3A_29 = arith.constant 0 : i32
    %dma_start3A_30 = tpu.memref_slice %arg7[%dma_start3A_25, %dma_start3A_29] : memref<4x128xi32, #tpu.memory_space<vmem>> -> memref<1x128xi32, #tpu.memory_space<vmem>>
    %dma_start3A_31 = tpu.memref_squeeze %dma_start3A_30 : memref<1x128xi32, #tpu.memory_space<vmem>> -> memref<128xi32, #tpu.memory_space<vmem>>
    %dma_start3A_32 = arith.constant 0 : i32
    %dma_start3A_33 = arith.constant 0 : i32
    %dma_start3A_34 = tpu.memref_slice %arg4[%dma_start3A_32, %dma_start3A_33] : memref<10240x16xf32, #tpu.memory_space<hbm>> -> memref<10240x16xf32, #tpu.memory_space<hbm>>
    tpu.enqueue_indirect_dma source(%dma_start3A_34 : memref<10240x16xf32, #tpu.memory_space<hbm>>) target(%dma_start3A_28 : memref<128x16xf32, #tpu.memory_space<vmem>>) offsets(%dma_start3A_31 : memref<128xi32, #tpu.memory_space<vmem>>) semaphore(%arg15 : memref<!tpu.dma_semaphore, #tpu.memory_space<semaphore_mem>>)
    %dma_start3A_35 = arith.constant 1 : i32
    %dma_start3A_36 = arith.constant 128 : i32
    %dma_start3A_37 = arith.constant 0 : i32
    %dma_start3A_38 = tpu.memref_slice %arg9[%dma_start3A_36, %dma_start3A_37] : memref<256x80xf32, #tpu.memory_space<vmem>> -> memref<128x80xf32, #tpu.memory_space<vmem>>
    %dma_start3A_39 = arith.constant 0 : i32
    %dma_start3A_40 = tpu.memref_slice %arg7[%dma_start3A_35, %dma_start3A_39] : memref<4x128xi32, #tpu.memory_space<vmem>> -> memref<1x128xi32, #tpu.memory_space<vmem>>
    %dma_start3A_41 = tpu.memref_squeeze %dma_start3A_40 : memref<1x128xi32, #tpu.memory_space<vmem>> -> memref<128xi32, #tpu.memory_space<vmem>>
    %dma_start3A_42 = arith.constant 0 : i32
    %dma_start3A_43 = arith.constant 0 : i32
    %dma_start3A_44 = tpu.memref_slice %arg3[%dma_start3A_42, %dma_start3A_43] : memref<10240x80xf32, #tpu.memory_space<hbm>> -> memref<10240x80xf32, #tpu.memory_space<hbm>>
    tpu.enqueue_indirect_dma source(%dma_start3A_44 : memref<10240x80xf32, #tpu.memory_space<hbm>>) target(%dma_start3A_38 : memref<128x80xf32, #tpu.memory_space<vmem>>) offsets(%dma_start3A_41 : memref<128xi32, #tpu.memory_space<vmem>>) semaphore(%arg15 : memref<!tpu.dma_semaphore, #tpu.memory_space<semaphore_mem>>)
    %dma_start3A_45 = arith.constant 3 : i32
    %dma_start3A_46 = arith.constant 128 : i32
    %dma_start3A_47 = arith.constant 0 : i32
    %dma_start3A_48 = tpu.memref_slice %arg11[%dma_start3A_46, %dma_start3A_47] : memref<256x16xf32, #tpu.memory_space<vmem>> -> memref<128x16xf32, #tpu.memory_space<vmem>>
    %dma_start3A_49 = arith.constant 0 : i32
    %dma_start3A_50 = tpu.memref_slice %arg7[%dma_start3A_45, %dma_start3A_49] : memref<4x128xi32, #tpu.memory_space<vmem>> -> memref<1x128xi32, #tpu.memory_space<vmem>>
    %dma_start3A_51 = tpu.memref_squeeze %dma_start3A_50 : memref<1x128xi32, #tpu.memory_space<vmem>> -> memref<128xi32, #tpu.memory_space<vmem>>
    %dma_start3A_52 = arith.constant 0 : i32
    %dma_start3A_53 = arith.constant 0 : i32
    %dma_start3A_54 = tpu.memref_slice %arg4[%dma_start3A_52, %dma_start3A_53] : memref<10240x16xf32, #tpu.memory_space<hbm>> -> memref<10240x16xf32, #tpu.memory_space<hbm>>
    tpu.enqueue_indirect_dma source(%dma_start3A_54 : memref<10240x16xf32, #tpu.memory_space<hbm>>) target(%dma_start3A_48 : memref<128x16xf32, #tpu.memory_space<vmem>>) offsets(%dma_start3A_51 : memref<128xi32, #tpu.memory_space<vmem>>) semaphore(%arg15 : memref<!tpu.dma_semaphore, #tpu.memory_space<semaphore_mem>>)
    %jit3A_55 = arith.constant 2 : i32
    %div3A = arith.divsi %select_n3A, %jit3A_55 : i32
    %sign3A = arith.constant 0 : i32
    %sign3A_56 = arith.cmpi sgt, %select_n3A, %sign3A : i32
    %sign3A_57 = arith.extui %sign3A_56 : i1 to i32
    %sign3A_58 = arith.constant 0 : i32
    %sign3A_59 = arith.cmpi slt, %select_n3A, %sign3A_58 : i32
    %sign3A_60 = arith.extui %sign3A_59 : i1 to i32
    %sign3A_61 = arith.subi %sign3A_57, %sign3A_60 : i32
    %sign3A_62 = arith.constant 0 : i32
    %sign3A_63 = arith.cmpi sgt, %jit3A_55, %sign3A_62 : i32
    %sign3A_64 = arith.extui %sign3A_63 : i1 to i32
    %sign3A_65 = arith.constant 0 : i32
    %sign3A_66 = arith.cmpi slt, %jit3A_55, %sign3A_65 : i32
    %sign3A_67 = arith.extui %sign3A_66 : i1 to i32
    %sign3A_68 = arith.subi %sign3A_64, %sign3A_67 : i32
    %ne3A = arith.cmpi ne, %sign3A_61, %sign3A_68 : i32
    %rem3A = arith.remsi %select_n3A, %jit3A_55 : i32
    %ne3A_69 = arith.constant 0 : i32
    %ne3A_70 = arith.cmpi ne, %rem3A, %ne3A_69 : i32
    %and3A = arith.andi %ne3A, %ne3A_70 : i1
    %sub3A = arith.constant 1 : i32
    %sub3A_71 = arith.subi %div3A, %sub3A : i32
    %select_n3A_72 = arith.select %and3A, %sub3A_71, %div3A : i32
    %while3A = arith.constant 0 : i32
    %while3A_73 = arith.constant 0 : i32
    %while3A_74 = arith.subi %select_n3A_72, %while3A_73 : i32
    %while3A_75 = arith.addi %while3A_73, %while3A_74 : i32
    %while3A_76 = arith.constant 1 : i32
    %while3A_77 = arith.divsi %while3A_74, %while3A_76 : i32
    %while3A_78 = arith.muli %while3A_77, %while3A_76 : i32
    %while3A_79 = arith.addi %while3A_73, %while3A_78 : i32
    %while3A_80 = arith.constant 1 : i32
    scf.for %while3A_94 = %while3A_73 to %while3A_79 step %while3A_80  : i32 {
      %mul3A_95 = arith.constant 2 : i32
      %mul3A_96 = arith.muli %mul3A_95, %while3A_94 : i32
      %add3A_97 = arith.addi %select_n3A_13, %mul3A_96 : i32
      %add3A_98 = arith.constant 1 : i32
      %add3A_99 = arith.addi %add3A_97, %add3A_98 : i32
      %mul3A_100 = arith.constant 4 : i32
      %mul3A_101 = arith.muli %mul3A_100, %add3A_99 : i32
      "tpu.region"() ({
        %run_scoped3A_221 = tpu.sem_alloc : memref<!tpu.dma_semaphore, #tpu.memory_space<semaphore_mem>>
        %dma_start3A_222 = arith.constant 0 : i32
        %dma_start3A_223 = tpu.memref_slice %arg2[%mul3A_101, %dma_start3A_222] : memref<5120x128xi32, #tpu.memory_space<hbm>> -> memref<4x128xi32, #tpu.memory_space<hbm>>
        %dma_start3A_224 = arith.constant 0 : i32
        %dma_start3A_225 = tpu.memref_slice %arg2[%mul3A_101, %dma_start3A_224] : memref<5120x128xi32, #tpu.memory_space<hbm>> -> memref<4x128xi32, #tpu.memory_space<hbm>>
        tpu.enqueue_dma source(%dma_start3A_225 : memref<4x128xi32, #tpu.memory_space<hbm>>) target(%arg8 : memref<4x128xi32, #tpu.memory_space<vmem>>) target_semaphore(%run_scoped3A_221 : memref<!tpu.dma_semaphore, #tpu.memory_space<semaphore_mem>>)
        %dma_wait3A_226 = arith.constant 0 : i32
        %dma_wait3A_227 = tpu.memref_slice %arg2[%mul3A_101, %dma_wait3A_226] : memref<5120x128xi32, #tpu.memory_space<hbm>> -> memref<4x128xi32, #tpu.memory_space<hbm>>
        %dma_wait3A_228 = arith.constant 0 : i32
        %dma_wait3A_229 = tpu.memref_slice %arg2[%mul3A_101, %dma_wait3A_228] : memref<5120x128xi32, #tpu.memory_space<hbm>> -> memref<4x128xi32, #tpu.memory_space<hbm>>
        tpu.wait_dma2 semaphore(%run_scoped3A_221 : memref<!tpu.dma_semaphore, #tpu.memory_space<semaphore_mem>>) src(%dma_wait3A_229 : memref<4x128xi32, #tpu.memory_space<hbm>>) dst(%arg8 : memref<4x128xi32, #tpu.memory_space<vmem>>)
        tpu.yield
      }) : () -> ()
      %dma_start3A_102 = arith.constant 0 : i32
      %dma_start3A_103 = arith.constant 0 : i32
      %dma_start3A_104 = arith.constant 0 : i32
      %dma_start3A_105 = tpu.memref_slice %arg10[%dma_start3A_103, %dma_start3A_104] : memref<256x80xf32, #tpu.memory_space<vmem>> -> memref<128x80xf32, #tpu.memory_space<vmem>>
      %dma_start3A_106 = arith.constant 0 : i32
      %dma_start3A_107 = tpu.memref_slice %arg8[%dma_start3A_102, %dma_start3A_106] : memref<4x128xi32, #tpu.memory_space<vmem>> -> memref<1x128xi32, #tpu.memory_space<vmem>>
      %dma_start3A_108 = tpu.memref_squeeze %dma_start3A_107 : memref<1x128xi32, #tpu.memory_space<vmem>> -> memref<128xi32, #tpu.memory_space<vmem>>
      %dma_start3A_109 = arith.constant 0 : i32
      %dma_start3A_110 = arith.constant 0 : i32
      %dma_start3A_111 = tpu.memref_slice %arg3[%dma_start3A_109, %dma_start3A_110] : memref<10240x80xf32, #tpu.memory_space<hbm>> -> memref<10240x80xf32, #tpu.memory_space<hbm>>
      tpu.enqueue_indirect_dma source(%dma_start3A_111 : memref<10240x80xf32, #tpu.memory_space<hbm>>) target(%dma_start3A_105 : memref<128x80xf32, #tpu.memory_space<vmem>>) offsets(%dma_start3A_108 : memref<128xi32, #tpu.memory_space<vmem>>) semaphore(%arg16 : memref<!tpu.dma_semaphore, #tpu.memory_space<semaphore_mem>>)
      %dma_start3A_112 = arith.constant 2 : i32
      %dma_start3A_113 = arith.constant 0 : i32
      %dma_start3A_114 = arith.constant 0 : i32
      %dma_start3A_115 = tpu.memref_slice %arg12[%dma_start3A_113, %dma_start3A_114] : memref<256x16xf32, #tpu.memory_space<vmem>> -> memref<128x16xf32, #tpu.memory_space<vmem>>
      %dma_start3A_116 = arith.constant 0 : i32
      %dma_start3A_117 = tpu.memref_slice %arg8[%dma_start3A_112, %dma_start3A_116] : memref<4x128xi32, #tpu.memory_space<vmem>> -> memref<1x128xi32, #tpu.memory_space<vmem>>
      %dma_start3A_118 = tpu.memref_squeeze %dma_start3A_117 : memref<1x128xi32, #tpu.memory_space<vmem>> -> memref<128xi32, #tpu.memory_space<vmem>>
      %dma_start3A_119 = arith.constant 0 : i32
      %dma_start3A_120 = arith.constant 0 : i32
      %dma_start3A_121 = tpu.memref_slice %arg4[%dma_start3A_119, %dma_start3A_120] : memref<10240x16xf32, #tpu.memory_space<hbm>> -> memref<10240x16xf32, #tpu.memory_space<hbm>>
      tpu.enqueue_indirect_dma source(%dma_start3A_121 : memref<10240x16xf32, #tpu.memory_space<hbm>>) target(%dma_start3A_115 : memref<128x16xf32, #tpu.memory_space<vmem>>) offsets(%dma_start3A_118 : memref<128xi32, #tpu.memory_space<vmem>>) semaphore(%arg16 : memref<!tpu.dma_semaphore, #tpu.memory_space<semaphore_mem>>)
      %dma_start3A_122 = arith.constant 1 : i32
      %dma_start3A_123 = arith.constant 128 : i32
      %dma_start3A_124 = arith.constant 0 : i32
      %dma_start3A_125 = tpu.memref_slice %arg10[%dma_start3A_123, %dma_start3A_124] : memref<256x80xf32, #tpu.memory_space<vmem>> -> memref<128x80xf32, #tpu.memory_space<vmem>>
      %dma_start3A_126 = arith.constant 0 : i32
      %dma_start3A_127 = tpu.memref_slice %arg8[%dma_start3A_122, %dma_start3A_126] : memref<4x128xi32, #tpu.memory_space<vmem>> -> memref<1x128xi32, #tpu.memory_space<vmem>>
      %dma_start3A_128 = tpu.memref_squeeze %dma_start3A_127 : memref<1x128xi32, #tpu.memory_space<vmem>> -> memref<128xi32, #tpu.memory_space<vmem>>
      %dma_start3A_129 = arith.constant 0 : i32
      %dma_start3A_130 = arith.constant 0 : i32
      %dma_start3A_131 = tpu.memref_slice %arg3[%dma_start3A_129, %dma_start3A_130] : memref<10240x80xf32, #tpu.memory_space<hbm>> -> memref<10240x80xf32, #tpu.memory_space<hbm>>
      tpu.enqueue_indirect_dma source(%dma_start3A_131 : memref<10240x80xf32, #tpu.memory_space<hbm>>) target(%dma_start3A_125 : memref<128x80xf32, #tpu.memory_space<vmem>>) offsets(%dma_start3A_128 : memref<128xi32, #tpu.memory_space<vmem>>) semaphore(%arg16 : memref<!tpu.dma_semaphore, #tpu.memory_space<semaphore_mem>>)
      %dma_start3A_132 = arith.constant 3 : i32
      %dma_start3A_133 = arith.constant 128 : i32
      %dma_start3A_134 = arith.constant 0 : i32
      %dma_start3A_135 = tpu.memref_slice %arg12[%dma_start3A_133, %dma_start3A_134] : memref<256x16xf32, #tpu.memory_space<vmem>> -> memref<128x16xf32, #tpu.memory_space<vmem>>
      %dma_start3A_136 = arith.constant 0 : i32
      %dma_start3A_137 = tpu.memref_slice %arg8[%dma_start3A_132, %dma_start3A_136] : memref<4x128xi32, #tpu.memory_space<vmem>> -> memref<1x128xi32, #tpu.memory_space<vmem>>
      %dma_start3A_138 = tpu.memref_squeeze %dma_start3A_137 : memref<1x128xi32, #tpu.memory_space<vmem>> -> memref<128xi32, #tpu.memory_space<vmem>>
      %dma_start3A_139 = arith.constant 0 : i32
      %dma_start3A_140 = arith.constant 0 : i32
      %dma_start3A_141 = tpu.memref_slice %arg4[%dma_start3A_139, %dma_start3A_140] : memref<10240x16xf32, #tpu.memory_space<hbm>> -> memref<10240x16xf32, #tpu.memory_space<hbm>>
      tpu.enqueue_indirect_dma source(%dma_start3A_141 : memref<10240x16xf32, #tpu.memory_space<hbm>>) target(%dma_start3A_135 : memref<128x16xf32, #tpu.memory_space<vmem>>) offsets(%dma_start3A_138 : memref<128xi32, #tpu.memory_space<vmem>>) semaphore(%arg16 : memref<!tpu.dma_semaphore, #tpu.memory_space<semaphore_mem>>)
      %dma_wait3A_142 = arith.constant 0 : i32
      %dma_wait3A_143 = arith.constant 0 : i32
      %dma_wait3A_144 = tpu.memref_slice %arg3[%dma_wait3A_142, %dma_wait3A_143] : memref<10240x80xf32, #tpu.memory_space<hbm>> -> memref<256x80xf32, #tpu.memory_space<hbm>>
      %dma_wait3A_145 = arith.constant 0 : i32
      %dma_wait3A_146 = arith.constant 0 : i32
      %dma_wait3A_147 = tpu.memref_slice %arg3[%dma_wait3A_145, %dma_wait3A_146] : memref<10240x80xf32, #tpu.memory_space<hbm>> -> memref<256x80xf32, #tpu.memory_space<hbm>>
      tpu.wait_dma2 semaphore(%arg15 : memref<!tpu.dma_semaphore, #tpu.memory_space<semaphore_mem>>) src(%dma_wait3A_147 : memref<256x80xf32, #tpu.memory_space<hbm>>) dst(%arg9 : memref<256x80xf32, #tpu.memory_space<vmem>>)
      %dma_wait3A_148 = arith.constant 0 : i32
      %dma_wait3A_149 = arith.constant 0 : i32
      %dma_wait3A_150 = tpu.memref_slice %arg4[%dma_wait3A_148, %dma_wait3A_149] : memref<10240x16xf32, #tpu.memory_space<hbm>> -> memref<256x16xf32, #tpu.memory_space<hbm>>
      %dma_wait3A_151 = arith.constant 0 : i32
      %dma_wait3A_152 = arith.constant 0 : i32
      %dma_wait3A_153 = tpu.memref_slice %arg4[%dma_wait3A_151, %dma_wait3A_152] : memref<10240x16xf32, #tpu.memory_space<hbm>> -> memref<256x16xf32, #tpu.memory_space<hbm>>
      tpu.wait_dma2 semaphore(%arg15 : memref<!tpu.dma_semaphore, #tpu.memory_space<semaphore_mem>>) src(%dma_wait3A_153 : memref<256x16xf32, #tpu.memory_space<hbm>>) dst(%arg11 : memref<256x16xf32, #tpu.memory_space<vmem>>)
      %parallel_loop3A = arith.constant 0 : i32
      %parallel_loop3A_154 = arith.constant 256 : i32
      %parallel_loop3A_155 = arith.constant 1 : i32
      scf.for %parallel_loop3A_221 = %parallel_loop3A to %parallel_loop3A_154 step %parallel_loop3A_155  : i32 {
        %parallel_loop3A_222 = arith.index_cast %parallel_loop3A_221 : i32 to index
        %parallel_loop3A_223 = arith.constant 0 : index
        %parallel_loop3A_224 = tpu.vector_load %arg11[%parallel_loop3A_222, %parallel_loop3A_223] {strides = array<i32>} : memref<256x16xf32, #tpu.memory_space<vmem>>, vector<1x16xf32>,
        %parallel_loop3A_225 = vector.shape_cast %parallel_loop3A_224 : vector<1x16xf32> to vector<16xf32>
        %parallel_loop3A_226 = arith.index_cast %parallel_loop3A_221 : i32 to index
        %parallel_loop3A_227 = arith.constant 64 : index
        %parallel_loop3A_228 = tpu.vector_load %arg9[%parallel_loop3A_226, %parallel_loop3A_227] {strides = array<i32>} : memref<256x80xf32, #tpu.memory_space<vmem>>, vector<1x16xf32>,
        %parallel_loop3A_229 = vector.shape_cast %parallel_loop3A_228 : vector<1x16xf32> to vector<16xf32>
        %parallel_loop3A_230 = arith.addf %parallel_loop3A_229, %parallel_loop3A_225 : vector<16xf32>
        %parallel_loop3A_231 = arith.constant 0.000000e+00 : f32
        %parallel_loop3A_232 = vector.broadcast %parallel_loop3A_231 : f32 to vector<16xf32>
        %parallel_loop3A_233 = arith.cmpf ogt, %parallel_loop3A_230, %parallel_loop3A_232 : vector<16xf32>
        %parallel_loop3A_234 = arith.constant 2.000000e-01 : f32
        %parallel_loop3A_235 = vector.broadcast %parallel_loop3A_234 : f32 to vector<16xf32>
        %parallel_loop3A_236 = arith.mulf %parallel_loop3A_235, %parallel_loop3A_230 : vector<16xf32>
        %parallel_loop3A_237 = arith.select %parallel_loop3A_233, %parallel_loop3A_230, %parallel_loop3A_236 : vector<16xi1>, vector<16xf32>
        %parallel_loop3A_238 = math.exp %parallel_loop3A_237 : vector<16xf32>
        %parallel_loop3A_239 = arith.index_cast %parallel_loop3A_221 : i32 to index
        %parallel_loop3A_240 = arith.constant 64 : index
        %parallel_loop3A_241 = tpu.vector_load %arg13[%parallel_loop3A_239, %parallel_loop3A_240] {strides = array<i32>} : memref<256x80xf32, #tpu.memory_space<vmem>>, vector<1x16xf32>,
        %parallel_loop3A_242 = vector.shape_cast %parallel_loop3A_241 : vector<1x16xf32> to vector<16xf32>
        %parallel_loop3A_243 = vector.shape_cast %parallel_loop3A_238 : vector<16xf32> to vector<1x16xf32>
        tpu.vector_store %arg13[%parallel_loop3A_239, %parallel_loop3A_240], %parallel_loop3A_243 {strides = array<i32>} : memref<256x80xf32, #tpu.memory_space<vmem>>, vector<1x16xf32>,
        %parallel_loop3A_244 = tpu.iota {dimensions = array<i32: 0>} : vector<16xi32>
        %parallel_loop3A_245 = arith.constant 3 : i32
        %parallel_loop3A_246 = vector.broadcast %parallel_loop3A_245 : i32 to vector<16xi32>
        %parallel_loop3A_247 = arith.shrui %parallel_loop3A_244, %parallel_loop3A_246 : vector<16xi32>
        %parallel_loop3A_248 = arith.constant 0 : i32
        %parallel_loop3A_249 = vector.broadcast %parallel_loop3A_248 : i32 to vector<16xi32>
        %parallel_loop3A_250 = arith.addi %parallel_loop3A_247, %parallel_loop3A_249 : vector<16xi32>
        %parallel_loop3A_251 = vector.shape_cast %parallel_loop3A_250 : vector<16xi32> to vector<16x1xi32>
        %parallel_loop3A_252 = vector.shape_cast %parallel_loop3A_251 : vector<16x1xi32> to vector<16xi32>
        %parallel_loop3A_253 = tpu.dynamic_gather %parallel_loop3A_238[%parallel_loop3A_252] in [0] : vector<16xf32>, vector<16xi32> -> vector<16xf32>
        %parallel_loop3A_254 = arith.index_cast %parallel_loop3A_221 : i32 to index
        %parallel_loop3A_255 = arith.constant 0 : index
        %parallel_loop3A_256 = tpu.vector_load %arg9[%parallel_loop3A_254, %parallel_loop3A_255] {strides = array<i32>} : memref<256x80xf32, #tpu.memory_space<vmem>>, vector<1x16xf32>,
        %parallel_loop3A_257 = vector.shape_cast %parallel_loop3A_256 : vector<1x16xf32> to vector<16xf32>
        %parallel_loop3A_258 = arith.mulf %parallel_loop3A_257, %parallel_loop3A_253 : vector<16xf32>
        %parallel_loop3A_259 = arith.index_cast %parallel_loop3A_221 : i32 to index
        %parallel_loop3A_260 = arith.constant 0 : index
        %parallel_loop3A_261 = tpu.vector_load %arg13[%parallel_loop3A_259, %parallel_loop3A_260] {strides = array<i32>} : memref<256x80xf32, #tpu.memory_space<vmem>>, vector<1x16xf32>,
        %parallel_loop3A_262 = vector.shape_cast %parallel_loop3A_261 : vector<1x16xf32> to vector<16xf32>
        %parallel_loop3A_263 = vector.shape_cast %parallel_loop3A_258 : vector<16xf32> to vector<1x16xf32>
        tpu.vector_store %arg13[%parallel_loop3A_259, %parallel_loop3A_260], %parallel_loop3A_263 {strides = array<i32>} : memref<256x80xf32, #tpu.memory_space<vmem>>, vector<1x16xf32>,
        %parallel_loop3A_264 = arith.constant 2 : i32
        %parallel_loop3A_265 = vector.broadcast %parallel_loop3A_264 : i32 to vector<16xi32>
        %parallel_loop3A_266 = arith.addi %parallel_loop3A_247, %parallel_loop3A_265 : vector<16xi32>
        %parallel_loop3A_267 = vector.shape_cast %parallel_loop3A_266 : vector<16xi32> to vector<16x1xi32>
        %parallel_loop3A_268 = vector.shape_cast %parallel_loop3A_267 : vector<16x1xi32> to vector<16xi32>
        %parallel_loop3A_269 = tpu.dynamic_gather %parallel_loop3A_238[%parallel_loop3A_268] in [0] : vector<16xf32>, vector<16xi32> -> vector<16xf32>
        %parallel_loop3A_270 = arith.index_cast %parallel_loop3A_221 : i32 to index
        %parallel_loop3A_271 = arith.constant 16 : index
        %parallel_loop3A_272 = tpu.vector_load %arg9[%parallel_loop3A_270, %parallel_loop3A_271] {strides = array<i32>} : memref<256x80xf32, #tpu.memory_space<vmem>>, vector<1x16xf32>,
        %parallel_loop3A_273 = vector.shape_cast %parallel_loop3A_272 : vector<1x16xf32> to vector<16xf32>
        %parallel_loop3A_274 = arith.mulf %parallel_loop3A_273, %parallel_loop3A_269 : vector<16xf32>
        %parallel_loop3A_275 = arith.index_cast %parallel_loop3A_221 : i32 to index
        %parallel_loop3A_276 = arith.constant 16 : index
        %parallel_loop3A_277 = tpu.vector_load %arg13[%parallel_loop3A_275, %parallel_loop3A_276] {strides = array<i32>} : memref<256x80xf32, #tpu.memory_space<vmem>>, vector<1x16xf32>,
        %parallel_loop3A_278 = vector.shape_cast %parallel_loop3A_277 : vector<1x16xf32> to vector<16xf32>
        %parallel_loop3A_279 = vector.shape_cast %parallel_loop3A_274 : vector<16xf32> to vector<1x16xf32>
        tpu.vector_store %arg13[%parallel_loop3A_275, %parallel_loop3A_276], %parallel_loop3A_279 {strides = array<i32>} : memref<256x80xf32, #tpu.memory_space<vmem>>, vector<1x16xf32>,
        %parallel_loop3A_280 = arith.constant 4 : i32
        %parallel_loop3A_281 = vector.broadcast %parallel_loop3A_280 : i32 to vector<16xi32>
        %parallel_loop3A_282 = arith.addi %parallel_loop3A_247, %parallel_loop3A_281 : vector<16xi32>
        %parallel_loop3A_283 = vector.shape_cast %parallel_loop3A_282 : vector<16xi32> to vector<16x1xi32>
        %parallel_loop3A_284 = vector.shape_cast %parallel_loop3A_283 : vector<16x1xi32> to vector<16xi32>
        %parallel_loop3A_285 = tpu.dynamic_gather %parallel_loop3A_238[%parallel_loop3A_284] in [0] : vector<16xf32>, vector<16xi32> -> vector<16xf32>
        %parallel_loop3A_286 = arith.index_cast %parallel_loop3A_221 : i32 to index
        %parallel_loop3A_287 = arith.constant 32 : index
        %parallel_loop3A_288 = tpu.vector_load %arg9[%parallel_loop3A_286, %parallel_loop3A_287] {strides = array<i32>} : memref<256x80xf32, #tpu.memory_space<vmem>>, vector<1x16xf32>,
        %parallel_loop3A_289 = vector.shape_cast %parallel_loop3A_288 : vector<1x16xf32> to vector<16xf32>
        %parallel_loop3A_290 = arith.mulf %parallel_loop3A_289, %parallel_loop3A_285 : vector<16xf32>
        %parallel_loop3A_291 = arith.index_cast %parallel_loop3A_221 : i32 to index
        %parallel_loop3A_292 = arith.constant 32 : index
        %parallel_loop3A_293 = tpu.vector_load %arg13[%parallel_loop3A_291, %parallel_loop3A_292] {strides = array<i32>} : memref<256x80xf32, #tpu.memory_space<vmem>>, vector<1x16xf32>,
        %parallel_loop3A_294 = vector.shape_cast %parallel_loop3A_293 : vector<1x16xf32> to vector<16xf32>
        %parallel_loop3A_295 = vector.shape_cast %parallel_loop3A_290 : vector<16xf32> to vector<1x16xf32>
        tpu.vector_store %arg13[%parallel_loop3A_291, %parallel_loop3A_292], %parallel_loop3A_295 {strides = array<i32>} : memref<256x80xf32, #tpu.memory_space<vmem>>, vector<1x16xf32>,
        %parallel_loop3A_296 = arith.constant 6 : i32
        %parallel_loop3A_297 = vector.broadcast %parallel_loop3A_296 : i32 to vector<16xi32>
        %parallel_loop3A_298 = arith.addi %parallel_loop3A_247, %parallel_loop3A_297 : vector<16xi32>
        %parallel_loop3A_299 = vector.shape_cast %parallel_loop3A_298 : vector<16xi32> to vector<16x1xi32>
        %parallel_loop3A_300 = vector.shape_cast %parallel_loop3A_299 : vector<16x1xi32> to vector<16xi32>
        %parallel_loop3A_301 = tpu.dynamic_gather %parallel_loop3A_238[%parallel_loop3A_300] in [0] : vector<16xf32>, vector<16xi32> -> vector<16xf32>
        %parallel_loop3A_302 = arith.index_cast %parallel_loop3A_221 : i32 to index
        %parallel_loop3A_303 = arith.constant 48 : index
        %parallel_loop3A_304 = tpu.vector_load %arg9[%parallel_loop3A_302, %parallel_loop3A_303] {strides = array<i32>} : memref<256x80xf32, #tpu.memory_space<vmem>>, vector<1x16xf32>,
        %parallel_loop3A_305 = vector.shape_cast %parallel_loop3A_304 : vector<1x16xf32> to vector<16xf32>
        %parallel_loop3A_306 = arith.mulf %parallel_loop3A_305, %parallel_loop3A_301 : vector<16xf32>
        %parallel_loop3A_307 = arith.index_cast %parallel_loop3A_221 : i32 to index
        %parallel_loop3A_308 = arith.constant 48 : index
        %parallel_loop3A_309 = tpu.vector_load %arg13[%parallel_loop3A_307, %parallel_loop3A_308] {strides = array<i32>} : memref<256x80xf32, #tpu.memory_space<vmem>>, vector<1x16xf32>,
        %parallel_loop3A_310 = vector.shape_cast %parallel_loop3A_309 : vector<1x16xf32> to vector<16xf32>
        %parallel_loop3A_311 = vector.shape_cast %parallel_loop3A_306 : vector<16xf32> to vector<1x16xf32>
        tpu.vector_store %arg13[%parallel_loop3A_307, %parallel_loop3A_308], %parallel_loop3A_311 {strides = array<i32>} : memref<256x80xf32, #tpu.memory_space<vmem>>, vector<1x16xf32>,
      } {sc.loop_unroll_factor = 4 : i64, sc.parallel_access}
      %run_scoped3A = arith.constant 2 : i32
      "tpu.region"() ({
        %run_scoped3A_221 = tpu.sem_alloc : memref<!tpu.dma_semaphore, #tpu.memory_space<semaphore_mem>>
        %dma_start3A_222 = arith.constant 0 : i32
        %dma_start3A_223 = arith.constant 0 : i32
        %dma_start3A_224 = tpu.memref_slice %arg13[%dma_start3A_222, %dma_start3A_223] : memref<256x80xf32, #tpu.memory_space<vmem>> -> memref<128x80xf32, #tpu.memory_space<vmem>>
        %dma_start3A_225 = arith.constant 0 : i32
        %dma_start3A_226 = tpu.memref_slice %arg7[%run_scoped3A, %dma_start3A_225] : memref<4x128xi32, #tpu.memory_space<vmem>> -> memref<1x128xi32, #tpu.memory_space<vmem>>
        %dma_start3A_227 = tpu.memref_squeeze %dma_start3A_226 : memref<1x128xi32, #tpu.memory_space<vmem>> -> memref<128xi32, #tpu.memory_space<vmem>>
        %dma_start3A_228 = arith.constant 0 : i32
        %dma_start3A_229 = arith.constant 0 : i32
        %dma_start3A_230 = tpu.memref_slice %arg14[%dma_start3A_228, %dma_start3A_229] : memref<10240x80xf32, #tpu.memory_space<vmem_shared>> -> memref<10240x80xf32, #tpu.memory_space<vmem_shared>>
        tpu.enqueue_indirect_dma source(%dma_start3A_224 : memref<128x80xf32, #tpu.memory_space<vmem>>) target(%dma_start3A_230 : memref<10240x80xf32, #tpu.memory_space<vmem_shared>>) offsets(%dma_start3A_227 : memref<128xi32, #tpu.memory_space<vmem>>) semaphore(%run_scoped3A_221 : memref<!tpu.dma_semaphore, #tpu.memory_space<semaphore_mem>>) {add = true}
        %dma_wait3A_231 = arith.constant 0 : i32
        %dma_wait3A_232 = arith.constant 0 : i32
        %dma_wait3A_233 = tpu.memref_slice %arg13[%dma_wait3A_231, %dma_wait3A_232] : memref<256x80xf32, #tpu.memory_space<vmem>> -> memref<128x80xf32, #tpu.memory_space<vmem>>
        %dma_wait3A_234 = arith.constant 0 : i32
        %dma_wait3A_235 = tpu.memref_slice %arg7[%run_scoped3A, %dma_wait3A_234] : memref<4x128xi32, #tpu.memory_space<vmem>> -> memref<1x128xi32, #tpu.memory_space<vmem>>
        %dma_wait3A_236 = tpu.memref_squeeze %dma_wait3A_235 : memref<1x128xi32, #tpu.memory_space<vmem>> -> memref<128xi32, #tpu.memory_space<vmem>>
        %dma_wait3A_237 = arith.constant 0 : i32
        %dma_wait3A_238 = arith.constant 0 : i32
        %dma_wait3A_239 = tpu.memref_slice %arg14[%dma_wait3A_237, %dma_wait3A_238] : memref<10240x80xf32, #tpu.memory_space<vmem_shared>> -> memref<10240x80xf32, #tpu.memory_space<vmem_shared>>
        tpu.wait_indirect_dma semaphore(%run_scoped3A_221 : memref<!tpu.dma_semaphore, #tpu.memory_space<semaphore_mem>>) src(%dma_wait3A_233 : memref<128x80xf32, #tpu.memory_space<vmem>>) dst(%dma_wait3A_239 : memref<10240x80xf32, #tpu.memory_space<vmem_shared>>)
        tpu.yield
      }) : () -> ()
      %run_scoped3A_156 = arith.constant 3 : i32
      "tpu.region"() ({
        %run_scoped3A_221 = tpu.sem_alloc : memref<!tpu.dma_semaphore, #tpu.memory_space<semaphore_mem>>
        %dma_start3A_222 = arith.constant 128 : i32
        %dma_start3A_223 = arith.constant 0 : i32
        %dma_start3A_224 = tpu.memref_slice %arg13[%dma_start3A_222, %dma_start3A_223] : memref<256x80xf32, #tpu.memory_space<vmem>> -> memref<128x80xf32, #tpu.memory_space<vmem>>
        %dma_start3A_225 = arith.constant 0 : i32
        %dma_start3A_226 = tpu.memref_slice %arg7[%run_scoped3A_156, %dma_start3A_225] : memref<4x128xi32, #tpu.memory_space<vmem>> -> memref<1x128xi32, #tpu.memory_space<vmem>>
        %dma_start3A_227 = tpu.memref_squeeze %dma_start3A_226 : memref<1x128xi32, #tpu.memory_space<vmem>> -> memref<128xi32, #tpu.memory_space<vmem>>
        %dma_start3A_228 = arith.constant 0 : i32
        %dma_start3A_229 = arith.constant 0 : i32
        %dma_start3A_230 = tpu.memref_slice %arg14[%dma_start3A_228, %dma_start3A_229] : memref<10240x80xf32, #tpu.memory_space<vmem_shared>> -> memref<10240x80xf32, #tpu.memory_space<vmem_shared>>
        tpu.enqueue_indirect_dma source(%dma_start3A_224 : memref<128x80xf32, #tpu.memory_space<vmem>>) target(%dma_start3A_230 : memref<10240x80xf32, #tpu.memory_space<vmem_shared>>) offsets(%dma_start3A_227 : memref<128xi32, #tpu.memory_space<vmem>>) semaphore(%run_scoped3A_221 : memref<!tpu.dma_semaphore, #tpu.memory_space<semaphore_mem>>) {add = true}
        %dma_wait3A_231 = arith.constant 128 : i32
        %dma_wait3A_232 = arith.constant 0 : i32
        %dma_wait3A_233 = tpu.memref_slice %arg13[%dma_wait3A_231, %dma_wait3A_232] : memref<256x80xf32, #tpu.memory_space<vmem>> -> memref<128x80xf32, #tpu.memory_space<vmem>>
        %dma_wait3A_234 = arith.constant 0 : i32
        %dma_wait3A_235 = tpu.memref_slice %arg7[%run_scoped3A_156, %dma_wait3A_234] : memref<4x128xi32, #tpu.memory_space<vmem>> -> memref<1x128xi32, #tpu.memory_space<vmem>>
        %dma_wait3A_236 = tpu.memref_squeeze %dma_wait3A_235 : memref<1x128xi32, #tpu.memory_space<vmem>> -> memref<128xi32, #tpu.memory_space<vmem>>
        %dma_wait3A_237 = arith.constant 0 : i32
        %dma_wait3A_238 = arith.constant 0 : i32
        %dma_wait3A_239 = tpu.memref_slice %arg14[%dma_wait3A_237, %dma_wait3A_238] : memref<10240x80xf32, #tpu.memory_space<vmem_shared>> -> memref<10240x80xf32, #tpu.memory_space<vmem_shared>>
        tpu.wait_indirect_dma semaphore(%run_scoped3A_221 : memref<!tpu.dma_semaphore, #tpu.memory_space<semaphore_mem>>) src(%dma_wait3A_233 : memref<128x80xf32, #tpu.memory_space<vmem>>) dst(%dma_wait3A_239 : memref<10240x80xf32, #tpu.memory_space<vmem_shared>>)
        tpu.yield
      }) : () -> ()
      %add3A_157 = arith.constant 2 : i32
      %add3A_158 = arith.addi %add3A_97, %add3A_157 : i32
      %add3A_159 = arith.addi %select_n3A_13, %select_n3A : i32
      %sub3A_160 = arith.constant 1 : i32
      %sub3A_161 = arith.subi %add3A_159, %sub3A_160 : i32
      %min3A = arith.minsi %add3A_158, %sub3A_161 : i32
      %mul3A_162 = arith.constant 4 : i32
      %mul3A_163 = arith.muli %mul3A_162, %min3A : i32
      "tpu.region"() ({
        %run_scoped3A_221 = tpu.sem_alloc : memref<!tpu.dma_semaphore, #tpu.memory_space<semaphore_mem>>
        %dma_start3A_222 = arith.constant 0 : i32
        %dma_start3A_223 = tpu.memref_slice %arg2[%mul3A_163, %dma_start3A_222] : memref<5120x128xi32, #tpu.memory_space<hbm>> -> memref<4x128xi32, #tpu.memory_space<hbm>>
        %dma_start3A_224 = arith.constant 0 : i32
        %dma_start3A_225 = tpu.memref_slice %arg2[%mul3A_163, %dma_start3A_224] : memref<5120x128xi32, #tpu.memory_space<hbm>> -> memref<4x128xi32, #tpu.memory_space<hbm>>
        tpu.enqueue_dma source(%dma_start3A_225 : memref<4x128xi32, #tpu.memory_space<hbm>>) target(%arg7 : memref<4x128xi32, #tpu.memory_space<vmem>>) target_semaphore(%run_scoped3A_221 : memref<!tpu.dma_semaphore, #tpu.memory_space<semaphore_mem>>)
        %dma_wait3A_226 = arith.constant 0 : i32
        %dma_wait3A_227 = tpu.memref_slice %arg2[%mul3A_163, %dma_wait3A_226] : memref<5120x128xi32, #tpu.memory_space<hbm>> -> memref<4x128xi32, #tpu.memory_space<hbm>>
        %dma_wait3A_228 = arith.constant 0 : i32
        %dma_wait3A_229 = tpu.memref_slice %arg2[%mul3A_163, %dma_wait3A_228] : memref<5120x128xi32, #tpu.memory_space<hbm>> -> memref<4x128xi32, #tpu.memory_space<hbm>>
        tpu.wait_dma2 semaphore(%run_scoped3A_221 : memref<!tpu.dma_semaphore, #tpu.memory_space<semaphore_mem>>) src(%dma_wait3A_229 : memref<4x128xi32, #tpu.memory_space<hbm>>) dst(%arg7 : memref<4x128xi32, #tpu.memory_space<vmem>>)
        tpu.yield
      }) : () -> ()
      %dma_start3A_164 = arith.constant 0 : i32
      %dma_start3A_165 = arith.constant 0 : i32
      %dma_start3A_166 = arith.constant 0 : i32
      %dma_start3A_167 = tpu.memref_slice %arg9[%dma_start3A_165, %dma_start3A_166] : memref<256x80xf32, #tpu.memory_space<vmem>> -> memref<128x80xf32, #tpu.memory_space<vmem>>
      %dma_start3A_168 = arith.constant 0 : i32
      %dma_start3A_169 = tpu.memref_slice %arg7[%dma_start3A_164, %dma_start3A_168] : memref<4x128xi32, #tpu.memory_space<vmem>> -> memref<1x128xi32, #tpu.memory_space<vmem>>
      %dma_start3A_170 = tpu.memref_squeeze %dma_start3A_169 : memref<1x128xi32, #tpu.memory_space<vmem>> -> memref<128xi32, #tpu.memory_space<vmem>>
      %dma_start3A_171 = arith.constant 0 : i32
      %dma_start3A_172 = arith.constant 0 : i32
      %dma_start3A_173 = tpu.memref_slice %arg3[%dma_start3A_171, %dma_start3A_172] : memref<10240x80xf32, #tpu.memory_space<hbm>> -> memref<10240x80xf32, #tpu.memory_space<hbm>>
      tpu.enqueue_indirect_dma source(%dma_start3A_173 : memref<10240x80xf32, #tpu.memory_space<hbm>>) target(%dma_start3A_167 : memref<128x80xf32, #tpu.memory_space<vmem>>) offsets(%dma_start3A_170 : memref<128xi32, #tpu.memory_space<vmem>>) semaphore(%arg15 : memref<!tpu.dma_semaphore, #tpu.memory_space<semaphore_mem>>)
      %dma_start3A_174 = arith.constant 2 : i32
      %dma_start3A_175 = arith.constant 0 : i32
      %dma_start3A_176 = arith.constant 0 : i32
      %dma_start3A_177 = tpu.memref_slice %arg11[%dma_start3A_175, %dma_start3A_176] : memref<256x16xf32, #tpu.memory_space<vmem>> -> memref<128x16xf32, #tpu.memory_space<vmem>>
      %dma_start3A_178 = arith.constant 0 : i32
      %dma_start3A_179 = tpu.memref_slice %arg7[%dma_start3A_174, %dma_start3A_178] : memref<4x128xi32, #tpu.memory_space<vmem>> -> memref<1x128xi32, #tpu.memory_space<vmem>>
      %dma_start3A_180 = tpu.memref_squeeze %dma_start3A_179 : memref<1x128xi32, #tpu.memory_space<vmem>> -> memref<128xi32, #tpu.memory_space<vmem>>
      %dma_start3A_181 = arith.constant 0 : i32
      %dma_start3A_182 = arith.constant 0 : i32
      %dma_start3A_183 = tpu.memref_slice %arg4[%dma_start3A_181, %dma_start3A_182] : memref<10240x16xf32, #tpu.memory_space<hbm>> -> memref<10240x16xf32, #tpu.memory_space<hbm>>
      tpu.enqueue_indirect_dma source(%dma_start3A_183 : memref<10240x16xf32, #tpu.memory_space<hbm>>) target(%dma_start3A_177 : memref<128x16xf32, #tpu.memory_space<vmem>>) offsets(%dma_start3A_180 : memref<128xi32, #tpu.memory_space<vmem>>) semaphore(%arg15 : memref<!tpu.dma_semaphore, #tpu.memory_space<semaphore_mem>>)
      %dma_start3A_184 = arith.constant 1 : i32
      %dma_start3A_185 = arith.constant 128 : i32
      %dma_start3A_186 = arith.constant 0 : i32
      %dma_start3A_187 = tpu.memref_slice %arg9[%dma_start3A_185, %dma_start3A_186] : memref<256x80xf32, #tpu.memory_space<vmem>> -> memref<128x80xf32, #tpu.memory_space<vmem>>
      %dma_start3A_188 = arith.constant 0 : i32
      %dma_start3A_189 = tpu.memref_slice %arg7[%dma_start3A_184, %dma_start3A_188] : memref<4x128xi32, #tpu.memory_space<vmem>> -> memref<1x128xi32, #tpu.memory_space<vmem>>
      %dma_start3A_190 = tpu.memref_squeeze %dma_start3A_189 : memref<1x128xi32, #tpu.memory_space<vmem>> -> memref<128xi32, #tpu.memory_space<vmem>>
      %dma_start3A_191 = arith.constant 0 : i32
      %dma_start3A_192 = arith.constant 0 : i32
      %dma_start3A_193 = tpu.memref_slice %arg3[%dma_start3A_191, %dma_start3A_192] : memref<10240x80xf32, #tpu.memory_space<hbm>> -> memref<10240x80xf32, #tpu.memory_space<hbm>>
      tpu.enqueue_indirect_dma source(%dma_start3A_193 : memref<10240x80xf32, #tpu.memory_space<hbm>>) target(%dma_start3A_187 : memref<128x80xf32, #tpu.memory_space<vmem>>) offsets(%dma_start3A_190 : memref<128xi32, #tpu.memory_space<vmem>>) semaphore(%arg15 : memref<!tpu.dma_semaphore, #tpu.memory_space<semaphore_mem>>)
      %dma_start3A_194 = arith.constant 3 : i32
      %dma_start3A_195 = arith.constant 128 : i32
      %dma_start3A_196 = arith.constant 0 : i32
      %dma_start3A_197 = tpu.memref_slice %arg11[%dma_start3A_195, %dma_start3A_196] : memref<256x16xf32, #tpu.memory_space<vmem>> -> memref<128x16xf32, #tpu.memory_space<vmem>>
      %dma_start3A_198 = arith.constant 0 : i32
      %dma_start3A_199 = tpu.memref_slice %arg7[%dma_start3A_194, %dma_start3A_198] : memref<4x128xi32, #tpu.memory_space<vmem>> -> memref<1x128xi32, #tpu.memory_space<vmem>>
      %dma_start3A_200 = tpu.memref_squeeze %dma_start3A_199 : memref<1x128xi32, #tpu.memory_space<vmem>> -> memref<128xi32, #tpu.memory_space<vmem>>
      %dma_start3A_201 = arith.constant 0 : i32
      %dma_start3A_202 = arith.constant 0 : i32
      %dma_start3A_203 = tpu.memref_slice %arg4[%dma_start3A_201, %dma_start3A_202] : memref<10240x16xf32, #tpu.memory_space<hbm>> -> memref<10240x16xf32, #tpu.memory_space<hbm>>
      tpu.enqueue_indirect_dma source(%dma_start3A_203 : memref<10240x16xf32, #tpu.memory_space<hbm>>) target(%dma_start3A_197 : memref<128x16xf32, #tpu.memory_space<vmem>>) offsets(%dma_start3A_200 : memref<128xi32, #tpu.memory_space<vmem>>) semaphore(%arg15 : memref<!tpu.dma_semaphore, #tpu.memory_space<semaphore_mem>>)
      %dma_wait3A_204 = arith.constant 0 : i32
      %dma_wait3A_205 = arith.constant 0 : i32
      %dma_wait3A_206 = tpu.memref_slice %arg3[%dma_wait3A_204, %dma_wait3A_205] : memref<10240x80xf32, #tpu.memory_space<hbm>> -> memref<256x80xf32, #tpu.memory_space<hbm>>
      %dma_wait3A_207 = arith.constant 0 : i32
      %dma_wait3A_208 = arith.constant 0 : i32
      %dma_wait3A_209 = tpu.memref_slice %arg3[%dma_wait3A_207, %dma_wait3A_208] : memref<10240x80xf32, #tpu.memory_space<hbm>> -> memref<256x80xf32, #tpu.memory_space<hbm>>
      tpu.wait_dma2 semaphore(%arg16 : memref<!tpu.dma_semaphore, #tpu.memory_space<semaphore_mem>>) src(%dma_wait3A_209 : memref<256x80xf32, #tpu.memory_space<hbm>>) dst(%arg10 : memref<256x80xf32, #tpu.memory_space<vmem>>)
      %dma_wait3A_210 = arith.constant 0 : i32
      %dma_wait3A_211 = arith.constant 0 : i32
      %dma_wait3A_212 = tpu.memref_slice %arg4[%dma_wait3A_210, %dma_wait3A_211] : memref<10240x16xf32, #tpu.memory_space<hbm>> -> memref<256x16xf32, #tpu.memory_space<hbm>>
      %dma_wait3A_213 = arith.constant 0 : i32
      %dma_wait3A_214 = arith.constant 0 : i32
      %dma_wait3A_215 = tpu.memref_slice %arg4[%dma_wait3A_213, %dma_wait3A_214] : memref<10240x16xf32, #tpu.memory_space<hbm>> -> memref<256x16xf32, #tpu.memory_space<hbm>>
      tpu.wait_dma2 semaphore(%arg16 : memref<!tpu.dma_semaphore, #tpu.memory_space<semaphore_mem>>) src(%dma_wait3A_215 : memref<256x16xf32, #tpu.memory_space<hbm>>) dst(%arg12 : memref<256x16xf32, #tpu.memory_space<vmem>>)
      %parallel_loop3A_216 = arith.constant 0 : i32
      %parallel_loop3A_217 = arith.constant 256 : i32
      %parallel_loop3A_218 = arith.constant 1 : i32
      scf.for %parallel_loop3A_221 = %parallel_loop3A_216 to %parallel_loop3A_217 step %parallel_loop3A_218  : i32 {
        %parallel_loop3A_222 = arith.index_cast %parallel_loop3A_221 : i32 to index
        %parallel_loop3A_223 = arith.constant 0 : index
        %parallel_loop3A_224 = tpu.vector_load %arg12[%parallel_loop3A_222, %parallel_loop3A_223] {strides = array<i32>} : memref<256x16xf32, #tpu.memory_space<vmem>>, vector<1x16xf32>,
        %parallel_loop3A_225 = vector.shape_cast %parallel_loop3A_224 : vector<1x16xf32> to vector<16xf32>
        %parallel_loop3A_226 = arith.index_cast %parallel_loop3A_221 : i32 to index
        %parallel_loop3A_227 = arith.constant 64 : index
        %parallel_loop3A_228 = tpu.vector_load %arg10[%parallel_loop3A_226, %parallel_loop3A_227] {strides = array<i32>} : memref<256x80xf32, #tpu.memory_space<vmem>>, vector<1x16xf32>,
        %parallel_loop3A_229 = vector.shape_cast %parallel_loop3A_228 : vector<1x16xf32> to vector<16xf32>
        %parallel_loop3A_230 = arith.addf %parallel_loop3A_229, %parallel_loop3A_225 : vector<16xf32>
        %parallel_loop3A_231 = arith.constant 0.000000e+00 : f32
        %parallel_loop3A_232 = vector.broadcast %parallel_loop3A_231 : f32 to vector<16xf32>
        %parallel_loop3A_233 = arith.cmpf ogt, %parallel_loop3A_230, %parallel_loop3A_232 : vector<16xf32>
        %parallel_loop3A_234 = arith.constant 2.000000e-01 : f32
        %parallel_loop3A_235 = vector.broadcast %parallel_loop3A_234 : f32 to vector<16xf32>
        %parallel_loop3A_236 = arith.mulf %parallel_loop3A_235, %parallel_loop3A_230 : vector<16xf32>
        %parallel_loop3A_237 = arith.select %parallel_loop3A_233, %parallel_loop3A_230, %parallel_loop3A_236 : vector<16xi1>, vector<16xf32>
        %parallel_loop3A_238 = math.exp %parallel_loop3A_237 : vector<16xf32>
        %parallel_loop3A_239 = arith.index_cast %parallel_loop3A_221 : i32 to index
        %parallel_loop3A_240 = arith.constant 64 : index
        %parallel_loop3A_241 = tpu.vector_load %arg13[%parallel_loop3A_239, %parallel_loop3A_240] {strides = array<i32>} : memref<256x80xf32, #tpu.memory_space<vmem>>, vector<1x16xf32>,
        %parallel_loop3A_242 = vector.shape_cast %parallel_loop3A_241 : vector<1x16xf32> to vector<16xf32>
        %parallel_loop3A_243 = vector.shape_cast %parallel_loop3A_238 : vector<16xf32> to vector<1x16xf32>
        tpu.vector_store %arg13[%parallel_loop3A_239, %parallel_loop3A_240], %parallel_loop3A_243 {strides = array<i32>} : memref<256x80xf32, #tpu.memory_space<vmem>>, vector<1x16xf32>,
        %parallel_loop3A_244 = tpu.iota {dimensions = array<i32: 0>} : vector<16xi32>
        %parallel_loop3A_245 = arith.constant 3 : i32
        %parallel_loop3A_246 = vector.broadcast %parallel_loop3A_245 : i32 to vector<16xi32>
        %parallel_loop3A_247 = arith.shrui %parallel_loop3A_244, %parallel_loop3A_246 : vector<16xi32>
        %parallel_loop3A_248 = arith.constant 0 : i32
        %parallel_loop3A_249 = vector.broadcast %parallel_loop3A_248 : i32 to vector<16xi32>
        %parallel_loop3A_250 = arith.addi %parallel_loop3A_247, %parallel_loop3A_249 : vector<16xi32>
        %parallel_loop3A_251 = vector.shape_cast %parallel_loop3A_250 : vector<16xi32> to vector<16x1xi32>
        %parallel_loop3A_252 = vector.shape_cast %parallel_loop3A_251 : vector<16x1xi32> to vector<16xi32>
        %parallel_loop3A_253 = tpu.dynamic_gather %parallel_loop3A_238[%parallel_loop3A_252] in [0] : vector<16xf32>, vector<16xi32> -> vector<16xf32>
        %parallel_loop3A_254 = arith.index_cast %parallel_loop3A_221 : i32 to index
        %parallel_loop3A_255 = arith.constant 0 : index
        %parallel_loop3A_256 = tpu.vector_load %arg10[%parallel_loop3A_254, %parallel_loop3A_255] {strides = array<i32>} : memref<256x80xf32, #tpu.memory_space<vmem>>, vector<1x16xf32>,
        %parallel_loop3A_257 = vector.shape_cast %parallel_loop3A_256 : vector<1x16xf32> to vector<16xf32>
        %parallel_loop3A_258 = arith.mulf %parallel_loop3A_257, %parallel_loop3A_253 : vector<16xf32>
        %parallel_loop3A_259 = arith.index_cast %parallel_loop3A_221 : i32 to index
        %parallel_loop3A_260 = arith.constant 0 : index
        %parallel_loop3A_261 = tpu.vector_load %arg13[%parallel_loop3A_259, %parallel_loop3A_260] {strides = array<i32>} : memref<256x80xf32, #tpu.memory_space<vmem>>, vector<1x16xf32>,
        %parallel_loop3A_262 = vector.shape_cast %parallel_loop3A_261 : vector<1x16xf32> to vector<16xf32>
        %parallel_loop3A_263 = vector.shape_cast %parallel_loop3A_258 : vector<16xf32> to vector<1x16xf32>
        tpu.vector_store %arg13[%parallel_loop3A_259, %parallel_loop3A_260], %parallel_loop3A_263 {strides = array<i32>} : memref<256x80xf32, #tpu.memory_space<vmem>>, vector<1x16xf32>,
        %parallel_loop3A_264 = arith.constant 2 : i32
        %parallel_loop3A_265 = vector.broadcast %parallel_loop3A_264 : i32 to vector<16xi32>
        %parallel_loop3A_266 = arith.addi %parallel_loop3A_247, %parallel_loop3A_265 : vector<16xi32>
        %parallel_loop3A_267 = vector.shape_cast %parallel_loop3A_266 : vector<16xi32> to vector<16x1xi32>
        %parallel_loop3A_268 = vector.shape_cast %parallel_loop3A_267 : vector<16x1xi32> to vector<16xi32>
        %parallel_loop3A_269 = tpu.dynamic_gather %parallel_loop3A_238[%parallel_loop3A_268] in [0] : vector<16xf32>, vector<16xi32> -> vector<16xf32>
        %parallel_loop3A_270 = arith.index_cast %parallel_loop3A_221 : i32 to index
        %parallel_loop3A_271 = arith.constant 16 : index
        %parallel_loop3A_272 = tpu.vector_load %arg10[%parallel_loop3A_270, %parallel_loop3A_271] {strides = array<i32>} : memref<256x80xf32, #tpu.memory_space<vmem>>, vector<1x16xf32>,
        %parallel_loop3A_273 = vector.shape_cast %parallel_loop3A_272 : vector<1x16xf32> to vector<16xf32>
        %parallel_loop3A_274 = arith.mulf %parallel_loop3A_273, %parallel_loop3A_269 : vector<16xf32>
        %parallel_loop3A_275 = arith.index_cast %parallel_loop3A_221 : i32 to index
        %parallel_loop3A_276 = arith.constant 16 : index
        %parallel_loop3A_277 = tpu.vector_load %arg13[%parallel_loop3A_275, %parallel_loop3A_276] {strides = array<i32>} : memref<256x80xf32, #tpu.memory_space<vmem>>, vector<1x16xf32>,
        %parallel_loop3A_278 = vector.shape_cast %parallel_loop3A_277 : vector<1x16xf32> to vector<16xf32>
        %parallel_loop3A_279 = vector.shape_cast %parallel_loop3A_274 : vector<16xf32> to vector<1x16xf32>
        tpu.vector_store %arg13[%parallel_loop3A_275, %parallel_loop3A_276], %parallel_loop3A_279 {strides = array<i32>} : memref<256x80xf32, #tpu.memory_space<vmem>>, vector<1x16xf32>,
        %parallel_loop3A_280 = arith.constant 4 : i32
        %parallel_loop3A_281 = vector.broadcast %parallel_loop3A_280 : i32 to vector<16xi32>
        %parallel_loop3A_282 = arith.addi %parallel_loop3A_247, %parallel_loop3A_281 : vector<16xi32>
        %parallel_loop3A_283 = vector.shape_cast %parallel_loop3A_282 : vector<16xi32> to vector<16x1xi32>
        %parallel_loop3A_284 = vector.shape_cast %parallel_loop3A_283 : vector<16x1xi32> to vector<16xi32>
        %parallel_loop3A_285 = tpu.dynamic_gather %parallel_loop3A_238[%parallel_loop3A_284] in [0] : vector<16xf32>, vector<16xi32> -> vector<16xf32>
        %parallel_loop3A_286 = arith.index_cast %parallel_loop3A_221 : i32 to index
        %parallel_loop3A_287 = arith.constant 32 : index
        %parallel_loop3A_288 = tpu.vector_load %arg10[%parallel_loop3A_286, %parallel_loop3A_287] {strides = array<i32>} : memref<256x80xf32, #tpu.memory_space<vmem>>, vector<1x16xf32>,
        %parallel_loop3A_289 = vector.shape_cast %parallel_loop3A_288 : vector<1x16xf32> to vector<16xf32>
        %parallel_loop3A_290 = arith.mulf %parallel_loop3A_289, %parallel_loop3A_285 : vector<16xf32>
        %parallel_loop3A_291 = arith.index_cast %parallel_loop3A_221 : i32 to index
        %parallel_loop3A_292 = arith.constant 32 : index
        %parallel_loop3A_293 = tpu.vector_load %arg13[%parallel_loop3A_291, %parallel_loop3A_292] {strides = array<i32>} : memref<256x80xf32, #tpu.memory_space<vmem>>, vector<1x16xf32>,
        %parallel_loop3A_294 = vector.shape_cast %parallel_loop3A_293 : vector<1x16xf32> to vector<16xf32>
        %parallel_loop3A_295 = vector.shape_cast %parallel_loop3A_290 : vector<16xf32> to vector<1x16xf32>
        tpu.vector_store %arg13[%parallel_loop3A_291, %parallel_loop3A_292], %parallel_loop3A_295 {strides = array<i32>} : memref<256x80xf32, #tpu.memory_space<vmem>>, vector<1x16xf32>,
        %parallel_loop3A_296 = arith.constant 6 : i32
        %parallel_loop3A_297 = vector.broadcast %parallel_loop3A_296 : i32 to vector<16xi32>
        %parallel_loop3A_298 = arith.addi %parallel_loop3A_247, %parallel_loop3A_297 : vector<16xi32>
        %parallel_loop3A_299 = vector.shape_cast %parallel_loop3A_298 : vector<16xi32> to vector<16x1xi32>
        %parallel_loop3A_300 = vector.shape_cast %parallel_loop3A_299 : vector<16x1xi32> to vector<16xi32>
        %parallel_loop3A_301 = tpu.dynamic_gather %parallel_loop3A_238[%parallel_loop3A_300] in [0] : vector<16xf32>, vector<16xi32> -> vector<16xf32>
        %parallel_loop3A_302 = arith.index_cast %parallel_loop3A_221 : i32 to index
        %parallel_loop3A_303 = arith.constant 48 : index
        %parallel_loop3A_304 = tpu.vector_load %arg10[%parallel_loop3A_302, %parallel_loop3A_303] {strides = array<i32>} : memref<256x80xf32, #tpu.memory_space<vmem>>, vector<1x16xf32>,
        %parallel_loop3A_305 = vector.shape_cast %parallel_loop3A_304 : vector<1x16xf32> to vector<16xf32>
        %parallel_loop3A_306 = arith.mulf %parallel_loop3A_305, %parallel_loop3A_301 : vector<16xf32>
        %parallel_loop3A_307 = arith.index_cast %parallel_loop3A_221 : i32 to index
        %parallel_loop3A_308 = arith.constant 48 : index
        %parallel_loop3A_309 = tpu.vector_load %arg13[%parallel_loop3A_307, %parallel_loop3A_308] {strides = array<i32>} : memref<256x80xf32, #tpu.memory_space<vmem>>, vector<1x16xf32>,
        %parallel_loop3A_310 = vector.shape_cast %parallel_loop3A_309 : vector<1x16xf32> to vector<16xf32>
        %parallel_loop3A_311 = vector.shape_cast %parallel_loop3A_306 : vector<16xf32> to vector<1x16xf32>
        tpu.vector_store %arg13[%parallel_loop3A_307, %parallel_loop3A_308], %parallel_loop3A_311 {strides = array<i32>} : memref<256x80xf32, #tpu.memory_space<vmem>>, vector<1x16xf32>,
      } {sc.loop_unroll_factor = 4 : i64, sc.parallel_access}
      %run_scoped3A_219 = arith.constant 2 : i32
      "tpu.region"() ({
        %run_scoped3A_221 = tpu.sem_alloc : memref<!tpu.dma_semaphore, #tpu.memory_space<semaphore_mem>>
        %dma_start3A_222 = arith.constant 0 : i32
        %dma_start3A_223 = arith.constant 0 : i32
        %dma_start3A_224 = tpu.memref_slice %arg13[%dma_start3A_222, %dma_start3A_223] : memref<256x80xf32, #tpu.memory_space<vmem>> -> memref<128x80xf32, #tpu.memory_space<vmem>>
        %dma_start3A_225 = arith.constant 0 : i32
        %dma_start3A_226 = tpu.memref_slice %arg8[%run_scoped3A_219, %dma_start3A_225] : memref<4x128xi32, #tpu.memory_space<vmem>> -> memref<1x128xi32, #tpu.memory_space<vmem>>
        %dma_start3A_227 = tpu.memref_squeeze %dma_start3A_226 : memref<1x128xi32, #tpu.memory_space<vmem>> -> memref<128xi32, #tpu.memory_space<vmem>>
        %dma_start3A_228 = arith.constant 0 : i32
        %dma_start3A_229 = arith.constant 0 : i32
        %dma_start3A_230 = tpu.memref_slice %arg14[%dma_start3A_228, %dma_start3A_229] : memref<10240x80xf32, #tpu.memory_space<vmem_shared>> -> memref<10240x80xf32, #tpu.memory_space<vmem_shared>>
        tpu.enqueue_indirect_dma source(%dma_start3A_224 : memref<128x80xf32, #tpu.memory_space<vmem>>) target(%dma_start3A_230 : memref<10240x80xf32, #tpu.memory_space<vmem_shared>>) offsets(%dma_start3A_227 : memref<128xi32, #tpu.memory_space<vmem>>) semaphore(%run_scoped3A_221 : memref<!tpu.dma_semaphore, #tpu.memory_space<semaphore_mem>>) {add = true}
        %dma_wait3A_231 = arith.constant 0 : i32
        %dma_wait3A_232 = arith.constant 0 : i32
        %dma_wait3A_233 = tpu.memref_slice %arg13[%dma_wait3A_231, %dma_wait3A_232] : memref<256x80xf32, #tpu.memory_space<vmem>> -> memref<128x80xf32, #tpu.memory_space<vmem>>
        %dma_wait3A_234 = arith.constant 0 : i32
        %dma_wait3A_235 = tpu.memref_slice %arg8[%run_scoped3A_219, %dma_wait3A_234] : memref<4x128xi32, #tpu.memory_space<vmem>> -> memref<1x128xi32, #tpu.memory_space<vmem>>
        %dma_wait3A_236 = tpu.memref_squeeze %dma_wait3A_235 : memref<1x128xi32, #tpu.memory_space<vmem>> -> memref<128xi32, #tpu.memory_space<vmem>>
        %dma_wait3A_237 = arith.constant 0 : i32
        %dma_wait3A_238 = arith.constant 0 : i32
        %dma_wait3A_239 = tpu.memref_slice %arg14[%dma_wait3A_237, %dma_wait3A_238] : memref<10240x80xf32, #tpu.memory_space<vmem_shared>> -> memref<10240x80xf32, #tpu.memory_space<vmem_shared>>
        tpu.wait_indirect_dma semaphore(%run_scoped3A_221 : memref<!tpu.dma_semaphore, #tpu.memory_space<semaphore_mem>>) src(%dma_wait3A_233 : memref<128x80xf32, #tpu.memory_space<vmem>>) dst(%dma_wait3A_239 : memref<10240x80xf32, #tpu.memory_space<vmem_shared>>)
        tpu.yield
      }) : () -> ()
      %run_scoped3A_220 = arith.constant 3 : i32
      "tpu.region"() ({
        %run_scoped3A_221 = tpu.sem_alloc : memref<!tpu.dma_semaphore, #tpu.memory_space<semaphore_mem>>
        %dma_start3A_222 = arith.constant 128 : i32
        %dma_start3A_223 = arith.constant 0 : i32
        %dma_start3A_224 = tpu.memref_slice %arg13[%dma_start3A_222, %dma_start3A_223] : memref<256x80xf32, #tpu.memory_space<vmem>> -> memref<128x80xf32, #tpu.memory_space<vmem>>
        %dma_start3A_225 = arith.constant 0 : i32
        %dma_start3A_226 = tpu.memref_slice %arg8[%run_scoped3A_220, %dma_start3A_225] : memref<4x128xi32, #tpu.memory_space<vmem>> -> memref<1x128xi32, #tpu.memory_space<vmem>>
        %dma_start3A_227 = tpu.memref_squeeze %dma_start3A_226 : memref<1x128xi32, #tpu.memory_space<vmem>> -> memref<128xi32, #tpu.memory_space<vmem>>
        %dma_start3A_228 = arith.constant 0 : i32
        %dma_start3A_229 = arith.constant 0 : i32
        %dma_start3A_230 = tpu.memref_slice %arg14[%dma_start3A_228, %dma_start3A_229] : memref<10240x80xf32, #tpu.memory_space<vmem_shared>> -> memref<10240x80xf32, #tpu.memory_space<vmem_shared>>
        tpu.enqueue_indirect_dma source(%dma_start3A_224 : memref<128x80xf32, #tpu.memory_space<vmem>>) target(%dma_start3A_230 : memref<10240x80xf32, #tpu.memory_space<vmem_shared>>) offsets(%dma_start3A_227 : memref<128xi32, #tpu.memory_space<vmem>>) semaphore(%run_scoped3A_221 : memref<!tpu.dma_semaphore, #tpu.memory_space<semaphore_mem>>) {add = true}
        %dma_wait3A_231 = arith.constant 128 : i32
        %dma_wait3A_232 = arith.constant 0 : i32
        %dma_wait3A_233 = tpu.memref_slice %arg13[%dma_wait3A_231, %dma_wait3A_232] : memref<256x80xf32, #tpu.memory_space<vmem>> -> memref<128x80xf32, #tpu.memory_space<vmem>>
        %dma_wait3A_234 = arith.constant 0 : i32
        %dma_wait3A_235 = tpu.memref_slice %arg8[%run_scoped3A_220, %dma_wait3A_234] : memref<4x128xi32, #tpu.memory_space<vmem>> -> memref<1x128xi32, #tpu.memory_space<vmem>>
        %dma_wait3A_236 = tpu.memref_squeeze %dma_wait3A_235 : memref<1x128xi32, #tpu.memory_space<vmem>> -> memref<128xi32, #tpu.memory_space<vmem>>
        %dma_wait3A_237 = arith.constant 0 : i32
        %dma_wait3A_238 = arith.constant 0 : i32
        %dma_wait3A_239 = tpu.memref_slice %arg14[%dma_wait3A_237, %dma_wait3A_238] : memref<10240x80xf32, #tpu.memory_space<vmem_shared>> -> memref<10240x80xf32, #tpu.memory_space<vmem_shared>>
        tpu.wait_indirect_dma semaphore(%run_scoped3A_221 : memref<!tpu.dma_semaphore, #tpu.memory_space<semaphore_mem>>) src(%dma_wait3A_233 : memref<128x80xf32, #tpu.memory_space<vmem>>) dst(%dma_wait3A_239 : memref<10240x80xf32, #tpu.memory_space<vmem_shared>>)
        tpu.yield
      }) : () -> ()
    }
    %while3A_81 = arith.constant 1 : i32
    scf.for %while3A_94 = %while3A_79 to %while3A_75 step %while3A_81  : i32 {
      %mul3A_95 = arith.constant 2 : i32
      %mul3A_96 = arith.muli %mul3A_95, %while3A_94 : i32
      %add3A_97 = arith.addi %select_n3A_13, %mul3A_96 : i32
      %add3A_98 = arith.constant 1 : i32
      %add3A_99 = arith.addi %add3A_97, %add3A_98 : i32
      %mul3A_100 = arith.constant 4 : i32
      %mul3A_101 = arith.muli %mul3A_100, %add3A_99 : i32
      "tpu.region"() ({
        %run_scoped3A_221 = tpu.sem_alloc : memref<!tpu.dma_semaphore, #tpu.memory_space<semaphore_mem>>
        %dma_start3A_222 = arith.constant 0 : i32
        %dma_start3A_223 = tpu.memref_slice %arg2[%mul3A_101, %dma_start3A_222] : memref<5120x128xi32, #tpu.memory_space<hbm>> -> memref<4x128xi32, #tpu.memory_space<hbm>>
        %dma_start3A_224 = arith.constant 0 : i32
        %dma_start3A_225 = tpu.memref_slice %arg2[%mul3A_101, %dma_start3A_224] : memref<5120x128xi32, #tpu.memory_space<hbm>> -> memref<4x128xi32, #tpu.memory_space<hbm>>
        tpu.enqueue_dma source(%dma_start3A_225 : memref<4x128xi32, #tpu.memory_space<hbm>>) target(%arg8 : memref<4x128xi32, #tpu.memory_space<vmem>>) target_semaphore(%run_scoped3A_221 : memref<!tpu.dma_semaphore, #tpu.memory_space<semaphore_mem>>)
        %dma_wait3A_226 = arith.constant 0 : i32
        %dma_wait3A_227 = tpu.memref_slice %arg2[%mul3A_101, %dma_wait3A_226] : memref<5120x128xi32, #tpu.memory_space<hbm>> -> memref<4x128xi32, #tpu.memory_space<hbm>>
        %dma_wait3A_228 = arith.constant 0 : i32
        %dma_wait3A_229 = tpu.memref_slice %arg2[%mul3A_101, %dma_wait3A_228] : memref<5120x128xi32, #tpu.memory_space<hbm>> -> memref<4x128xi32, #tpu.memory_space<hbm>>
        tpu.wait_dma2 semaphore(%run_scoped3A_221 : memref<!tpu.dma_semaphore, #tpu.memory_space<semaphore_mem>>) src(%dma_wait3A_229 : memref<4x128xi32, #tpu.memory_space<hbm>>) dst(%arg8 : memref<4x128xi32, #tpu.memory_space<vmem>>)
        tpu.yield
      }) : () -> ()
      %dma_start3A_102 = arith.constant 0 : i32
      %dma_start3A_103 = arith.constant 0 : i32
      %dma_start3A_104 = arith.constant 0 : i32
      %dma_start3A_105 = tpu.memref_slice %arg10[%dma_start3A_103, %dma_start3A_104] : memref<256x80xf32, #tpu.memory_space<vmem>> -> memref<128x80xf32, #tpu.memory_space<vmem>>
      %dma_start3A_106 = arith.constant 0 : i32
      %dma_start3A_107 = tpu.memref_slice %arg8[%dma_start3A_102, %dma_start3A_106] : memref<4x128xi32, #tpu.memory_space<vmem>> -> memref<1x128xi32, #tpu.memory_space<vmem>>
      %dma_start3A_108 = tpu.memref_squeeze %dma_start3A_107 : memref<1x128xi32, #tpu.memory_space<vmem>> -> memref<128xi32, #tpu.memory_space<vmem>>
      %dma_start3A_109 = arith.constant 0 : i32
      %dma_start3A_110 = arith.constant 0 : i32
      %dma_start3A_111 = tpu.memref_slice %arg3[%dma_start3A_109, %dma_start3A_110] : memref<10240x80xf32, #tpu.memory_space<hbm>> -> memref<10240x80xf32, #tpu.memory_space<hbm>>
      tpu.enqueue_indirect_dma source(%dma_start3A_111 : memref<10240x80xf32, #tpu.memory_space<hbm>>) target(%dma_start3A_105 : memref<128x80xf32, #tpu.memory_space<vmem>>) offsets(%dma_start3A_108 : memref<128xi32, #tpu.memory_space<vmem>>) semaphore(%arg16 : memref<!tpu.dma_semaphore, #tpu.memory_space<semaphore_mem>>)
      %dma_start3A_112 = arith.constant 2 : i32
      %dma_start3A_113 = arith.constant 0 : i32
      %dma_start3A_114 = arith.constant 0 : i32
      %dma_start3A_115 = tpu.memref_slice %arg12[%dma_start3A_113, %dma_start3A_114] : memref<256x16xf32, #tpu.memory_space<vmem>> -> memref<128x16xf32, #tpu.memory_space<vmem>>
      %dma_start3A_116 = arith.constant 0 : i32
      %dma_start3A_117 = tpu.memref_slice %arg8[%dma_start3A_112, %dma_start3A_116] : memref<4x128xi32, #tpu.memory_space<vmem>> -> memref<1x128xi32, #tpu.memory_space<vmem>>
      %dma_start3A_118 = tpu.memref_squeeze %dma_start3A_117 : memref<1x128xi32, #tpu.memory_space<vmem>> -> memref<128xi32, #tpu.memory_space<vmem>>
      %dma_start3A_119 = arith.constant 0 : i32
      %dma_start3A_120 = arith.constant 0 : i32
      %dma_start3A_121 = tpu.memref_slice %arg4[%dma_start3A_119, %dma_start3A_120] : memref<10240x16xf32, #tpu.memory_space<hbm>> -> memref<10240x16xf32, #tpu.memory_space<hbm>>
      tpu.enqueue_indirect_dma source(%dma_start3A_121 : memref<10240x16xf32, #tpu.memory_space<hbm>>) target(%dma_start3A_115 : memref<128x16xf32, #tpu.memory_space<vmem>>) offsets(%dma_start3A_118 : memref<128xi32, #tpu.memory_space<vmem>>) semaphore(%arg16 : memref<!tpu.dma_semaphore, #tpu.memory_space<semaphore_mem>>)
      %dma_start3A_122 = arith.constant 1 : i32
      %dma_start3A_123 = arith.constant 128 : i32
      %dma_start3A_124 = arith.constant 0 : i32
      %dma_start3A_125 = tpu.memref_slice %arg10[%dma_start3A_123, %dma_start3A_124] : memref<256x80xf32, #tpu.memory_space<vmem>> -> memref<128x80xf32, #tpu.memory_space<vmem>>
      %dma_start3A_126 = arith.constant 0 : i32
      %dma_start3A_127 = tpu.memref_slice %arg8[%dma_start3A_122, %dma_start3A_126] : memref<4x128xi32, #tpu.memory_space<vmem>> -> memref<1x128xi32, #tpu.memory_space<vmem>>
      %dma_start3A_128 = tpu.memref_squeeze %dma_start3A_127 : memref<1x128xi32, #tpu.memory_space<vmem>> -> memref<128xi32, #tpu.memory_space<vmem>>
      %dma_start3A_129 = arith.constant 0 : i32
      %dma_start3A_130 = arith.constant 0 : i32
      %dma_start3A_131 = tpu.memref_slice %arg3[%dma_start3A_129, %dma_start3A_130] : memref<10240x80xf32, #tpu.memory_space<hbm>> -> memref<10240x80xf32, #tpu.memory_space<hbm>>
      tpu.enqueue_indirect_dma source(%dma_start3A_131 : memref<10240x80xf32, #tpu.memory_space<hbm>>) target(%dma_start3A_125 : memref<128x80xf32, #tpu.memory_space<vmem>>) offsets(%dma_start3A_128 : memref<128xi32, #tpu.memory_space<vmem>>) semaphore(%arg16 : memref<!tpu.dma_semaphore, #tpu.memory_space<semaphore_mem>>)
      %dma_start3A_132 = arith.constant 3 : i32
      %dma_start3A_133 = arith.constant 128 : i32
      %dma_start3A_134 = arith.constant 0 : i32
      %dma_start3A_135 = tpu.memref_slice %arg12[%dma_start3A_133, %dma_start3A_134] : memref<256x16xf32, #tpu.memory_space<vmem>> -> memref<128x16xf32, #tpu.memory_space<vmem>>
      %dma_start3A_136 = arith.constant 0 : i32
      %dma_start3A_137 = tpu.memref_slice %arg8[%dma_start3A_132, %dma_start3A_136] : memref<4x128xi32, #tpu.memory_space<vmem>> -> memref<1x128xi32, #tpu.memory_space<vmem>>
      %dma_start3A_138 = tpu.memref_squeeze %dma_start3A_137 : memref<1x128xi32, #tpu.memory_space<vmem>> -> memref<128xi32, #tpu.memory_space<vmem>>
      %dma_start3A_139 = arith.constant 0 : i32
      %dma_start3A_140 = arith.constant 0 : i32
      %dma_start3A_141 = tpu.memref_slice %arg4[%dma_start3A_139, %dma_start3A_140] : memref<10240x16xf32, #tpu.memory_space<hbm>> -> memref<10240x16xf32, #tpu.memory_space<hbm>>
      tpu.enqueue_indirect_dma source(%dma_start3A_141 : memref<10240x16xf32, #tpu.memory_space<hbm>>) target(%dma_start3A_135 : memref<128x16xf32, #tpu.memory_space<vmem>>) offsets(%dma_start3A_138 : memref<128xi32, #tpu.memory_space<vmem>>) semaphore(%arg16 : memref<!tpu.dma_semaphore, #tpu.memory_space<semaphore_mem>>)
      %dma_wait3A_142 = arith.constant 0 : i32
      %dma_wait3A_143 = arith.constant 0 : i32
      %dma_wait3A_144 = tpu.memref_slice %arg3[%dma_wait3A_142, %dma_wait3A_143] : memref<10240x80xf32, #tpu.memory_space<hbm>> -> memref<256x80xf32, #tpu.memory_space<hbm>>
      %dma_wait3A_145 = arith.constant 0 : i32
      %dma_wait3A_146 = arith.constant 0 : i32
      %dma_wait3A_147 = tpu.memref_slice %arg3[%dma_wait3A_145, %dma_wait3A_146] : memref<10240x80xf32, #tpu.memory_space<hbm>> -> memref<256x80xf32, #tpu.memory_space<hbm>>
      tpu.wait_dma2 semaphore(%arg15 : memref<!tpu.dma_semaphore, #tpu.memory_space<semaphore_mem>>) src(%dma_wait3A_147 : memref<256x80xf32, #tpu.memory_space<hbm>>) dst(%arg9 : memref<256x80xf32, #tpu.memory_space<vmem>>)
      %dma_wait3A_148 = arith.constant 0 : i32
      %dma_wait3A_149 = arith.constant 0 : i32
      %dma_wait3A_150 = tpu.memref_slice %arg4[%dma_wait3A_148, %dma_wait3A_149] : memref<10240x16xf32, #tpu.memory_space<hbm>> -> memref<256x16xf32, #tpu.memory_space<hbm>>
      %dma_wait3A_151 = arith.constant 0 : i32
      %dma_wait3A_152 = arith.constant 0 : i32
      %dma_wait3A_153 = tpu.memref_slice %arg4[%dma_wait3A_151, %dma_wait3A_152] : memref<10240x16xf32, #tpu.memory_space<hbm>> -> memref<256x16xf32, #tpu.memory_space<hbm>>
      tpu.wait_dma2 semaphore(%arg15 : memref<!tpu.dma_semaphore, #tpu.memory_space<semaphore_mem>>) src(%dma_wait3A_153 : memref<256x16xf32, #tpu.memory_space<hbm>>) dst(%arg11 : memref<256x16xf32, #tpu.memory_space<vmem>>)
      %parallel_loop3A = arith.constant 0 : i32
      %parallel_loop3A_154 = arith.constant 256 : i32
      %parallel_loop3A_155 = arith.constant 1 : i32
      scf.for %parallel_loop3A_221 = %parallel_loop3A to %parallel_loop3A_154 step %parallel_loop3A_155  : i32 {
        %parallel_loop3A_222 = arith.index_cast %parallel_loop3A_221 : i32 to index
        %parallel_loop3A_223 = arith.constant 0 : index
        %parallel_loop3A_224 = tpu.vector_load %arg11[%parallel_loop3A_222, %parallel_loop3A_223] {strides = array<i32>} : memref<256x16xf32, #tpu.memory_space<vmem>>, vector<1x16xf32>,
        %parallel_loop3A_225 = vector.shape_cast %parallel_loop3A_224 : vector<1x16xf32> to vector<16xf32>
        %parallel_loop3A_226 = arith.index_cast %parallel_loop3A_221 : i32 to index
        %parallel_loop3A_227 = arith.constant 64 : index
        %parallel_loop3A_228 = tpu.vector_load %arg9[%parallel_loop3A_226, %parallel_loop3A_227] {strides = array<i32>} : memref<256x80xf32, #tpu.memory_space<vmem>>, vector<1x16xf32>,
        %parallel_loop3A_229 = vector.shape_cast %parallel_loop3A_228 : vector<1x16xf32> to vector<16xf32>
        %parallel_loop3A_230 = arith.addf %parallel_loop3A_229, %parallel_loop3A_225 : vector<16xf32>
        %parallel_loop3A_231 = arith.constant 0.000000e+00 : f32
        %parallel_loop3A_232 = vector.broadcast %parallel_loop3A_231 : f32 to vector<16xf32>
        %parallel_loop3A_233 = arith.cmpf ogt, %parallel_loop3A_230, %parallel_loop3A_232 : vector<16xf32>
        %parallel_loop3A_234 = arith.constant 2.000000e-01 : f32
        %parallel_loop3A_235 = vector.broadcast %parallel_loop3A_234 : f32 to vector<16xf32>
        %parallel_loop3A_236 = arith.mulf %parallel_loop3A_235, %parallel_loop3A_230 : vector<16xf32>
        %parallel_loop3A_237 = arith.select %parallel_loop3A_233, %parallel_loop3A_230, %parallel_loop3A_236 : vector<16xi1>, vector<16xf32>
        %parallel_loop3A_238 = math.exp %parallel_loop3A_237 : vector<16xf32>
        %parallel_loop3A_239 = arith.index_cast %parallel_loop3A_221 : i32 to index
        %parallel_loop3A_240 = arith.constant 64 : index
        %parallel_loop3A_241 = tpu.vector_load %arg13[%parallel_loop3A_239, %parallel_loop3A_240] {strides = array<i32>} : memref<256x80xf32, #tpu.memory_space<vmem>>, vector<1x16xf32>,
        %parallel_loop3A_242 = vector.shape_cast %parallel_loop3A_241 : vector<1x16xf32> to vector<16xf32>
        %parallel_loop3A_243 = vector.shape_cast %parallel_loop3A_238 : vector<16xf32> to vector<1x16xf32>
        tpu.vector_store %arg13[%parallel_loop3A_239, %parallel_loop3A_240], %parallel_loop3A_243 {strides = array<i32>} : memref<256x80xf32, #tpu.memory_space<vmem>>, vector<1x16xf32>,
        %parallel_loop3A_244 = tpu.iota {dimensions = array<i32: 0>} : vector<16xi32>
        %parallel_loop3A_245 = arith.constant 3 : i32
        %parallel_loop3A_246 = vector.broadcast %parallel_loop3A_245 : i32 to vector<16xi32>
        %parallel_loop3A_247 = arith.shrui %parallel_loop3A_244, %parallel_loop3A_246 : vector<16xi32>
        %parallel_loop3A_248 = arith.constant 0 : i32
        %parallel_loop3A_249 = vector.broadcast %parallel_loop3A_248 : i32 to vector<16xi32>
        %parallel_loop3A_250 = arith.addi %parallel_loop3A_247, %parallel_loop3A_249 : vector<16xi32>
        %parallel_loop3A_251 = vector.shape_cast %parallel_loop3A_250 : vector<16xi32> to vector<16x1xi32>
        %parallel_loop3A_252 = vector.shape_cast %parallel_loop3A_251 : vector<16x1xi32> to vector<16xi32>
        %parallel_loop3A_253 = tpu.dynamic_gather %parallel_loop3A_238[%parallel_loop3A_252] in [0] : vector<16xf32>, vector<16xi32> -> vector<16xf32>
        %parallel_loop3A_254 = arith.index_cast %parallel_loop3A_221 : i32 to index
        %parallel_loop3A_255 = arith.constant 0 : index
        %parallel_loop3A_256 = tpu.vector_load %arg9[%parallel_loop3A_254, %parallel_loop3A_255] {strides = array<i32>} : memref<256x80xf32, #tpu.memory_space<vmem>>, vector<1x16xf32>,
        %parallel_loop3A_257 = vector.shape_cast %parallel_loop3A_256 : vector<1x16xf32> to vector<16xf32>
        %parallel_loop3A_258 = arith.mulf %parallel_loop3A_257, %parallel_loop3A_253 : vector<16xf32>
        %parallel_loop3A_259 = arith.index_cast %parallel_loop3A_221 : i32 to index
        %parallel_loop3A_260 = arith.constant 0 : index
        %parallel_loop3A_261 = tpu.vector_load %arg13[%parallel_loop3A_259, %parallel_loop3A_260] {strides = array<i32>} : memref<256x80xf32, #tpu.memory_space<vmem>>, vector<1x16xf32>,
        %parallel_loop3A_262 = vector.shape_cast %parallel_loop3A_261 : vector<1x16xf32> to vector<16xf32>
        %parallel_loop3A_263 = vector.shape_cast %parallel_loop3A_258 : vector<16xf32> to vector<1x16xf32>
        tpu.vector_store %arg13[%parallel_loop3A_259, %parallel_loop3A_260], %parallel_loop3A_263 {strides = array<i32>} : memref<256x80xf32, #tpu.memory_space<vmem>>, vector<1x16xf32>,
        %parallel_loop3A_264 = arith.constant 2 : i32
        %parallel_loop3A_265 = vector.broadcast %parallel_loop3A_264 : i32 to vector<16xi32>
        %parallel_loop3A_266 = arith.addi %parallel_loop3A_247, %parallel_loop3A_265 : vector<16xi32>
        %parallel_loop3A_267 = vector.shape_cast %parallel_loop3A_266 : vector<16xi32> to vector<16x1xi32>
        %parallel_loop3A_268 = vector.shape_cast %parallel_loop3A_267 : vector<16x1xi32> to vector<16xi32>
        %parallel_loop3A_269 = tpu.dynamic_gather %parallel_loop3A_238[%parallel_loop3A_268] in [0] : vector<16xf32>, vector<16xi32> -> vector<16xf32>
        %parallel_loop3A_270 = arith.index_cast %parallel_loop3A_221 : i32 to index
        %parallel_loop3A_271 = arith.constant 16 : index
        %parallel_loop3A_272 = tpu.vector_load %arg9[%parallel_loop3A_270, %parallel_loop3A_271] {strides = array<i32>} : memref<256x80xf32, #tpu.memory_space<vmem>>, vector<1x16xf32>,
        %parallel_loop3A_273 = vector.shape_cast %parallel_loop3A_272 : vector<1x16xf32> to vector<16xf32>
        %parallel_loop3A_274 = arith.mulf %parallel_loop3A_273, %parallel_loop3A_269 : vector<16xf32>
        %parallel_loop3A_275 = arith.index_cast %parallel_loop3A_221 : i32 to index
        %parallel_loop3A_276 = arith.constant 16 : index
        %parallel_loop3A_277 = tpu.vector_load %arg13[%parallel_loop3A_275, %parallel_loop3A_276] {strides = array<i32>} : memref<256x80xf32, #tpu.memory_space<vmem>>, vector<1x16xf32>,
        %parallel_loop3A_278 = vector.shape_cast %parallel_loop3A_277 : vector<1x16xf32> to vector<16xf32>
        %parallel_loop3A_279 = vector.shape_cast %parallel_loop3A_274 : vector<16xf32> to vector<1x16xf32>
        tpu.vector_store %arg13[%parallel_loop3A_275, %parallel_loop3A_276], %parallel_loop3A_279 {strides = array<i32>} : memref<256x80xf32, #tpu.memory_space<vmem>>, vector<1x16xf32>,
        %parallel_loop3A_280 = arith.constant 4 : i32
        %parallel_loop3A_281 = vector.broadcast %parallel_loop3A_280 : i32 to vector<16xi32>
        %parallel_loop3A_282 = arith.addi %parallel_loop3A_247, %parallel_loop3A_281 : vector<16xi32>
        %parallel_loop3A_283 = vector.shape_cast %parallel_loop3A_282 : vector<16xi32> to vector<16x1xi32>
        %parallel_loop3A_284 = vector.shape_cast %parallel_loop3A_283 : vector<16x1xi32> to vector<16xi32>
        %parallel_loop3A_285 = tpu.dynamic_gather %parallel_loop3A_238[%parallel_loop3A_284] in [0] : vector<16xf32>, vector<16xi32> -> vector<16xf32>
        %parallel_loop3A_286 = arith.index_cast %parallel_loop3A_221 : i32 to index
        %parallel_loop3A_287 = arith.constant 32 : index
        %parallel_loop3A_288 = tpu.vector_load %arg9[%parallel_loop3A_286, %parallel_loop3A_287] {strides = array<i32>} : memref<256x80xf32, #tpu.memory_space<vmem>>, vector<1x16xf32>,
        %parallel_loop3A_289 = vector.shape_cast %parallel_loop3A_288 : vector<1x16xf32> to vector<16xf32>
        %parallel_loop3A_290 = arith.mulf %parallel_loop3A_289, %parallel_loop3A_285 : vector<16xf32>
        %parallel_loop3A_291 = arith.index_cast %parallel_loop3A_221 : i32 to index
        %parallel_loop3A_292 = arith.constant 32 : index
        %parallel_loop3A_293 = tpu.vector_load %arg13[%parallel_loop3A_291, %parallel_loop3A_292] {strides = array<i32>} : memref<256x80xf32, #tpu.memory_space<vmem>>, vector<1x16xf32>,
        %parallel_loop3A_294 = vector.shape_cast %parallel_loop3A_293 : vector<1x16xf32> to vector<16xf32>
        %parallel_loop3A_295 = vector.shape_cast %parallel_loop3A_290 : vector<16xf32> to vector<1x16xf32>
        tpu.vector_store %arg13[%parallel_loop3A_291, %parallel_loop3A_292], %parallel_loop3A_295 {strides = array<i32>} : memref<256x80xf32, #tpu.memory_space<vmem>>, vector<1x16xf32>,
        %parallel_loop3A_296 = arith.constant 6 : i32
        %parallel_loop3A_297 = vector.broadcast %parallel_loop3A_296 : i32 to vector<16xi32>
        %parallel_loop3A_298 = arith.addi %parallel_loop3A_247, %parallel_loop3A_297 : vector<16xi32>
        %parallel_loop3A_299 = vector.shape_cast %parallel_loop3A_298 : vector<16xi32> to vector<16x1xi32>
        %parallel_loop3A_300 = vector.shape_cast %parallel_loop3A_299 : vector<16x1xi32> to vector<16xi32>
        %parallel_loop3A_301 = tpu.dynamic_gather %parallel_loop3A_238[%parallel_loop3A_300] in [0] : vector<16xf32>, vector<16xi32> -> vector<16xf32>
        %parallel_loop3A_302 = arith.index_cast %parallel_loop3A_221 : i32 to index
        %parallel_loop3A_303 = arith.constant 48 : index
        %parallel_loop3A_304 = tpu.vector_load %arg9[%parallel_loop3A_302, %parallel_loop3A_303] {strides = array<i32>} : memref<256x80xf32, #tpu.memory_space<vmem>>, vector<1x16xf32>,
        %parallel_loop3A_305 = vector.shape_cast %parallel_loop3A_304 : vector<1x16xf32> to vector<16xf32>
        %parallel_loop3A_306 = arith.mulf %parallel_loop3A_305, %parallel_loop3A_301 : vector<16xf32>
        %parallel_loop3A_307 = arith.index_cast %parallel_loop3A_221 : i32 to index
        %parallel_loop3A_308 = arith.constant 48 : index
        %parallel_loop3A_309 = tpu.vector_load %arg13[%parallel_loop3A_307, %parallel_loop3A_308] {strides = array<i32>} : memref<256x80xf32, #tpu.memory_space<vmem>>, vector<1x16xf32>,
        %parallel_loop3A_310 = vector.shape_cast %parallel_loop3A_309 : vector<1x16xf32> to vector<16xf32>
        %parallel_loop3A_311 = vector.shape_cast %parallel_loop3A_306 : vector<16xf32> to vector<1x16xf32>
        tpu.vector_store %arg13[%parallel_loop3A_307, %parallel_loop3A_308], %parallel_loop3A_311 {strides = array<i32>} : memref<256x80xf32, #tpu.memory_space<vmem>>, vector<1x16xf32>,
      } {sc.loop_unroll_factor = 4 : i64, sc.parallel_access}
      %run_scoped3A = arith.constant 2 : i32
      "tpu.region"() ({
        %run_scoped3A_221 = tpu.sem_alloc : memref<!tpu.dma_semaphore, #tpu.memory_space<semaphore_mem>>
        %dma_start3A_222 = arith.constant 0 : i32
        %dma_start3A_223 = arith.constant 0 : i32
        %dma_start3A_224 = tpu.memref_slice %arg13[%dma_start3A_222, %dma_start3A_223] : memref<256x80xf32, #tpu.memory_space<vmem>> -> memref<128x80xf32, #tpu.memory_space<vmem>>
        %dma_start3A_225 = arith.constant 0 : i32
        %dma_start3A_226 = tpu.memref_slice %arg7[%run_scoped3A, %dma_start3A_225] : memref<4x128xi32, #tpu.memory_space<vmem>> -> memref<1x128xi32, #tpu.memory_space<vmem>>
        %dma_start3A_227 = tpu.memref_squeeze %dma_start3A_226 : memref<1x128xi32, #tpu.memory_space<vmem>> -> memref<128xi32, #tpu.memory_space<vmem>>
        %dma_start3A_228 = arith.constant 0 : i32
        %dma_start3A_229 = arith.constant 0 : i32
        %dma_start3A_230 = tpu.memref_slice %arg14[%dma_start3A_228, %dma_start3A_229] : memref<10240x80xf32, #tpu.memory_space<vmem_shared>> -> memref<10240x80xf32, #tpu.memory_space<vmem_shared>>
        tpu.enqueue_indirect_dma source(%dma_start3A_224 : memref<128x80xf32, #tpu.memory_space<vmem>>) target(%dma_start3A_230 : memref<10240x80xf32, #tpu.memory_space<vmem_shared>>) offsets(%dma_start3A_227 : memref<128xi32, #tpu.memory_space<vmem>>) semaphore(%run_scoped3A_221 : memref<!tpu.dma_semaphore, #tpu.memory_space<semaphore_mem>>) {add = true}
        %dma_wait3A_231 = arith.constant 0 : i32
        %dma_wait3A_232 = arith.constant 0 : i32
        %dma_wait3A_233 = tpu.memref_slice %arg13[%dma_wait3A_231, %dma_wait3A_232] : memref<256x80xf32, #tpu.memory_space<vmem>> -> memref<128x80xf32, #tpu.memory_space<vmem>>
        %dma_wait3A_234 = arith.constant 0 : i32
        %dma_wait3A_235 = tpu.memref_slice %arg7[%run_scoped3A, %dma_wait3A_234] : memref<4x128xi32, #tpu.memory_space<vmem>> -> memref<1x128xi32, #tpu.memory_space<vmem>>
        %dma_wait3A_236 = tpu.memref_squeeze %dma_wait3A_235 : memref<1x128xi32, #tpu.memory_space<vmem>> -> memref<128xi32, #tpu.memory_space<vmem>>
        %dma_wait3A_237 = arith.constant 0 : i32
        %dma_wait3A_238 = arith.constant 0 : i32
        %dma_wait3A_239 = tpu.memref_slice %arg14[%dma_wait3A_237, %dma_wait3A_238] : memref<10240x80xf32, #tpu.memory_space<vmem_shared>> -> memref<10240x80xf32, #tpu.memory_space<vmem_shared>>
        tpu.wait_indirect_dma semaphore(%run_scoped3A_221 : memref<!tpu.dma_semaphore, #tpu.memory_space<semaphore_mem>>) src(%dma_wait3A_233 : memref<128x80xf32, #tpu.memory_space<vmem>>) dst(%dma_wait3A_239 : memref<10240x80xf32, #tpu.memory_space<vmem_shared>>)
        tpu.yield
      }) : () -> ()
      %run_scoped3A_156 = arith.constant 3 : i32
      "tpu.region"() ({
        %run_scoped3A_221 = tpu.sem_alloc : memref<!tpu.dma_semaphore, #tpu.memory_space<semaphore_mem>>
        %dma_start3A_222 = arith.constant 128 : i32
        %dma_start3A_223 = arith.constant 0 : i32
        %dma_start3A_224 = tpu.memref_slice %arg13[%dma_start3A_222, %dma_start3A_223] : memref<256x80xf32, #tpu.memory_space<vmem>> -> memref<128x80xf32, #tpu.memory_space<vmem>>
        %dma_start3A_225 = arith.constant 0 : i32
        %dma_start3A_226 = tpu.memref_slice %arg7[%run_scoped3A_156, %dma_start3A_225] : memref<4x128xi32, #tpu.memory_space<vmem>> -> memref<1x128xi32, #tpu.memory_space<vmem>>
        %dma_start3A_227 = tpu.memref_squeeze %dma_start3A_226 : memref<1x128xi32, #tpu.memory_space<vmem>> -> memref<128xi32, #tpu.memory_space<vmem>>
        %dma_start3A_228 = arith.constant 0 : i32
        %dma_start3A_229 = arith.constant 0 : i32
        %dma_start3A_230 = tpu.memref_slice %arg14[%dma_start3A_228, %dma_start3A_229] : memref<10240x80xf32, #tpu.memory_space<vmem_shared>> -> memref<10240x80xf32, #tpu.memory_space<vmem_shared>>
        tpu.enqueue_indirect_dma source(%dma_start3A_224 : memref<128x80xf32, #tpu.memory_space<vmem>>) target(%dma_start3A_230 : memref<10240x80xf32, #tpu.memory_space<vmem_shared>>) offsets(%dma_start3A_227 : memref<128xi32, #tpu.memory_space<vmem>>) semaphore(%run_scoped3A_221 : memref<!tpu.dma_semaphore, #tpu.memory_space<semaphore_mem>>) {add = true}
        %dma_wait3A_231 = arith.constant 128 : i32
        %dma_wait3A_232 = arith.constant 0 : i32
        %dma_wait3A_233 = tpu.memref_slice %arg13[%dma_wait3A_231, %dma_wait3A_232] : memref<256x80xf32, #tpu.memory_space<vmem>> -> memref<128x80xf32, #tpu.memory_space<vmem>>
        %dma_wait3A_234 = arith.constant 0 : i32
        %dma_wait3A_235 = tpu.memref_slice %arg7[%run_scoped3A_156, %dma_wait3A_234] : memref<4x128xi32, #tpu.memory_space<vmem>> -> memref<1x128xi32, #tpu.memory_space<vmem>>
        %dma_wait3A_236 = tpu.memref_squeeze %dma_wait3A_235 : memref<1x128xi32, #tpu.memory_space<vmem>> -> memref<128xi32, #tpu.memory_space<vmem>>
        %dma_wait3A_237 = arith.constant 0 : i32
        %dma_wait3A_238 = arith.constant 0 : i32
        %dma_wait3A_239 = tpu.memref_slice %arg14[%dma_wait3A_237, %dma_wait3A_238] : memref<10240x80xf32, #tpu.memory_space<vmem_shared>> -> memref<10240x80xf32, #tpu.memory_space<vmem_shared>>
        tpu.wait_indirect_dma semaphore(%run_scoped3A_221 : memref<!tpu.dma_semaphore, #tpu.memory_space<semaphore_mem>>) src(%dma_wait3A_233 : memref<128x80xf32, #tpu.memory_space<vmem>>) dst(%dma_wait3A_239 : memref<10240x80xf32, #tpu.memory_space<vmem_shared>>)
        tpu.yield
      }) : () -> ()
      %add3A_157 = arith.constant 2 : i32
      %add3A_158 = arith.addi %add3A_97, %add3A_157 : i32
      %add3A_159 = arith.addi %select_n3A_13, %select_n3A : i32
      %sub3A_160 = arith.constant 1 : i32
      %sub3A_161 = arith.subi %add3A_159, %sub3A_160 : i32
      %min3A = arith.minsi %add3A_158, %sub3A_161 : i32
      %mul3A_162 = arith.constant 4 : i32
      %mul3A_163 = arith.muli %mul3A_162, %min3A : i32
      "tpu.region"() ({
        %run_scoped3A_221 = tpu.sem_alloc : memref<!tpu.dma_semaphore, #tpu.memory_space<semaphore_mem>>
        %dma_start3A_222 = arith.constant 0 : i32
        %dma_start3A_223 = tpu.memref_slice %arg2[%mul3A_163, %dma_start3A_222] : memref<5120x128xi32, #tpu.memory_space<hbm>> -> memref<4x128xi32, #tpu.memory_space<hbm>>
        %dma_start3A_224 = arith.constant 0 : i32
        %dma_start3A_225 = tpu.memref_slice %arg2[%mul3A_163, %dma_start3A_224] : memref<5120x128xi32, #tpu.memory_space<hbm>> -> memref<4x128xi32, #tpu.memory_space<hbm>>
        tpu.enqueue_dma source(%dma_start3A_225 : memref<4x128xi32, #tpu.memory_space<hbm>>) target(%arg7 : memref<4x128xi32, #tpu.memory_space<vmem>>) target_semaphore(%run_scoped3A_221 : memref<!tpu.dma_semaphore, #tpu.memory_space<semaphore_mem>>)
        %dma_wait3A_226 = arith.constant 0 : i32
        %dma_wait3A_227 = tpu.memref_slice %arg2[%mul3A_163, %dma_wait3A_226] : memref<5120x128xi32, #tpu.memory_space<hbm>> -> memref<4x128xi32, #tpu.memory_space<hbm>>
        %dma_wait3A_228 = arith.constant 0 : i32
        %dma_wait3A_229 = tpu.memref_slice %arg2[%mul3A_163, %dma_wait3A_228] : memref<5120x128xi32, #tpu.memory_space<hbm>> -> memref<4x128xi32, #tpu.memory_space<hbm>>
        tpu.wait_dma2 semaphore(%run_scoped3A_221 : memref<!tpu.dma_semaphore, #tpu.memory_space<semaphore_mem>>) src(%dma_wait3A_229 : memref<4x128xi32, #tpu.memory_space<hbm>>) dst(%arg7 : memref<4x128xi32, #tpu.memory_space<vmem>>)
        tpu.yield
      }) : () -> ()
      %dma_start3A_164 = arith.constant 0 : i32
      %dma_start3A_165 = arith.constant 0 : i32
      %dma_start3A_166 = arith.constant 0 : i32
      %dma_start3A_167 = tpu.memref_slice %arg9[%dma_start3A_165, %dma_start3A_166] : memref<256x80xf32, #tpu.memory_space<vmem>> -> memref<128x80xf32, #tpu.memory_space<vmem>>
      %dma_start3A_168 = arith.constant 0 : i32
      %dma_start3A_169 = tpu.memref_slice %arg7[%dma_start3A_164, %dma_start3A_168] : memref<4x128xi32, #tpu.memory_space<vmem>> -> memref<1x128xi32, #tpu.memory_space<vmem>>
      %dma_start3A_170 = tpu.memref_squeeze %dma_start3A_169 : memref<1x128xi32, #tpu.memory_space<vmem>> -> memref<128xi32, #tpu.memory_space<vmem>>
      %dma_start3A_171 = arith.constant 0 : i32
      %dma_start3A_172 = arith.constant 0 : i32
      %dma_start3A_173 = tpu.memref_slice %arg3[%dma_start3A_171, %dma_start3A_172] : memref<10240x80xf32, #tpu.memory_space<hbm>> -> memref<10240x80xf32, #tpu.memory_space<hbm>>
      tpu.enqueue_indirect_dma source(%dma_start3A_173 : memref<10240x80xf32, #tpu.memory_space<hbm>>) target(%dma_start3A_167 : memref<128x80xf32, #tpu.memory_space<vmem>>) offsets(%dma_start3A_170 : memref<128xi32, #tpu.memory_space<vmem>>) semaphore(%arg15 : memref<!tpu.dma_semaphore, #tpu.memory_space<semaphore_mem>>)
      %dma_start3A_174 = arith.constant 2 : i32
      %dma_start3A_175 = arith.constant 0 : i32
      %dma_start3A_176 = arith.constant 0 : i32
      %dma_start3A_177 = tpu.memref_slice %arg11[%dma_start3A_175, %dma_start3A_176] : memref<256x16xf32, #tpu.memory_space<vmem>> -> memref<128x16xf32, #tpu.memory_space<vmem>>
      %dma_start3A_178 = arith.constant 0 : i32
      %dma_start3A_179 = tpu.memref_slice %arg7[%dma_start3A_174, %dma_start3A_178] : memref<4x128xi32, #tpu.memory_space<vmem>> -> memref<1x128xi32, #tpu.memory_space<vmem>>
      %dma_start3A_180 = tpu.memref_squeeze %dma_start3A_179 : memref<1x128xi32, #tpu.memory_space<vmem>> -> memref<128xi32, #tpu.memory_space<vmem>>
      %dma_start3A_181 = arith.constant 0 : i32
      %dma_start3A_182 = arith.constant 0 : i32
      %dma_start3A_183 = tpu.memref_slice %arg4[%dma_start3A_181, %dma_start3A_182] : memref<10240x16xf32, #tpu.memory_space<hbm>> -> memref<10240x16xf32, #tpu.memory_space<hbm>>
      tpu.enqueue_indirect_dma source(%dma_start3A_183 : memref<10240x16xf32, #tpu.memory_space<hbm>>) target(%dma_start3A_177 : memref<128x16xf32, #tpu.memory_space<vmem>>) offsets(%dma_start3A_180 : memref<128xi32, #tpu.memory_space<vmem>>) semaphore(%arg15 : memref<!tpu.dma_semaphore, #tpu.memory_space<semaphore_mem>>)
      %dma_start3A_184 = arith.constant 1 : i32
      %dma_start3A_185 = arith.constant 128 : i32
      %dma_start3A_186 = arith.constant 0 : i32
      %dma_start3A_187 = tpu.memref_slice %arg9[%dma_start3A_185, %dma_start3A_186] : memref<256x80xf32, #tpu.memory_space<vmem>> -> memref<128x80xf32, #tpu.memory_space<vmem>>
      %dma_start3A_188 = arith.constant 0 : i32
      %dma_start3A_189 = tpu.memref_slice %arg7[%dma_start3A_184, %dma_start3A_188] : memref<4x128xi32, #tpu.memory_space<vmem>> -> memref<1x128xi32, #tpu.memory_space<vmem>>
      %dma_start3A_190 = tpu.memref_squeeze %dma_start3A_189 : memref<1x128xi32, #tpu.memory_space<vmem>> -> memref<128xi32, #tpu.memory_space<vmem>>
      %dma_start3A_191 = arith.constant 0 : i32
      %dma_start3A_192 = arith.constant 0 : i32
      %dma_start3A_193 = tpu.memref_slice %arg3[%dma_start3A_191, %dma_start3A_192] : memref<10240x80xf32, #tpu.memory_space<hbm>> -> memref<10240x80xf32, #tpu.memory_space<hbm>>
      tpu.enqueue_indirect_dma source(%dma_start3A_193 : memref<10240x80xf32, #tpu.memory_space<hbm>>) target(%dma_start3A_187 : memref<128x80xf32, #tpu.memory_space<vmem>>) offsets(%dma_start3A_190 : memref<128xi32, #tpu.memory_space<vmem>>) semaphore(%arg15 : memref<!tpu.dma_semaphore, #tpu.memory_space<semaphore_mem>>)
      %dma_start3A_194 = arith.constant 3 : i32
      %dma_start3A_195 = arith.constant 128 : i32
      %dma_start3A_196 = arith.constant 0 : i32
      %dma_start3A_197 = tpu.memref_slice %arg11[%dma_start3A_195, %dma_start3A_196] : memref<256x16xf32, #tpu.memory_space<vmem>> -> memref<128x16xf32, #tpu.memory_space<vmem>>
      %dma_start3A_198 = arith.constant 0 : i32
      %dma_start3A_199 = tpu.memref_slice %arg7[%dma_start3A_194, %dma_start3A_198] : memref<4x128xi32, #tpu.memory_space<vmem>> -> memref<1x128xi32, #tpu.memory_space<vmem>>
      %dma_start3A_200 = tpu.memref_squeeze %dma_start3A_199 : memref<1x128xi32, #tpu.memory_space<vmem>> -> memref<128xi32, #tpu.memory_space<vmem>>
      %dma_start3A_201 = arith.constant 0 : i32
      %dma_start3A_202 = arith.constant 0 : i32
      %dma_start3A_203 = tpu.memref_slice %arg4[%dma_start3A_201, %dma_start3A_202] : memref<10240x16xf32, #tpu.memory_space<hbm>> -> memref<10240x16xf32, #tpu.memory_space<hbm>>
      tpu.enqueue_indirect_dma source(%dma_start3A_203 : memref<10240x16xf32, #tpu.memory_space<hbm>>) target(%dma_start3A_197 : memref<128x16xf32, #tpu.memory_space<vmem>>) offsets(%dma_start3A_200 : memref<128xi32, #tpu.memory_space<vmem>>) semaphore(%arg15 : memref<!tpu.dma_semaphore, #tpu.memory_space<semaphore_mem>>)
      %dma_wait3A_204 = arith.constant 0 : i32
      %dma_wait3A_205 = arith.constant 0 : i32
      %dma_wait3A_206 = tpu.memref_slice %arg3[%dma_wait3A_204, %dma_wait3A_205] : memref<10240x80xf32, #tpu.memory_space<hbm>> -> memref<256x80xf32, #tpu.memory_space<hbm>>
      %dma_wait3A_207 = arith.constant 0 : i32
      %dma_wait3A_208 = arith.constant 0 : i32
      %dma_wait3A_209 = tpu.memref_slice %arg3[%dma_wait3A_207, %dma_wait3A_208] : memref<10240x80xf32, #tpu.memory_space<hbm>> -> memref<256x80xf32, #tpu.memory_space<hbm>>
      tpu.wait_dma2 semaphore(%arg16 : memref<!tpu.dma_semaphore, #tpu.memory_space<semaphore_mem>>) src(%dma_wait3A_209 : memref<256x80xf32, #tpu.memory_space<hbm>>) dst(%arg10 : memref<256x80xf32, #tpu.memory_space<vmem>>)
      %dma_wait3A_210 = arith.constant 0 : i32
      %dma_wait3A_211 = arith.constant 0 : i32
      %dma_wait3A_212 = tpu.memref_slice %arg4[%dma_wait3A_210, %dma_wait3A_211] : memref<10240x16xf32, #tpu.memory_space<hbm>> -> memref<256x16xf32, #tpu.memory_space<hbm>>
      %dma_wait3A_213 = arith.constant 0 : i32
      %dma_wait3A_214 = arith.constant 0 : i32
      %dma_wait3A_215 = tpu.memref_slice %arg4[%dma_wait3A_213, %dma_wait3A_214] : memref<10240x16xf32, #tpu.memory_space<hbm>> -> memref<256x16xf32, #tpu.memory_space<hbm>>
      tpu.wait_dma2 semaphore(%arg16 : memref<!tpu.dma_semaphore, #tpu.memory_space<semaphore_mem>>) src(%dma_wait3A_215 : memref<256x16xf32, #tpu.memory_space<hbm>>) dst(%arg12 : memref<256x16xf32, #tpu.memory_space<vmem>>)
      %parallel_loop3A_216 = arith.constant 0 : i32
      %parallel_loop3A_217 = arith.constant 256 : i32
      %parallel_loop3A_218 = arith.constant 1 : i32
      scf.for %parallel_loop3A_221 = %parallel_loop3A_216 to %parallel_loop3A_217 step %parallel_loop3A_218  : i32 {
        %parallel_loop3A_222 = arith.index_cast %parallel_loop3A_221 : i32 to index
        %parallel_loop3A_223 = arith.constant 0 : index
        %parallel_loop3A_224 = tpu.vector_load %arg12[%parallel_loop3A_222, %parallel_loop3A_223] {strides = array<i32>} : memref<256x16xf32, #tpu.memory_space<vmem>>, vector<1x16xf32>,
        %parallel_loop3A_225 = vector.shape_cast %parallel_loop3A_224 : vector<1x16xf32> to vector<16xf32>
        %parallel_loop3A_226 = arith.index_cast %parallel_loop3A_221 : i32 to index
        %parallel_loop3A_227 = arith.constant 64 : index
        %parallel_loop3A_228 = tpu.vector_load %arg10[%parallel_loop3A_226, %parallel_loop3A_227] {strides = array<i32>} : memref<256x80xf32, #tpu.memory_space<vmem>>, vector<1x16xf32>,
        %parallel_loop3A_229 = vector.shape_cast %parallel_loop3A_228 : vector<1x16xf32> to vector<16xf32>
        %parallel_loop3A_230 = arith.addf %parallel_loop3A_229, %parallel_loop3A_225 : vector<16xf32>
        %parallel_loop3A_231 = arith.constant 0.000000e+00 : f32
        %parallel_loop3A_232 = vector.broadcast %parallel_loop3A_231 : f32 to vector<16xf32>
        %parallel_loop3A_233 = arith.cmpf ogt, %parallel_loop3A_230, %parallel_loop3A_232 : vector<16xf32>
        %parallel_loop3A_234 = arith.constant 2.000000e-01 : f32
        %parallel_loop3A_235 = vector.broadcast %parallel_loop3A_234 : f32 to vector<16xf32>
        %parallel_loop3A_236 = arith.mulf %parallel_loop3A_235, %parallel_loop3A_230 : vector<16xf32>
        %parallel_loop3A_237 = arith.select %parallel_loop3A_233, %parallel_loop3A_230, %parallel_loop3A_236 : vector<16xi1>, vector<16xf32>
        %parallel_loop3A_238 = math.exp %parallel_loop3A_237 : vector<16xf32>
        %parallel_loop3A_239 = arith.index_cast %parallel_loop3A_221 : i32 to index
        %parallel_loop3A_240 = arith.constant 64 : index
        %parallel_loop3A_241 = tpu.vector_load %arg13[%parallel_loop3A_239, %parallel_loop3A_240] {strides = array<i32>} : memref<256x80xf32, #tpu.memory_space<vmem>>, vector<1x16xf32>,
        %parallel_loop3A_242 = vector.shape_cast %parallel_loop3A_241 : vector<1x16xf32> to vector<16xf32>
        %parallel_loop3A_243 = vector.shape_cast %parallel_loop3A_238 : vector<16xf32> to vector<1x16xf32>
        tpu.vector_store %arg13[%parallel_loop3A_239, %parallel_loop3A_240], %parallel_loop3A_243 {strides = array<i32>} : memref<256x80xf32, #tpu.memory_space<vmem>>, vector<1x16xf32>,
        %parallel_loop3A_244 = tpu.iota {dimensions = array<i32: 0>} : vector<16xi32>
        %parallel_loop3A_245 = arith.constant 3 : i32
        %parallel_loop3A_246 = vector.broadcast %parallel_loop3A_245 : i32 to vector<16xi32>
        %parallel_loop3A_247 = arith.shrui %parallel_loop3A_244, %parallel_loop3A_246 : vector<16xi32>
        %parallel_loop3A_248 = arith.constant 0 : i32
        %parallel_loop3A_249 = vector.broadcast %parallel_loop3A_248 : i32 to vector<16xi32>
        %parallel_loop3A_250 = arith.addi %parallel_loop3A_247, %parallel_loop3A_249 : vector<16xi32>
        %parallel_loop3A_251 = vector.shape_cast %parallel_loop3A_250 : vector<16xi32> to vector<16x1xi32>
        %parallel_loop3A_252 = vector.shape_cast %parallel_loop3A_251 : vector<16x1xi32> to vector<16xi32>
        %parallel_loop3A_253 = tpu.dynamic_gather %parallel_loop3A_238[%parallel_loop3A_252] in [0] : vector<16xf32>, vector<16xi32> -> vector<16xf32>
        %parallel_loop3A_254 = arith.index_cast %parallel_loop3A_221 : i32 to index
        %parallel_loop3A_255 = arith.constant 0 : index
        %parallel_loop3A_256 = tpu.vector_load %arg10[%parallel_loop3A_254, %parallel_loop3A_255] {strides = array<i32>} : memref<256x80xf32, #tpu.memory_space<vmem>>, vector<1x16xf32>,
        %parallel_loop3A_257 = vector.shape_cast %parallel_loop3A_256 : vector<1x16xf32> to vector<16xf32>
        %parallel_loop3A_258 = arith.mulf %parallel_loop3A_257, %parallel_loop3A_253 : vector<16xf32>
        %parallel_loop3A_259 = arith.index_cast %parallel_loop3A_221 : i32 to index
        %parallel_loop3A_260 = arith.constant 0 : index
        %parallel_loop3A_261 = tpu.vector_load %arg13[%parallel_loop3A_259, %parallel_loop3A_260] {strides = array<i32>} : memref<256x80xf32, #tpu.memory_space<vmem>>, vector<1x16xf32>,
        %parallel_loop3A_262 = vector.shape_cast %parallel_loop3A_261 : vector<1x16xf32> to vector<16xf32>
        %parallel_loop3A_263 = vector.shape_cast %parallel_loop3A_258 : vector<16xf32> to vector<1x16xf32>
        tpu.vector_store %arg13[%parallel_loop3A_259, %parallel_loop3A_260], %parallel_loop3A_263 {strides = array<i32>} : memref<256x80xf32, #tpu.memory_space<vmem>>, vector<1x16xf32>,
        %parallel_loop3A_264 = arith.constant 2 : i32
        %parallel_loop3A_265 = vector.broadcast %parallel_loop3A_264 : i32 to vector<16xi32>
        %parallel_loop3A_266 = arith.addi %parallel_loop3A_247, %parallel_loop3A_265 : vector<16xi32>
        %parallel_loop3A_267 = vector.shape_cast %parallel_loop3A_266 : vector<16xi32> to vector<16x1xi32>
        %parallel_loop3A_268 = vector.shape_cast %parallel_loop3A_267 : vector<16x1xi32> to vector<16xi32>
        %parallel_loop3A_269 = tpu.dynamic_gather %parallel_loop3A_238[%parallel_loop3A_268] in [0] : vector<16xf32>, vector<16xi32> -> vector<16xf32>
        %parallel_loop3A_270 = arith.index_cast %parallel_loop3A_221 : i32 to index
        %parallel_loop3A_271 = arith.constant 16 : index
        %parallel_loop3A_272 = tpu.vector_load %arg10[%parallel_loop3A_270, %parallel_loop3A_271] {strides = array<i32>} : memref<256x80xf32, #tpu.memory_space<vmem>>, vector<1x16xf32>,
        %parallel_loop3A_273 = vector.shape_cast %parallel_loop3A_272 : vector<1x16xf32> to vector<16xf32>
        %parallel_loop3A_274 = arith.mulf %parallel_loop3A_273, %parallel_loop3A_269 : vector<16xf32>
        %parallel_loop3A_275 = arith.index_cast %parallel_loop3A_221 : i32 to index
        %parallel_loop3A_276 = arith.constant 16 : index
        %parallel_loop3A_277 = tpu.vector_load %arg13[%parallel_loop3A_275, %parallel_loop3A_276] {strides = array<i32>} : memref<256x80xf32, #tpu.memory_space<vmem>>, vector<1x16xf32>,
        %parallel_loop3A_278 = vector.shape_cast %parallel_loop3A_277 : vector<1x16xf32> to vector<16xf32>
        %parallel_loop3A_279 = vector.shape_cast %parallel_loop3A_274 : vector<16xf32> to vector<1x16xf32>
        tpu.vector_store %arg13[%parallel_loop3A_275, %parallel_loop3A_276], %parallel_loop3A_279 {strides = array<i32>} : memref<256x80xf32, #tpu.memory_space<vmem>>, vector<1x16xf32>,
        %parallel_loop3A_280 = arith.constant 4 : i32
        %parallel_loop3A_281 = vector.broadcast %parallel_loop3A_280 : i32 to vector<16xi32>
        %parallel_loop3A_282 = arith.addi %parallel_loop3A_247, %parallel_loop3A_281 : vector<16xi32>
        %parallel_loop3A_283 = vector.shape_cast %parallel_loop3A_282 : vector<16xi32> to vector<16x1xi32>
        %parallel_loop3A_284 = vector.shape_cast %parallel_loop3A_283 : vector<16x1xi32> to vector<16xi32>
        %parallel_loop3A_285 = tpu.dynamic_gather %parallel_loop3A_238[%parallel_loop3A_284] in [0] : vector<16xf32>, vector<16xi32> -> vector<16xf32>
        %parallel_loop3A_286 = arith.index_cast %parallel_loop3A_221 : i32 to index
        %parallel_loop3A_287 = arith.constant 32 : index
        %parallel_loop3A_288 = tpu.vector_load %arg10[%parallel_loop3A_286, %parallel_loop3A_287] {strides = array<i32>} : memref<256x80xf32, #tpu.memory_space<vmem>>, vector<1x16xf32>,
        %parallel_loop3A_289 = vector.shape_cast %parallel_loop3A_288 : vector<1x16xf32> to vector<16xf32>
        %parallel_loop3A_290 = arith.mulf %parallel_loop3A_289, %parallel_loop3A_285 : vector<16xf32>
        %parallel_loop3A_291 = arith.index_cast %parallel_loop3A_221 : i32 to index
        %parallel_loop3A_292 = arith.constant 32 : index
        %parallel_loop3A_293 = tpu.vector_load %arg13[%parallel_loop3A_291, %parallel_loop3A_292] {strides = array<i32>} : memref<256x80xf32, #tpu.memory_space<vmem>>, vector<1x16xf32>,
        %parallel_loop3A_294 = vector.shape_cast %parallel_loop3A_293 : vector<1x16xf32> to vector<16xf32>
        %parallel_loop3A_295 = vector.shape_cast %parallel_loop3A_290 : vector<16xf32> to vector<1x16xf32>
        tpu.vector_store %arg13[%parallel_loop3A_291, %parallel_loop3A_292], %parallel_loop3A_295 {strides = array<i32>} : memref<256x80xf32, #tpu.memory_space<vmem>>, vector<1x16xf32>,
        %parallel_loop3A_296 = arith.constant 6 : i32
        %parallel_loop3A_297 = vector.broadcast %parallel_loop3A_296 : i32 to vector<16xi32>
        %parallel_loop3A_298 = arith.addi %parallel_loop3A_247, %parallel_loop3A_297 : vector<16xi32>
        %parallel_loop3A_299 = vector.shape_cast %parallel_loop3A_298 : vector<16xi32> to vector<16x1xi32>
        %parallel_loop3A_300 = vector.shape_cast %parallel_loop3A_299 : vector<16x1xi32> to vector<16xi32>
        %parallel_loop3A_301 = tpu.dynamic_gather %parallel_loop3A_238[%parallel_loop3A_300] in [0] : vector<16xf32>, vector<16xi32> -> vector<16xf32>
        %parallel_loop3A_302 = arith.index_cast %parallel_loop3A_221 : i32 to index
        %parallel_loop3A_303 = arith.constant 48 : index
        %parallel_loop3A_304 = tpu.vector_load %arg10[%parallel_loop3A_302, %parallel_loop3A_303] {strides = array<i32>} : memref<256x80xf32, #tpu.memory_space<vmem>>, vector<1x16xf32>,
        %parallel_loop3A_305 = vector.shape_cast %parallel_loop3A_304 : vector<1x16xf32> to vector<16xf32>
        %parallel_loop3A_306 = arith.mulf %parallel_loop3A_305, %parallel_loop3A_301 : vector<16xf32>
        %parallel_loop3A_307 = arith.index_cast %parallel_loop3A_221 : i32 to index
        %parallel_loop3A_308 = arith.constant 48 : index
        %parallel_loop3A_309 = tpu.vector_load %arg13[%parallel_loop3A_307, %parallel_loop3A_308] {strides = array<i32>} : memref<256x80xf32, #tpu.memory_space<vmem>>, vector<1x16xf32>,
        %parallel_loop3A_310 = vector.shape_cast %parallel_loop3A_309 : vector<1x16xf32> to vector<16xf32>
        %parallel_loop3A_311 = vector.shape_cast %parallel_loop3A_306 : vector<16xf32> to vector<1x16xf32>
        tpu.vector_store %arg13[%parallel_loop3A_307, %parallel_loop3A_308], %parallel_loop3A_311 {strides = array<i32>} : memref<256x80xf32, #tpu.memory_space<vmem>>, vector<1x16xf32>,
      } {sc.loop_unroll_factor = 4 : i64, sc.parallel_access}
      %run_scoped3A_219 = arith.constant 2 : i32
      "tpu.region"() ({
        %run_scoped3A_221 = tpu.sem_alloc : memref<!tpu.dma_semaphore, #tpu.memory_space<semaphore_mem>>
        %dma_start3A_222 = arith.constant 0 : i32
        %dma_start3A_223 = arith.constant 0 : i32
        %dma_start3A_224 = tpu.memref_slice %arg13[%dma_start3A_222, %dma_start3A_223] : memref<256x80xf32, #tpu.memory_space<vmem>> -> memref<128x80xf32, #tpu.memory_space<vmem>>
        %dma_start3A_225 = arith.constant 0 : i32
        %dma_start3A_226 = tpu.memref_slice %arg8[%run_scoped3A_219, %dma_start3A_225] : memref<4x128xi32, #tpu.memory_space<vmem>> -> memref<1x128xi32, #tpu.memory_space<vmem>>
        %dma_start3A_227 = tpu.memref_squeeze %dma_start3A_226 : memref<1x128xi32, #tpu.memory_space<vmem>> -> memref<128xi32, #tpu.memory_space<vmem>>
        %dma_start3A_228 = arith.constant 0 : i32
        %dma_start3A_229 = arith.constant 0 : i32
        %dma_start3A_230 = tpu.memref_slice %arg14[%dma_start3A_228, %dma_start3A_229] : memref<10240x80xf32, #tpu.memory_space<vmem_shared>> -> memref<10240x80xf32, #tpu.memory_space<vmem_shared>>
        tpu.enqueue_indirect_dma source(%dma_start3A_224 : memref<128x80xf32, #tpu.memory_space<vmem>>) target(%dma_start3A_230 : memref<10240x80xf32, #tpu.memory_space<vmem_shared>>) offsets(%dma_start3A_227 : memref<128xi32, #tpu.memory_space<vmem>>) semaphore(%run_scoped3A_221 : memref<!tpu.dma_semaphore, #tpu.memory_space<semaphore_mem>>) {add = true}
        %dma_wait3A_231 = arith.constant 0 : i32
        %dma_wait3A_232 = arith.constant 0 : i32
        %dma_wait3A_233 = tpu.memref_slice %arg13[%dma_wait3A_231, %dma_wait3A_232] : memref<256x80xf32, #tpu.memory_space<vmem>> -> memref<128x80xf32, #tpu.memory_space<vmem>>
        %dma_wait3A_234 = arith.constant 0 : i32
        %dma_wait3A_235 = tpu.memref_slice %arg8[%run_scoped3A_219, %dma_wait3A_234] : memref<4x128xi32, #tpu.memory_space<vmem>> -> memref<1x128xi32, #tpu.memory_space<vmem>>
        %dma_wait3A_236 = tpu.memref_squeeze %dma_wait3A_235 : memref<1x128xi32, #tpu.memory_space<vmem>> -> memref<128xi32, #tpu.memory_space<vmem>>
        %dma_wait3A_237 = arith.constant 0 : i32
        %dma_wait3A_238 = arith.constant 0 : i32
        %dma_wait3A_239 = tpu.memref_slice %arg14[%dma_wait3A_237, %dma_wait3A_238] : memref<10240x80xf32, #tpu.memory_space<vmem_shared>> -> memref<10240x80xf32, #tpu.memory_space<vmem_shared>>
        tpu.wait_indirect_dma semaphore(%run_scoped3A_221 : memref<!tpu.dma_semaphore, #tpu.memory_space<semaphore_mem>>) src(%dma_wait3A_233 : memref<128x80xf32, #tpu.memory_space<vmem>>) dst(%dma_wait3A_239 : memref<10240x80xf32, #tpu.memory_space<vmem_shared>>)
        tpu.yield
      }) : () -> ()
      %run_scoped3A_220 = arith.constant 3 : i32
      "tpu.region"() ({
        %run_scoped3A_221 = tpu.sem_alloc : memref<!tpu.dma_semaphore, #tpu.memory_space<semaphore_mem>>
        %dma_start3A_222 = arith.constant 128 : i32
        %dma_start3A_223 = arith.constant 0 : i32
        %dma_start3A_224 = tpu.memref_slice %arg13[%dma_start3A_222, %dma_start3A_223] : memref<256x80xf32, #tpu.memory_space<vmem>> -> memref<128x80xf32, #tpu.memory_space<vmem>>
        %dma_start3A_225 = arith.constant 0 : i32
        %dma_start3A_226 = tpu.memref_slice %arg8[%run_scoped3A_220, %dma_start3A_225] : memref<4x128xi32, #tpu.memory_space<vmem>> -> memref<1x128xi32, #tpu.memory_space<vmem>>
        %dma_start3A_227 = tpu.memref_squeeze %dma_start3A_226 : memref<1x128xi32, #tpu.memory_space<vmem>> -> memref<128xi32, #tpu.memory_space<vmem>>
        %dma_start3A_228 = arith.constant 0 : i32
        %dma_start3A_229 = arith.constant 0 : i32
        %dma_start3A_230 = tpu.memref_slice %arg14[%dma_start3A_228, %dma_start3A_229] : memref<10240x80xf32, #tpu.memory_space<vmem_shared>> -> memref<10240x80xf32, #tpu.memory_space<vmem_shared>>
        tpu.enqueue_indirect_dma source(%dma_start3A_224 : memref<128x80xf32, #tpu.memory_space<vmem>>) target(%dma_start3A_230 : memref<10240x80xf32, #tpu.memory_space<vmem_shared>>) offsets(%dma_start3A_227 : memref<128xi32, #tpu.memory_space<vmem>>) semaphore(%run_scoped3A_221 : memref<!tpu.dma_semaphore, #tpu.memory_space<semaphore_mem>>) {add = true}
        %dma_wait3A_231 = arith.constant 128 : i32
        %dma_wait3A_232 = arith.constant 0 : i32
        %dma_wait3A_233 = tpu.memref_slice %arg13[%dma_wait3A_231, %dma_wait3A_232] : memref<256x80xf32, #tpu.memory_space<vmem>> -> memref<128x80xf32, #tpu.memory_space<vmem>>
        %dma_wait3A_234 = arith.constant 0 : i32
        %dma_wait3A_235 = tpu.memref_slice %arg8[%run_scoped3A_220, %dma_wait3A_234] : memref<4x128xi32, #tpu.memory_space<vmem>> -> memref<1x128xi32, #tpu.memory_space<vmem>>
        %dma_wait3A_236 = tpu.memref_squeeze %dma_wait3A_235 : memref<1x128xi32, #tpu.memory_space<vmem>> -> memref<128xi32, #tpu.memory_space<vmem>>
        %dma_wait3A_237 = arith.constant 0 : i32
        %dma_wait3A_238 = arith.constant 0 : i32
        %dma_wait3A_239 = tpu.memref_slice %arg14[%dma_wait3A_237, %dma_wait3A_238] : memref<10240x80xf32, #tpu.memory_space<vmem_shared>> -> memref<10240x80xf32, #tpu.memory_space<vmem_shared>>
        tpu.wait_indirect_dma semaphore(%run_scoped3A_221 : memref<!tpu.dma_semaphore, #tpu.memory_space<semaphore_mem>>) src(%dma_wait3A_233 : memref<128x80xf32, #tpu.memory_space<vmem>>) dst(%dma_wait3A_239 : memref<10240x80xf32, #tpu.memory_space<vmem_shared>>)
        tpu.yield
      }) : () -> ()
    }
    %dma_wait3A = arith.constant 0 : i32
    %dma_wait3A_82 = arith.constant 0 : i32
    %dma_wait3A_83 = tpu.memref_slice %arg3[%dma_wait3A, %dma_wait3A_82] : memref<10240x80xf32, #tpu.memory_space<hbm>> -> memref<256x80xf32, #tpu.memory_space<hbm>>
    %dma_wait3A_84 = arith.constant 0 : i32
    %dma_wait3A_85 = arith.constant 0 : i32
    %dma_wait3A_86 = tpu.memref_slice %arg3[%dma_wait3A_84, %dma_wait3A_85] : memref<10240x80xf32, #tpu.memory_space<hbm>> -> memref<256x80xf32, #tpu.memory_space<hbm>>
    tpu.wait_dma2 semaphore(%arg15 : memref<!tpu.dma_semaphore, #tpu.memory_space<semaphore_mem>>) src(%dma_wait3A_86 : memref<256x80xf32, #tpu.memory_space<hbm>>) dst(%arg9 : memref<256x80xf32, #tpu.memory_space<vmem>>)
    %dma_wait3A_87 = arith.constant 0 : i32
    %dma_wait3A_88 = arith.constant 0 : i32
    %dma_wait3A_89 = tpu.memref_slice %arg4[%dma_wait3A_87, %dma_wait3A_88] : memref<10240x16xf32, #tpu.memory_space<hbm>> -> memref<256x16xf32, #tpu.memory_space<hbm>>
    %dma_wait3A_90 = arith.constant 0 : i32
    %dma_wait3A_91 = arith.constant 0 : i32
    %dma_wait3A_92 = tpu.memref_slice %arg4[%dma_wait3A_90, %dma_wait3A_91] : memref<10240x16xf32, #tpu.memory_space<hbm>> -> memref<256x16xf32, #tpu.memory_space<hbm>>
    tpu.wait_dma2 semaphore(%arg15 : memref<!tpu.dma_semaphore, #tpu.memory_space<semaphore_mem>>) src(%dma_wait3A_92 : memref<256x16xf32, #tpu.memory_space<hbm>>) dst(%arg11 : memref<256x16xf32, #tpu.memory_space<vmem>>)
    %barrier3A_93 = arith.constant 0 : index
    tpu.barrier barrier_id(%barrier3A_93)
    "tpu.region"() ({
      %run_scoped3A = tpu.sem_alloc : memref<!tpu.dma_semaphore, #tpu.memory_space<semaphore_mem>>
      %dma_start3A_94 = arith.constant 0 : i32
      %dma_start3A_95 = tpu.memref_slice %arg6[%arg0, %mul3A_2, %dma_start3A_94] : memref<2x10240x80xf32, #tpu.memory_space<hbm>> -> memref<1x640x80xf32, #tpu.memory_space<hbm>>
      %dma_start3A_96 = tpu.memref_squeeze %dma_start3A_95 : memref<1x640x80xf32, #tpu.memory_space<hbm>> -> memref<640x80xf32, #tpu.memory_space<hbm>>
      %dma_start3A_97 = arith.constant 0 : i32
      %dma_start3A_98 = tpu.memref_slice %arg14[%mul3A_2, %dma_start3A_97] : memref<10240x80xf32, #tpu.memory_space<vmem_shared>> -> memref<640x80xf32, #tpu.memory_space<vmem_shared>>
      tpu.enqueue_dma source(%dma_start3A_98 : memref<640x80xf32, #tpu.memory_space<vmem_shared>>) target(%dma_start3A_96 : memref<640x80xf32, #tpu.memory_space<hbm>>) target_semaphore(%run_scoped3A : memref<!tpu.dma_semaphore, #tpu.memory_space<semaphore_mem>>)
      %dma_wait3A_99 = arith.constant 0 : i32
      %dma_wait3A_100 = tpu.memref_slice %arg6[%arg0, %mul3A_2, %dma_wait3A_99] : memref<2x10240x80xf32, #tpu.memory_space<hbm>> -> memref<1x640x80xf32, #tpu.memory_space<hbm>>
      %dma_wait3A_101 = tpu.memref_squeeze %dma_wait3A_100 : memref<1x640x80xf32, #tpu.memory_space<hbm>> -> memref<640x80xf32, #tpu.memory_space<hbm>>
      %dma_wait3A_102 = arith.constant 0 : i32
      %dma_wait3A_103 = tpu.memref_slice %arg14[%mul3A_2, %dma_wait3A_102] : memref<10240x80xf32, #tpu.memory_space<vmem_shared>> -> memref<640x80xf32, #tpu.memory_space<vmem_shared>>
      tpu.wait_dma2 semaphore(%run_scoped3A : memref<!tpu.dma_semaphore, #tpu.memory_space<semaphore_mem>>) src(%dma_wait3A_103 : memref<640x80xf32, #tpu.memory_space<vmem_shared>>) dst(%dma_wait3A_101 : memref<640x80xf32, #tpu.memory_space<hbm>>)
      tpu.yield
    }) : () -> ()
    return
  }
}

#map = affine_map<(d0, d1) -> (0, 0)>
#map1 = affine_map<(d0, d1) -> (0, 0, 0)>
module attributes {stable_mosaic.version = 14 : i64} {
  func.func @body(%arg0: i32, %arg1: i32, %arg2: memref<5120x128xi32, #tpu.memory_space<hbm>>, %arg3: memref<10240x16xf32, #tpu.memory_space<hbm>>, %arg4: memref<10240x16xf32, #tpu.memory_space<hbm>>, %arg5: memref<10240x16xf32, #tpu.memory_space<hbm>>, %arg6: memref<2x10240x16xf32, #tpu.memory_space<hbm>>, %arg7: memref<4x128xi32, #tpu.memory_space<vmem>>, %arg8: memref<4x128xi32, #tpu.memory_space<vmem>>, %arg9: memref<256x16xf32, #tpu.memory_space<vmem>>, %arg10: memref<256x16xf32, #tpu.memory_space<vmem>>, %arg11: memref<256x16xf32, #tpu.memory_space<vmem>>, %arg12: memref<256x16xf32, #tpu.memory_space<vmem>>, %arg13: memref<256x16xf32, #tpu.memory_space<vmem>>, %arg14: memref<10240x16xf32, #tpu.memory_space<vmem_shared>>, %arg15: memref<!tpu.dma_semaphore, #tpu.memory_space<semaphore_mem>>, %arg16: memref<!tpu.dma_semaphore, #tpu.memory_space<semaphore_mem>>) attributes {dimension_semantics = [#tpu.dimension_semantics<core_parallel>, #tpu.dimension_semantics<subcore_parallel>], iteration_bounds = array<i64: 2, 16>, scalar_prefetch = 0 : i64, scratch_operands = 10 : i64, tpu.core_type = #tpu.core_type<sc_vector_subcore>, window_params = [{transform_indices = #map}, {transform_indices = #map}, {transform_indices = #map}, {transform_indices = #map}, {transform_indices = #map1}]} {
    %mul3A = arith.constant 16 : i32
    %mul3A_0 = arith.muli %arg0, %mul3A : i32
    %add3A = arith.addi %mul3A_0, %arg1 : i32
    %mul3A_1 = arith.constant 640 : i32
    %mul3A_2 = arith.muli %arg1, %mul3A_1 : i32
    "tpu.region"() ({
      %run_scoped3A = tpu.sem_alloc : memref<!tpu.dma_semaphore, #tpu.memory_space<semaphore_mem>>
      %dma_start3A_94 = arith.constant 0 : i32
      %dma_start3A_95 = tpu.memref_slice %arg14[%mul3A_2, %dma_start3A_94] : memref<10240x16xf32, #tpu.memory_space<vmem_shared>> -> memref<640x16xf32, #tpu.memory_space<vmem_shared>>
      %dma_start3A_96 = arith.constant 0 : i32
      %dma_start3A_97 = tpu.memref_slice %arg5[%mul3A_2, %dma_start3A_96] : memref<10240x16xf32, #tpu.memory_space<hbm>> -> memref<640x16xf32, #tpu.memory_space<hbm>>
      tpu.enqueue_dma source(%dma_start3A_97 : memref<640x16xf32, #tpu.memory_space<hbm>>) target(%dma_start3A_95 : memref<640x16xf32, #tpu.memory_space<vmem_shared>>) target_semaphore(%run_scoped3A : memref<!tpu.dma_semaphore, #tpu.memory_space<semaphore_mem>>)
      %dma_wait3A_98 = arith.constant 0 : i32
      %dma_wait3A_99 = tpu.memref_slice %arg14[%mul3A_2, %dma_wait3A_98] : memref<10240x16xf32, #tpu.memory_space<vmem_shared>> -> memref<640x16xf32, #tpu.memory_space<vmem_shared>>
      %dma_wait3A_100 = arith.constant 0 : i32
      %dma_wait3A_101 = tpu.memref_slice %arg5[%mul3A_2, %dma_wait3A_100] : memref<10240x16xf32, #tpu.memory_space<hbm>> -> memref<640x16xf32, #tpu.memory_space<hbm>>
      tpu.wait_dma2 semaphore(%run_scoped3A : memref<!tpu.dma_semaphore, #tpu.memory_space<semaphore_mem>>) src(%dma_wait3A_101 : memref<640x16xf32, #tpu.memory_space<hbm>>) dst(%dma_wait3A_99 : memref<640x16xf32, #tpu.memory_space<vmem_shared>>)
      tpu.yield
    }) : () -> ()
    %barrier3A = arith.constant 0 : index
    tpu.barrier barrier_id(%barrier3A)
    %eq3A = arith.constant 0 : i32
    %eq3A_3 = arith.cmpi eq, %arg0, %eq3A : i32
    %jit3A = arith.constant 44 : i32
    %jit3A_4 = arith.constant 36 : i32
    %select_n3A = arith.select %eq3A_3, %jit3A, %jit3A_4 : i32
    %eq3A_5 = arith.constant 0 : i32
    %eq3A_6 = arith.cmpi eq, %arg0, %eq3A_5 : i32
    %mul3A_7 = arith.constant 44 : i32
    %mul3A_8 = arith.muli %arg1, %mul3A_7 : i32
    %mul3A_9 = arith.constant 36 : i32
    %mul3A_10 = arith.muli %arg1, %mul3A_9 : i32
    %add3A_11 = arith.constant 704 : i32
    %add3A_12 = arith.addi %add3A_11, %mul3A_10 : i32
    %select_n3A_13 = arith.select %eq3A_6, %mul3A_8, %add3A_12 : i32
    %mul3A_14 = arith.constant 4 : i32
    %mul3A_15 = arith.muli %mul3A_14, %select_n3A_13 : i32
    "tpu.region"() ({
      %run_scoped3A = tpu.sem_alloc : memref<!tpu.dma_semaphore, #tpu.memory_space<semaphore_mem>>
      %dma_start3A_94 = arith.constant 0 : i32
      %dma_start3A_95 = tpu.memref_slice %arg2[%mul3A_15, %dma_start3A_94] : memref<5120x128xi32, #tpu.memory_space<hbm>> -> memref<4x128xi32, #tpu.memory_space<hbm>>
      %dma_start3A_96 = arith.constant 0 : i32
      %dma_start3A_97 = tpu.memref_slice %arg2[%mul3A_15, %dma_start3A_96] : memref<5120x128xi32, #tpu.memory_space<hbm>> -> memref<4x128xi32, #tpu.memory_space<hbm>>
      tpu.enqueue_dma source(%dma_start3A_97 : memref<4x128xi32, #tpu.memory_space<hbm>>) target(%arg7 : memref<4x128xi32, #tpu.memory_space<vmem>>) target_semaphore(%run_scoped3A : memref<!tpu.dma_semaphore, #tpu.memory_space<semaphore_mem>>)
      %dma_wait3A_98 = arith.constant 0 : i32
      %dma_wait3A_99 = tpu.memref_slice %arg2[%mul3A_15, %dma_wait3A_98] : memref<5120x128xi32, #tpu.memory_space<hbm>> -> memref<4x128xi32, #tpu.memory_space<hbm>>
      %dma_wait3A_100 = arith.constant 0 : i32
      %dma_wait3A_101 = tpu.memref_slice %arg2[%mul3A_15, %dma_wait3A_100] : memref<5120x128xi32, #tpu.memory_space<hbm>> -> memref<4x128xi32, #tpu.memory_space<hbm>>
      tpu.wait_dma2 semaphore(%run_scoped3A : memref<!tpu.dma_semaphore, #tpu.memory_space<semaphore_mem>>) src(%dma_wait3A_101 : memref<4x128xi32, #tpu.memory_space<hbm>>) dst(%arg7 : memref<4x128xi32, #tpu.memory_space<vmem>>)
      tpu.yield
    }) : () -> ()
    %dma_start3A = arith.constant 0 : i32
    %dma_start3A_16 = arith.constant 0 : i32
    %dma_start3A_17 = arith.constant 0 : i32
    %dma_start3A_18 = tpu.memref_slice %arg9[%dma_start3A_16, %dma_start3A_17] : memref<256x16xf32, #tpu.memory_space<vmem>> -> memref<128x16xf32, #tpu.memory_space<vmem>>
    %dma_start3A_19 = arith.constant 0 : i32
    %dma_start3A_20 = tpu.memref_slice %arg7[%dma_start3A, %dma_start3A_19] : memref<4x128xi32, #tpu.memory_space<vmem>> -> memref<1x128xi32, #tpu.memory_space<vmem>>
    %dma_start3A_21 = tpu.memref_squeeze %dma_start3A_20 : memref<1x128xi32, #tpu.memory_space<vmem>> -> memref<128xi32, #tpu.memory_space<vmem>>
    %dma_start3A_22 = arith.constant 0 : i32
    %dma_start3A_23 = arith.constant 0 : i32
    %dma_start3A_24 = tpu.memref_slice %arg3[%dma_start3A_22, %dma_start3A_23] : memref<10240x16xf32, #tpu.memory_space<hbm>> -> memref<10240x16xf32, #tpu.memory_space<hbm>>
    tpu.enqueue_indirect_dma source(%dma_start3A_24 : memref<10240x16xf32, #tpu.memory_space<hbm>>) target(%dma_start3A_18 : memref<128x16xf32, #tpu.memory_space<vmem>>) offsets(%dma_start3A_21 : memref<128xi32, #tpu.memory_space<vmem>>) semaphore(%arg15 : memref<!tpu.dma_semaphore, #tpu.memory_space<semaphore_mem>>)
    %dma_start3A_25 = arith.constant 2 : i32
    %dma_start3A_26 = arith.constant 0 : i32
    %dma_start3A_27 = arith.constant 0 : i32
    %dma_start3A_28 = tpu.memref_slice %arg11[%dma_start3A_26, %dma_start3A_27] : memref<256x16xf32, #tpu.memory_space<vmem>> -> memref<128x16xf32, #tpu.memory_space<vmem>>
    %dma_start3A_29 = arith.constant 0 : i32
    %dma_start3A_30 = tpu.memref_slice %arg7[%dma_start3A_25, %dma_start3A_29] : memref<4x128xi32, #tpu.memory_space<vmem>> -> memref<1x128xi32, #tpu.memory_space<vmem>>
    %dma_start3A_31 = tpu.memref_squeeze %dma_start3A_30 : memref<1x128xi32, #tpu.memory_space<vmem>> -> memref<128xi32, #tpu.memory_space<vmem>>
    %dma_start3A_32 = arith.constant 0 : i32
    %dma_start3A_33 = arith.constant 0 : i32
    %dma_start3A_34 = tpu.memref_slice %arg4[%dma_start3A_32, %dma_start3A_33] : memref<10240x16xf32, #tpu.memory_space<hbm>> -> memref<10240x16xf32, #tpu.memory_space<hbm>>
    tpu.enqueue_indirect_dma source(%dma_start3A_34 : memref<10240x16xf32, #tpu.memory_space<hbm>>) target(%dma_start3A_28 : memref<128x16xf32, #tpu.memory_space<vmem>>) offsets(%dma_start3A_31 : memref<128xi32, #tpu.memory_space<vmem>>) semaphore(%arg15 : memref<!tpu.dma_semaphore, #tpu.memory_space<semaphore_mem>>)
    %dma_start3A_35 = arith.constant 1 : i32
    %dma_start3A_36 = arith.constant 128 : i32
    %dma_start3A_37 = arith.constant 0 : i32
    %dma_start3A_38 = tpu.memref_slice %arg9[%dma_start3A_36, %dma_start3A_37] : memref<256x16xf32, #tpu.memory_space<vmem>> -> memref<128x16xf32, #tpu.memory_space<vmem>>
    %dma_start3A_39 = arith.constant 0 : i32
    %dma_start3A_40 = tpu.memref_slice %arg7[%dma_start3A_35, %dma_start3A_39] : memref<4x128xi32, #tpu.memory_space<vmem>> -> memref<1x128xi32, #tpu.memory_space<vmem>>
    %dma_start3A_41 = tpu.memref_squeeze %dma_start3A_40 : memref<1x128xi32, #tpu.memory_space<vmem>> -> memref<128xi32, #tpu.memory_space<vmem>>
    %dma_start3A_42 = arith.constant 0 : i32
    %dma_start3A_43 = arith.constant 0 : i32
    %dma_start3A_44 = tpu.memref_slice %arg3[%dma_start3A_42, %dma_start3A_43] : memref<10240x16xf32, #tpu.memory_space<hbm>> -> memref<10240x16xf32, #tpu.memory_space<hbm>>
    tpu.enqueue_indirect_dma source(%dma_start3A_44 : memref<10240x16xf32, #tpu.memory_space<hbm>>) target(%dma_start3A_38 : memref<128x16xf32, #tpu.memory_space<vmem>>) offsets(%dma_start3A_41 : memref<128xi32, #tpu.memory_space<vmem>>) semaphore(%arg15 : memref<!tpu.dma_semaphore, #tpu.memory_space<semaphore_mem>>)
    %dma_start3A_45 = arith.constant 3 : i32
    %dma_start3A_46 = arith.constant 128 : i32
    %dma_start3A_47 = arith.constant 0 : i32
    %dma_start3A_48 = tpu.memref_slice %arg11[%dma_start3A_46, %dma_start3A_47] : memref<256x16xf32, #tpu.memory_space<vmem>> -> memref<128x16xf32, #tpu.memory_space<vmem>>
    %dma_start3A_49 = arith.constant 0 : i32
    %dma_start3A_50 = tpu.memref_slice %arg7[%dma_start3A_45, %dma_start3A_49] : memref<4x128xi32, #tpu.memory_space<vmem>> -> memref<1x128xi32, #tpu.memory_space<vmem>>
    %dma_start3A_51 = tpu.memref_squeeze %dma_start3A_50 : memref<1x128xi32, #tpu.memory_space<vmem>> -> memref<128xi32, #tpu.memory_space<vmem>>
    %dma_start3A_52 = arith.constant 0 : i32
    %dma_start3A_53 = arith.constant 0 : i32
    %dma_start3A_54 = tpu.memref_slice %arg4[%dma_start3A_52, %dma_start3A_53] : memref<10240x16xf32, #tpu.memory_space<hbm>> -> memref<10240x16xf32, #tpu.memory_space<hbm>>
    tpu.enqueue_indirect_dma source(%dma_start3A_54 : memref<10240x16xf32, #tpu.memory_space<hbm>>) target(%dma_start3A_48 : memref<128x16xf32, #tpu.memory_space<vmem>>) offsets(%dma_start3A_51 : memref<128xi32, #tpu.memory_space<vmem>>) semaphore(%arg15 : memref<!tpu.dma_semaphore, #tpu.memory_space<semaphore_mem>>)
    %jit3A_55 = arith.constant 2 : i32
    %div3A = arith.divsi %select_n3A, %jit3A_55 : i32
    %sign3A = arith.constant 0 : i32
    %sign3A_56 = arith.cmpi sgt, %select_n3A, %sign3A : i32
    %sign3A_57 = arith.extui %sign3A_56 : i1 to i32
    %sign3A_58 = arith.constant 0 : i32
    %sign3A_59 = arith.cmpi slt, %select_n3A, %sign3A_58 : i32
    %sign3A_60 = arith.extui %sign3A_59 : i1 to i32
    %sign3A_61 = arith.subi %sign3A_57, %sign3A_60 : i32
    %sign3A_62 = arith.constant 0 : i32
    %sign3A_63 = arith.cmpi sgt, %jit3A_55, %sign3A_62 : i32
    %sign3A_64 = arith.extui %sign3A_63 : i1 to i32
    %sign3A_65 = arith.constant 0 : i32
    %sign3A_66 = arith.cmpi slt, %jit3A_55, %sign3A_65 : i32
    %sign3A_67 = arith.extui %sign3A_66 : i1 to i32
    %sign3A_68 = arith.subi %sign3A_64, %sign3A_67 : i32
    %ne3A = arith.cmpi ne, %sign3A_61, %sign3A_68 : i32
    %rem3A = arith.remsi %select_n3A, %jit3A_55 : i32
    %ne3A_69 = arith.constant 0 : i32
    %ne3A_70 = arith.cmpi ne, %rem3A, %ne3A_69 : i32
    %and3A = arith.andi %ne3A, %ne3A_70 : i1
    %sub3A = arith.constant 1 : i32
    %sub3A_71 = arith.subi %div3A, %sub3A : i32
    %select_n3A_72 = arith.select %and3A, %sub3A_71, %div3A : i32
    %while3A = arith.constant 0 : i32
    %while3A_73 = arith.constant 0 : i32
    %while3A_74 = arith.subi %select_n3A_72, %while3A_73 : i32
    %while3A_75 = arith.addi %while3A_73, %while3A_74 : i32
    %while3A_76 = arith.constant 1 : i32
    %while3A_77 = arith.divsi %while3A_74, %while3A_76 : i32
    %while3A_78 = arith.muli %while3A_77, %while3A_76 : i32
    %while3A_79 = arith.addi %while3A_73, %while3A_78 : i32
    %while3A_80 = arith.constant 1 : i32
    scf.for %while3A_94 = %while3A_73 to %while3A_79 step %while3A_80  : i32 {
      %mul3A_95 = arith.constant 2 : i32
      %mul3A_96 = arith.muli %mul3A_95, %while3A_94 : i32
      %add3A_97 = arith.addi %select_n3A_13, %mul3A_96 : i32
      %add3A_98 = arith.constant 1 : i32
      %add3A_99 = arith.addi %add3A_97, %add3A_98 : i32
      %mul3A_100 = arith.constant 4 : i32
      %mul3A_101 = arith.muli %mul3A_100, %add3A_99 : i32
      "tpu.region"() ({
        %run_scoped3A_221 = tpu.sem_alloc : memref<!tpu.dma_semaphore, #tpu.memory_space<semaphore_mem>>
        %dma_start3A_222 = arith.constant 0 : i32
        %dma_start3A_223 = tpu.memref_slice %arg2[%mul3A_101, %dma_start3A_222] : memref<5120x128xi32, #tpu.memory_space<hbm>> -> memref<4x128xi32, #tpu.memory_space<hbm>>
        %dma_start3A_224 = arith.constant 0 : i32
        %dma_start3A_225 = tpu.memref_slice %arg2[%mul3A_101, %dma_start3A_224] : memref<5120x128xi32, #tpu.memory_space<hbm>> -> memref<4x128xi32, #tpu.memory_space<hbm>>
        tpu.enqueue_dma source(%dma_start3A_225 : memref<4x128xi32, #tpu.memory_space<hbm>>) target(%arg8 : memref<4x128xi32, #tpu.memory_space<vmem>>) target_semaphore(%run_scoped3A_221 : memref<!tpu.dma_semaphore, #tpu.memory_space<semaphore_mem>>)
        %dma_wait3A_226 = arith.constant 0 : i32
        %dma_wait3A_227 = tpu.memref_slice %arg2[%mul3A_101, %dma_wait3A_226] : memref<5120x128xi32, #tpu.memory_space<hbm>> -> memref<4x128xi32, #tpu.memory_space<hbm>>
        %dma_wait3A_228 = arith.constant 0 : i32
        %dma_wait3A_229 = tpu.memref_slice %arg2[%mul3A_101, %dma_wait3A_228] : memref<5120x128xi32, #tpu.memory_space<hbm>> -> memref<4x128xi32, #tpu.memory_space<hbm>>
        tpu.wait_dma2 semaphore(%run_scoped3A_221 : memref<!tpu.dma_semaphore, #tpu.memory_space<semaphore_mem>>) src(%dma_wait3A_229 : memref<4x128xi32, #tpu.memory_space<hbm>>) dst(%arg8 : memref<4x128xi32, #tpu.memory_space<vmem>>)
        tpu.yield
      }) : () -> ()
      %dma_start3A_102 = arith.constant 0 : i32
      %dma_start3A_103 = arith.constant 0 : i32
      %dma_start3A_104 = arith.constant 0 : i32
      %dma_start3A_105 = tpu.memref_slice %arg10[%dma_start3A_103, %dma_start3A_104] : memref<256x16xf32, #tpu.memory_space<vmem>> -> memref<128x16xf32, #tpu.memory_space<vmem>>
      %dma_start3A_106 = arith.constant 0 : i32
      %dma_start3A_107 = tpu.memref_slice %arg8[%dma_start3A_102, %dma_start3A_106] : memref<4x128xi32, #tpu.memory_space<vmem>> -> memref<1x128xi32, #tpu.memory_space<vmem>>
      %dma_start3A_108 = tpu.memref_squeeze %dma_start3A_107 : memref<1x128xi32, #tpu.memory_space<vmem>> -> memref<128xi32, #tpu.memory_space<vmem>>
      %dma_start3A_109 = arith.constant 0 : i32
      %dma_start3A_110 = arith.constant 0 : i32
      %dma_start3A_111 = tpu.memref_slice %arg3[%dma_start3A_109, %dma_start3A_110] : memref<10240x16xf32, #tpu.memory_space<hbm>> -> memref<10240x16xf32, #tpu.memory_space<hbm>>
      tpu.enqueue_indirect_dma source(%dma_start3A_111 : memref<10240x16xf32, #tpu.memory_space<hbm>>) target(%dma_start3A_105 : memref<128x16xf32, #tpu.memory_space<vmem>>) offsets(%dma_start3A_108 : memref<128xi32, #tpu.memory_space<vmem>>) semaphore(%arg16 : memref<!tpu.dma_semaphore, #tpu.memory_space<semaphore_mem>>)
      %dma_start3A_112 = arith.constant 2 : i32
      %dma_start3A_113 = arith.constant 0 : i32
      %dma_start3A_114 = arith.constant 0 : i32
      %dma_start3A_115 = tpu.memref_slice %arg12[%dma_start3A_113, %dma_start3A_114] : memref<256x16xf32, #tpu.memory_space<vmem>> -> memref<128x16xf32, #tpu.memory_space<vmem>>
      %dma_start3A_116 = arith.constant 0 : i32
      %dma_start3A_117 = tpu.memref_slice %arg8[%dma_start3A_112, %dma_start3A_116] : memref<4x128xi32, #tpu.memory_space<vmem>> -> memref<1x128xi32, #tpu.memory_space<vmem>>
      %dma_start3A_118 = tpu.memref_squeeze %dma_start3A_117 : memref<1x128xi32, #tpu.memory_space<vmem>> -> memref<128xi32, #tpu.memory_space<vmem>>
      %dma_start3A_119 = arith.constant 0 : i32
      %dma_start3A_120 = arith.constant 0 : i32
      %dma_start3A_121 = tpu.memref_slice %arg4[%dma_start3A_119, %dma_start3A_120] : memref<10240x16xf32, #tpu.memory_space<hbm>> -> memref<10240x16xf32, #tpu.memory_space<hbm>>
      tpu.enqueue_indirect_dma source(%dma_start3A_121 : memref<10240x16xf32, #tpu.memory_space<hbm>>) target(%dma_start3A_115 : memref<128x16xf32, #tpu.memory_space<vmem>>) offsets(%dma_start3A_118 : memref<128xi32, #tpu.memory_space<vmem>>) semaphore(%arg16 : memref<!tpu.dma_semaphore, #tpu.memory_space<semaphore_mem>>)
      %dma_start3A_122 = arith.constant 1 : i32
      %dma_start3A_123 = arith.constant 128 : i32
      %dma_start3A_124 = arith.constant 0 : i32
      %dma_start3A_125 = tpu.memref_slice %arg10[%dma_start3A_123, %dma_start3A_124] : memref<256x16xf32, #tpu.memory_space<vmem>> -> memref<128x16xf32, #tpu.memory_space<vmem>>
      %dma_start3A_126 = arith.constant 0 : i32
      %dma_start3A_127 = tpu.memref_slice %arg8[%dma_start3A_122, %dma_start3A_126] : memref<4x128xi32, #tpu.memory_space<vmem>> -> memref<1x128xi32, #tpu.memory_space<vmem>>
      %dma_start3A_128 = tpu.memref_squeeze %dma_start3A_127 : memref<1x128xi32, #tpu.memory_space<vmem>> -> memref<128xi32, #tpu.memory_space<vmem>>
      %dma_start3A_129 = arith.constant 0 : i32
      %dma_start3A_130 = arith.constant 0 : i32
      %dma_start3A_131 = tpu.memref_slice %arg3[%dma_start3A_129, %dma_start3A_130] : memref<10240x16xf32, #tpu.memory_space<hbm>> -> memref<10240x16xf32, #tpu.memory_space<hbm>>
      tpu.enqueue_indirect_dma source(%dma_start3A_131 : memref<10240x16xf32, #tpu.memory_space<hbm>>) target(%dma_start3A_125 : memref<128x16xf32, #tpu.memory_space<vmem>>) offsets(%dma_start3A_128 : memref<128xi32, #tpu.memory_space<vmem>>) semaphore(%arg16 : memref<!tpu.dma_semaphore, #tpu.memory_space<semaphore_mem>>)
      %dma_start3A_132 = arith.constant 3 : i32
      %dma_start3A_133 = arith.constant 128 : i32
      %dma_start3A_134 = arith.constant 0 : i32
      %dma_start3A_135 = tpu.memref_slice %arg12[%dma_start3A_133, %dma_start3A_134] : memref<256x16xf32, #tpu.memory_space<vmem>> -> memref<128x16xf32, #tpu.memory_space<vmem>>
      %dma_start3A_136 = arith.constant 0 : i32
      %dma_start3A_137 = tpu.memref_slice %arg8[%dma_start3A_132, %dma_start3A_136] : memref<4x128xi32, #tpu.memory_space<vmem>> -> memref<1x128xi32, #tpu.memory_space<vmem>>
      %dma_start3A_138 = tpu.memref_squeeze %dma_start3A_137 : memref<1x128xi32, #tpu.memory_space<vmem>> -> memref<128xi32, #tpu.memory_space<vmem>>
      %dma_start3A_139 = arith.constant 0 : i32
      %dma_start3A_140 = arith.constant 0 : i32
      %dma_start3A_141 = tpu.memref_slice %arg4[%dma_start3A_139, %dma_start3A_140] : memref<10240x16xf32, #tpu.memory_space<hbm>> -> memref<10240x16xf32, #tpu.memory_space<hbm>>
      tpu.enqueue_indirect_dma source(%dma_start3A_141 : memref<10240x16xf32, #tpu.memory_space<hbm>>) target(%dma_start3A_135 : memref<128x16xf32, #tpu.memory_space<vmem>>) offsets(%dma_start3A_138 : memref<128xi32, #tpu.memory_space<vmem>>) semaphore(%arg16 : memref<!tpu.dma_semaphore, #tpu.memory_space<semaphore_mem>>)
      %dma_wait3A_142 = arith.constant 0 : i32
      %dma_wait3A_143 = arith.constant 0 : i32
      %dma_wait3A_144 = tpu.memref_slice %arg3[%dma_wait3A_142, %dma_wait3A_143] : memref<10240x16xf32, #tpu.memory_space<hbm>> -> memref<256x16xf32, #tpu.memory_space<hbm>>
      %dma_wait3A_145 = arith.constant 0 : i32
      %dma_wait3A_146 = arith.constant 0 : i32
      %dma_wait3A_147 = tpu.memref_slice %arg3[%dma_wait3A_145, %dma_wait3A_146] : memref<10240x16xf32, #tpu.memory_space<hbm>> -> memref<256x16xf32, #tpu.memory_space<hbm>>
      tpu.wait_dma2 semaphore(%arg15 : memref<!tpu.dma_semaphore, #tpu.memory_space<semaphore_mem>>) src(%dma_wait3A_147 : memref<256x16xf32, #tpu.memory_space<hbm>>) dst(%arg9 : memref<256x16xf32, #tpu.memory_space<vmem>>)
      %dma_wait3A_148 = arith.constant 0 : i32
      %dma_wait3A_149 = arith.constant 0 : i32
      %dma_wait3A_150 = tpu.memref_slice %arg4[%dma_wait3A_148, %dma_wait3A_149] : memref<10240x16xf32, #tpu.memory_space<hbm>> -> memref<256x16xf32, #tpu.memory_space<hbm>>
      %dma_wait3A_151 = arith.constant 0 : i32
      %dma_wait3A_152 = arith.constant 0 : i32
      %dma_wait3A_153 = tpu.memref_slice %arg4[%dma_wait3A_151, %dma_wait3A_152] : memref<10240x16xf32, #tpu.memory_space<hbm>> -> memref<256x16xf32, #tpu.memory_space<hbm>>
      tpu.wait_dma2 semaphore(%arg15 : memref<!tpu.dma_semaphore, #tpu.memory_space<semaphore_mem>>) src(%dma_wait3A_153 : memref<256x16xf32, #tpu.memory_space<hbm>>) dst(%arg11 : memref<256x16xf32, #tpu.memory_space<vmem>>)
      %parallel_loop3A = arith.constant 0 : i32
      %parallel_loop3A_154 = arith.constant 256 : i32
      %parallel_loop3A_155 = arith.constant 1 : i32
      scf.for %parallel_loop3A_221 = %parallel_loop3A to %parallel_loop3A_154 step %parallel_loop3A_155  : i32 {
        %parallel_loop3A_222 = arith.index_cast %parallel_loop3A_221 : i32 to index
        %parallel_loop3A_223 = arith.constant 0 : index
        %parallel_loop3A_224 = tpu.vector_load %arg9[%parallel_loop3A_222, %parallel_loop3A_223] {strides = array<i32>} : memref<256x16xf32, #tpu.memory_space<vmem>>, vector<1x16xf32>,
        %parallel_loop3A_225 = vector.shape_cast %parallel_loop3A_224 : vector<1x16xf32> to vector<16xf32>
        %parallel_loop3A_226 = arith.index_cast %parallel_loop3A_221 : i32 to index
        %parallel_loop3A_227 = arith.constant 0 : index
        %parallel_loop3A_228 = tpu.vector_load %arg11[%parallel_loop3A_226, %parallel_loop3A_227] {strides = array<i32>} : memref<256x16xf32, #tpu.memory_space<vmem>>, vector<1x16xf32>,
        %parallel_loop3A_229 = vector.shape_cast %parallel_loop3A_228 : vector<1x16xf32> to vector<16xf32>
        %parallel_loop3A_230 = tpu.iota {dimensions = array<i32: 0>} : vector<16xi32>
        %parallel_loop3A_231 = arith.constant 0 : i32
        %parallel_loop3A_232 = vector.broadcast %parallel_loop3A_231 : i32 to vector<16xi32>
        %parallel_loop3A_233 = arith.muli %parallel_loop3A_230, %parallel_loop3A_232 : vector<16xi32>
        %parallel_loop3A_234 = arith.constant 10 : i32
        %parallel_loop3A_235 = vector.broadcast %parallel_loop3A_234 : i32 to vector<16xi32>
        %parallel_loop3A_236 = arith.addi %parallel_loop3A_233, %parallel_loop3A_235 : vector<16xi32>
        %parallel_loop3A_237 = vector.shape_cast %parallel_loop3A_236 : vector<16xi32> to vector<16x1xi32>
        %parallel_loop3A_238 = vector.shape_cast %parallel_loop3A_237 : vector<16x1xi32> to vector<16xi32>
        %parallel_loop3A_239 = tpu.dynamic_gather %parallel_loop3A_225[%parallel_loop3A_238] in [0] : vector<16xf32>, vector<16xi32> -> vector<16xf32>
        %parallel_loop3A_240 = arith.constant 11 : i32
        %parallel_loop3A_241 = vector.broadcast %parallel_loop3A_240 : i32 to vector<16xi32>
        %parallel_loop3A_242 = arith.addi %parallel_loop3A_233, %parallel_loop3A_241 : vector<16xi32>
        %parallel_loop3A_243 = vector.shape_cast %parallel_loop3A_242 : vector<16xi32> to vector<16x1xi32>
        %parallel_loop3A_244 = vector.shape_cast %parallel_loop3A_243 : vector<16x1xi32> to vector<16xi32>
        %parallel_loop3A_245 = tpu.dynamic_gather %parallel_loop3A_229[%parallel_loop3A_244] in [0] : vector<16xf32>, vector<16xi32> -> vector<16xf32>
        %parallel_loop3A_246 = arith.addf %parallel_loop3A_239, %parallel_loop3A_245 : vector<16xf32>
        %parallel_loop3A_247 = arith.constant 0.000000e+00 : f32
        %parallel_loop3A_248 = vector.broadcast %parallel_loop3A_247 : f32 to vector<16xf32>
        %parallel_loop3A_249 = arith.cmpf ogt, %parallel_loop3A_246, %parallel_loop3A_248 : vector<16xf32>
        %parallel_loop3A_250 = arith.constant 2.000000e-01 : f32
        %parallel_loop3A_251 = vector.broadcast %parallel_loop3A_250 : f32 to vector<16xf32>
        %parallel_loop3A_252 = arith.mulf %parallel_loop3A_251, %parallel_loop3A_246 : vector<16xf32>
        %parallel_loop3A_253 = arith.select %parallel_loop3A_249, %parallel_loop3A_246, %parallel_loop3A_252 : vector<16xi1>, vector<16xf32>
        %parallel_loop3A_254 = math.exp %parallel_loop3A_253 : vector<16xf32>
        %parallel_loop3A_255 = arith.constant 10 : i32
        %parallel_loop3A_256 = vector.broadcast %parallel_loop3A_255 : i32 to vector<16xi32>
        %parallel_loop3A_257 = arith.cmpi eq, %parallel_loop3A_230, %parallel_loop3A_256 : vector<16xi32>
        %parallel_loop3A_258 = arith.constant 1.000000e+00 : f32
        %parallel_loop3A_259 = vector.broadcast %parallel_loop3A_258 : f32 to vector<16xf32>
        %parallel_loop3A_260 = arith.select %parallel_loop3A_257, %parallel_loop3A_259, %parallel_loop3A_225 : vector<16xi1>, vector<16xf32>
        %parallel_loop3A_261 = arith.mulf %parallel_loop3A_260, %parallel_loop3A_254 : vector<16xf32>
        %parallel_loop3A_262 = arith.index_cast %parallel_loop3A_221 : i32 to index
        %parallel_loop3A_263 = arith.constant 0 : index
        %parallel_loop3A_264 = tpu.vector_load %arg13[%parallel_loop3A_262, %parallel_loop3A_263] {strides = array<i32>} : memref<256x16xf32, #tpu.memory_space<vmem>>, vector<1x16xf32>,
        %parallel_loop3A_265 = vector.shape_cast %parallel_loop3A_264 : vector<1x16xf32> to vector<16xf32>
        %parallel_loop3A_266 = vector.shape_cast %parallel_loop3A_261 : vector<16xf32> to vector<1x16xf32>
        tpu.vector_store %arg13[%parallel_loop3A_262, %parallel_loop3A_263], %parallel_loop3A_266 {strides = array<i32>} : memref<256x16xf32, #tpu.memory_space<vmem>>, vector<1x16xf32>,
      } {sc.loop_unroll_factor = 4 : i64, sc.parallel_access}
      %run_scoped3A = arith.constant 2 : i32
      "tpu.region"() ({
        %run_scoped3A_221 = tpu.sem_alloc : memref<!tpu.dma_semaphore, #tpu.memory_space<semaphore_mem>>
        %dma_start3A_222 = arith.constant 0 : i32
        %dma_start3A_223 = arith.constant 0 : i32
        %dma_start3A_224 = tpu.memref_slice %arg13[%dma_start3A_222, %dma_start3A_223] : memref<256x16xf32, #tpu.memory_space<vmem>> -> memref<128x16xf32, #tpu.memory_space<vmem>>
        %dma_start3A_225 = arith.constant 0 : i32
        %dma_start3A_226 = tpu.memref_slice %arg7[%run_scoped3A, %dma_start3A_225] : memref<4x128xi32, #tpu.memory_space<vmem>> -> memref<1x128xi32, #tpu.memory_space<vmem>>
        %dma_start3A_227 = tpu.memref_squeeze %dma_start3A_226 : memref<1x128xi32, #tpu.memory_space<vmem>> -> memref<128xi32, #tpu.memory_space<vmem>>
        %dma_start3A_228 = arith.constant 0 : i32
        %dma_start3A_229 = arith.constant 0 : i32
        %dma_start3A_230 = tpu.memref_slice %arg14[%dma_start3A_228, %dma_start3A_229] : memref<10240x16xf32, #tpu.memory_space<vmem_shared>> -> memref<10240x16xf32, #tpu.memory_space<vmem_shared>>
        tpu.enqueue_indirect_dma source(%dma_start3A_224 : memref<128x16xf32, #tpu.memory_space<vmem>>) target(%dma_start3A_230 : memref<10240x16xf32, #tpu.memory_space<vmem_shared>>) offsets(%dma_start3A_227 : memref<128xi32, #tpu.memory_space<vmem>>) semaphore(%run_scoped3A_221 : memref<!tpu.dma_semaphore, #tpu.memory_space<semaphore_mem>>) {add = true}
        %dma_wait3A_231 = arith.constant 0 : i32
        %dma_wait3A_232 = arith.constant 0 : i32
        %dma_wait3A_233 = tpu.memref_slice %arg13[%dma_wait3A_231, %dma_wait3A_232] : memref<256x16xf32, #tpu.memory_space<vmem>> -> memref<128x16xf32, #tpu.memory_space<vmem>>
        %dma_wait3A_234 = arith.constant 0 : i32
        %dma_wait3A_235 = tpu.memref_slice %arg7[%run_scoped3A, %dma_wait3A_234] : memref<4x128xi32, #tpu.memory_space<vmem>> -> memref<1x128xi32, #tpu.memory_space<vmem>>
        %dma_wait3A_236 = tpu.memref_squeeze %dma_wait3A_235 : memref<1x128xi32, #tpu.memory_space<vmem>> -> memref<128xi32, #tpu.memory_space<vmem>>
        %dma_wait3A_237 = arith.constant 0 : i32
        %dma_wait3A_238 = arith.constant 0 : i32
        %dma_wait3A_239 = tpu.memref_slice %arg14[%dma_wait3A_237, %dma_wait3A_238] : memref<10240x16xf32, #tpu.memory_space<vmem_shared>> -> memref<10240x16xf32, #tpu.memory_space<vmem_shared>>
        tpu.wait_indirect_dma semaphore(%run_scoped3A_221 : memref<!tpu.dma_semaphore, #tpu.memory_space<semaphore_mem>>) src(%dma_wait3A_233 : memref<128x16xf32, #tpu.memory_space<vmem>>) dst(%dma_wait3A_239 : memref<10240x16xf32, #tpu.memory_space<vmem_shared>>)
        tpu.yield
      }) : () -> ()
      %run_scoped3A_156 = arith.constant 3 : i32
      "tpu.region"() ({
        %run_scoped3A_221 = tpu.sem_alloc : memref<!tpu.dma_semaphore, #tpu.memory_space<semaphore_mem>>
        %dma_start3A_222 = arith.constant 128 : i32
        %dma_start3A_223 = arith.constant 0 : i32
        %dma_start3A_224 = tpu.memref_slice %arg13[%dma_start3A_222, %dma_start3A_223] : memref<256x16xf32, #tpu.memory_space<vmem>> -> memref<128x16xf32, #tpu.memory_space<vmem>>
        %dma_start3A_225 = arith.constant 0 : i32
        %dma_start3A_226 = tpu.memref_slice %arg7[%run_scoped3A_156, %dma_start3A_225] : memref<4x128xi32, #tpu.memory_space<vmem>> -> memref<1x128xi32, #tpu.memory_space<vmem>>
        %dma_start3A_227 = tpu.memref_squeeze %dma_start3A_226 : memref<1x128xi32, #tpu.memory_space<vmem>> -> memref<128xi32, #tpu.memory_space<vmem>>
        %dma_start3A_228 = arith.constant 0 : i32
        %dma_start3A_229 = arith.constant 0 : i32
        %dma_start3A_230 = tpu.memref_slice %arg14[%dma_start3A_228, %dma_start3A_229] : memref<10240x16xf32, #tpu.memory_space<vmem_shared>> -> memref<10240x16xf32, #tpu.memory_space<vmem_shared>>
        tpu.enqueue_indirect_dma source(%dma_start3A_224 : memref<128x16xf32, #tpu.memory_space<vmem>>) target(%dma_start3A_230 : memref<10240x16xf32, #tpu.memory_space<vmem_shared>>) offsets(%dma_start3A_227 : memref<128xi32, #tpu.memory_space<vmem>>) semaphore(%run_scoped3A_221 : memref<!tpu.dma_semaphore, #tpu.memory_space<semaphore_mem>>) {add = true}
        %dma_wait3A_231 = arith.constant 128 : i32
        %dma_wait3A_232 = arith.constant 0 : i32
        %dma_wait3A_233 = tpu.memref_slice %arg13[%dma_wait3A_231, %dma_wait3A_232] : memref<256x16xf32, #tpu.memory_space<vmem>> -> memref<128x16xf32, #tpu.memory_space<vmem>>
        %dma_wait3A_234 = arith.constant 0 : i32
        %dma_wait3A_235 = tpu.memref_slice %arg7[%run_scoped3A_156, %dma_wait3A_234] : memref<4x128xi32, #tpu.memory_space<vmem>> -> memref<1x128xi32, #tpu.memory_space<vmem>>
        %dma_wait3A_236 = tpu.memref_squeeze %dma_wait3A_235 : memref<1x128xi32, #tpu.memory_space<vmem>> -> memref<128xi32, #tpu.memory_space<vmem>>
        %dma_wait3A_237 = arith.constant 0 : i32
        %dma_wait3A_238 = arith.constant 0 : i32
        %dma_wait3A_239 = tpu.memref_slice %arg14[%dma_wait3A_237, %dma_wait3A_238] : memref<10240x16xf32, #tpu.memory_space<vmem_shared>> -> memref<10240x16xf32, #tpu.memory_space<vmem_shared>>
        tpu.wait_indirect_dma semaphore(%run_scoped3A_221 : memref<!tpu.dma_semaphore, #tpu.memory_space<semaphore_mem>>) src(%dma_wait3A_233 : memref<128x16xf32, #tpu.memory_space<vmem>>) dst(%dma_wait3A_239 : memref<10240x16xf32, #tpu.memory_space<vmem_shared>>)
        tpu.yield
      }) : () -> ()
      %add3A_157 = arith.constant 2 : i32
      %add3A_158 = arith.addi %add3A_97, %add3A_157 : i32
      %add3A_159 = arith.addi %select_n3A_13, %select_n3A : i32
      %sub3A_160 = arith.constant 1 : i32
      %sub3A_161 = arith.subi %add3A_159, %sub3A_160 : i32
      %min3A = arith.minsi %add3A_158, %sub3A_161 : i32
      %mul3A_162 = arith.constant 4 : i32
      %mul3A_163 = arith.muli %mul3A_162, %min3A : i32
      "tpu.region"() ({
        %run_scoped3A_221 = tpu.sem_alloc : memref<!tpu.dma_semaphore, #tpu.memory_space<semaphore_mem>>
        %dma_start3A_222 = arith.constant 0 : i32
        %dma_start3A_223 = tpu.memref_slice %arg2[%mul3A_163, %dma_start3A_222] : memref<5120x128xi32, #tpu.memory_space<hbm>> -> memref<4x128xi32, #tpu.memory_space<hbm>>
        %dma_start3A_224 = arith.constant 0 : i32
        %dma_start3A_225 = tpu.memref_slice %arg2[%mul3A_163, %dma_start3A_224] : memref<5120x128xi32, #tpu.memory_space<hbm>> -> memref<4x128xi32, #tpu.memory_space<hbm>>
        tpu.enqueue_dma source(%dma_start3A_225 : memref<4x128xi32, #tpu.memory_space<hbm>>) target(%arg7 : memref<4x128xi32, #tpu.memory_space<vmem>>) target_semaphore(%run_scoped3A_221 : memref<!tpu.dma_semaphore, #tpu.memory_space<semaphore_mem>>)
        %dma_wait3A_226 = arith.constant 0 : i32
        %dma_wait3A_227 = tpu.memref_slice %arg2[%mul3A_163, %dma_wait3A_226] : memref<5120x128xi32, #tpu.memory_space<hbm>> -> memref<4x128xi32, #tpu.memory_space<hbm>>
        %dma_wait3A_228 = arith.constant 0 : i32
        %dma_wait3A_229 = tpu.memref_slice %arg2[%mul3A_163, %dma_wait3A_228] : memref<5120x128xi32, #tpu.memory_space<hbm>> -> memref<4x128xi32, #tpu.memory_space<hbm>>
        tpu.wait_dma2 semaphore(%run_scoped3A_221 : memref<!tpu.dma_semaphore, #tpu.memory_space<semaphore_mem>>) src(%dma_wait3A_229 : memref<4x128xi32, #tpu.memory_space<hbm>>) dst(%arg7 : memref<4x128xi32, #tpu.memory_space<vmem>>)
        tpu.yield
      }) : () -> ()
      %dma_start3A_164 = arith.constant 0 : i32
      %dma_start3A_165 = arith.constant 0 : i32
      %dma_start3A_166 = arith.constant 0 : i32
      %dma_start3A_167 = tpu.memref_slice %arg9[%dma_start3A_165, %dma_start3A_166] : memref<256x16xf32, #tpu.memory_space<vmem>> -> memref<128x16xf32, #tpu.memory_space<vmem>>
      %dma_start3A_168 = arith.constant 0 : i32
      %dma_start3A_169 = tpu.memref_slice %arg7[%dma_start3A_164, %dma_start3A_168] : memref<4x128xi32, #tpu.memory_space<vmem>> -> memref<1x128xi32, #tpu.memory_space<vmem>>
      %dma_start3A_170 = tpu.memref_squeeze %dma_start3A_169 : memref<1x128xi32, #tpu.memory_space<vmem>> -> memref<128xi32, #tpu.memory_space<vmem>>
      %dma_start3A_171 = arith.constant 0 : i32
      %dma_start3A_172 = arith.constant 0 : i32
      %dma_start3A_173 = tpu.memref_slice %arg3[%dma_start3A_171, %dma_start3A_172] : memref<10240x16xf32, #tpu.memory_space<hbm>> -> memref<10240x16xf32, #tpu.memory_space<hbm>>
      tpu.enqueue_indirect_dma source(%dma_start3A_173 : memref<10240x16xf32, #tpu.memory_space<hbm>>) target(%dma_start3A_167 : memref<128x16xf32, #tpu.memory_space<vmem>>) offsets(%dma_start3A_170 : memref<128xi32, #tpu.memory_space<vmem>>) semaphore(%arg15 : memref<!tpu.dma_semaphore, #tpu.memory_space<semaphore_mem>>)
      %dma_start3A_174 = arith.constant 2 : i32
      %dma_start3A_175 = arith.constant 0 : i32
      %dma_start3A_176 = arith.constant 0 : i32
      %dma_start3A_177 = tpu.memref_slice %arg11[%dma_start3A_175, %dma_start3A_176] : memref<256x16xf32, #tpu.memory_space<vmem>> -> memref<128x16xf32, #tpu.memory_space<vmem>>
      %dma_start3A_178 = arith.constant 0 : i32
      %dma_start3A_179 = tpu.memref_slice %arg7[%dma_start3A_174, %dma_start3A_178] : memref<4x128xi32, #tpu.memory_space<vmem>> -> memref<1x128xi32, #tpu.memory_space<vmem>>
      %dma_start3A_180 = tpu.memref_squeeze %dma_start3A_179 : memref<1x128xi32, #tpu.memory_space<vmem>> -> memref<128xi32, #tpu.memory_space<vmem>>
      %dma_start3A_181 = arith.constant 0 : i32
      %dma_start3A_182 = arith.constant 0 : i32
      %dma_start3A_183 = tpu.memref_slice %arg4[%dma_start3A_181, %dma_start3A_182] : memref<10240x16xf32, #tpu.memory_space<hbm>> -> memref<10240x16xf32, #tpu.memory_space<hbm>>
      tpu.enqueue_indirect_dma source(%dma_start3A_183 : memref<10240x16xf32, #tpu.memory_space<hbm>>) target(%dma_start3A_177 : memref<128x16xf32, #tpu.memory_space<vmem>>) offsets(%dma_start3A_180 : memref<128xi32, #tpu.memory_space<vmem>>) semaphore(%arg15 : memref<!tpu.dma_semaphore, #tpu.memory_space<semaphore_mem>>)
      %dma_start3A_184 = arith.constant 1 : i32
      %dma_start3A_185 = arith.constant 128 : i32
      %dma_start3A_186 = arith.constant 0 : i32
      %dma_start3A_187 = tpu.memref_slice %arg9[%dma_start3A_185, %dma_start3A_186] : memref<256x16xf32, #tpu.memory_space<vmem>> -> memref<128x16xf32, #tpu.memory_space<vmem>>
      %dma_start3A_188 = arith.constant 0 : i32
      %dma_start3A_189 = tpu.memref_slice %arg7[%dma_start3A_184, %dma_start3A_188] : memref<4x128xi32, #tpu.memory_space<vmem>> -> memref<1x128xi32, #tpu.memory_space<vmem>>
      %dma_start3A_190 = tpu.memref_squeeze %dma_start3A_189 : memref<1x128xi32, #tpu.memory_space<vmem>> -> memref<128xi32, #tpu.memory_space<vmem>>
      %dma_start3A_191 = arith.constant 0 : i32
      %dma_start3A_192 = arith.constant 0 : i32
      %dma_start3A_193 = tpu.memref_slice %arg3[%dma_start3A_191, %dma_start3A_192] : memref<10240x16xf32, #tpu.memory_space<hbm>> -> memref<10240x16xf32, #tpu.memory_space<hbm>>
      tpu.enqueue_indirect_dma source(%dma_start3A_193 : memref<10240x16xf32, #tpu.memory_space<hbm>>) target(%dma_start3A_187 : memref<128x16xf32, #tpu.memory_space<vmem>>) offsets(%dma_start3A_190 : memref<128xi32, #tpu.memory_space<vmem>>) semaphore(%arg15 : memref<!tpu.dma_semaphore, #tpu.memory_space<semaphore_mem>>)
      %dma_start3A_194 = arith.constant 3 : i32
      %dma_start3A_195 = arith.constant 128 : i32
      %dma_start3A_196 = arith.constant 0 : i32
      %dma_start3A_197 = tpu.memref_slice %arg11[%dma_start3A_195, %dma_start3A_196] : memref<256x16xf32, #tpu.memory_space<vmem>> -> memref<128x16xf32, #tpu.memory_space<vmem>>
      %dma_start3A_198 = arith.constant 0 : i32
      %dma_start3A_199 = tpu.memref_slice %arg7[%dma_start3A_194, %dma_start3A_198] : memref<4x128xi32, #tpu.memory_space<vmem>> -> memref<1x128xi32, #tpu.memory_space<vmem>>
      %dma_start3A_200 = tpu.memref_squeeze %dma_start3A_199 : memref<1x128xi32, #tpu.memory_space<vmem>> -> memref<128xi32, #tpu.memory_space<vmem>>
      %dma_start3A_201 = arith.constant 0 : i32
      %dma_start3A_202 = arith.constant 0 : i32
      %dma_start3A_203 = tpu.memref_slice %arg4[%dma_start3A_201, %dma_start3A_202] : memref<10240x16xf32, #tpu.memory_space<hbm>> -> memref<10240x16xf32, #tpu.memory_space<hbm>>
      tpu.enqueue_indirect_dma source(%dma_start3A_203 : memref<10240x16xf32, #tpu.memory_space<hbm>>) target(%dma_start3A_197 : memref<128x16xf32, #tpu.memory_space<vmem>>) offsets(%dma_start3A_200 : memref<128xi32, #tpu.memory_space<vmem>>) semaphore(%arg15 : memref<!tpu.dma_semaphore, #tpu.memory_space<semaphore_mem>>)
      %dma_wait3A_204 = arith.constant 0 : i32
      %dma_wait3A_205 = arith.constant 0 : i32
      %dma_wait3A_206 = tpu.memref_slice %arg3[%dma_wait3A_204, %dma_wait3A_205] : memref<10240x16xf32, #tpu.memory_space<hbm>> -> memref<256x16xf32, #tpu.memory_space<hbm>>
      %dma_wait3A_207 = arith.constant 0 : i32
      %dma_wait3A_208 = arith.constant 0 : i32
      %dma_wait3A_209 = tpu.memref_slice %arg3[%dma_wait3A_207, %dma_wait3A_208] : memref<10240x16xf32, #tpu.memory_space<hbm>> -> memref<256x16xf32, #tpu.memory_space<hbm>>
      tpu.wait_dma2 semaphore(%arg16 : memref<!tpu.dma_semaphore, #tpu.memory_space<semaphore_mem>>) src(%dma_wait3A_209 : memref<256x16xf32, #tpu.memory_space<hbm>>) dst(%arg10 : memref<256x16xf32, #tpu.memory_space<vmem>>)
      %dma_wait3A_210 = arith.constant 0 : i32
      %dma_wait3A_211 = arith.constant 0 : i32
      %dma_wait3A_212 = tpu.memref_slice %arg4[%dma_wait3A_210, %dma_wait3A_211] : memref<10240x16xf32, #tpu.memory_space<hbm>> -> memref<256x16xf32, #tpu.memory_space<hbm>>
      %dma_wait3A_213 = arith.constant 0 : i32
      %dma_wait3A_214 = arith.constant 0 : i32
      %dma_wait3A_215 = tpu.memref_slice %arg4[%dma_wait3A_213, %dma_wait3A_214] : memref<10240x16xf32, #tpu.memory_space<hbm>> -> memref<256x16xf32, #tpu.memory_space<hbm>>
      tpu.wait_dma2 semaphore(%arg16 : memref<!tpu.dma_semaphore, #tpu.memory_space<semaphore_mem>>) src(%dma_wait3A_215 : memref<256x16xf32, #tpu.memory_space<hbm>>) dst(%arg12 : memref<256x16xf32, #tpu.memory_space<vmem>>)
      %parallel_loop3A_216 = arith.constant 0 : i32
      %parallel_loop3A_217 = arith.constant 256 : i32
      %parallel_loop3A_218 = arith.constant 1 : i32
      scf.for %parallel_loop3A_221 = %parallel_loop3A_216 to %parallel_loop3A_217 step %parallel_loop3A_218  : i32 {
        %parallel_loop3A_222 = arith.index_cast %parallel_loop3A_221 : i32 to index
        %parallel_loop3A_223 = arith.constant 0 : index
        %parallel_loop3A_224 = tpu.vector_load %arg10[%parallel_loop3A_222, %parallel_loop3A_223] {strides = array<i32>} : memref<256x16xf32, #tpu.memory_space<vmem>>, vector<1x16xf32>,
        %parallel_loop3A_225 = vector.shape_cast %parallel_loop3A_224 : vector<1x16xf32> to vector<16xf32>
        %parallel_loop3A_226 = arith.index_cast %parallel_loop3A_221 : i32 to index
        %parallel_loop3A_227 = arith.constant 0 : index
        %parallel_loop3A_228 = tpu.vector_load %arg12[%parallel_loop3A_226, %parallel_loop3A_227] {strides = array<i32>} : memref<256x16xf32, #tpu.memory_space<vmem>>, vector<1x16xf32>,
        %parallel_loop3A_229 = vector.shape_cast %parallel_loop3A_228 : vector<1x16xf32> to vector<16xf32>
        %parallel_loop3A_230 = tpu.iota {dimensions = array<i32: 0>} : vector<16xi32>
        %parallel_loop3A_231 = arith.constant 0 : i32
        %parallel_loop3A_232 = vector.broadcast %parallel_loop3A_231 : i32 to vector<16xi32>
        %parallel_loop3A_233 = arith.muli %parallel_loop3A_230, %parallel_loop3A_232 : vector<16xi32>
        %parallel_loop3A_234 = arith.constant 10 : i32
        %parallel_loop3A_235 = vector.broadcast %parallel_loop3A_234 : i32 to vector<16xi32>
        %parallel_loop3A_236 = arith.addi %parallel_loop3A_233, %parallel_loop3A_235 : vector<16xi32>
        %parallel_loop3A_237 = vector.shape_cast %parallel_loop3A_236 : vector<16xi32> to vector<16x1xi32>
        %parallel_loop3A_238 = vector.shape_cast %parallel_loop3A_237 : vector<16x1xi32> to vector<16xi32>
        %parallel_loop3A_239 = tpu.dynamic_gather %parallel_loop3A_225[%parallel_loop3A_238] in [0] : vector<16xf32>, vector<16xi32> -> vector<16xf32>
        %parallel_loop3A_240 = arith.constant 11 : i32
        %parallel_loop3A_241 = vector.broadcast %parallel_loop3A_240 : i32 to vector<16xi32>
        %parallel_loop3A_242 = arith.addi %parallel_loop3A_233, %parallel_loop3A_241 : vector<16xi32>
        %parallel_loop3A_243 = vector.shape_cast %parallel_loop3A_242 : vector<16xi32> to vector<16x1xi32>
        %parallel_loop3A_244 = vector.shape_cast %parallel_loop3A_243 : vector<16x1xi32> to vector<16xi32>
        %parallel_loop3A_245 = tpu.dynamic_gather %parallel_loop3A_229[%parallel_loop3A_244] in [0] : vector<16xf32>, vector<16xi32> -> vector<16xf32>
        %parallel_loop3A_246 = arith.addf %parallel_loop3A_239, %parallel_loop3A_245 : vector<16xf32>
        %parallel_loop3A_247 = arith.constant 0.000000e+00 : f32
        %parallel_loop3A_248 = vector.broadcast %parallel_loop3A_247 : f32 to vector<16xf32>
        %parallel_loop3A_249 = arith.cmpf ogt, %parallel_loop3A_246, %parallel_loop3A_248 : vector<16xf32>
        %parallel_loop3A_250 = arith.constant 2.000000e-01 : f32
        %parallel_loop3A_251 = vector.broadcast %parallel_loop3A_250 : f32 to vector<16xf32>
        %parallel_loop3A_252 = arith.mulf %parallel_loop3A_251, %parallel_loop3A_246 : vector<16xf32>
        %parallel_loop3A_253 = arith.select %parallel_loop3A_249, %parallel_loop3A_246, %parallel_loop3A_252 : vector<16xi1>, vector<16xf32>
        %parallel_loop3A_254 = math.exp %parallel_loop3A_253 : vector<16xf32>
        %parallel_loop3A_255 = arith.constant 10 : i32
        %parallel_loop3A_256 = vector.broadcast %parallel_loop3A_255 : i32 to vector<16xi32>
        %parallel_loop3A_257 = arith.cmpi eq, %parallel_loop3A_230, %parallel_loop3A_256 : vector<16xi32>
        %parallel_loop3A_258 = arith.constant 1.000000e+00 : f32
        %parallel_loop3A_259 = vector.broadcast %parallel_loop3A_258 : f32 to vector<16xf32>
        %parallel_loop3A_260 = arith.select %parallel_loop3A_257, %parallel_loop3A_259, %parallel_loop3A_225 : vector<16xi1>, vector<16xf32>
        %parallel_loop3A_261 = arith.mulf %parallel_loop3A_260, %parallel_loop3A_254 : vector<16xf32>
        %parallel_loop3A_262 = arith.index_cast %parallel_loop3A_221 : i32 to index
        %parallel_loop3A_263 = arith.constant 0 : index
        %parallel_loop3A_264 = tpu.vector_load %arg13[%parallel_loop3A_262, %parallel_loop3A_263] {strides = array<i32>} : memref<256x16xf32, #tpu.memory_space<vmem>>, vector<1x16xf32>,
        %parallel_loop3A_265 = vector.shape_cast %parallel_loop3A_264 : vector<1x16xf32> to vector<16xf32>
        %parallel_loop3A_266 = vector.shape_cast %parallel_loop3A_261 : vector<16xf32> to vector<1x16xf32>
        tpu.vector_store %arg13[%parallel_loop3A_262, %parallel_loop3A_263], %parallel_loop3A_266 {strides = array<i32>} : memref<256x16xf32, #tpu.memory_space<vmem>>, vector<1x16xf32>,
      } {sc.loop_unroll_factor = 4 : i64, sc.parallel_access}
      %run_scoped3A_219 = arith.constant 2 : i32
      "tpu.region"() ({
        %run_scoped3A_221 = tpu.sem_alloc : memref<!tpu.dma_semaphore, #tpu.memory_space<semaphore_mem>>
        %dma_start3A_222 = arith.constant 0 : i32
        %dma_start3A_223 = arith.constant 0 : i32
        %dma_start3A_224 = tpu.memref_slice %arg13[%dma_start3A_222, %dma_start3A_223] : memref<256x16xf32, #tpu.memory_space<vmem>> -> memref<128x16xf32, #tpu.memory_space<vmem>>
        %dma_start3A_225 = arith.constant 0 : i32
        %dma_start3A_226 = tpu.memref_slice %arg8[%run_scoped3A_219, %dma_start3A_225] : memref<4x128xi32, #tpu.memory_space<vmem>> -> memref<1x128xi32, #tpu.memory_space<vmem>>
        %dma_start3A_227 = tpu.memref_squeeze %dma_start3A_226 : memref<1x128xi32, #tpu.memory_space<vmem>> -> memref<128xi32, #tpu.memory_space<vmem>>
        %dma_start3A_228 = arith.constant 0 : i32
        %dma_start3A_229 = arith.constant 0 : i32
        %dma_start3A_230 = tpu.memref_slice %arg14[%dma_start3A_228, %dma_start3A_229] : memref<10240x16xf32, #tpu.memory_space<vmem_shared>> -> memref<10240x16xf32, #tpu.memory_space<vmem_shared>>
        tpu.enqueue_indirect_dma source(%dma_start3A_224 : memref<128x16xf32, #tpu.memory_space<vmem>>) target(%dma_start3A_230 : memref<10240x16xf32, #tpu.memory_space<vmem_shared>>) offsets(%dma_start3A_227 : memref<128xi32, #tpu.memory_space<vmem>>) semaphore(%run_scoped3A_221 : memref<!tpu.dma_semaphore, #tpu.memory_space<semaphore_mem>>) {add = true}
        %dma_wait3A_231 = arith.constant 0 : i32
        %dma_wait3A_232 = arith.constant 0 : i32
        %dma_wait3A_233 = tpu.memref_slice %arg13[%dma_wait3A_231, %dma_wait3A_232] : memref<256x16xf32, #tpu.memory_space<vmem>> -> memref<128x16xf32, #tpu.memory_space<vmem>>
        %dma_wait3A_234 = arith.constant 0 : i32
        %dma_wait3A_235 = tpu.memref_slice %arg8[%run_scoped3A_219, %dma_wait3A_234] : memref<4x128xi32, #tpu.memory_space<vmem>> -> memref<1x128xi32, #tpu.memory_space<vmem>>
        %dma_wait3A_236 = tpu.memref_squeeze %dma_wait3A_235 : memref<1x128xi32, #tpu.memory_space<vmem>> -> memref<128xi32, #tpu.memory_space<vmem>>
        %dma_wait3A_237 = arith.constant 0 : i32
        %dma_wait3A_238 = arith.constant 0 : i32
        %dma_wait3A_239 = tpu.memref_slice %arg14[%dma_wait3A_237, %dma_wait3A_238] : memref<10240x16xf32, #tpu.memory_space<vmem_shared>> -> memref<10240x16xf32, #tpu.memory_space<vmem_shared>>
        tpu.wait_indirect_dma semaphore(%run_scoped3A_221 : memref<!tpu.dma_semaphore, #tpu.memory_space<semaphore_mem>>) src(%dma_wait3A_233 : memref<128x16xf32, #tpu.memory_space<vmem>>) dst(%dma_wait3A_239 : memref<10240x16xf32, #tpu.memory_space<vmem_shared>>)
        tpu.yield
      }) : () -> ()
      %run_scoped3A_220 = arith.constant 3 : i32
      "tpu.region"() ({
        %run_scoped3A_221 = tpu.sem_alloc : memref<!tpu.dma_semaphore, #tpu.memory_space<semaphore_mem>>
        %dma_start3A_222 = arith.constant 128 : i32
        %dma_start3A_223 = arith.constant 0 : i32
        %dma_start3A_224 = tpu.memref_slice %arg13[%dma_start3A_222, %dma_start3A_223] : memref<256x16xf32, #tpu.memory_space<vmem>> -> memref<128x16xf32, #tpu.memory_space<vmem>>
        %dma_start3A_225 = arith.constant 0 : i32
        %dma_start3A_226 = tpu.memref_slice %arg8[%run_scoped3A_220, %dma_start3A_225] : memref<4x128xi32, #tpu.memory_space<vmem>> -> memref<1x128xi32, #tpu.memory_space<vmem>>
        %dma_start3A_227 = tpu.memref_squeeze %dma_start3A_226 : memref<1x128xi32, #tpu.memory_space<vmem>> -> memref<128xi32, #tpu.memory_space<vmem>>
        %dma_start3A_228 = arith.constant 0 : i32
        %dma_start3A_229 = arith.constant 0 : i32
        %dma_start3A_230 = tpu.memref_slice %arg14[%dma_start3A_228, %dma_start3A_229] : memref<10240x16xf32, #tpu.memory_space<vmem_shared>> -> memref<10240x16xf32, #tpu.memory_space<vmem_shared>>
        tpu.enqueue_indirect_dma source(%dma_start3A_224 : memref<128x16xf32, #tpu.memory_space<vmem>>) target(%dma_start3A_230 : memref<10240x16xf32, #tpu.memory_space<vmem_shared>>) offsets(%dma_start3A_227 : memref<128xi32, #tpu.memory_space<vmem>>) semaphore(%run_scoped3A_221 : memref<!tpu.dma_semaphore, #tpu.memory_space<semaphore_mem>>) {add = true}
        %dma_wait3A_231 = arith.constant 128 : i32
        %dma_wait3A_232 = arith.constant 0 : i32
        %dma_wait3A_233 = tpu.memref_slice %arg13[%dma_wait3A_231, %dma_wait3A_232] : memref<256x16xf32, #tpu.memory_space<vmem>> -> memref<128x16xf32, #tpu.memory_space<vmem>>
        %dma_wait3A_234 = arith.constant 0 : i32
        %dma_wait3A_235 = tpu.memref_slice %arg8[%run_scoped3A_220, %dma_wait3A_234] : memref<4x128xi32, #tpu.memory_space<vmem>> -> memref<1x128xi32, #tpu.memory_space<vmem>>
        %dma_wait3A_236 = tpu.memref_squeeze %dma_wait3A_235 : memref<1x128xi32, #tpu.memory_space<vmem>> -> memref<128xi32, #tpu.memory_space<vmem>>
        %dma_wait3A_237 = arith.constant 0 : i32
        %dma_wait3A_238 = arith.constant 0 : i32
        %dma_wait3A_239 = tpu.memref_slice %arg14[%dma_wait3A_237, %dma_wait3A_238] : memref<10240x16xf32, #tpu.memory_space<vmem_shared>> -> memref<10240x16xf32, #tpu.memory_space<vmem_shared>>
        tpu.wait_indirect_dma semaphore(%run_scoped3A_221 : memref<!tpu.dma_semaphore, #tpu.memory_space<semaphore_mem>>) src(%dma_wait3A_233 : memref<128x16xf32, #tpu.memory_space<vmem>>) dst(%dma_wait3A_239 : memref<10240x16xf32, #tpu.memory_space<vmem_shared>>)
        tpu.yield
      }) : () -> ()
    }
    %while3A_81 = arith.constant 1 : i32
    scf.for %while3A_94 = %while3A_79 to %while3A_75 step %while3A_81  : i32 {
      %mul3A_95 = arith.constant 2 : i32
      %mul3A_96 = arith.muli %mul3A_95, %while3A_94 : i32
      %add3A_97 = arith.addi %select_n3A_13, %mul3A_96 : i32
      %add3A_98 = arith.constant 1 : i32
      %add3A_99 = arith.addi %add3A_97, %add3A_98 : i32
      %mul3A_100 = arith.constant 4 : i32
      %mul3A_101 = arith.muli %mul3A_100, %add3A_99 : i32
      "tpu.region"() ({
        %run_scoped3A_221 = tpu.sem_alloc : memref<!tpu.dma_semaphore, #tpu.memory_space<semaphore_mem>>
        %dma_start3A_222 = arith.constant 0 : i32
        %dma_start3A_223 = tpu.memref_slice %arg2[%mul3A_101, %dma_start3A_222] : memref<5120x128xi32, #tpu.memory_space<hbm>> -> memref<4x128xi32, #tpu.memory_space<hbm>>
        %dma_start3A_224 = arith.constant 0 : i32
        %dma_start3A_225 = tpu.memref_slice %arg2[%mul3A_101, %dma_start3A_224] : memref<5120x128xi32, #tpu.memory_space<hbm>> -> memref<4x128xi32, #tpu.memory_space<hbm>>
        tpu.enqueue_dma source(%dma_start3A_225 : memref<4x128xi32, #tpu.memory_space<hbm>>) target(%arg8 : memref<4x128xi32, #tpu.memory_space<vmem>>) target_semaphore(%run_scoped3A_221 : memref<!tpu.dma_semaphore, #tpu.memory_space<semaphore_mem>>)
        %dma_wait3A_226 = arith.constant 0 : i32
        %dma_wait3A_227 = tpu.memref_slice %arg2[%mul3A_101, %dma_wait3A_226] : memref<5120x128xi32, #tpu.memory_space<hbm>> -> memref<4x128xi32, #tpu.memory_space<hbm>>
        %dma_wait3A_228 = arith.constant 0 : i32
        %dma_wait3A_229 = tpu.memref_slice %arg2[%mul3A_101, %dma_wait3A_228] : memref<5120x128xi32, #tpu.memory_space<hbm>> -> memref<4x128xi32, #tpu.memory_space<hbm>>
        tpu.wait_dma2 semaphore(%run_scoped3A_221 : memref<!tpu.dma_semaphore, #tpu.memory_space<semaphore_mem>>) src(%dma_wait3A_229 : memref<4x128xi32, #tpu.memory_space<hbm>>) dst(%arg8 : memref<4x128xi32, #tpu.memory_space<vmem>>)
        tpu.yield
      }) : () -> ()
      %dma_start3A_102 = arith.constant 0 : i32
      %dma_start3A_103 = arith.constant 0 : i32
      %dma_start3A_104 = arith.constant 0 : i32
      %dma_start3A_105 = tpu.memref_slice %arg10[%dma_start3A_103, %dma_start3A_104] : memref<256x16xf32, #tpu.memory_space<vmem>> -> memref<128x16xf32, #tpu.memory_space<vmem>>
      %dma_start3A_106 = arith.constant 0 : i32
      %dma_start3A_107 = tpu.memref_slice %arg8[%dma_start3A_102, %dma_start3A_106] : memref<4x128xi32, #tpu.memory_space<vmem>> -> memref<1x128xi32, #tpu.memory_space<vmem>>
      %dma_start3A_108 = tpu.memref_squeeze %dma_start3A_107 : memref<1x128xi32, #tpu.memory_space<vmem>> -> memref<128xi32, #tpu.memory_space<vmem>>
      %dma_start3A_109 = arith.constant 0 : i32
      %dma_start3A_110 = arith.constant 0 : i32
      %dma_start3A_111 = tpu.memref_slice %arg3[%dma_start3A_109, %dma_start3A_110] : memref<10240x16xf32, #tpu.memory_space<hbm>> -> memref<10240x16xf32, #tpu.memory_space<hbm>>
      tpu.enqueue_indirect_dma source(%dma_start3A_111 : memref<10240x16xf32, #tpu.memory_space<hbm>>) target(%dma_start3A_105 : memref<128x16xf32, #tpu.memory_space<vmem>>) offsets(%dma_start3A_108 : memref<128xi32, #tpu.memory_space<vmem>>) semaphore(%arg16 : memref<!tpu.dma_semaphore, #tpu.memory_space<semaphore_mem>>)
      %dma_start3A_112 = arith.constant 2 : i32
      %dma_start3A_113 = arith.constant 0 : i32
      %dma_start3A_114 = arith.constant 0 : i32
      %dma_start3A_115 = tpu.memref_slice %arg12[%dma_start3A_113, %dma_start3A_114] : memref<256x16xf32, #tpu.memory_space<vmem>> -> memref<128x16xf32, #tpu.memory_space<vmem>>
      %dma_start3A_116 = arith.constant 0 : i32
      %dma_start3A_117 = tpu.memref_slice %arg8[%dma_start3A_112, %dma_start3A_116] : memref<4x128xi32, #tpu.memory_space<vmem>> -> memref<1x128xi32, #tpu.memory_space<vmem>>
      %dma_start3A_118 = tpu.memref_squeeze %dma_start3A_117 : memref<1x128xi32, #tpu.memory_space<vmem>> -> memref<128xi32, #tpu.memory_space<vmem>>
      %dma_start3A_119 = arith.constant 0 : i32
      %dma_start3A_120 = arith.constant 0 : i32
      %dma_start3A_121 = tpu.memref_slice %arg4[%dma_start3A_119, %dma_start3A_120] : memref<10240x16xf32, #tpu.memory_space<hbm>> -> memref<10240x16xf32, #tpu.memory_space<hbm>>
      tpu.enqueue_indirect_dma source(%dma_start3A_121 : memref<10240x16xf32, #tpu.memory_space<hbm>>) target(%dma_start3A_115 : memref<128x16xf32, #tpu.memory_space<vmem>>) offsets(%dma_start3A_118 : memref<128xi32, #tpu.memory_space<vmem>>) semaphore(%arg16 : memref<!tpu.dma_semaphore, #tpu.memory_space<semaphore_mem>>)
      %dma_start3A_122 = arith.constant 1 : i32
      %dma_start3A_123 = arith.constant 128 : i32
      %dma_start3A_124 = arith.constant 0 : i32
      %dma_start3A_125 = tpu.memref_slice %arg10[%dma_start3A_123, %dma_start3A_124] : memref<256x16xf32, #tpu.memory_space<vmem>> -> memref<128x16xf32, #tpu.memory_space<vmem>>
      %dma_start3A_126 = arith.constant 0 : i32
      %dma_start3A_127 = tpu.memref_slice %arg8[%dma_start3A_122, %dma_start3A_126] : memref<4x128xi32, #tpu.memory_space<vmem>> -> memref<1x128xi32, #tpu.memory_space<vmem>>
      %dma_start3A_128 = tpu.memref_squeeze %dma_start3A_127 : memref<1x128xi32, #tpu.memory_space<vmem>> -> memref<128xi32, #tpu.memory_space<vmem>>
      %dma_start3A_129 = arith.constant 0 : i32
      %dma_start3A_130 = arith.constant 0 : i32
      %dma_start3A_131 = tpu.memref_slice %arg3[%dma_start3A_129, %dma_start3A_130] : memref<10240x16xf32, #tpu.memory_space<hbm>> -> memref<10240x16xf32, #tpu.memory_space<hbm>>
      tpu.enqueue_indirect_dma source(%dma_start3A_131 : memref<10240x16xf32, #tpu.memory_space<hbm>>) target(%dma_start3A_125 : memref<128x16xf32, #tpu.memory_space<vmem>>) offsets(%dma_start3A_128 : memref<128xi32, #tpu.memory_space<vmem>>) semaphore(%arg16 : memref<!tpu.dma_semaphore, #tpu.memory_space<semaphore_mem>>)
      %dma_start3A_132 = arith.constant 3 : i32
      %dma_start3A_133 = arith.constant 128 : i32
      %dma_start3A_134 = arith.constant 0 : i32
      %dma_start3A_135 = tpu.memref_slice %arg12[%dma_start3A_133, %dma_start3A_134] : memref<256x16xf32, #tpu.memory_space<vmem>> -> memref<128x16xf32, #tpu.memory_space<vmem>>
      %dma_start3A_136 = arith.constant 0 : i32
      %dma_start3A_137 = tpu.memref_slice %arg8[%dma_start3A_132, %dma_start3A_136] : memref<4x128xi32, #tpu.memory_space<vmem>> -> memref<1x128xi32, #tpu.memory_space<vmem>>
      %dma_start3A_138 = tpu.memref_squeeze %dma_start3A_137 : memref<1x128xi32, #tpu.memory_space<vmem>> -> memref<128xi32, #tpu.memory_space<vmem>>
      %dma_start3A_139 = arith.constant 0 : i32
      %dma_start3A_140 = arith.constant 0 : i32
      %dma_start3A_141 = tpu.memref_slice %arg4[%dma_start3A_139, %dma_start3A_140] : memref<10240x16xf32, #tpu.memory_space<hbm>> -> memref<10240x16xf32, #tpu.memory_space<hbm>>
      tpu.enqueue_indirect_dma source(%dma_start3A_141 : memref<10240x16xf32, #tpu.memory_space<hbm>>) target(%dma_start3A_135 : memref<128x16xf32, #tpu.memory_space<vmem>>) offsets(%dma_start3A_138 : memref<128xi32, #tpu.memory_space<vmem>>) semaphore(%arg16 : memref<!tpu.dma_semaphore, #tpu.memory_space<semaphore_mem>>)
      %dma_wait3A_142 = arith.constant 0 : i32
      %dma_wait3A_143 = arith.constant 0 : i32
      %dma_wait3A_144 = tpu.memref_slice %arg3[%dma_wait3A_142, %dma_wait3A_143] : memref<10240x16xf32, #tpu.memory_space<hbm>> -> memref<256x16xf32, #tpu.memory_space<hbm>>
      %dma_wait3A_145 = arith.constant 0 : i32
      %dma_wait3A_146 = arith.constant 0 : i32
      %dma_wait3A_147 = tpu.memref_slice %arg3[%dma_wait3A_145, %dma_wait3A_146] : memref<10240x16xf32, #tpu.memory_space<hbm>> -> memref<256x16xf32, #tpu.memory_space<hbm>>
      tpu.wait_dma2 semaphore(%arg15 : memref<!tpu.dma_semaphore, #tpu.memory_space<semaphore_mem>>) src(%dma_wait3A_147 : memref<256x16xf32, #tpu.memory_space<hbm>>) dst(%arg9 : memref<256x16xf32, #tpu.memory_space<vmem>>)
      %dma_wait3A_148 = arith.constant 0 : i32
      %dma_wait3A_149 = arith.constant 0 : i32
      %dma_wait3A_150 = tpu.memref_slice %arg4[%dma_wait3A_148, %dma_wait3A_149] : memref<10240x16xf32, #tpu.memory_space<hbm>> -> memref<256x16xf32, #tpu.memory_space<hbm>>
      %dma_wait3A_151 = arith.constant 0 : i32
      %dma_wait3A_152 = arith.constant 0 : i32
      %dma_wait3A_153 = tpu.memref_slice %arg4[%dma_wait3A_151, %dma_wait3A_152] : memref<10240x16xf32, #tpu.memory_space<hbm>> -> memref<256x16xf32, #tpu.memory_space<hbm>>
      tpu.wait_dma2 semaphore(%arg15 : memref<!tpu.dma_semaphore, #tpu.memory_space<semaphore_mem>>) src(%dma_wait3A_153 : memref<256x16xf32, #tpu.memory_space<hbm>>) dst(%arg11 : memref<256x16xf32, #tpu.memory_space<vmem>>)
      %parallel_loop3A = arith.constant 0 : i32
      %parallel_loop3A_154 = arith.constant 256 : i32
      %parallel_loop3A_155 = arith.constant 1 : i32
      scf.for %parallel_loop3A_221 = %parallel_loop3A to %parallel_loop3A_154 step %parallel_loop3A_155  : i32 {
        %parallel_loop3A_222 = arith.index_cast %parallel_loop3A_221 : i32 to index
        %parallel_loop3A_223 = arith.constant 0 : index
        %parallel_loop3A_224 = tpu.vector_load %arg9[%parallel_loop3A_222, %parallel_loop3A_223] {strides = array<i32>} : memref<256x16xf32, #tpu.memory_space<vmem>>, vector<1x16xf32>,
        %parallel_loop3A_225 = vector.shape_cast %parallel_loop3A_224 : vector<1x16xf32> to vector<16xf32>
        %parallel_loop3A_226 = arith.index_cast %parallel_loop3A_221 : i32 to index
        %parallel_loop3A_227 = arith.constant 0 : index
        %parallel_loop3A_228 = tpu.vector_load %arg11[%parallel_loop3A_226, %parallel_loop3A_227] {strides = array<i32>} : memref<256x16xf32, #tpu.memory_space<vmem>>, vector<1x16xf32>,
        %parallel_loop3A_229 = vector.shape_cast %parallel_loop3A_228 : vector<1x16xf32> to vector<16xf32>
        %parallel_loop3A_230 = tpu.iota {dimensions = array<i32: 0>} : vector<16xi32>
        %parallel_loop3A_231 = arith.constant 0 : i32
        %parallel_loop3A_232 = vector.broadcast %parallel_loop3A_231 : i32 to vector<16xi32>
        %parallel_loop3A_233 = arith.muli %parallel_loop3A_230, %parallel_loop3A_232 : vector<16xi32>
        %parallel_loop3A_234 = arith.constant 10 : i32
        %parallel_loop3A_235 = vector.broadcast %parallel_loop3A_234 : i32 to vector<16xi32>
        %parallel_loop3A_236 = arith.addi %parallel_loop3A_233, %parallel_loop3A_235 : vector<16xi32>
        %parallel_loop3A_237 = vector.shape_cast %parallel_loop3A_236 : vector<16xi32> to vector<16x1xi32>
        %parallel_loop3A_238 = vector.shape_cast %parallel_loop3A_237 : vector<16x1xi32> to vector<16xi32>
        %parallel_loop3A_239 = tpu.dynamic_gather %parallel_loop3A_225[%parallel_loop3A_238] in [0] : vector<16xf32>, vector<16xi32> -> vector<16xf32>
        %parallel_loop3A_240 = arith.constant 11 : i32
        %parallel_loop3A_241 = vector.broadcast %parallel_loop3A_240 : i32 to vector<16xi32>
        %parallel_loop3A_242 = arith.addi %parallel_loop3A_233, %parallel_loop3A_241 : vector<16xi32>
        %parallel_loop3A_243 = vector.shape_cast %parallel_loop3A_242 : vector<16xi32> to vector<16x1xi32>
        %parallel_loop3A_244 = vector.shape_cast %parallel_loop3A_243 : vector<16x1xi32> to vector<16xi32>
        %parallel_loop3A_245 = tpu.dynamic_gather %parallel_loop3A_229[%parallel_loop3A_244] in [0] : vector<16xf32>, vector<16xi32> -> vector<16xf32>
        %parallel_loop3A_246 = arith.addf %parallel_loop3A_239, %parallel_loop3A_245 : vector<16xf32>
        %parallel_loop3A_247 = arith.constant 0.000000e+00 : f32
        %parallel_loop3A_248 = vector.broadcast %parallel_loop3A_247 : f32 to vector<16xf32>
        %parallel_loop3A_249 = arith.cmpf ogt, %parallel_loop3A_246, %parallel_loop3A_248 : vector<16xf32>
        %parallel_loop3A_250 = arith.constant 2.000000e-01 : f32
        %parallel_loop3A_251 = vector.broadcast %parallel_loop3A_250 : f32 to vector<16xf32>
        %parallel_loop3A_252 = arith.mulf %parallel_loop3A_251, %parallel_loop3A_246 : vector<16xf32>
        %parallel_loop3A_253 = arith.select %parallel_loop3A_249, %parallel_loop3A_246, %parallel_loop3A_252 : vector<16xi1>, vector<16xf32>
        %parallel_loop3A_254 = math.exp %parallel_loop3A_253 : vector<16xf32>
        %parallel_loop3A_255 = arith.constant 10 : i32
        %parallel_loop3A_256 = vector.broadcast %parallel_loop3A_255 : i32 to vector<16xi32>
        %parallel_loop3A_257 = arith.cmpi eq, %parallel_loop3A_230, %parallel_loop3A_256 : vector<16xi32>
        %parallel_loop3A_258 = arith.constant 1.000000e+00 : f32
        %parallel_loop3A_259 = vector.broadcast %parallel_loop3A_258 : f32 to vector<16xf32>
        %parallel_loop3A_260 = arith.select %parallel_loop3A_257, %parallel_loop3A_259, %parallel_loop3A_225 : vector<16xi1>, vector<16xf32>
        %parallel_loop3A_261 = arith.mulf %parallel_loop3A_260, %parallel_loop3A_254 : vector<16xf32>
        %parallel_loop3A_262 = arith.index_cast %parallel_loop3A_221 : i32 to index
        %parallel_loop3A_263 = arith.constant 0 : index
        %parallel_loop3A_264 = tpu.vector_load %arg13[%parallel_loop3A_262, %parallel_loop3A_263] {strides = array<i32>} : memref<256x16xf32, #tpu.memory_space<vmem>>, vector<1x16xf32>,
        %parallel_loop3A_265 = vector.shape_cast %parallel_loop3A_264 : vector<1x16xf32> to vector<16xf32>
        %parallel_loop3A_266 = vector.shape_cast %parallel_loop3A_261 : vector<16xf32> to vector<1x16xf32>
        tpu.vector_store %arg13[%parallel_loop3A_262, %parallel_loop3A_263], %parallel_loop3A_266 {strides = array<i32>} : memref<256x16xf32, #tpu.memory_space<vmem>>, vector<1x16xf32>,
      } {sc.loop_unroll_factor = 4 : i64, sc.parallel_access}
      %run_scoped3A = arith.constant 2 : i32
      "tpu.region"() ({
        %run_scoped3A_221 = tpu.sem_alloc : memref<!tpu.dma_semaphore, #tpu.memory_space<semaphore_mem>>
        %dma_start3A_222 = arith.constant 0 : i32
        %dma_start3A_223 = arith.constant 0 : i32
        %dma_start3A_224 = tpu.memref_slice %arg13[%dma_start3A_222, %dma_start3A_223] : memref<256x16xf32, #tpu.memory_space<vmem>> -> memref<128x16xf32, #tpu.memory_space<vmem>>
        %dma_start3A_225 = arith.constant 0 : i32
        %dma_start3A_226 = tpu.memref_slice %arg7[%run_scoped3A, %dma_start3A_225] : memref<4x128xi32, #tpu.memory_space<vmem>> -> memref<1x128xi32, #tpu.memory_space<vmem>>
        %dma_start3A_227 = tpu.memref_squeeze %dma_start3A_226 : memref<1x128xi32, #tpu.memory_space<vmem>> -> memref<128xi32, #tpu.memory_space<vmem>>
        %dma_start3A_228 = arith.constant 0 : i32
        %dma_start3A_229 = arith.constant 0 : i32
        %dma_start3A_230 = tpu.memref_slice %arg14[%dma_start3A_228, %dma_start3A_229] : memref<10240x16xf32, #tpu.memory_space<vmem_shared>> -> memref<10240x16xf32, #tpu.memory_space<vmem_shared>>
        tpu.enqueue_indirect_dma source(%dma_start3A_224 : memref<128x16xf32, #tpu.memory_space<vmem>>) target(%dma_start3A_230 : memref<10240x16xf32, #tpu.memory_space<vmem_shared>>) offsets(%dma_start3A_227 : memref<128xi32, #tpu.memory_space<vmem>>) semaphore(%run_scoped3A_221 : memref<!tpu.dma_semaphore, #tpu.memory_space<semaphore_mem>>) {add = true}
        %dma_wait3A_231 = arith.constant 0 : i32
        %dma_wait3A_232 = arith.constant 0 : i32
        %dma_wait3A_233 = tpu.memref_slice %arg13[%dma_wait3A_231, %dma_wait3A_232] : memref<256x16xf32, #tpu.memory_space<vmem>> -> memref<128x16xf32, #tpu.memory_space<vmem>>
        %dma_wait3A_234 = arith.constant 0 : i32
        %dma_wait3A_235 = tpu.memref_slice %arg7[%run_scoped3A, %dma_wait3A_234] : memref<4x128xi32, #tpu.memory_space<vmem>> -> memref<1x128xi32, #tpu.memory_space<vmem>>
        %dma_wait3A_236 = tpu.memref_squeeze %dma_wait3A_235 : memref<1x128xi32, #tpu.memory_space<vmem>> -> memref<128xi32, #tpu.memory_space<vmem>>
        %dma_wait3A_237 = arith.constant 0 : i32
        %dma_wait3A_238 = arith.constant 0 : i32
        %dma_wait3A_239 = tpu.memref_slice %arg14[%dma_wait3A_237, %dma_wait3A_238] : memref<10240x16xf32, #tpu.memory_space<vmem_shared>> -> memref<10240x16xf32, #tpu.memory_space<vmem_shared>>
        tpu.wait_indirect_dma semaphore(%run_scoped3A_221 : memref<!tpu.dma_semaphore, #tpu.memory_space<semaphore_mem>>) src(%dma_wait3A_233 : memref<128x16xf32, #tpu.memory_space<vmem>>) dst(%dma_wait3A_239 : memref<10240x16xf32, #tpu.memory_space<vmem_shared>>)
        tpu.yield
      }) : () -> ()
      %run_scoped3A_156 = arith.constant 3 : i32
      "tpu.region"() ({
        %run_scoped3A_221 = tpu.sem_alloc : memref<!tpu.dma_semaphore, #tpu.memory_space<semaphore_mem>>
        %dma_start3A_222 = arith.constant 128 : i32
        %dma_start3A_223 = arith.constant 0 : i32
        %dma_start3A_224 = tpu.memref_slice %arg13[%dma_start3A_222, %dma_start3A_223] : memref<256x16xf32, #tpu.memory_space<vmem>> -> memref<128x16xf32, #tpu.memory_space<vmem>>
        %dma_start3A_225 = arith.constant 0 : i32
        %dma_start3A_226 = tpu.memref_slice %arg7[%run_scoped3A_156, %dma_start3A_225] : memref<4x128xi32, #tpu.memory_space<vmem>> -> memref<1x128xi32, #tpu.memory_space<vmem>>
        %dma_start3A_227 = tpu.memref_squeeze %dma_start3A_226 : memref<1x128xi32, #tpu.memory_space<vmem>> -> memref<128xi32, #tpu.memory_space<vmem>>
        %dma_start3A_228 = arith.constant 0 : i32
        %dma_start3A_229 = arith.constant 0 : i32
        %dma_start3A_230 = tpu.memref_slice %arg14[%dma_start3A_228, %dma_start3A_229] : memref<10240x16xf32, #tpu.memory_space<vmem_shared>> -> memref<10240x16xf32, #tpu.memory_space<vmem_shared>>
        tpu.enqueue_indirect_dma source(%dma_start3A_224 : memref<128x16xf32, #tpu.memory_space<vmem>>) target(%dma_start3A_230 : memref<10240x16xf32, #tpu.memory_space<vmem_shared>>) offsets(%dma_start3A_227 : memref<128xi32, #tpu.memory_space<vmem>>) semaphore(%run_scoped3A_221 : memref<!tpu.dma_semaphore, #tpu.memory_space<semaphore_mem>>) {add = true}
        %dma_wait3A_231 = arith.constant 128 : i32
        %dma_wait3A_232 = arith.constant 0 : i32
        %dma_wait3A_233 = tpu.memref_slice %arg13[%dma_wait3A_231, %dma_wait3A_232] : memref<256x16xf32, #tpu.memory_space<vmem>> -> memref<128x16xf32, #tpu.memory_space<vmem>>
        %dma_wait3A_234 = arith.constant 0 : i32
        %dma_wait3A_235 = tpu.memref_slice %arg7[%run_scoped3A_156, %dma_wait3A_234] : memref<4x128xi32, #tpu.memory_space<vmem>> -> memref<1x128xi32, #tpu.memory_space<vmem>>
        %dma_wait3A_236 = tpu.memref_squeeze %dma_wait3A_235 : memref<1x128xi32, #tpu.memory_space<vmem>> -> memref<128xi32, #tpu.memory_space<vmem>>
        %dma_wait3A_237 = arith.constant 0 : i32
        %dma_wait3A_238 = arith.constant 0 : i32
        %dma_wait3A_239 = tpu.memref_slice %arg14[%dma_wait3A_237, %dma_wait3A_238] : memref<10240x16xf32, #tpu.memory_space<vmem_shared>> -> memref<10240x16xf32, #tpu.memory_space<vmem_shared>>
        tpu.wait_indirect_dma semaphore(%run_scoped3A_221 : memref<!tpu.dma_semaphore, #tpu.memory_space<semaphore_mem>>) src(%dma_wait3A_233 : memref<128x16xf32, #tpu.memory_space<vmem>>) dst(%dma_wait3A_239 : memref<10240x16xf32, #tpu.memory_space<vmem_shared>>)
        tpu.yield
      }) : () -> ()
      %add3A_157 = arith.constant 2 : i32
      %add3A_158 = arith.addi %add3A_97, %add3A_157 : i32
      %add3A_159 = arith.addi %select_n3A_13, %select_n3A : i32
      %sub3A_160 = arith.constant 1 : i32
      %sub3A_161 = arith.subi %add3A_159, %sub3A_160 : i32
      %min3A = arith.minsi %add3A_158, %sub3A_161 : i32
      %mul3A_162 = arith.constant 4 : i32
      %mul3A_163 = arith.muli %mul3A_162, %min3A : i32
      "tpu.region"() ({
        %run_scoped3A_221 = tpu.sem_alloc : memref<!tpu.dma_semaphore, #tpu.memory_space<semaphore_mem>>
        %dma_start3A_222 = arith.constant 0 : i32
        %dma_start3A_223 = tpu.memref_slice %arg2[%mul3A_163, %dma_start3A_222] : memref<5120x128xi32, #tpu.memory_space<hbm>> -> memref<4x128xi32, #tpu.memory_space<hbm>>
        %dma_start3A_224 = arith.constant 0 : i32
        %dma_start3A_225 = tpu.memref_slice %arg2[%mul3A_163, %dma_start3A_224] : memref<5120x128xi32, #tpu.memory_space<hbm>> -> memref<4x128xi32, #tpu.memory_space<hbm>>
        tpu.enqueue_dma source(%dma_start3A_225 : memref<4x128xi32, #tpu.memory_space<hbm>>) target(%arg7 : memref<4x128xi32, #tpu.memory_space<vmem>>) target_semaphore(%run_scoped3A_221 : memref<!tpu.dma_semaphore, #tpu.memory_space<semaphore_mem>>)
        %dma_wait3A_226 = arith.constant 0 : i32
        %dma_wait3A_227 = tpu.memref_slice %arg2[%mul3A_163, %dma_wait3A_226] : memref<5120x128xi32, #tpu.memory_space<hbm>> -> memref<4x128xi32, #tpu.memory_space<hbm>>
        %dma_wait3A_228 = arith.constant 0 : i32
        %dma_wait3A_229 = tpu.memref_slice %arg2[%mul3A_163, %dma_wait3A_228] : memref<5120x128xi32, #tpu.memory_space<hbm>> -> memref<4x128xi32, #tpu.memory_space<hbm>>
        tpu.wait_dma2 semaphore(%run_scoped3A_221 : memref<!tpu.dma_semaphore, #tpu.memory_space<semaphore_mem>>) src(%dma_wait3A_229 : memref<4x128xi32, #tpu.memory_space<hbm>>) dst(%arg7 : memref<4x128xi32, #tpu.memory_space<vmem>>)
        tpu.yield
      }) : () -> ()
      %dma_start3A_164 = arith.constant 0 : i32
      %dma_start3A_165 = arith.constant 0 : i32
      %dma_start3A_166 = arith.constant 0 : i32
      %dma_start3A_167 = tpu.memref_slice %arg9[%dma_start3A_165, %dma_start3A_166] : memref<256x16xf32, #tpu.memory_space<vmem>> -> memref<128x16xf32, #tpu.memory_space<vmem>>
      %dma_start3A_168 = arith.constant 0 : i32
      %dma_start3A_169 = tpu.memref_slice %arg7[%dma_start3A_164, %dma_start3A_168] : memref<4x128xi32, #tpu.memory_space<vmem>> -> memref<1x128xi32, #tpu.memory_space<vmem>>
      %dma_start3A_170 = tpu.memref_squeeze %dma_start3A_169 : memref<1x128xi32, #tpu.memory_space<vmem>> -> memref<128xi32, #tpu.memory_space<vmem>>
      %dma_start3A_171 = arith.constant 0 : i32
      %dma_start3A_172 = arith.constant 0 : i32
      %dma_start3A_173 = tpu.memref_slice %arg3[%dma_start3A_171, %dma_start3A_172] : memref<10240x16xf32, #tpu.memory_space<hbm>> -> memref<10240x16xf32, #tpu.memory_space<hbm>>
      tpu.enqueue_indirect_dma source(%dma_start3A_173 : memref<10240x16xf32, #tpu.memory_space<hbm>>) target(%dma_start3A_167 : memref<128x16xf32, #tpu.memory_space<vmem>>) offsets(%dma_start3A_170 : memref<128xi32, #tpu.memory_space<vmem>>) semaphore(%arg15 : memref<!tpu.dma_semaphore, #tpu.memory_space<semaphore_mem>>)
      %dma_start3A_174 = arith.constant 2 : i32
      %dma_start3A_175 = arith.constant 0 : i32
      %dma_start3A_176 = arith.constant 0 : i32
      %dma_start3A_177 = tpu.memref_slice %arg11[%dma_start3A_175, %dma_start3A_176] : memref<256x16xf32, #tpu.memory_space<vmem>> -> memref<128x16xf32, #tpu.memory_space<vmem>>
      %dma_start3A_178 = arith.constant 0 : i32
      %dma_start3A_179 = tpu.memref_slice %arg7[%dma_start3A_174, %dma_start3A_178] : memref<4x128xi32, #tpu.memory_space<vmem>> -> memref<1x128xi32, #tpu.memory_space<vmem>>
      %dma_start3A_180 = tpu.memref_squeeze %dma_start3A_179 : memref<1x128xi32, #tpu.memory_space<vmem>> -> memref<128xi32, #tpu.memory_space<vmem>>
      %dma_start3A_181 = arith.constant 0 : i32
      %dma_start3A_182 = arith.constant 0 : i32
      %dma_start3A_183 = tpu.memref_slice %arg4[%dma_start3A_181, %dma_start3A_182] : memref<10240x16xf32, #tpu.memory_space<hbm>> -> memref<10240x16xf32, #tpu.memory_space<hbm>>
      tpu.enqueue_indirect_dma source(%dma_start3A_183 : memref<10240x16xf32, #tpu.memory_space<hbm>>) target(%dma_start3A_177 : memref<128x16xf32, #tpu.memory_space<vmem>>) offsets(%dma_start3A_180 : memref<128xi32, #tpu.memory_space<vmem>>) semaphore(%arg15 : memref<!tpu.dma_semaphore, #tpu.memory_space<semaphore_mem>>)
      %dma_start3A_184 = arith.constant 1 : i32
      %dma_start3A_185 = arith.constant 128 : i32
      %dma_start3A_186 = arith.constant 0 : i32
      %dma_start3A_187 = tpu.memref_slice %arg9[%dma_start3A_185, %dma_start3A_186] : memref<256x16xf32, #tpu.memory_space<vmem>> -> memref<128x16xf32, #tpu.memory_space<vmem>>
      %dma_start3A_188 = arith.constant 0 : i32
      %dma_start3A_189 = tpu.memref_slice %arg7[%dma_start3A_184, %dma_start3A_188] : memref<4x128xi32, #tpu.memory_space<vmem>> -> memref<1x128xi32, #tpu.memory_space<vmem>>
      %dma_start3A_190 = tpu.memref_squeeze %dma_start3A_189 : memref<1x128xi32, #tpu.memory_space<vmem>> -> memref<128xi32, #tpu.memory_space<vmem>>
      %dma_start3A_191 = arith.constant 0 : i32
      %dma_start3A_192 = arith.constant 0 : i32
      %dma_start3A_193 = tpu.memref_slice %arg3[%dma_start3A_191, %dma_start3A_192] : memref<10240x16xf32, #tpu.memory_space<hbm>> -> memref<10240x16xf32, #tpu.memory_space<hbm>>
      tpu.enqueue_indirect_dma source(%dma_start3A_193 : memref<10240x16xf32, #tpu.memory_space<hbm>>) target(%dma_start3A_187 : memref<128x16xf32, #tpu.memory_space<vmem>>) offsets(%dma_start3A_190 : memref<128xi32, #tpu.memory_space<vmem>>) semaphore(%arg15 : memref<!tpu.dma_semaphore, #tpu.memory_space<semaphore_mem>>)
      %dma_start3A_194 = arith.constant 3 : i32
      %dma_start3A_195 = arith.constant 128 : i32
      %dma_start3A_196 = arith.constant 0 : i32
      %dma_start3A_197 = tpu.memref_slice %arg11[%dma_start3A_195, %dma_start3A_196] : memref<256x16xf32, #tpu.memory_space<vmem>> -> memref<128x16xf32, #tpu.memory_space<vmem>>
      %dma_start3A_198 = arith.constant 0 : i32
      %dma_start3A_199 = tpu.memref_slice %arg7[%dma_start3A_194, %dma_start3A_198] : memref<4x128xi32, #tpu.memory_space<vmem>> -> memref<1x128xi32, #tpu.memory_space<vmem>>
      %dma_start3A_200 = tpu.memref_squeeze %dma_start3A_199 : memref<1x128xi32, #tpu.memory_space<vmem>> -> memref<128xi32, #tpu.memory_space<vmem>>
      %dma_start3A_201 = arith.constant 0 : i32
      %dma_start3A_202 = arith.constant 0 : i32
      %dma_start3A_203 = tpu.memref_slice %arg4[%dma_start3A_201, %dma_start3A_202] : memref<10240x16xf32, #tpu.memory_space<hbm>> -> memref<10240x16xf32, #tpu.memory_space<hbm>>
      tpu.enqueue_indirect_dma source(%dma_start3A_203 : memref<10240x16xf32, #tpu.memory_space<hbm>>) target(%dma_start3A_197 : memref<128x16xf32, #tpu.memory_space<vmem>>) offsets(%dma_start3A_200 : memref<128xi32, #tpu.memory_space<vmem>>) semaphore(%arg15 : memref<!tpu.dma_semaphore, #tpu.memory_space<semaphore_mem>>)
      %dma_wait3A_204 = arith.constant 0 : i32
      %dma_wait3A_205 = arith.constant 0 : i32
      %dma_wait3A_206 = tpu.memref_slice %arg3[%dma_wait3A_204, %dma_wait3A_205] : memref<10240x16xf32, #tpu.memory_space<hbm>> -> memref<256x16xf32, #tpu.memory_space<hbm>>
      %dma_wait3A_207 = arith.constant 0 : i32
      %dma_wait3A_208 = arith.constant 0 : i32
      %dma_wait3A_209 = tpu.memref_slice %arg3[%dma_wait3A_207, %dma_wait3A_208] : memref<10240x16xf32, #tpu.memory_space<hbm>> -> memref<256x16xf32, #tpu.memory_space<hbm>>
      tpu.wait_dma2 semaphore(%arg16 : memref<!tpu.dma_semaphore, #tpu.memory_space<semaphore_mem>>) src(%dma_wait3A_209 : memref<256x16xf32, #tpu.memory_space<hbm>>) dst(%arg10 : memref<256x16xf32, #tpu.memory_space<vmem>>)
      %dma_wait3A_210 = arith.constant 0 : i32
      %dma_wait3A_211 = arith.constant 0 : i32
      %dma_wait3A_212 = tpu.memref_slice %arg4[%dma_wait3A_210, %dma_wait3A_211] : memref<10240x16xf32, #tpu.memory_space<hbm>> -> memref<256x16xf32, #tpu.memory_space<hbm>>
      %dma_wait3A_213 = arith.constant 0 : i32
      %dma_wait3A_214 = arith.constant 0 : i32
      %dma_wait3A_215 = tpu.memref_slice %arg4[%dma_wait3A_213, %dma_wait3A_214] : memref<10240x16xf32, #tpu.memory_space<hbm>> -> memref<256x16xf32, #tpu.memory_space<hbm>>
      tpu.wait_dma2 semaphore(%arg16 : memref<!tpu.dma_semaphore, #tpu.memory_space<semaphore_mem>>) src(%dma_wait3A_215 : memref<256x16xf32, #tpu.memory_space<hbm>>) dst(%arg12 : memref<256x16xf32, #tpu.memory_space<vmem>>)
      %parallel_loop3A_216 = arith.constant 0 : i32
      %parallel_loop3A_217 = arith.constant 256 : i32
      %parallel_loop3A_218 = arith.constant 1 : i32
      scf.for %parallel_loop3A_221 = %parallel_loop3A_216 to %parallel_loop3A_217 step %parallel_loop3A_218  : i32 {
        %parallel_loop3A_222 = arith.index_cast %parallel_loop3A_221 : i32 to index
        %parallel_loop3A_223 = arith.constant 0 : index
        %parallel_loop3A_224 = tpu.vector_load %arg10[%parallel_loop3A_222, %parallel_loop3A_223] {strides = array<i32>} : memref<256x16xf32, #tpu.memory_space<vmem>>, vector<1x16xf32>,
        %parallel_loop3A_225 = vector.shape_cast %parallel_loop3A_224 : vector<1x16xf32> to vector<16xf32>
        %parallel_loop3A_226 = arith.index_cast %parallel_loop3A_221 : i32 to index
        %parallel_loop3A_227 = arith.constant 0 : index
        %parallel_loop3A_228 = tpu.vector_load %arg12[%parallel_loop3A_226, %parallel_loop3A_227] {strides = array<i32>} : memref<256x16xf32, #tpu.memory_space<vmem>>, vector<1x16xf32>,
        %parallel_loop3A_229 = vector.shape_cast %parallel_loop3A_228 : vector<1x16xf32> to vector<16xf32>
        %parallel_loop3A_230 = tpu.iota {dimensions = array<i32: 0>} : vector<16xi32>
        %parallel_loop3A_231 = arith.constant 0 : i32
        %parallel_loop3A_232 = vector.broadcast %parallel_loop3A_231 : i32 to vector<16xi32>
        %parallel_loop3A_233 = arith.muli %parallel_loop3A_230, %parallel_loop3A_232 : vector<16xi32>
        %parallel_loop3A_234 = arith.constant 10 : i32
        %parallel_loop3A_235 = vector.broadcast %parallel_loop3A_234 : i32 to vector<16xi32>
        %parallel_loop3A_236 = arith.addi %parallel_loop3A_233, %parallel_loop3A_235 : vector<16xi32>
        %parallel_loop3A_237 = vector.shape_cast %parallel_loop3A_236 : vector<16xi32> to vector<16x1xi32>
        %parallel_loop3A_238 = vector.shape_cast %parallel_loop3A_237 : vector<16x1xi32> to vector<16xi32>
        %parallel_loop3A_239 = tpu.dynamic_gather %parallel_loop3A_225[%parallel_loop3A_238] in [0] : vector<16xf32>, vector<16xi32> -> vector<16xf32>
        %parallel_loop3A_240 = arith.constant 11 : i32
        %parallel_loop3A_241 = vector.broadcast %parallel_loop3A_240 : i32 to vector<16xi32>
        %parallel_loop3A_242 = arith.addi %parallel_loop3A_233, %parallel_loop3A_241 : vector<16xi32>
        %parallel_loop3A_243 = vector.shape_cast %parallel_loop3A_242 : vector<16xi32> to vector<16x1xi32>
        %parallel_loop3A_244 = vector.shape_cast %parallel_loop3A_243 : vector<16x1xi32> to vector<16xi32>
        %parallel_loop3A_245 = tpu.dynamic_gather %parallel_loop3A_229[%parallel_loop3A_244] in [0] : vector<16xf32>, vector<16xi32> -> vector<16xf32>
        %parallel_loop3A_246 = arith.addf %parallel_loop3A_239, %parallel_loop3A_245 : vector<16xf32>
        %parallel_loop3A_247 = arith.constant 0.000000e+00 : f32
        %parallel_loop3A_248 = vector.broadcast %parallel_loop3A_247 : f32 to vector<16xf32>
        %parallel_loop3A_249 = arith.cmpf ogt, %parallel_loop3A_246, %parallel_loop3A_248 : vector<16xf32>
        %parallel_loop3A_250 = arith.constant 2.000000e-01 : f32
        %parallel_loop3A_251 = vector.broadcast %parallel_loop3A_250 : f32 to vector<16xf32>
        %parallel_loop3A_252 = arith.mulf %parallel_loop3A_251, %parallel_loop3A_246 : vector<16xf32>
        %parallel_loop3A_253 = arith.select %parallel_loop3A_249, %parallel_loop3A_246, %parallel_loop3A_252 : vector<16xi1>, vector<16xf32>
        %parallel_loop3A_254 = math.exp %parallel_loop3A_253 : vector<16xf32>
        %parallel_loop3A_255 = arith.constant 10 : i32
        %parallel_loop3A_256 = vector.broadcast %parallel_loop3A_255 : i32 to vector<16xi32>
        %parallel_loop3A_257 = arith.cmpi eq, %parallel_loop3A_230, %parallel_loop3A_256 : vector<16xi32>
        %parallel_loop3A_258 = arith.constant 1.000000e+00 : f32
        %parallel_loop3A_259 = vector.broadcast %parallel_loop3A_258 : f32 to vector<16xf32>
        %parallel_loop3A_260 = arith.select %parallel_loop3A_257, %parallel_loop3A_259, %parallel_loop3A_225 : vector<16xi1>, vector<16xf32>
        %parallel_loop3A_261 = arith.mulf %parallel_loop3A_260, %parallel_loop3A_254 : vector<16xf32>
        %parallel_loop3A_262 = arith.index_cast %parallel_loop3A_221 : i32 to index
        %parallel_loop3A_263 = arith.constant 0 : index
        %parallel_loop3A_264 = tpu.vector_load %arg13[%parallel_loop3A_262, %parallel_loop3A_263] {strides = array<i32>} : memref<256x16xf32, #tpu.memory_space<vmem>>, vector<1x16xf32>,
        %parallel_loop3A_265 = vector.shape_cast %parallel_loop3A_264 : vector<1x16xf32> to vector<16xf32>
        %parallel_loop3A_266 = vector.shape_cast %parallel_loop3A_261 : vector<16xf32> to vector<1x16xf32>
        tpu.vector_store %arg13[%parallel_loop3A_262, %parallel_loop3A_263], %parallel_loop3A_266 {strides = array<i32>} : memref<256x16xf32, #tpu.memory_space<vmem>>, vector<1x16xf32>,
      } {sc.loop_unroll_factor = 4 : i64, sc.parallel_access}
      %run_scoped3A_219 = arith.constant 2 : i32
      "tpu.region"() ({
        %run_scoped3A_221 = tpu.sem_alloc : memref<!tpu.dma_semaphore, #tpu.memory_space<semaphore_mem>>
        %dma_start3A_222 = arith.constant 0 : i32
        %dma_start3A_223 = arith.constant 0 : i32
        %dma_start3A_224 = tpu.memref_slice %arg13[%dma_start3A_222, %dma_start3A_223] : memref<256x16xf32, #tpu.memory_space<vmem>> -> memref<128x16xf32, #tpu.memory_space<vmem>>
        %dma_start3A_225 = arith.constant 0 : i32
        %dma_start3A_226 = tpu.memref_slice %arg8[%run_scoped3A_219, %dma_start3A_225] : memref<4x128xi32, #tpu.memory_space<vmem>> -> memref<1x128xi32, #tpu.memory_space<vmem>>
        %dma_start3A_227 = tpu.memref_squeeze %dma_start3A_226 : memref<1x128xi32, #tpu.memory_space<vmem>> -> memref<128xi32, #tpu.memory_space<vmem>>
        %dma_start3A_228 = arith.constant 0 : i32
        %dma_start3A_229 = arith.constant 0 : i32
        %dma_start3A_230 = tpu.memref_slice %arg14[%dma_start3A_228, %dma_start3A_229] : memref<10240x16xf32, #tpu.memory_space<vmem_shared>> -> memref<10240x16xf32, #tpu.memory_space<vmem_shared>>
        tpu.enqueue_indirect_dma source(%dma_start3A_224 : memref<128x16xf32, #tpu.memory_space<vmem>>) target(%dma_start3A_230 : memref<10240x16xf32, #tpu.memory_space<vmem_shared>>) offsets(%dma_start3A_227 : memref<128xi32, #tpu.memory_space<vmem>>) semaphore(%run_scoped3A_221 : memref<!tpu.dma_semaphore, #tpu.memory_space<semaphore_mem>>) {add = true}
        %dma_wait3A_231 = arith.constant 0 : i32
        %dma_wait3A_232 = arith.constant 0 : i32
        %dma_wait3A_233 = tpu.memref_slice %arg13[%dma_wait3A_231, %dma_wait3A_232] : memref<256x16xf32, #tpu.memory_space<vmem>> -> memref<128x16xf32, #tpu.memory_space<vmem>>
        %dma_wait3A_234 = arith.constant 0 : i32
        %dma_wait3A_235 = tpu.memref_slice %arg8[%run_scoped3A_219, %dma_wait3A_234] : memref<4x128xi32, #tpu.memory_space<vmem>> -> memref<1x128xi32, #tpu.memory_space<vmem>>
        %dma_wait3A_236 = tpu.memref_squeeze %dma_wait3A_235 : memref<1x128xi32, #tpu.memory_space<vmem>> -> memref<128xi32, #tpu.memory_space<vmem>>
        %dma_wait3A_237 = arith.constant 0 : i32
        %dma_wait3A_238 = arith.constant 0 : i32
        %dma_wait3A_239 = tpu.memref_slice %arg14[%dma_wait3A_237, %dma_wait3A_238] : memref<10240x16xf32, #tpu.memory_space<vmem_shared>> -> memref<10240x16xf32, #tpu.memory_space<vmem_shared>>
        tpu.wait_indirect_dma semaphore(%run_scoped3A_221 : memref<!tpu.dma_semaphore, #tpu.memory_space<semaphore_mem>>) src(%dma_wait3A_233 : memref<128x16xf32, #tpu.memory_space<vmem>>) dst(%dma_wait3A_239 : memref<10240x16xf32, #tpu.memory_space<vmem_shared>>)
        tpu.yield
      }) : () -> ()
      %run_scoped3A_220 = arith.constant 3 : i32
      "tpu.region"() ({
        %run_scoped3A_221 = tpu.sem_alloc : memref<!tpu.dma_semaphore, #tpu.memory_space<semaphore_mem>>
        %dma_start3A_222 = arith.constant 128 : i32
        %dma_start3A_223 = arith.constant 0 : i32
        %dma_start3A_224 = tpu.memref_slice %arg13[%dma_start3A_222, %dma_start3A_223] : memref<256x16xf32, #tpu.memory_space<vmem>> -> memref<128x16xf32, #tpu.memory_space<vmem>>
        %dma_start3A_225 = arith.constant 0 : i32
        %dma_start3A_226 = tpu.memref_slice %arg8[%run_scoped3A_220, %dma_start3A_225] : memref<4x128xi32, #tpu.memory_space<vmem>> -> memref<1x128xi32, #tpu.memory_space<vmem>>
        %dma_start3A_227 = tpu.memref_squeeze %dma_start3A_226 : memref<1x128xi32, #tpu.memory_space<vmem>> -> memref<128xi32, #tpu.memory_space<vmem>>
        %dma_start3A_228 = arith.constant 0 : i32
        %dma_start3A_229 = arith.constant 0 : i32
        %dma_start3A_230 = tpu.memref_slice %arg14[%dma_start3A_228, %dma_start3A_229] : memref<10240x16xf32, #tpu.memory_space<vmem_shared>> -> memref<10240x16xf32, #tpu.memory_space<vmem_shared>>
        tpu.enqueue_indirect_dma source(%dma_start3A_224 : memref<128x16xf32, #tpu.memory_space<vmem>>) target(%dma_start3A_230 : memref<10240x16xf32, #tpu.memory_space<vmem_shared>>) offsets(%dma_start3A_227 : memref<128xi32, #tpu.memory_space<vmem>>) semaphore(%run_scoped3A_221 : memref<!tpu.dma_semaphore, #tpu.memory_space<semaphore_mem>>) {add = true}
        %dma_wait3A_231 = arith.constant 128 : i32
        %dma_wait3A_232 = arith.constant 0 : i32
        %dma_wait3A_233 = tpu.memref_slice %arg13[%dma_wait3A_231, %dma_wait3A_232] : memref<256x16xf32, #tpu.memory_space<vmem>> -> memref<128x16xf32, #tpu.memory_space<vmem>>
        %dma_wait3A_234 = arith.constant 0 : i32
        %dma_wait3A_235 = tpu.memref_slice %arg8[%run_scoped3A_220, %dma_wait3A_234] : memref<4x128xi32, #tpu.memory_space<vmem>> -> memref<1x128xi32, #tpu.memory_space<vmem>>
        %dma_wait3A_236 = tpu.memref_squeeze %dma_wait3A_235 : memref<1x128xi32, #tpu.memory_space<vmem>> -> memref<128xi32, #tpu.memory_space<vmem>>
        %dma_wait3A_237 = arith.constant 0 : i32
        %dma_wait3A_238 = arith.constant 0 : i32
        %dma_wait3A_239 = tpu.memref_slice %arg14[%dma_wait3A_237, %dma_wait3A_238] : memref<10240x16xf32, #tpu.memory_space<vmem_shared>> -> memref<10240x16xf32, #tpu.memory_space<vmem_shared>>
        tpu.wait_indirect_dma semaphore(%run_scoped3A_221 : memref<!tpu.dma_semaphore, #tpu.memory_space<semaphore_mem>>) src(%dma_wait3A_233 : memref<128x16xf32, #tpu.memory_space<vmem>>) dst(%dma_wait3A_239 : memref<10240x16xf32, #tpu.memory_space<vmem_shared>>)
        tpu.yield
      }) : () -> ()
    }
    %dma_wait3A = arith.constant 0 : i32
    %dma_wait3A_82 = arith.constant 0 : i32
    %dma_wait3A_83 = tpu.memref_slice %arg3[%dma_wait3A, %dma_wait3A_82] : memref<10240x16xf32, #tpu.memory_space<hbm>> -> memref<256x16xf32, #tpu.memory_space<hbm>>
    %dma_wait3A_84 = arith.constant 0 : i32
    %dma_wait3A_85 = arith.constant 0 : i32
    %dma_wait3A_86 = tpu.memref_slice %arg3[%dma_wait3A_84, %dma_wait3A_85] : memref<10240x16xf32, #tpu.memory_space<hbm>> -> memref<256x16xf32, #tpu.memory_space<hbm>>
    tpu.wait_dma2 semaphore(%arg15 : memref<!tpu.dma_semaphore, #tpu.memory_space<semaphore_mem>>) src(%dma_wait3A_86 : memref<256x16xf32, #tpu.memory_space<hbm>>) dst(%arg9 : memref<256x16xf32, #tpu.memory_space<vmem>>)
    %dma_wait3A_87 = arith.constant 0 : i32
    %dma_wait3A_88 = arith.constant 0 : i32
    %dma_wait3A_89 = tpu.memref_slice %arg4[%dma_wait3A_87, %dma_wait3A_88] : memref<10240x16xf32, #tpu.memory_space<hbm>> -> memref<256x16xf32, #tpu.memory_space<hbm>>
    %dma_wait3A_90 = arith.constant 0 : i32
    %dma_wait3A_91 = arith.constant 0 : i32
    %dma_wait3A_92 = tpu.memref_slice %arg4[%dma_wait3A_90, %dma_wait3A_91] : memref<10240x16xf32, #tpu.memory_space<hbm>> -> memref<256x16xf32, #tpu.memory_space<hbm>>
    tpu.wait_dma2 semaphore(%arg15 : memref<!tpu.dma_semaphore, #tpu.memory_space<semaphore_mem>>) src(%dma_wait3A_92 : memref<256x16xf32, #tpu.memory_space<hbm>>) dst(%arg11 : memref<256x16xf32, #tpu.memory_space<vmem>>)
    %barrier3A_93 = arith.constant 0 : index
    tpu.barrier barrier_id(%barrier3A_93)
    "tpu.region"() ({
      %run_scoped3A = tpu.sem_alloc : memref<!tpu.dma_semaphore, #tpu.memory_space<semaphore_mem>>
      %dma_start3A_94 = arith.constant 0 : i32
      %dma_start3A_95 = tpu.memref_slice %arg6[%arg0, %mul3A_2, %dma_start3A_94] : memref<2x10240x16xf32, #tpu.memory_space<hbm>> -> memref<1x640x16xf32, #tpu.memory_space<hbm>>
      %dma_start3A_96 = tpu.memref_squeeze %dma_start3A_95 : memref<1x640x16xf32, #tpu.memory_space<hbm>> -> memref<640x16xf32, #tpu.memory_space<hbm>>
      %dma_start3A_97 = arith.constant 0 : i32
      %dma_start3A_98 = tpu.memref_slice %arg14[%mul3A_2, %dma_start3A_97] : memref<10240x16xf32, #tpu.memory_space<vmem_shared>> -> memref<640x16xf32, #tpu.memory_space<vmem_shared>>
      tpu.enqueue_dma source(%dma_start3A_98 : memref<640x16xf32, #tpu.memory_space<vmem_shared>>) target(%dma_start3A_96 : memref<640x16xf32, #tpu.memory_space<hbm>>) target_semaphore(%run_scoped3A : memref<!tpu.dma_semaphore, #tpu.memory_space<semaphore_mem>>)
      %dma_wait3A_99 = arith.constant 0 : i32
      %dma_wait3A_100 = tpu.memref_slice %arg6[%arg0, %mul3A_2, %dma_wait3A_99] : memref<2x10240x16xf32, #tpu.memory_space<hbm>> -> memref<1x640x16xf32, #tpu.memory_space<hbm>>
      %dma_wait3A_101 = tpu.memref_squeeze %dma_wait3A_100 : memref<1x640x16xf32, #tpu.memory_space<hbm>> -> memref<640x16xf32, #tpu.memory_space<hbm>>
      %dma_wait3A_102 = arith.constant 0 : i32
      %dma_wait3A_103 = tpu.memref_slice %arg14[%mul3A_2, %dma_wait3A_102] : memref<10240x16xf32, #tpu.memory_space<vmem_shared>> -> memref<640x16xf32, #tpu.memory_space<vmem_shared>>
      tpu.wait_dma2 semaphore(%run_scoped3A : memref<!tpu.dma_semaphore, #tpu.memory_space<semaphore_mem>>) src(%dma_wait3A_103 : memref<640x16xf32, #tpu.memory_space<vmem_shared>>) dst(%dma_wait3A_101 : memref<640x16xf32, #tpu.memory_space<hbm>>)
      tpu.yield
    }) : () -> ()
    return
  }
}

module attributes {stable_mosaic.version = 14 : i64} {
  func.func @_tc1_body(%arg0: memref<10240x128xf32, #tpu.memory_space<vmem>>, %arg1: memref<128x64xf32, #tpu.memory_space<vmem>>, %arg2: memref<64x8xf32, #tpu.memory_space<vmem>>, %arg3: memref<64x8xf32, #tpu.memory_space<vmem>>, %arg4: memref<10240x80xf32, #tpu.memory_space<vmem>>, %arg5: memref<10240x16xf32, #tpu.memory_space<vmem>>) attributes {dimension_semantics = [], scalar_prefetch = 0 : i64, scratch_operands = 0 : i64, tpu.core_type = #tpu.core_type<tc>} {
    %get3A = arith.constant 0 : index
    %get3A_0 = arith.constant 0 : index
    %get3A_1 = vector.load %arg0[%get3A, %get3A_0] : memref<10240x128xf32, #tpu.memory_space<vmem>>, vector<10240x128xf32>
    %get3A_2 = arith.constant 0 : index
    %get3A_3 = arith.constant 0 : index
    %get3A_4 = vector.load %arg1[%get3A_2, %get3A_3] : memref<128x64xf32, #tpu.memory_space<vmem>>, vector<128x64xf32>
    %dot_general3A = arith.constant dense<0.000000e+00> : vector<10240x64xf32>
    %dot_general3A_5 = tpu.matmul %get3A_1, %get3A_4, %dot_general3A {dimension_numbers = #tpu.dot_dimension_numbers<[1], [0], [0], [1], [0, 0, 1, 1], [], []>, transpose_lhs_hint = false} : vector<10240x128xf32>, vector<128x64xf32>, vector<10240x64xf32> -> vector<10240x64xf32>
    %get3A_6 = arith.constant 0 : index
    %get3A_7 = arith.constant 0 : index
    %get3A_8 = vector.load %arg2[%get3A_6, %get3A_7] : memref<64x8xf32, #tpu.memory_space<vmem>>, vector<64x8xf32>
    %dot_general3A_9 = arith.constant dense<0.000000e+00> : vector<10240x8xf32>
    %dot_general3A_10 = tpu.matmul %dot_general3A_5, %get3A_8, %dot_general3A_9 {dimension_numbers = #tpu.dot_dimension_numbers<[1], [0], [0], [1], [0, 0, 1, 1], [], []>, transpose_lhs_hint = false} : vector<10240x64xf32>, vector<64x8xf32>, vector<10240x8xf32> -> vector<10240x8xf32>
    %get3A_11 = arith.constant 0 : index
    %get3A_12 = arith.constant 0 : index
    %get3A_13 = vector.load %arg3[%get3A_11, %get3A_12] : memref<64x8xf32, #tpu.memory_space<vmem>>, vector<64x8xf32>
    %dot_general3A_14 = arith.constant dense<0.000000e+00> : vector<10240x8xf32>
    %dot_general3A_15 = tpu.matmul %dot_general3A_5, %get3A_13, %dot_general3A_14 {dimension_numbers = #tpu.dot_dimension_numbers<[1], [0], [0], [1], [0, 0, 1, 1], [], []>, transpose_lhs_hint = false} : vector<10240x64xf32>, vector<64x8xf32>, vector<10240x8xf32> -> vector<10240x8xf32>
    %broadcast_in_dim3A = arith.constant 0.000000e+00 : f32
    %broadcast_in_dim3A_16 = vector.broadcast %broadcast_in_dim3A : f32 to vector<10240x8xf32>
    %concatenate3A = tpu.concatenate %dot_general3A_5, %dot_general3A_10, %broadcast_in_dim3A_16 in 1 : vector<10240x64xf32>, vector<10240x8xf32>, vector<10240x8xf32> -> vector<10240x80xf32>
    %swap3A = arith.constant 0 : index
    %swap3A_17 = arith.constant 0 : index
    %swap3A_18 = vector.load %arg4[%swap3A, %swap3A_17] : memref<10240x80xf32, #tpu.memory_space<vmem>>, vector<10240x80xf32>
    tpu.vector_store %arg4[%swap3A, %swap3A_17], %concatenate3A {strides = array<i32>} : memref<10240x80xf32, #tpu.memory_space<vmem>>, vector<10240x80xf32>,
    %concatenate3A_19 = tpu.concatenate %dot_general3A_15, %broadcast_in_dim3A_16 in 1 : vector<10240x8xf32>, vector<10240x8xf32> -> vector<10240x16xf32>
    %swap3A_20 = arith.constant 0 : index
    %swap3A_21 = arith.constant 0 : index
    %swap3A_22 = vector.load %arg5[%swap3A_20, %swap3A_21] : memref<10240x16xf32, #tpu.memory_space<vmem>>, vector<10240x16xf32>
    tpu.vector_store %arg5[%swap3A_20, %swap3A_21], %concatenate3A_19 {strides = array<i32>} : memref<10240x16xf32, #tpu.memory_space<vmem>>, vector<10240x16xf32>,
    return
  }
}

module attributes {stable_mosaic.version = 14 : i64} {
  func.func @_tc2_body(%arg0: memref<2x10240x80xf32, #tpu.memory_space<vmem>>, %arg1: memref<64x10xf32, #tpu.memory_space<vmem>>, %arg2: memref<10x16xf32, #tpu.memory_space<vmem>>, %arg3: memref<1x64xf32, #tpu.memory_space<vmem>>, %arg4: memref<8x64xf32, #tpu.memory_space<vmem>>, %arg5: memref<10240x16xf32, #tpu.memory_space<vmem>>) attributes {dimension_semantics = [], scalar_prefetch = 0 : i64, scratch_operands = 0 : i64, tpu.core_type = #tpu.core_type<tc>} {
    %get3A = arith.constant 0 : index
    %get3A_0 = arith.constant 0 : index
    %get3A_1 = arith.constant 0 : index
    %get3A_2 = vector.load %arg0[%get3A, %get3A_0, %get3A_1] : memref<2x10240x80xf32, #tpu.memory_space<vmem>>, vector<1x10240x80xf32>
    %get3A_3 = vector.shape_cast %get3A_2 : vector<1x10240x80xf32> to vector<10240x80xf32>
    %get3A_4 = arith.constant 1 : index
    %get3A_5 = arith.constant 0 : index
    %get3A_6 = arith.constant 0 : index
    %get3A_7 = vector.load %arg0[%get3A_4, %get3A_5, %get3A_6] : memref<2x10240x80xf32, #tpu.memory_space<vmem>>, vector<1x10240x80xf32>
    %get3A_8 = vector.shape_cast %get3A_7 : vector<1x10240x80xf32> to vector<10240x80xf32>
    %add3A = arith.addf %get3A_3, %get3A_8 : vector<10240x80xf32>
    %slice3A = vector.extract_strided_slice %add3A {offsets = [0, 0], sizes = [10240, 64], strides = [1, 1]} : vector<10240x80xf32> to vector<10240x64xf32>
    %slice3A_9 = vector.extract_strided_slice %add3A {offsets = [0, 64], sizes = [10240, 8], strides = [1, 1]} : vector<10240x80xf32> to vector<10240x8xf32>
    %get3A_10 = arith.constant 0 : index
    %get3A_11 = arith.constant 0 : index
    %get3A_12 = vector.load %arg4[%get3A_10, %get3A_11] : memref<8x64xf32, #tpu.memory_space<vmem>>, vector<8x64xf32>
    %dot_general3A = arith.constant dense<0.000000e+00> : vector<10240x64xf32>
    %dot_general3A_13 = tpu.matmul %slice3A_9, %get3A_12, %dot_general3A {dimension_numbers = #tpu.dot_dimension_numbers<[1], [0], [0], [1], [0, 0, 1, 1], [], []>, transpose_lhs_hint = false} : vector<10240x8xf32>, vector<8x64xf32>, vector<10240x64xf32> -> vector<10240x64xf32>
    %add3A_14 = arith.constant 1.000000e-16 : f32
    %add3A_15 = vector.broadcast %add3A_14 : f32 to vector<10240x64xf32>
    %add3A_16 = arith.addf %dot_general3A_13, %add3A_15 : vector<10240x64xf32>
    %div3A = arith.divf %slice3A, %add3A_16 : vector<10240x64xf32>
    %get3A_17 = arith.constant 0 : index
    %get3A_18 = arith.constant 0 : index
    %get3A_19 = vector.load %arg3[%get3A_17, %get3A_18] : memref<1x64xf32, #tpu.memory_space<vmem>>, vector<1x64xf32>
    %add3A_20 = vector.broadcast %get3A_19 : vector<1x64xf32> to vector<10240x64xf32>
    %add3A_21 = arith.addf %div3A, %add3A_20 : vector<10240x64xf32>
    %gt3A = arith.constant 0.000000e+00 : f32
    %gt3A_22 = vector.broadcast %gt3A : f32 to vector<10240x64xf32>
    %gt3A_23 = arith.cmpf ogt, %add3A_21, %gt3A_22 : vector<10240x64xf32>
    %min3A = arith.constant 0.000000e+00 : f32
    %min3A_24 = vector.broadcast %min3A : f32 to vector<10240x64xf32>
    %min3A_25 = arith.minimumf %add3A_21, %min3A_24 : vector<10240x64xf32>
    %exp3A = math.exp %min3A_25 : vector<10240x64xf32>
    %sub3A = arith.constant 1.000000e+00 : f32
    %sub3A_26 = vector.broadcast %sub3A : f32 to vector<10240x64xf32>
    %sub3A_27 = arith.subf %exp3A, %sub3A_26 : vector<10240x64xf32>
    %select_n3A = arith.select %gt3A_23, %add3A_21, %sub3A_27 : vector<10240x64xi1>, vector<10240x64xf32>
    %get3A_28 = arith.constant 0 : index
    %get3A_29 = arith.constant 0 : index
    %get3A_30 = vector.load %arg1[%get3A_28, %get3A_29] : memref<64x10xf32, #tpu.memory_space<vmem>>, vector<64x10xf32>
    %dot_general3A_31 = arith.constant dense<0.000000e+00> : vector<10240x10xf32>
    %dot_general3A_32 = tpu.matmul %select_n3A, %get3A_30, %dot_general3A_31 {dimension_numbers = #tpu.dot_dimension_numbers<[1], [0], [0], [1], [0, 0, 1, 1], [], []>, transpose_lhs_hint = false} : vector<10240x64xf32>, vector<64x10xf32>, vector<10240x10xf32> -> vector<10240x10xf32>
    %get3A_33 = arith.constant 0 : index
    %get3A_34 = arith.constant 0 : index
    %get3A_35 = vector.load %arg2[%get3A_33, %get3A_34] : memref<10x16xf32, #tpu.memory_space<vmem>>, vector<10x16xf32>
    %dot_general3A_36 = arith.constant dense<0.000000e+00> : vector<10240x16xf32>
    %dot_general3A_37 = tpu.matmul %dot_general3A_32, %get3A_35, %dot_general3A_36 {dimension_numbers = #tpu.dot_dimension_numbers<[1], [0], [0], [1], [0, 0, 1, 1], [], []>, transpose_lhs_hint = false} : vector<10240x10xf32>, vector<10x16xf32>, vector<10240x16xf32> -> vector<10240x16xf32>
    %swap3A = arith.constant 0 : index
    %swap3A_38 = arith.constant 0 : index
    %swap3A_39 = vector.load %arg5[%swap3A, %swap3A_38] : memref<10240x16xf32, #tpu.memory_space<vmem>>, vector<10240x16xf32>
    tpu.vector_store %arg5[%swap3A, %swap3A_38], %dot_general3A_37 {strides = array<i32>} : memref<10240x16xf32, #tpu.memory_space<vmem>>, vector<10240x16xf32>,
    return
  }
}

module attributes {stable_mosaic.version = 14 : i64} {
  func.func @_tc3_body(%arg0: memref<2x10240x16xf32, #tpu.memory_space<vmem>>, %arg1: memref<1x10xf32, #tpu.memory_space<vmem>>, %arg2: memref<10000x1xi32, #tpu.memory_space<vmem>>, %arg3: memref<128x10xf32, #tpu.memory_space<vmem>>) attributes {dimension_semantics = [], scalar_prefetch = 0 : i64, scratch_operands = 0 : i64, tpu.core_type = #tpu.core_type<tc>} {
    %get3A = arith.constant 0 : index
    %get3A_0 = arith.constant 0 : index
    %get3A_1 = arith.constant 0 : index
    %get3A_2 = vector.load %arg0[%get3A, %get3A_0, %get3A_1] : memref<2x10240x16xf32, #tpu.memory_space<vmem>>, vector<1x10240x16xf32>
    %get3A_3 = vector.shape_cast %get3A_2 : vector<1x10240x16xf32> to vector<10240x16xf32>
    %get3A_4 = arith.constant 1 : index
    %get3A_5 = arith.constant 0 : index
    %get3A_6 = arith.constant 0 : index
    %get3A_7 = vector.load %arg0[%get3A_4, %get3A_5, %get3A_6] : memref<2x10240x16xf32, #tpu.memory_space<vmem>>, vector<1x10240x16xf32>
    %get3A_8 = vector.shape_cast %get3A_7 : vector<1x10240x16xf32> to vector<10240x16xf32>
    %add3A = arith.addf %get3A_3, %get3A_8 : vector<10240x16xf32>
    %slice3A = vector.extract_strided_slice %add3A {offsets = [0, 0], sizes = [10000, 16], strides = [1, 1]} : vector<10240x16xf32> to vector<10000x16xf32>
    %slice3A_9 = vector.extract_strided_slice %slice3A {offsets = [0, 10], sizes = [10000, 1], strides = [1, 1]} : vector<10000x16xf32> to vector<10000x1xf32>
    %slice3A_10 = vector.extract_strided_slice %slice3A {offsets = [0, 0], sizes = [10000, 10], strides = [1, 1]} : vector<10000x16xf32> to vector<10000x10xf32>
    %add3A_11 = arith.constant 1.000000e-16 : f32
    %add3A_12 = vector.broadcast %add3A_11 : f32 to vector<10000x1xf32>
    %add3A_13 = arith.addf %slice3A_9, %add3A_12 : vector<10000x1xf32>
    %div3A = vector.broadcast %add3A_13 : vector<10000x1xf32> to vector<10000x10xf32>
    %div3A_14 = arith.divf %slice3A_10, %div3A : vector<10000x10xf32>
    %get3A_15 = arith.constant 0 : index
    %get3A_16 = arith.constant 0 : index
    %get3A_17 = vector.load %arg1[%get3A_15, %get3A_16] : memref<1x10xf32, #tpu.memory_space<vmem>>, vector<1x10xf32>
    %add3A_18 = vector.broadcast %get3A_17 : vector<1x10xf32> to vector<10000x10xf32>
    %add3A_19 = arith.addf %div3A_14, %add3A_18 : vector<10000x10xf32>
    %iota3A = tpu.iota {dimensions = array<i32: 1>} : vector<10000x128xi32>
    %get3A_20 = arith.constant 0 : index
    %get3A_21 = arith.constant 0 : index
    %get3A_22 = vector.load %arg2[%get3A_20, %get3A_21] : memref<10000x1xi32, #tpu.memory_space<vmem>>, vector<10000x1xi32>
    %eq3A = vector.broadcast %get3A_22 : vector<10000x1xi32> to vector<10000x128xi32>
    %eq3A_23 = arith.cmpi eq, %eq3A, %iota3A : vector<10000x128xi32>
    %convert_element_type3A = arith.extui %eq3A_23 : vector<10000x128xi1> to vector<10000x128xi32>
    %convert_element_type3A_24 = arith.sitofp %convert_element_type3A : vector<10000x128xi32> to vector<10000x128xf32>
    %dot_general3A = arith.constant dense<0.000000e+00> : vector<128x10xf32>
    %dot_general3A_25 = tpu.matmul %convert_element_type3A_24, %add3A_19, %dot_general3A {dimension_numbers = #tpu.dot_dimension_numbers<[0], [0], [1], [1], [0, 1, 1, 1], [], []>, transpose_lhs_hint = false} : vector<10000x128xf32>, vector<10000x10xf32>, vector<128x10xf32> -> vector<128x10xf32>
    %broadcast_in_dim3A = arith.constant 1.000000e+00 : f32
    %broadcast_in_dim3A_26 = vector.broadcast %broadcast_in_dim3A : f32 to vector<10000x1xf32>
    %dot_general3A_27 = arith.constant dense<0.000000e+00> : vector<128x1xf32>
    %dot_general3A_28 = tpu.matmul %convert_element_type3A_24, %broadcast_in_dim3A_26, %dot_general3A_27 {dimension_numbers = #tpu.dot_dimension_numbers<[0], [0], [1], [1], [0, 1, 1, 1], [], []>, transpose_lhs_hint = false} : vector<10000x128xf32>, vector<10000x1xf32>, vector<128x1xf32> -> vector<128x1xf32>
    %max3A = arith.constant 1.000000e+00 : f32
    %max3A_29 = vector.broadcast %max3A : f32 to vector<128x1xf32>
    %max3A_30 = arith.maximumf %dot_general3A_28, %max3A_29 : vector<128x1xf32>
    %div3A_31 = vector.broadcast %max3A_30 : vector<128x1xf32> to vector<128x10xf32>
    %div3A_32 = arith.divf %dot_general3A_25, %div3A_31 : vector<128x10xf32>
    %swap3A = arith.constant 0 : index
    %swap3A_33 = arith.constant 0 : index
    %swap3A_34 = vector.load %arg3[%swap3A, %swap3A_33] : memref<128x10xf32, #tpu.memory_space<vmem>>, vector<128x10xf32>
    tpu.vector_store %arg3[%swap3A, %swap3A_33], %div3A_32 {strides = array<i32>} : memref<128x10xf32, #tpu.memory_space<vmem>>, vector<128x10xf32>,
    return
  }
}

</mosaic_0001>

<sc_bundles>
// kernel: kernel.10.cloned.1.call-start
scs
__scs_entry_jumppad:
0x0: {  	(pc) =	sbr.rel $0x88, $3  }
0x1: {  	(tag) =	ssettag $0x0;
	lr =	simm.s32 $0x1  }
0x2: {  	[smem:$0x3F96] =	sst lr;
	_ =	strace $0xD0000000  }
0x3: {  	_ = 	snop  }
0x4: {  	_ = 	snop  }
0x5: {  	_ = 	snop  }
0x6: {  	_ = 	snop  }
0x7: {  	_ = 	snop  }
__scs_overlays_trampoline_lowered:
0x8: {  	[smem:$0x3FA5] =	sst s0  }
0x9: {  	[smem:$0x3FA6] =	sst s1  }
0xa: {  	[smem:$0x3FA7] =	sst s2  }
0xb: {  	[smem:$0x3FA8] =	sst s3  }
0xc: {  	[smem:$0x3FA9] =	sst s4  }
0xd: {  	[smem:$0x3FAA] =	sst s5  }
0xe: {  	[smem:$0x3FAB] =	sst s6  }
0xf: {  	[smem:$0x3FAC] =	sst s7  }
0x10: {  	[smem:$0x3FAD] =	sst s8  }
0x11: {  	[smem:$0x3FAE] =	sst s9;
	s0 =	simm.s32 @!p0 $0x0  }
0x12: {  	s1 =	sld [smem:$0x3F94];
	s0 =	simm.s32 @p0 $0x1  }
0x13: {  	[smem:$0x3FAF] =	sst s0;
	s0 =	simm.s32 @!p1 $0x0  }
0x14: {  	s2 =	sld [smem:$0x3F93];
	s0 =	simm.s32 @p1 $0x1  }
0x15: {  	[smem:$0x3FB0] =	sst s0;
	s0 =	simm.s32 @!p2 $0x0  }
0x16: {  	s3 =	sld [smem:$0x3FDB];
	s0 =	simm.s32 @p2 $0x1  }
0x17: {  	s4 =	simm.s32 $0x1BF5;
	[smem:$0x3FB2] =	sst s0  }
0x18: {  	s0 =	sld [smem:$0x3F95];
	_ =	swait.ge [sflag:s4], $0x0  }
0x19: {  	s7 =	sld [smem:$0x3F96]  }
0x1a: {  	s8 =	sadd.s32 $0xFFFFE003, lr  }
0x1b: {  	s9 =	sadd.s32 $0xFFFFFEF7, lr;
	s5 =	simm.s32 $0xFFFFFFFF;
	p2 =	slt.u32 s8, $0xFFFFF086  }
0x1c: {  	p1 =	slt.u32 s9, $0xF7A;
	s5 =	simm.s32 @!p2 $0x0  }
0x1d: {  	s5 =	simm.s32 @p1 $0x1;
	p0 =	seq.s32 s7, s2  }
0x1e: {  	s7 =	smul.u32 @!p0 $0xF7A, s2;
	p2 =	seq.s32 @!p0 s5, $0x0  }
0x1f: {  	s9 =	smul.u32 $0xF7A, s1;
	s8 =	simm.s32 @!p0 $0x1BF5;
	p2 =	por !p2, p0  }
0x20: {  	[sflag:s8] =	ssyncset.s32 @!p0 $0xFFFFF086;
	s6 =	sadd.s32 @!p0 s3, s7;
	s7 =	simm.s32 @!p0 $0x108  }
0x21: {  	s3 =	sadd.s32 s3, s9;
	s6 =	sadd.s32 @!p0 $0x88, s6;
	s7 =	simm.s32 @p2 $0x1082  }
0x22: {  	[simem:s7], [sflag:s8] =	dma.local @!p0 [hbm:s6], $0xF7A  }
0x23: {  	s9 =	sor.u32 $0xD0000000, s2;
	s6 =	simm.s32 $0x108;
	_ =	swait.ge @!p0 [sflag:s8], $0x0  }
0x24: {  	s3 =	sadd.s32 $0x88, s3;
	s6 =	simm.s32 @!p1 $0x1082;
	[sflag:s4] =	ssyncset.s32 $0xFFFFF086  }
0x25: {  	[simem:s6], [sflag:s4] =	dma.local [hbm:s3], $0xF7A  }
0x26: {  	[smem:$0x3F96] =	sst s1;
	(tag) =	ssettag s2;
	_ =	strace s9  }
0x27: {  	s1 =	sld [smem:$0x3FA6]  }
0x28: {  	s2 =	sld [smem:$0x3FA7]  }
0x29: {  	s4 =	sld [smem:$0x3FA9]  }
0x2a: {  	p0 =	seq.s32 s5, $0x0;
	s5 =	sld [smem:$0x3FAA]  }
0x2b: {  	s6 =	sld [smem:$0x3FAB]  }
0x2c: {  	s7 =	sld [smem:$0x3FAC]  }
0x2d: {  	s3 =	simm.s32 $0x108;
	s8 =	sld [smem:$0x3FAD]  }
0x2e: {  	s3 =	simm.s32 @!p0 $0x1082;
	s9 =	sld [smem:$0x3FAE]  }
0x2f: {  	lr =	sadd.s32 s0, s3;
	s0 =	sld [smem:$0x3FA5]  }
0x30: {  	s3 =	sld [smem:$0x3FA8]  }
0x31: {  	[smem:$0x3FB1] =	sst s10  }
0x32: {  	s10 =	sld [smem:$0x3FAF];
	_ =	sdelay $0x3  }
0x33: {  	p0 =	seq.s32 s10, $0x1;
	s10 =	sld [smem:$0x3FB1];
	_ =	sdelay $0x3  }
0x34: {  	[smem:$0x3FB1] =	sst s10  }
0x35: {  	s10 =	sld [smem:$0x3FB0];
	_ =	sdelay $0x3  }
0x36: {  	p1 =	seq.s32 s10, $0x1;
	s10 =	sld [smem:$0x3FB1];
	_ =	sdelay $0x3  }
0x37: {  	[smem:$0x3FB1] =	sst s10  }
0x38: {  	s10 =	sld [smem:$0x3FB2]  }
0x39: {  	_ = 	snop;
	(pc) =	sbr.ind lr, $3  }
0x3a: {  	_ = 	snop  }
0x3b: {  	_ = 	snop  }
0x3c: {  	p2 =	seq.s32 s10, $0x1;
	s10 =	sld [smem:$0x3FB1]  }
0x3d: {  	_ =	shalt  }
0x3e: {  	_ =	shalt  }
0x3f: {  	_ =	shalt  }
0x40: {  	_ =	shalt  }
0x41: {  	_ =	shalt  }
0x42: {  	_ =	shalt  }
0x43: {  	_ =	shalt  }
0x44: {  	_ =	shalt  }
0x45: {  	_ =	shalt  }
0x46: {  	_ =	shalt  }
0x47: {  	_ =	shalt  }
0x48: {  	_ =	shalt  }
0x49: {  	_ =	shalt  }
0x4a: {  	_ =	shalt  }
0x4b: {  	_ =	shalt  }
0x4c: {  	_ =	shalt  }
0x4d: {  	_ =	shalt  }
0x4e: {  	_ =	shalt  }
0x4f: {  	_ =	shalt  }
0x50: {  	_ =	shalt  }
0x51: {  	_ =	shalt  }
0x52: {  	_ =	shalt  }
0x53: {  	_ =	shalt  }
0x54: {  	_ =	shalt  }
0x55: {  	_ =	shalt  }
0x56: {  	_ =	shalt  }
0x57: {  	_ =	shalt  }
0x58: {  	_ =	shalt  }
0x59: {  	_ =	shalt  }
0x5a: {  	_ =	shalt  }
0x5b: {  	_ =	shalt  }
0x5c: {  	_ =	shalt  }
0x5d: {  	_ =	shalt  }
0x5e: {  	_ =	shalt  }
0x5f: {  	_ =	shalt  }
0x60: {  	_ =	shalt  }
0x61: {  	_ =	shalt  }
0x62: {  	_ =	shalt  }
0x63: {  	_ =	shalt  }
0x64: {  	_ =	shalt  }
0x65: {  	_ =	shalt  }
0x66: {  	_ =	shalt  }
0x67: {  	_ =	shalt  }
0x68: {  	_ =	shalt  }
0x69: {  	_ =	shalt  }
0x6a: {  	_ =	shalt  }
0x6b: {  	_ =	shalt  }
0x6c: {  	_ =	shalt  }
0x6d: {  	_ =	shalt  }
0x6e: {  	_ =	shalt  }
0x6f: {  	_ =	shalt  }
0x70: {  	_ =	shalt  }
0x71: {  	_ =	shalt  }
0x72: {  	_ =	shalt  }
0x73: {  	_ =	shalt  }
0x74: {  	_ =	shalt  }
0x75: {  	_ =	shalt  }
0x76: {  	_ =	shalt  }
0x77: {  	_ =	shalt  }
0x78: {  	_ =	shalt  }
0x79: {  	_ =	shalt  }
0x7a: {  	_ =	shalt  }
0x7b: {  	_ =	shalt  }
0x7c: {  	_ =	shalt  }
0x7d: {  	_ =	shalt  }
0x7e: {  	_ =	shalt  }
0x7f: {  	_ =	shalt  }
0x80: {  	_ =	shalt  }
0x81: {  	_ =	shalt  }
0x82: {  	_ =	shalt  }
0x83: {  	_ =	shalt  }
0x84: {  	_ =	shalt  }
0x85: {  	_ =	shalt  }
0x86: {  	_ =	shalt  }
0x87: {  	_ =	shalt  }
.Lfunc_end0:
.L_simem_size_0:
called_computation.1_lowered:
.L_overlay_start_0:
0x88: {  	s2 =	sld [smem:$0x3FD9]  }
0x89: {  	s3 =	sld [smem:$0x3FFE];
	_ =	sdelay $0x1  }
0x8a: {  	s1 =	srdreg.scid  }
0x8b: {  	s0 =	sand.u32 $0x1, s1  }
0x8c: {  	s16 =	sshll.u32 s0, $0xA;
	s2 =	sadd.s32 s3, s2  }
0x8d: {  	s2 =	sadd.s32 s2, s16  }
0x8e: {  	[smem:$0x3FBD] =	sst s2  }
0x8f: {  	_ = 	snop  }
0x90: {  	(tm) =	ssettm $0x1  }
0x91: {  	s17 =	sld [smem:$0x3FFB];
	_ =	sdelay $0x3  }
0x92: {  	_ =	strace s17  }
0x93: {  	s2 =	sld [smem:$0x3FFC];
	_ =	sdelay $0x3  }
0x94: {  	_ =	strace s2  }
0x95: {  	s2 =	sld [smem:$0x3FFD];
	_ =	sdelay $0x3  }
0x96: {  	_ =	strace s2  }
0x97: {  	_ =	strace $0x8FFFFFFF  }
0x98: {  	s18 =	sld [smem:$0x3FDB];
	_ =	sdelay $0x1  }
0x99: {  	s19 =	simm.s32 $_scs_section_size  }
0x9a: {  	s4 =	simm.s32 $_size__tile_overlayer_lowered;
	s5 =	simm.s32 $_tile_overlayer_lowered  }
0x9b: {  	s22 =	simm.s32 $0x1BFF;
	s21 =	sshll.u32 s5, $0x1;
	s2 =	sadd.s32 s19, s18  }
0x9c: {  	s6 =	simm.s32 $0x0;
	s20 =	sshll.u32 s4, $0x1;
	s4 =	sadd.s32 s21, s2  }
0x9d: {  	[timem:s6], [sflag:s22] =	dma.local [hbm:s4], s20  }
0x9e: {  	_ =	swait.ge [sflag:s22], s20  }
0x9f: {  	s3 =	ssub.s32 $0x0, s20;
	[sflag:s22] =	ssyncset.done $0x0  }
0xa0: {  	[sflag:s22] =	ssyncadd.s32 s3;
	_ =	sdelay $0x1  }
0xa1: {  	s23 =	simm.s32 $0x1B8B  }
0xa2: {  	_ =	swait.ge [sflag:s23], $0x1  }
0xa3: {  	[sflag:s23] =	ssyncset.done $0x0  }
0xa4: {  	s25 =	simm.s32 $0x1B8E;
	s24 =	sld [smem:$0x3FFE];
	[sflag:s23] =	ssyncadd.s32 $0xFFFFFFFF  }
0xa5: {  	s26 =	simm.s32 $execute0_lowered;
	[smem:$0x3FD2] =	sst s25  }
0xa6: {  	s4 =	sshll.u32 s26, $0x1;
	_ =	strace $0x80000049;
	[dreg:$0x1] =	wrdreg $0xFFFFFFFF  }
0xa7: {  	s28 =	simm.s32 $_size_execute0_lowered;
	s2 =	sadd.s32 s2, s4;
	[dreg:$0x0] =	wrdreg $0x0  }
0xa8: {  	s4 =	sshll.u32 s28, $0x1;
	[dreg:$0x2] =	wrdreg s2  }
0xa9: {  	[dreg:$0x3] =	wrdreg s4  }
0xaa: {  	[dreg:$0x4] =	wrdreg $0xC0  }
0xab: {  	_ =	task [dreg:s6], $0x5FFFF  }
0xac: {  	[dreg:$0x1] =	wrdreg $0xFFFFFFFF  }
0xad: {  	[dreg:$0x0] =	wrdreg $0x60  }
0xae: {  	[dreg:$0x2] =	wrdreg s24  }
0xaf: {  	[dreg:$0x3] =	wrdreg $0x54000  }
0xb0: {  	[dreg:$0x4] =	wrdreg $0x9  }
0xb1: {  	_ =	task.clear_ibuf [dreg:s6], $0x5FFFF;
	_ =	strace $0x90000049  }
0xb2: {  	s29 =	simm.s32 $0x9;
	_ =	strace $0x8000004B  }
0xb3: {  	_ =	swait.ge [sflag:s29], $0x1  }
0xb4: {  	[sflag:s29] =	ssyncadd.s32 $0xFFFFFFFF  }
0xb5: {  	_ =	strace $0x9000004B  }
0xb6: {  	_ =	sfence  }
0xb7: {  	s30 =	sld [smem:$0x0];
	_ =	sdelay $0x2  }
0xb8: {  	s31 =	sshll.u32 s1, $0xD;
	s1 =	sshrl.u32 s1, $0x2  }
0xb9: {  	s3 =	sand.u32 $0x4000, s31;
	s1 =	sadd.s32 s1, s30  }
0xba: {  	s0 =	sor.u32 s3, s0;
	s1 =	sshll.u32 s1, $0x11  }
0xbb: {  	s0 =	sor.u32 s1, s0  }
0xbc: {  	s0 =	sadd.s32 $0x8F2B, s0  }
0xbd: {  	[sflag:s0] =	ssyncadd.remote.s32 $0x1  }
0xbe: {  	_ =	sfence.sel $0xFFFF  }
0xbf: {  	[dreg:$0x0] =	wrdreg $0xFFFFFFFF;
	(pc) =	sbr.abs _section_cstart, $3  }
0xc0: {  	[dreg:$0x1] =	wrdreg $0xFFFFFFFF  }
0xc1: {  	_ =	task.clear_ibuf [dreg:s6], $0x2FFFF;
	_ =	strace $0x9FFFFFFF  }
0xc2: {  	(tm) =	ssettm $0x7FFFFFFF  }
0xc3: {  	_ =	shalt  }
tec
execute0_lowered:
.L_overlay_start_1:
0x0: {  	(tag) =	ssettag $0x1  }
0x1: {  	s0 =	rddreg [dreg:$0x0]  }
0x2: {  	s2 =	rddreg [dreg:$0x1];
	s12 =	stileid.u32  }
0x3: {  	s1 =	srdreg.scid;
	s3 =	simm.s32 $0x0;
	s16 =	simm.s32 $0x3  }
0x4: {  	s17 =	simm.s32 $0x80;
	s18 =	simm.s32 $0x400;
	s19 =	simm.s32 $0x100  }
0x5: {  	s20 =	simm.s32 $0x2400;
	s21 =	simm.s32 $0xC00;
	s22 =	simm.s32 $0x180  }
0x6: {  	s23 =	simm.s32 $0x2C00;
	s24 =	simm.s32 $0x200;
	s31 =	simm.s32 $0x380  }
0x7: {  	s13 =	simm.s32 $0x2;
	s15 =	simm.s32 $0x0;
	s6 =	smul.u32 $0x2800, s12  }
0x8: {  	s1 =	sand.u32 $0x1, s1;
	[smem:$0x7FF] =	sst s3;
	s11 =	smul.u32 $0x24, s12  }
0x9: {  	s4 =	sadd.s32 $0x1F200, s0;
	s25 =	sshll.u32 s12, $0x6;
	s12 =	smul.u32 $0x2C, s12  }
0xa: {  	s5 =	sadd.s32 $0x1200, s0;
	s7 =	smul.u32 $0x28000, s1;
	_ =	strace $0x8000004A  }
0xb: {  	s8 =	ssub.s32 $0x2, s1;
	s14 =	sor.u32 $0x1C03, s25;
	p0 =	seq.s32 s1, $0x0  }
0xc: {  	s9 =	sshrl.u32 s6, $0x3;
	s10 =	sshrl.u32 s8, $0x1;
	s1 =	sadd.s32 $0x2C, s12  }
0xd: {  	[dreg:$0x4] =	wrdreg s14;
	s7 =	sadd.s32 s6, s7;
	s9 =	sadd.s32 s9, s0  }
0xe: {  	s10 =	ssub.s32 s8, s10;
	s6 =	sadd.s32 s6, s2;
	s8 =	simm.s32 $0x16  }
0xf: {  	s7 =	sshrl.u32 s7, $0x3;
	s9 =	sadd.s32 $0x6200, s9;
	s8 =	simm.s32 @!p0 $0x12  }
0x10: {  	s30 =	smax.u32 s10, $0x1;
	s10 =	simm.s32 $0x4C00;
	[dreg:$0x3] =	wrdreg s9  }
0x11: {  	s7 =	sadd.s32 s7, s0;
	s9 =	sadd.s32 $0x2C0, s11;
	[dreg:$0x7] =	wrdreg s30  }
0x12: {  	s9 =	smov.u32 @p0 s12;
	s12 =	sadd.s32 $0x2E4, s11;
	s11 =	sadd.s32 $0x1F240, s0  }
0x13: {  	s29 =	sadd.s32 $0xB200, s7;
	s7 =	sshrl.u32 s6, $0x3;
	s6 =	simm.s32 $0x4400  }
0x14: {  	s26 =	sshll.u32 s9, $0x6;
	s12 =	smov.u32 @p0 s1;
	[dreg:$0x6] =	wrdreg s29  }
0x15: {  	s1 =	simm.s32 $0x1;
	[dreg:$0x8] =	wrdreg s7;
	s28 =	sadd.s32 s4, s26  }
0x16: {  	v0 =	vimm.s32 $0xA;
	v1 =	vimm.s32 $0xB;
	v2 =	vlaneseq.u32;
	s12 =	sadd.s32 $0xFFFFFFFF, s12;
	s26 =	simm.s32 $0x300;
	[dreg:$0x5] =	wrdreg s28  }
.LBB2_1:
0x17: {  	[dreg:$0x9] =	wrdreg s15  }
0x18: {  	s0 =	rddreg [dreg:$0x3]  }
0x19: {  	[spmem:s7], [sflag:s14] =	dma.local [hbm:s0], $0x500  }
0x1a: {  	_ =	swait.ge [sflag:s16], $0x500  }
0x1b: {  	[sflag:s16] =	ssyncset.done $0x0  }
0x1c: {  	[sflag:s16] =	ssyncadd.s32 $0xFFFFFB00  }
0x1d: {  	[bflag:$0x0] =	sbarrier.arrive $0xFFFF  }
0x1e: {  	s30 =	rddreg [dreg:$0x5]  }
0x1f: {  	[tilespmem:s3], [sflag:$0x3] =	stream.linear.gather [hbm4b:s30+s3], $0x200, $0x38;
	[tilespmem:$0x7C00] =	vst v63  }
0x20: {  	_ =	swait.ge [sflag:s16], $0x200  }
0x21: {  	[sflag:s16] =	ssyncset.done $0x0  }
0x22: {  	[sflag:s16] =	ssyncadd.s32 $0xFFFFFE00  }
0x23: {  	[tilespmem:s18], [sflag:$0x1] =	stream.indirect.gather [hbm4b:s5+s17], $0x10, s3, s17, $0xb8;
	[tilespmem:$0x7C00] =	vst v63  }
0x24: {  	_ = 	snop  }
0x25: {  	[tilespmem:s20], [sflag:$0x1] =	stream.indirect.gather [hbm4b:s5+s17], $0x10, s19, s17, $0xb8;
	[tilespmem:$0x7C00] =	vst v63  }
0x26: {  	_ = 	snop  }
0x27: {  	[tilespmem:s21], [sflag:$0x1] =	stream.indirect.gather [hbm4b:s5+s17], $0x10, s17, s17, $0xb8;
	[tilespmem:$0x7C00] =	vst v63  }
0x28: {  	s7 =	simm.s32 $0x0  }
0x29: {  	[tilespmem:s23], [sflag:$0x1] =	stream.indirect.gather [hbm4b:s5+s17], $0x10, s22, s17, $0xb8;
	[tilespmem:$0x7C00] =	vst v63  }
.LBB2_2:
0x2a: {  	s0 =	sshll.u32 s7, $0x1  }
0x2b: {  	s15 =	sadd.s32 s9, s0  }
0x2c: {  	s0 =	sshll.u32 s15, $0x6  }
0x2d: {  	s0 =	sand.u32 $0x1FFFFF80, s0  }
0x2e: {  	s0 =	sadd.s32 s0, s11  }
0x2f: {  	[tilespmem:s24], [sflag:$0x3] =	stream.linear.gather [hbm4b:s0+s3], $0x200, $0x38;
	[tilespmem:$0x7C00] =	vst v63  }
0x30: {  	_ =	swait.ge [sflag:s16], $0x200  }
0x31: {  	[sflag:s16] =	ssyncset.done $0x0  }
0x32: {  	s25 =	simm.s32 $0x1400;
	[sflag:s16] =	ssyncadd.s32 $0xFFFFFE00  }
0x33: {  	[tilespmem:s25], [sflag:$0x2] =	stream.indirect.gather [hbm4b:s5+s17], $0x10, s24, s17, $0xb8;
	[tilespmem:$0x7C00] =	vst v63  }
0x34: {  	s14 =	simm.s32 $0x3400  }
0x35: {  	[tilespmem:s14], [sflag:$0x2] =	stream.indirect.gather [hbm4b:s5+s17], $0x10, s26, s17, $0xb8;
	[tilespmem:$0x7C00] =	vst v63  }
0x36: {  	s25 =	simm.s32 $0x280;
	s14 =	simm.s32 $0x1C00  }
0x37: {  	[tilespmem:s14], [sflag:$0x2] =	stream.indirect.gather [hbm4b:s5+s17], $0x10, s25, s17, $0xb8;
	[tilespmem:$0x7C00] =	vst v63  }
0x38: {  	s25 =	simm.s32 $0x3C00  }
0x39: {  	[tilespmem:s25], [sflag:$0x2] =	stream.indirect.gather [hbm4b:s5+s17], $0x10, s31, s17, $0xb8;
	[tilespmem:$0x7C00] =	vst v63  }
0x3a: {  	_ =	swait.ge [sflag:s1], $0x1000  }
0x3b: {  	[sflag:s1] =	ssyncset.done $0x0  }
0x3c: {  	[sflag:s1] =	ssyncadd.s32 $0xFFFFF000  }
0x3d: {  	_ =	swait.ge [sflag:s1], $0x1000  }
0x3e: {  	[sflag:s1] =	ssyncset.done $0x0  }
0x3f: {  	s14 =	simm.s32 $0x2420;
	[sflag:s1] =	ssyncadd.s32 $0xFFFFF000  }
0x40: {  	s25 =	simm.s32 $0x420;
	v3 =	vld [tilespmem:s14+$0x10]  }
0x41: {  	v4 =	vld [tilespmem:s25+$0x10];
	_ =	sdelay $0x1  }
0x42: {  	v7 =	vld [tilespmem:s25+$0x0]  }
0x43: {  	v5 =	vld [tilespmem:s14+$0xFFFFFFF0]  }
0x44: {  	v6 =	vld [tilespmem:s25+$0xFFFFFFF0]  }
0x45: {  	v8 =	vld [tilespmem:s14+$0x0];
	v3 =	vperm.xlane v3, v1;
	v9 =	vperm.xlane v4, v0  }
0x46: {  	v10 =	vld [tilespmem:s14+$0xFFFFFFE0]  }
0x47: {  	s14 =	simm.s32 $0x2460;
	v9 =	vadd.f32 v3, v9  }
0x48: {  	v14 =	vld [tilespmem:s14+$0xFFFFFFE0];
	v5 =	vperm.xlane v5, v1  }
0x49: {  	vm0 =	veq.s32 v2, $0xA;
	v12 =	vperm.xlane v6, v0;
	v13 =	vmul.f32 $2.000000030e-01, v9  }
0x4a: {  	v11 =	vld [tilespmem:s25+$0xFFFFFFE0];
	v15 =	vperm.xlane v7, v0;
	v8 =	vperm.xlane v8, v1;
	vm1 =	vgt.f32 v9, $0.0e+00  }
0x4b: {  	s25 =	simm.s32 $0x460;
	v10 =	vperm.xlane v10, v1;
	v5 =	vadd.f32 v5, v12;
	v12 =	vld [tilespmem:s14+$0x10];
	v9 =	vsel vm1, v9, v13  }
0x4c: {  	v16 =	vsel vm0, $0x3F800000, v6;
	v6 =	vadd.f32 v8, v15;
	v8 =	vmul.f32 $1.442695020e+00, v9;
	v9 =	vld [tilespmem:s25+$0x10]  }
0x4d: {  	v14 =	vperm.xlane v14, v1;
	v3 =	vld [tilespmem:s25+$0x0];
	v13 =	vsel vm0, $0x3F800000, v4;
	v4 =	vmul.f32 $2.000000030e-01, v5  }
0x4e: {  	v17 =	vld [tilespmem:s25+$0xFFFFFFF0];
	v15 =	vmul.f32 $2.000000030e-01, v6;
	vm1 =	vgt.f32 v5, $0.0e+00;
	(erf) = vpow2.f32 v8  }
0x4f: {  	v4 =	vsel vm1, v5, v4;
	v5 =	vperm.xlane v11, v0;
	vm1 =	vgt.f32 v6, $0.0e+00;
	v8 =	vld [tilespmem:s14+$0xFFFFFFF0]  }
0x50: {  	v12 =	vperm.xlane v12, v1;
	v4 =	vmul.f32 $1.442695020e+00, v4;
	v6 =	vsel vm1, v6, v15;
	v15 =	vld [tilespmem:s14+$0x0]  }
0x51: {  	v6 =	vmul.f32 $1.442695020e+00, v6;
	v5 =	vadd.f32 v10, v5;
	v18 =	vperm.xlane v9, v0  }
0x52: {  	v22 =	vsel vm0, $0x3F800000, v11;
	v11 =	vperm.xlane v3, v0;
	(erf) = vpow2.f32 v4  }
0x53: {  	(erf) = vpow2.f32 v6;
	v10 =	vadd.f32 v12, v18;
	v12 =	vmul.f32 $2.000000030e-01, v5  }
0x54: {  	v19 =	vld [tilespmem:s25+$0xFFFFFFE0];
	v4 =	vsel vm0, $0x3F800000, v17;
	v6 =	vperm.xlane v17, v0;
	v8 =	vperm.xlane v8, v1  }
0x55: {  	s0 =	simm.s32 $0x24A0;
	vm2 =	vgt.f32 v5, $0.0e+00;
	v15 =	vperm.xlane v15, v1;
	v17 =	vmul.f32 $2.000000030e-01, v10  }
0x56: {  	s28 =	simm.s32 $0x4A0;
	v18 =	vld [tilespmem:s0+$0xFFFFFFE0];
	vm3 =	vgt.f32 v10, $0.0e+00;
	v5 =	vsel vm2, v5, v12;
	v8 =	vadd.f32 v8, v6  }
0x57: {  	v11 =	vadd.f32 v15, v11;
	v15 =	vld [tilespmem:s28+$0x10];
	v12 =	vpop (erf);
	v6 =	vsel vm3, v10, v17;
	v10 =	vmul.f32 $1.442695020e+00, v5  }
0x58: {  	vm1 =	vmmov vm0;
	v17 =	vmul.f32 v12, v13;
	v12 =	vmul.f32 $1.442695020e+00, v6  }
0x59: {  	v24 =	vperm.xlane v19, v0;
	v7 =	vsel vm1, $0x3F800000, v7;
	v5 =	vld [tilespmem:s28+$0x0];
	(erf) = vpow2.f32 v10  }
0x5a: {  	v6 =	vsel vm0, $0x3F800000, v9;
	v13 =	vld [tilespmem:s0+$0x10];
	v9 =	vmul.f32 $2.000000030e-01, v8;
	(erf) = vpow2.f32 v12  }
0x5b: {  	v21 =	vld [tilespmem:s28+$0xFFFFFFF0];
	vm2 =	vgt.f32 v8, $0.0e+00;
	v20 =	vmul.f32 $2.000000030e-01, v11;
	v10 =	vperm.xlane v18, v1  }
0x5c: {  	v18 =	vld [tilespmem:s0+$0xFFFFFFF0];
	v23 =	vpop (erf);
	v8 =	vsel vm2, v8, v9;
	vm2 =	vgt.f32 v11, $0.0e+00;
	v26 =	vperm.xlane v15, v0  }
0x5d: {  	v16 =	vmul.f32 v23, v16;
	v8 =	vmul.f32 $1.442695020e+00, v8;
	v9 =	vsel vm2, v11, v20  }
0x5e: {  	v11 =	vpop (erf);
	v12 =	vperm.xlane v5, v0;
	v25 =	vmul.f32 $1.442695020e+00, v9;
	v9 =	vsel vm0, $0x3F800000, v19  }
0x5f: {  	v20 =	vmul.f32 v11, v7;
	v19 =	vperm.xlane v13, v1;
	v13 =	vadd.f32 v14, v24;
	v14 =	vld [tilespmem:s0+$0x0]  }
0x60: {  	s25 =	simm.s32 $0x4420;
	v7 =	vsel vm0, $0x3F800000, v21;
	v11 =	vsel vm0, $0x3F800000, v15;
	(erf) = vpow2.f32 v8  }
0x61: {  	v8 =	vld [tilespmem:s28+$0xFFFFFFE0];
	v18 =	vperm.xlane v18, v1;
	[tilespmem:s25+$0x0] =	vst v20;
	v20 =	vperm.xlane v21, v0;
	v15 =	vadd.f32 v19, v26  }
0x62: {  	s29 =	simm.s32 $0x8;
	s30 =	simm.s32 $0x24E0;
	[tilespmem:s25+$0x10] =	vst v17;
	(erf) = vpow2.f32 v25;
	v19 =	vmul.f32 $2.000000030e-01, v13;
	vm2 =	vgt.f32 v13, $0.0e+00;
	v23 =	vpop (erf)  }
0x63: {  	s14 =	simm.s32 $0x4460;
	[tilespmem:s25+$0xFFFFFFF0] =	vst v16;
	s0 =	simm.s32 $0x4E0;
	s28 =	simm.s32 $0x4460;
	vm3 =	vgt.f32 v15, $0.0e+00;
	v21 =	vmul.f32 $2.000000030e-01, v15;
	v17 =	vpop (erf);
	v16 =	vmul.f32 v23, v22  }
.LBB2_3:
0x64: {  	v22 =	vld [tilespmem:s30+$0xFFFFFFE0];
	s29 =	sadd.s32 $0x4, s29;
	v18 =	vadd.f32 v18, v20;
	v14 =	vperm.xlane v14, v1;
	v13 =	vsel vm2, v13, v19;
	s14 =	sadd.s32 $0x40, s14;
	v23 =	vmovc v9  }
0x65: {  	v17 =	vmul.f32 v17, v6;
	v6 =	vmovc v11;
	v19 =	vld [tilespmem:s0+$0x0];
	p0 =	slt.u32 s29, $0xFC;
	v15 =	vsel vm3, v15, v21;
	v13 =	vmul.f32 $1.442695020e+00, v13;
	[tilespmem:s25+$0xFFFFFFE0] =	vst v16;
	s25 =	smov.u32 s28;
	s28 =	smov.u32 s14  }
0x66: {  	v9 =	vsel vm0, $0x3F800000, v8;
	v11 =	vld [tilespmem:s30+$0x10];
	v12 =	vadd.f32 v14, v12;
	v14 =	vmul.f32 $1.442695020e+00, v15  }
0x67: {  	vm2 =	vgt.f32 v18, $0.0e+00;
	v24 =	vmul.f32 $2.000000030e-01, v18;
	v16 =	vld [tilespmem:s0+$0xFFFFFFF0];
	[tilespmem:s25+$0x10] =	vst v17;
	(erf) = vpow2.f32 v13  }
0x68: {  	v17 =	vld [tilespmem:s0+$0x10];
	v26 =	vmul.f32 $2.000000030e-01, v12;
	(erf) = vpow2.f32 v14  }
0x69: {  	v14 =	vsel vm2, v18, v24;
	vm2 =	vgt.f32 v12, $0.0e+00;
	v20 =	vperm.xlane v22, v1;
	v21 =	vld [tilespmem:s30+$0xFFFFFFF0];
	v15 =	vpop (erf)  }
0x6a: {  	v18 =	vperm.xlane v8, v0;
	v22 =	vmul.f32 $1.442695020e+00, v14;
	v8 =	vld [tilespmem:s0+$0xFFFFFFE0];
	v25 =	vsel vm2, v12, v26  }
0x6b: {  	v27 =	vsel vm1, $0x3F800000, v3;
	v12 =	vperm.xlane v19, v0;
	v14 =	vld [tilespmem:s30+$0x0];
	v24 =	vmul.f32 $1.442695020e+00, v25;
	v13 =	vpop (erf)  }
0x6c: {  	v3 =	vmovc v5;
	vm1 =	vmmov vm0;
	v5 =	vmovc v19;
	v25 =	vperm.xlane v11, v1;
	v26 =	vmul.f32 v13, v27  }
.Ltmp0:
0x6d: {  	v13 =	vadd.f32 v10, v18;
	v27 =	vmul.f32 v15, v4;
	v10 =	vmovc v20;
	v19 =	vperm.xlane v17, v0;
	(pc) =	sbr.rel @p0 .LBB2_3-.Ltmp0, $4  }
0x6e: {  	v4 =	vmovc v7;
	v7 =	vsel vm0, $0x3F800000, v16;
	v11 =	vsel vm0, $0x3F800000, v17;
	(erf) = vpow2.f32 v22;
	[tilespmem:s25+$0x0] =	vst v26  }
0x6f: {  	v18 =	vperm.xlane v21, v1;
	v15 =	vadd.f32 v25, v19;
	v19 =	vmul.f32 $2.000000030e-01, v13;
	[tilespmem:s25+$0xFFFFFFF0] =	vst v27  }
0x70: {  	v20 =	vperm.xlane v16, v0;
	vm2 =	vgt.f32 v13, $0.0e+00;
	(erf) = vpow2.f32 v24;
	v16 =	vpop (erf)  }
0x71: {  	s0 =	sadd.s32 $0x40, s0;
	s30 =	sadd.s32 $0x40, s30;
	vm3 =	vgt.f32 v15, $0.0e+00;
	v21 =	vmul.f32 $2.000000030e-01, v15;
	v17 =	vpop (erf);
	v16 =	vmul.f32 v16, v23  }
0x72: {  	v14 =	vperm.xlane v14, v1  }
0x73: {  	v18 =	vadd.f32 v18, v20;
	v13 =	vsel vm2, v13, v19;
	v15 =	vsel vm3, v15, v21  }
0x74: {  	v13 =	vmul.f32 $1.442695020e+00, v13;
	v12 =	vadd.f32 v14, v12;
	v14 =	vperm.xlane v8, v0  }
0x75: {  	v15 =	vmul.f32 $1.442695020e+00, v15;
	v19 =	vmul.f32 $2.000000030e-01, v18  }
0x76: {  	vm2 =	vgt.f32 v18, $0.0e+00;
	v20 =	vmul.f32 $2.000000030e-01, v12;
	v10 =	vadd.f32 v10, v14  }
0x77: {  	(erf) = vpow2.f32 v13;
	v13 =	vsel vm2, v18, v19;
	vm2 =	vgt.f32 v12, $0.0e+00  }
0x78: {  	v13 =	vmul.f32 $1.442695020e+00, v13;
	v12 =	vsel vm2, v12, v20;
	v14 =	vmul.f32 $2.000000030e-01, v10  }
0x79: {  	(erf) = vpow2.f32 v15;
	vm2 =	vgt.f32 v10, $0.0e+00;
	v12 =	vmul.f32 $1.442695020e+00, v12  }
0x7a: {  	(erf) = vpow2.f32 v13;
	v10 =	vsel vm2, v10, v14  }
0x7b: {  	(erf) = vpow2.f32 v12;
	v10 =	vmul.f32 $1.442695020e+00, v10;
	_ =	sdelay $0x1  }
0x7c: {  	(erf) = vpow2.f32 v10  }
0x7d: {  	v6 =	vmul.f32 v17, v6  }
0x7e: {  	v10 =	vpop (erf)  }
0x7f: {  	v3 =	vsel vm1, $0x3F800000, v3;
	v12 =	vpop (erf)  }
0x80: {  	[tilespmem:s25+$0xFFFFFFE0] =	vst v16;
	v13 =	vpop (erf);
	v3 =	vmul.f32 v12, v3  }
0x81: {  	[tilespmem:s28+$0x10] =	vst v6;
	v4 =	vmul.f32 v10, v4;
	v6 =	vpop (erf)  }
0x82: {  	vm1 =	vmmov vm0;
	[tilespmem:s28+$0x0] =	vst v3;
	v3 =	vmul.f32 v13, v9;
	v9 =	vpop (erf)  }
0x83: {  	v5 =	vsel vm1, $0x3F800000, v5;
	[tilespmem:s28+$0xFFFFFFF0] =	vst v4;
	v4 =	vmul.f32 v6, v11;
	v6 =	vpop (erf)  }
0x84: {  	s0 =	sadd.s32 $0x40, s14;
	[tilespmem:s28+$0xFFFFFFE0] =	vst v3;
	v3 =	vmul.f32 v6, v5  }
0x85: {  	v5 =	vsel vm0, $0x3F800000, v8;
	[tilespmem:s0+$0x10] =	vst v4;
	v4 =	vmul.f32 v9, v7;
	v6 =	vpop (erf)  }
0x86: {  	[tilespmem:s0+$0x0] =	vst v3;
	v3 =	vmul.f32 v6, v5  }
0x87: {  	[tilespmem:s0+$0xFFFFFFF0] =	vst v4  }
0x88: {  	[tilespmem:s0+$0xFFFFFFE0] =	vst v3  }
0x89: {  	[spmem:s2] =	stream.indirect.scatter.add.f32 [tilespmem:s6], [sflag:$0x3], $0x10, s19, s17, $0xb8;
	[tilespmem:$0x7C00] =	vst v63  }
0x8a: {  	s0 =	sadd.s32 $0x2, s15;
	_ =	swait.ge [sflag:s16], $0x800  }
0x8b: {  	s14 =	smov.u32 s12;
	p0 =	slt.s32 s0, s12;
	[sflag:s16] =	ssyncset.done $0x0  }
0x8c: {  	s14 =	smov.u32 @p0 s0;
	[sflag:s16] =	ssyncadd.s32 $0xFFFFF800  }
0x8d: {  	[spmem:s2] =	stream.indirect.scatter.add.f32 [tilespmem:s10], [sflag:$0x3], $0x10, s22, s17, $0xb8;
	[tilespmem:$0x7C00] =	vst v63  }
0x8e: {  	s0 =	sshll.u32 s14, $0x6;
	_ =	swait.ge [sflag:s16], $0x800  }
0x8f: {  	s0 =	sand.u32 $0x1FFFFFC0, s0;
	[sflag:s16] =	ssyncset.done $0x0  }
0x90: {  	s0 =	sadd.s32 s4, s0;
	[sflag:s16] =	ssyncadd.s32 $0xFFFFF800  }
0x91: {  	[tilespmem:s3], [sflag:$0x3] =	stream.linear.gather [hbm4b:s0+s3], $0x200, $0x38;
	[tilespmem:$0x7C00] =	vst v63  }
0x92: {  	_ =	swait.ge [sflag:s16], $0x200  }
0x93: {  	[sflag:s16] =	ssyncset.done $0x0  }
0x94: {  	[sflag:s16] =	ssyncadd.s32 $0xFFFFFE00  }
0x95: {  	[tilespmem:s18], [sflag:$0x1] =	stream.indirect.gather [hbm4b:s5+s17], $0x10, s3, s17, $0xb8;
	[tilespmem:$0x7C00] =	vst v63  }
0x96: {  	_ = 	snop  }
0x97: {  	[tilespmem:s20], [sflag:$0x1] =	stream.indirect.gather [hbm4b:s5+s17], $0x10, s19, s17, $0xb8;
	[tilespmem:$0x7C00] =	vst v63  }
0x98: {  	_ = 	snop  }
0x99: {  	[tilespmem:s21], [sflag:$0x1] =	stream.indirect.gather [hbm4b:s5+s17], $0x10, s17, s17, $0xb8;
	[tilespmem:$0x7C00] =	vst v63  }
0x9a: {  	_ = 	snop  }
0x9b: {  	[tilespmem:s23], [sflag:$0x1] =	stream.indirect.gather [hbm4b:s5+s17], $0x10, s22, s17, $0xb8;
	[tilespmem:$0x7C00] =	vst v63  }
0x9c: {  	_ =	swait.ge [sflag:s13], $0x1000  }
0x9d: {  	[sflag:s13] =	ssyncset.done $0x0  }
0x9e: {  	[sflag:s13] =	ssyncadd.s32 $0xFFFFF000  }
0x9f: {  	_ =	swait.ge [sflag:s13], $0x1000  }
0xa0: {  	[sflag:s13] =	ssyncset.done $0x0  }
0xa1: {  	s25 =	simm.s32 $0x3420;
	[sflag:s13] =	ssyncadd.s32 $0xFFFFF000  }
0xa2: {  	s30 =	simm.s32 $0x1420;
	v3 =	vld [tilespmem:s25+$0x10]  }
0xa3: {  	v4 =	vld [tilespmem:s30+$0x10];
	_ =	sdelay $0x1  }
0xa4: {  	v7 =	vld [tilespmem:s30+$0x0]  }
0xa5: {  	v5 =	vld [tilespmem:s25+$0xFFFFFFF0]  }
0xa6: {  	v6 =	vld [tilespmem:s30+$0xFFFFFFF0]  }
0xa7: {  	v8 =	vld [tilespmem:s25+$0x0];
	v3 =	vperm.xlane v3, v1;
	v9 =	vperm.xlane v4, v0  }
0xa8: {  	v10 =	vld [tilespmem:s25+$0xFFFFFFE0]  }
0xa9: {  	s15 =	simm.s32 $0x3460;
	v9 =	vadd.f32 v3, v9  }
0xaa: {  	v14 =	vld [tilespmem:s15+$0xFFFFFFE0];
	v5 =	vperm.xlane v5, v1  }
0xab: {  	vm0 =	veq.s32 v2, $0xA;
	v12 =	vperm.xlane v6, v0;
	v13 =	vmul.f32 $2.000000030e-01, v9  }
0xac: {  	v11 =	vld [tilespmem:s30+$0xFFFFFFE0];
	v15 =	vperm.xlane v7, v0;
	v8 =	vperm.xlane v8, v1;
	vm1 =	vgt.f32 v9, $0.0e+00  }
0xad: {  	s25 =	simm.s32 $0x1460;
	v10 =	vperm.xlane v10, v1;
	v5 =	vadd.f32 v5, v12;
	v12 =	vld [tilespmem:s15+$0x10];
	v9 =	vsel vm1, v9, v13  }
0xae: {  	v16 =	vsel vm0, $0x3F800000, v6;
	v6 =	vadd.f32 v8, v15;
	v8 =	vmul.f32 $1.442695020e+00, v9;
	v9 =	vld [tilespmem:s25+$0x10]  }
0xaf: {  	v14 =	vperm.xlane v14, v1;
	v3 =	vld [tilespmem:s25+$0x0];
	v13 =	vsel vm0, $0x3F800000, v4;
	v4 =	vmul.f32 $2.000000030e-01, v5  }
0xb0: {  	v17 =	vld [tilespmem:s25+$0xFFFFFFF0];
	v15 =	vmul.f32 $2.000000030e-01, v6;
	vm1 =	vgt.f32 v5, $0.0e+00;
	(erf) = vpow2.f32 v8  }
0xb1: {  	v4 =	vsel vm1, v5, v4;
	v5 =	vperm.xlane v11, v0;
	vm1 =	vgt.f32 v6, $0.0e+00;
	v8 =	vld [tilespmem:s15+$0xFFFFFFF0]  }
0xb2: {  	v12 =	vperm.xlane v12, v1;
	v4 =	vmul.f32 $1.442695020e+00, v4;
	v6 =	vsel vm1, v6, v15;
	v15 =	vld [tilespmem:s15+$0x0]  }
0xb3: {  	v6 =	vmul.f32 $1.442695020e+00, v6;
	v5 =	vadd.f32 v10, v5;
	v18 =	vperm.xlane v9, v0  }
0xb4: {  	v22 =	vsel vm0, $0x3F800000, v11;
	v11 =	vperm.xlane v3, v0;
	(erf) = vpow2.f32 v4  }
0xb5: {  	(erf) = vpow2.f32 v6;
	v10 =	vadd.f32 v12, v18;
	v12 =	vmul.f32 $2.000000030e-01, v5  }
0xb6: {  	v19 =	vld [tilespmem:s25+$0xFFFFFFE0];
	v4 =	vsel vm0, $0x3F800000, v17;
	v6 =	vperm.xlane v17, v0;
	v8 =	vperm.xlane v8, v1  }
0xb7: {  	s0 =	simm.s32 $0x34A0;
	vm2 =	vgt.f32 v5, $0.0e+00;
	v15 =	vperm.xlane v15, v1;
	v17 =	vmul.f32 $2.000000030e-01, v10  }
0xb8: {  	s30 =	simm.s32 $0x14A0;
	v18 =	vld [tilespmem:s0+$0xFFFFFFE0];
	vm3 =	vgt.f32 v10, $0.0e+00;
	v5 =	vsel vm2, v5, v12;
	v8 =	vadd.f32 v8, v6  }
0xb9: {  	v11 =	vadd.f32 v15, v11;
	v15 =	vld [tilespmem:s30+$0x10];
	v12 =	vpop (erf);
	v6 =	vsel vm3, v10, v17;
	v10 =	vmul.f32 $1.442695020e+00, v5  }
0xba: {  	vm1 =	vmmov vm0;
	v17 =	vmul.f32 v12, v13;
	v12 =	vmul.f32 $1.442695020e+00, v6  }
0xbb: {  	v24 =	vperm.xlane v19, v0;
	v7 =	vsel vm1, $0x3F800000, v7;
	v5 =	vld [tilespmem:s30+$0x0];
	(erf) = vpow2.f32 v10  }
0xbc: {  	v6 =	vsel vm0, $0x3F800000, v9;
	v13 =	vld [tilespmem:s0+$0x10];
	v9 =	vmul.f32 $2.000000030e-01, v8;
	(erf) = vpow2.f32 v12  }
0xbd: {  	v21 =	vld [tilespmem:s30+$0xFFFFFFF0];
	vm2 =	vgt.f32 v8, $0.0e+00;
	v20 =	vmul.f32 $2.000000030e-01, v11;
	v10 =	vperm.xlane v18, v1  }
0xbe: {  	v18 =	vld [tilespmem:s0+$0xFFFFFFF0];
	v23 =	vpop (erf);
	v8 =	vsel vm2, v8, v9;
	vm2 =	vgt.f32 v11, $0.0e+00;
	v26 =	vperm.xlane v15, v0  }
0xbf: {  	v16 =	vmul.f32 v23, v16;
	v8 =	vmul.f32 $1.442695020e+00, v8;
	v9 =	vsel vm2, v11, v20  }
0xc0: {  	v11 =	vpop (erf);
	v12 =	vperm.xlane v5, v0;
	v25 =	vmul.f32 $1.442695020e+00, v9;
	v9 =	vsel vm0, $0x3F800000, v19  }
0xc1: {  	v20 =	vmul.f32 v11, v7;
	v19 =	vperm.xlane v13, v1;
	v13 =	vadd.f32 v14, v24;
	v14 =	vld [tilespmem:s0+$0x0]  }
0xc2: {  	s15 =	simm.s32 $0x4420;
	v7 =	vsel vm0, $0x3F800000, v21;
	v11 =	vsel vm0, $0x3F800000, v15;
	(erf) = vpow2.f32 v8  }
0xc3: {  	v8 =	vld [tilespmem:s30+$0xFFFFFFE0];
	v18 =	vperm.xlane v18, v1;
	[tilespmem:s15+$0x0] =	vst v20;
	v20 =	vperm.xlane v21, v0;
	v15 =	vadd.f32 v19, v26  }
0xc4: {  	s29 =	simm.s32 $0x34E0;
	s28 =	simm.s32 $0x8;
	[tilespmem:s15+$0x10] =	vst v17;
	(erf) = vpow2.f32 v25;
	v19 =	vmul.f32 $2.000000030e-01, v13;
	vm2 =	vgt.f32 v13, $0.0e+00;
	v23 =	vpop (erf)  }
0xc5: {  	s14 =	simm.s32 $0x4460;
	s25 =	simm.s32 $0x4460;
	[tilespmem:s15+$0xFFFFFFF0] =	vst v16;
	s0 =	simm.s32 $0x14E0;
	vm3 =	vgt.f32 v15, $0.0e+00;
	v21 =	vmul.f32 $2.000000030e-01, v15;
	v17 =	vpop (erf);
	v16 =	vmul.f32 v23, v22  }
.LBB2_5:
0xc6: {  	v22 =	vld [tilespmem:s29+$0xFFFFFFE0];
	s28 =	sadd.s32 $0x4, s28;
	v18 =	vadd.f32 v18, v20;
	v14 =	vperm.xlane v14, v1;
	v13 =	vsel vm2, v13, v19;
	s14 =	sadd.s32 $0x40, s14;
	v23 =	vmovc v9  }
0xc7: {  	v17 =	vmul.f32 v17, v6;
	v6 =	vmovc v11;
	v19 =	vld [tilespmem:s0+$0x0];
	p0 =	slt.u32 s28, $0xFC;
	v15 =	vsel vm3, v15, v21;
	v13 =	vmul.f32 $1.442695020e+00, v13;
	[tilespmem:s15+$0xFFFFFFE0] =	vst v16;
	s15 =	smov.u32 s25;
	s25 =	smov.u32 s14  }
0xc8: {  	v9 =	vsel vm0, $0x3F800000, v8;
	v11 =	vld [tilespmem:s29+$0x10];
	v12 =	vadd.f32 v14, v12;
	v14 =	vmul.f32 $1.442695020e+00, v15  }
0xc9: {  	vm2 =	vgt.f32 v18, $0.0e+00;
	v24 =	vmul.f32 $2.000000030e-01, v18;
	v16 =	vld [tilespmem:s0+$0xFFFFFFF0];
	[tilespmem:s15+$0x10] =	vst v17;
	(erf) = vpow2.f32 v13  }
0xca: {  	v17 =	vld [tilespmem:s0+$0x10];
	v26 =	vmul.f32 $2.000000030e-01, v12;
	(erf) = vpow2.f32 v14  }
0xcb: {  	v14 =	vsel vm2, v18, v24;
	vm2 =	vgt.f32 v12, $0.0e+00;
	v20 =	vperm.xlane v22, v1;
	v21 =	vld [tilespmem:s29+$0xFFFFFFF0];
	v15 =	vpop (erf)  }
0xcc: {  	v18 =	vperm.xlane v8, v0;
	v22 =	vmul.f32 $1.442695020e+00, v14;
	v8 =	vld [tilespmem:s0+$0xFFFFFFE0];
	v25 =	vsel vm2, v12, v26  }
0xcd: {  	v27 =	vsel vm1, $0x3F800000, v3;
	v12 =	vperm.xlane v19, v0;
	v14 =	vld [tilespmem:s29+$0x0];
	v24 =	vmul.f32 $1.442695020e+00, v25;
	v13 =	vpop (erf)  }
0xce: {  	v3 =	vmovc v5;
	vm1 =	vmmov vm0;
	v5 =	vmovc v19;
	v25 =	vperm.xlane v11, v1;
	v26 =	vmul.f32 v13, v27  }
.Ltmp1:
0xcf: {  	v13 =	vadd.f32 v10, v18;
	v27 =	vmul.f32 v15, v4;
	v10 =	vmovc v20;
	v19 =	vperm.xlane v17, v0;
	(pc) =	sbr.rel @p0 .LBB2_5-.Ltmp1, $4  }
0xd0: {  	v4 =	vmovc v7;
	v7 =	vsel vm0, $0x3F800000, v16;
	v11 =	vsel vm0, $0x3F800000, v17;
	(erf) = vpow2.f32 v22;
	[tilespmem:s15+$0x0] =	vst v26  }
0xd1: {  	v18 =	vperm.xlane v21, v1;
	v15 =	vadd.f32 v25, v19;
	v19 =	vmul.f32 $2.000000030e-01, v13;
	[tilespmem:s15+$0xFFFFFFF0] =	vst v27  }
0xd2: {  	v20 =	vperm.xlane v16, v0;
	vm2 =	vgt.f32 v13, $0.0e+00;
	(erf) = vpow2.f32 v24;
	v16 =	vpop (erf)  }
0xd3: {  	s0 =	sadd.s32 $0x40, s0;
	s29 =	sadd.s32 $0x40, s29;
	vm3 =	vgt.f32 v15, $0.0e+00;
	v21 =	vmul.f32 $2.000000030e-01, v15;
	v17 =	vpop (erf);
	v16 =	vmul.f32 v16, v23  }
0xd4: {  	v14 =	vperm.xlane v14, v1  }
0xd5: {  	v18 =	vadd.f32 v18, v20;
	v13 =	vsel vm2, v13, v19;
	v50 =	vperm.xlane v8, v0  }
0xd6: {  	v15 =	vsel vm3, v15, v21;
	v13 =	vmul.f32 $1.442695020e+00, v13;
	v12 =	vadd.f32 v14, v12  }
0xd7: {  	v15 =	vmul.f32 $1.442695020e+00, v15;
	v51 =	vmul.f32 $2.000000030e-01, v18  }
0xd8: {  	vm12 =	vgt.f32 v18, $0.0e+00;
	v10 =	vadd.f32 v10, v50;
	v52 =	vmul.f32 $2.000000030e-01, v12  }
0xd9: {  	(erf) = vpow2.f32 v13;
	v53 =	vsel vm12, v18, v51;
	vm13 =	vgt.f32 v12, $0.0e+00  }
0xda: {  	v14 =	vmul.f32 $2.000000030e-01, v10;
	v13 =	vmul.f32 $1.442695020e+00, v53;
	v12 =	vsel vm13, v12, v52  }
0xdb: {  	(erf) = vpow2.f32 v15;
	vm14 =	vgt.f32 v10, $0.0e+00;
	v12 =	vmul.f32 $1.442695020e+00, v12  }
0xdc: {  	v10 =	vsel vm14, v10, v14;
	(erf) = vpow2.f32 v13  }
0xdd: {  	v10 =	vmul.f32 $1.442695020e+00, v10;
	(erf) = vpow2.f32 v12;
	_ =	sdelay $0x1  }
0xde: {  	(erf) = vpow2.f32 v10;
	_ =	sdelay $0x1  }
0xdf: {  	v54 =	vpop (erf)  }
0xe0: {  	v6 =	vmul.f32 v17, v6;
	v3 =	vsel vm1, $0x3F800000, v3;
	v55 =	vpop (erf)  }
0xe1: {  	[tilespmem:s15+$0xFFFFFFE0] =	vst v16;
	v3 =	vmul.f32 v55, v3;
	v56 =	vpop (erf)  }
0xe2: {  	[tilespmem:s25+$0x10] =	vst v6;
	v4 =	vmul.f32 v54, v4;
	v57 =	vpop (erf)  }
0xe3: {  	vm15 =	vmmov vm0;
	[tilespmem:s25+$0x0] =	vst v3;
	v3 =	vmul.f32 v56, v9;
	v58 =	vpop (erf)  }
0xe4: {  	v5 =	vsel vm15, $0x3F800000, v5;
	[tilespmem:s25+$0xFFFFFFF0] =	vst v4;
	v59 =	vmul.f32 v57, v11;
	v60 =	vpop (erf)  }
0xe5: {  	s0 =	sadd.s32 $0x40, s14;
	[tilespmem:s25+$0xFFFFFFE0] =	vst v3;
	v3 =	vmul.f32 v60, v5  }
0xe6: {  	v61 =	vsel vm0, $0x3F800000, v8;
	[tilespmem:s0+$0x10] =	vst v59;
	v62 =	vmul.f32 v58, v7;
	v63 =	vpop (erf)  }
0xe7: {  	[tilespmem:s0+$0x0] =	vst v3;
	v3 =	vmul.f32 v63, v61  }
0xe8: {  	[tilespmem:s0+$0xFFFFFFF0] =	vst v62  }
0xe9: {  	[tilespmem:s0+$0xFFFFFFE0] =	vst v3  }
0xea: {  	[spmem:s2] =	stream.indirect.scatter.add.f32 [tilespmem:s6], [sflag:$0x3], $0x10, s26, s17, $0xb8;
	[tilespmem:$0x7C00] =	vst v63  }
0xeb: {  	s7 =	sadd.s32 $0x1, s7;
	_ =	swait.ge [sflag:s16], $0x800  }
0xec: {  	p0 =	sne.s32 s7, s8;
	[sflag:s16] =	ssyncset.done $0x0  }
.Ltmp2:
0xed: {  	[sflag:s16] =	ssyncadd.s32 $0xFFFFF800;
	(pc) =	sbr.rel @p0 .LBB2_2-.Ltmp2, $4  }
0xee: {  	[spmem:s2] =	stream.indirect.scatter.add.f32 [tilespmem:s10], [sflag:$0x3], $0x10, s31, s17, $0xb8;
	[tilespmem:$0x7C00] =	vst v63  }
0xef: {  	_ =	swait.ge [sflag:s16], $0x800  }
0xf0: {  	[sflag:s16] =	ssyncset.done $0x0  }
0xf1: {  	[sflag:s16] =	ssyncadd.s32 $0xFFFFF800  }
0xf2: {  	_ =	swait.ge [sflag:s1], $0x1000  }
0xf3: {  	[sflag:s1] =	ssyncset.done $0x0  }
0xf4: {  	[sflag:s1] =	ssyncadd.s32 $0xFFFFF000  }
0xf5: {  	_ =	swait.ge [sflag:s1], $0x1000  }
0xf6: {  	[sflag:s1] =	ssyncset.done $0x0  }
0xf7: {  	[sflag:s1] =	ssyncadd.s32 $0xFFFFF000  }
0xf8: {  	[bflag:$0x0] =	sbarrier.arrive $0xFFFF  }
0xf9: {  	s14 =	rddreg [dreg:$0x4]  }
0xfa: {  	s0 =	rddreg [dreg:$0x6]  }
0xfb: {  	s7 =	rddreg [dreg:$0x8]  }
0xfc: {  	[hbm:s0], [sflag:s14] =	dma.local [spmem:s7], $0x500  }
0xfd: {  	_ =	swait.ge [sflag:s16], $0x500  }
0xfe: {  	s15 =	rddreg [dreg:$0x9]  }
0xff: {  	s30 =	rddreg [dreg:$0x7];
	s15 =	sadd.s32 $0x1, s15  }
0x100: {  	p0 =	sne.s32 s15, s30  }
.Ltmp3:
0x101: {  	_ = 	snop;
	(pc) =	sbr.rel @p0 .LBB2_1-.Ltmp3, $3  }
0x102: {  	_ =	sdelay $0x1  }
0x103: {  	[sflag:s16] =	ssyncset.done $0x0  }
0x104: {  	[sflag:s16] =	ssyncadd.s32 $0xFFFFFB00  }
0x105: {  	_ =	sfence.sel $0x180000  }
0x106: {  	[bflag:$0x0] =	sbarrier.arrive $0xFFFF  }
0x107: {  	_ =	strace $0x9000004A  }
0x108: {  	s0 =	stileid.u32;
	[bflag:$0x2] =	sbarrier.arrive $0xFFFF  }
0x109: {  	p0 =	sne.s32 s0, $0x0;
	s0 =	rddreg [dreg:$0x2]  }
0x10a: {  	s0 =	sadd.s32 @!p0 $0x100000, s0  }
0x10b: {  	[sflag:s0] =	ssyncadd.tile.s32 @!p0 $0x1;
	_ =	shalt  }
.Lfunc_end2:
_tile_overlayer_lowered:
.L_overlay_start_2:
0x10c: {  	(tag) =	ssettag $0x2  }
0x10d: {  	s0 =	rddreg [dreg:$0x0];
	s2 =	stileid.u32  }
0x10e: {  	s1 =	rddreg [dreg:$0x1];
	p0 =	sne.s32 s2, $0x0  }
0x10f: {  	s3 =	rddreg [dreg:$0x2];
	[bflag:$0x3] =	sbarrier.arrive $0xFFFF;
	s2 =	simm.s32 @!p0 $0x1C03  }
0x110: {  	[timem:s3], [sflag:s2] =	dma.local @!p0 [hbm:s0], s1  }
0x111: {  	s0 =	simm.s32 @!p0 $0x3  }
0x112: {  	_ =	swait.ge @!p0 [sflag:s0], s1  }
0x113: {  	s1 =	ssub.s32 @!p0 $0x0, s1;
	[sflag:s0] =	ssyncset.done @!p0 $0x0  }
0x114: {  	[sflag:s0] =	ssyncadd.s32 @!p0 s1  }
0x115: {  	[bflag:$0x3] =	sbarrier.arrive $0xFFFF  }
0x116: {  	_ =	shalt  }

// kernel: kernel.7.cloned.1.call-start
scs
__scs_entry_jumppad:
0x0: {  	(pc) =	sbr.rel $0x88, $3  }
0x1: {  	(tag) =	ssettag $0x0;
	lr =	simm.s32 $0x1  }
0x2: {  	[smem:$0x3F96] =	sst lr;
	_ =	strace $0xD0000000  }
0x3: {  	_ = 	snop  }
0x4: {  	_ = 	snop  }
0x5: {  	_ = 	snop  }
0x6: {  	_ = 	snop  }
0x7: {  	_ = 	snop  }
__scs_overlays_trampoline_lowered:
0x8: {  	[smem:$0x3FA5] =	sst s0  }
0x9: {  	[smem:$0x3FA6] =	sst s1  }
0xa: {  	[smem:$0x3FA7] =	sst s2  }
0xb: {  	[smem:$0x3FA8] =	sst s3  }
0xc: {  	[smem:$0x3FA9] =	sst s4  }
0xd: {  	[smem:$0x3FAA] =	sst s5  }
0xe: {  	[smem:$0x3FAB] =	sst s6  }
0xf: {  	[smem:$0x3FAC] =	sst s7  }
0x10: {  	[smem:$0x3FAD] =	sst s8  }
0x11: {  	[smem:$0x3FAE] =	sst s9;
	s0 =	simm.s32 @!p0 $0x0  }
0x12: {  	s1 =	sld [smem:$0x3F94];
	s0 =	simm.s32 @p0 $0x1  }
0x13: {  	[smem:$0x3FAF] =	sst s0;
	s0 =	simm.s32 @!p1 $0x0  }
0x14: {  	s2 =	sld [smem:$0x3F93];
	s0 =	simm.s32 @p1 $0x1  }
0x15: {  	[smem:$0x3FB0] =	sst s0;
	s0 =	simm.s32 @!p2 $0x0  }
0x16: {  	s3 =	sld [smem:$0x3FDB];
	s0 =	simm.s32 @p2 $0x1  }
0x17: {  	s4 =	simm.s32 $0x1BF5;
	[smem:$0x3FB2] =	sst s0  }
0x18: {  	s0 =	sld [smem:$0x3F95];
	_ =	swait.ge [sflag:s4], $0x0  }
0x19: {  	s7 =	sld [smem:$0x3F96]  }
0x1a: {  	s8 =	sadd.s32 $0xFFFFE003, lr  }
0x1b: {  	s9 =	sadd.s32 $0xFFFFFEF7, lr;
	s5 =	simm.s32 $0xFFFFFFFF;
	p2 =	slt.u32 s8, $0xFFFFF086  }
0x1c: {  	p1 =	slt.u32 s9, $0xF7A;
	s5 =	simm.s32 @!p2 $0x0  }
0x1d: {  	s5 =	simm.s32 @p1 $0x1;
	p0 =	seq.s32 s7, s2  }
0x1e: {  	s7 =	smul.u32 @!p0 $0xF7A, s2;
	p2 =	seq.s32 @!p0 s5, $0x0  }
0x1f: {  	s9 =	smul.u32 $0xF7A, s1;
	s8 =	simm.s32 @!p0 $0x1BF5;
	p2 =	por !p2, p0  }
0x20: {  	[sflag:s8] =	ssyncset.s32 @!p0 $0xFFFFF086;
	s6 =	sadd.s32 @!p0 s3, s7;
	s7 =	simm.s32 @!p0 $0x108  }
0x21: {  	s3 =	sadd.s32 s3, s9;
	s6 =	sadd.s32 @!p0 $0x88, s6;
	s7 =	simm.s32 @p2 $0x1082  }
0x22: {  	[simem:s7], [sflag:s8] =	dma.local @!p0 [hbm:s6], $0xF7A  }
0x23: {  	s9 =	sor.u32 $0xD0000000, s2;
	s6 =	simm.s32 $0x108;
	_ =	swait.ge @!p0 [sflag:s8], $0x0  }
0x24: {  	s3 =	sadd.s32 $0x88, s3;
	s6 =	simm.s32 @!p1 $0x1082;
	[sflag:s4] =	ssyncset.s32 $0xFFFFF086  }
0x25: {  	[simem:s6], [sflag:s4] =	dma.local [hbm:s3], $0xF7A  }
0x26: {  	[smem:$0x3F96] =	sst s1;
	(tag) =	ssettag s2;
	_ =	strace s9  }
0x27: {  	s1 =	sld [smem:$0x3FA6]  }
0x28: {  	s2 =	sld [smem:$0x3FA7]  }
0x29: {  	s4 =	sld [smem:$0x3FA9]  }
0x2a: {  	p0 =	seq.s32 s5, $0x0;
	s5 =	sld [smem:$0x3FAA]  }
0x2b: {  	s6 =	sld [smem:$0x3FAB]  }
0x2c: {  	s7 =	sld [smem:$0x3FAC]  }
0x2d: {  	s3 =	simm.s32 $0x108;
	s8 =	sld [smem:$0x3FAD]  }
0x2e: {  	s3 =	simm.s32 @!p0 $0x1082;
	s9 =	sld [smem:$0x3FAE]  }
0x2f: {  	lr =	sadd.s32 s0, s3;
	s0 =	sld [smem:$0x3FA5]  }
0x30: {  	s3 =	sld [smem:$0x3FA8]  }
0x31: {  	[smem:$0x3FB1] =	sst s10  }
0x32: {  	s10 =	sld [smem:$0x3FAF];
	_ =	sdelay $0x3  }
0x33: {  	p0 =	seq.s32 s10, $0x1;
	s10 =	sld [smem:$0x3FB1];
	_ =	sdelay $0x3  }
0x34: {  	[smem:$0x3FB1] =	sst s10  }
0x35: {  	s10 =	sld [smem:$0x3FB0];
	_ =	sdelay $0x3  }
0x36: {  	p1 =	seq.s32 s10, $0x1;
	s10 =	sld [smem:$0x3FB1];
	_ =	sdelay $0x3  }
0x37: {  	[smem:$0x3FB1] =	sst s10  }
0x38: {  	s10 =	sld [smem:$0x3FB2]  }
0x39: {  	_ = 	snop;
	(pc) =	sbr.ind lr, $3  }
0x3a: {  	_ = 	snop  }
0x3b: {  	_ = 	snop  }
0x3c: {  	p2 =	seq.s32 s10, $0x1;
	s10 =	sld [smem:$0x3FB1]  }
0x3d: {  	_ =	shalt  }
0x3e: {  	_ =	shalt  }
0x3f: {  	_ =	shalt  }
0x40: {  	_ =	shalt  }
0x41: {  	_ =	shalt  }
0x42: {  	_ =	shalt  }
0x43: {  	_ =	shalt  }
0x44: {  	_ =	shalt  }
0x45: {  	_ =	shalt  }
0x46: {  	_ =	shalt  }
0x47: {  	_ =	shalt  }
0x48: {  	_ =	shalt  }
0x49: {  	_ =	shalt  }
0x4a: {  	_ =	shalt  }
0x4b: {  	_ =	shalt  }
0x4c: {  	_ =	shalt  }
0x4d: {  	_ =	shalt  }
0x4e: {  	_ =	shalt  }
0x4f: {  	_ =	shalt  }
0x50: {  	_ =	shalt  }
0x51: {  	_ =	shalt  }
0x52: {  	_ =	shalt  }
0x53: {  	_ =	shalt  }
0x54: {  	_ =	shalt  }
0x55: {  	_ =	shalt  }
0x56: {  	_ =	shalt  }
0x57: {  	_ =	shalt  }
0x58: {  	_ =	shalt  }
0x59: {  	_ =	shalt  }
0x5a: {  	_ =	shalt  }
0x5b: {  	_ =	shalt  }
0x5c: {  	_ =	shalt  }
0x5d: {  	_ =	shalt  }
0x5e: {  	_ =	shalt  }
0x5f: {  	_ =	shalt  }
0x60: {  	_ =	shalt  }
0x61: {  	_ =	shalt  }
0x62: {  	_ =	shalt  }
0x63: {  	_ =	shalt  }
0x64: {  	_ =	shalt  }
0x65: {  	_ =	shalt  }
0x66: {  	_ =	shalt  }
0x67: {  	_ =	shalt  }
0x68: {  	_ =	shalt  }
0x69: {  	_ =	shalt  }
0x6a: {  	_ =	shalt  }
0x6b: {  	_ =	shalt  }
0x6c: {  	_ =	shalt  }
0x6d: {  	_ =	shalt  }
0x6e: {  	_ =	shalt  }
0x6f: {  	_ =	shalt  }
0x70: {  	_ =	shalt  }
0x71: {  	_ =	shalt  }
0x72: {  	_ =	shalt  }
0x73: {  	_ =	shalt  }
0x74: {  	_ =	shalt  }
0x75: {  	_ =	shalt  }
0x76: {  	_ =	shalt  }
0x77: {  	_ =	shalt  }
0x78: {  	_ =	shalt  }
0x79: {  	_ =	shalt  }
0x7a: {  	_ =	shalt  }
0x7b: {  	_ =	shalt  }
0x7c: {  	_ =	shalt  }
0x7d: {  	_ =	shalt  }
0x7e: {  	_ =	shalt  }
0x7f: {  	_ =	shalt  }
0x80: {  	_ =	shalt  }
0x81: {  	_ =	shalt  }
0x82: {  	_ =	shalt  }
0x83: {  	_ =	shalt  }
0x84: {  	_ =	shalt  }
0x85: {  	_ =	shalt  }
0x86: {  	_ =	shalt  }
0x87: {  	_ =	shalt  }
.Lfunc_end0:
.L_simem_size_0:
called_computation_lowered:
.L_overlay_start_0:
0x88: {  	s2 =	sld [smem:$0x3FD9]  }
0x89: {  	s3 =	sld [smem:$0x3FFE];
	_ =	sdelay $0x1  }
0x8a: {  	s1 =	srdreg.scid  }
0x8b: {  	s0 =	sand.u32 $0x1, s1  }
0x8c: {  	s16 =	sshll.u32 s0, $0xA;
	s2 =	sadd.s32 s3, s2  }
0x8d: {  	s2 =	sadd.s32 s2, s16  }
0x8e: {  	[smem:$0x3FBD] =	sst s2  }
0x8f: {  	_ = 	snop  }
0x90: {  	(tm) =	ssettm $0x1  }
0x91: {  	s17 =	sld [smem:$0x3FFB];
	_ =	sdelay $0x3  }
0x92: {  	_ =	strace s17  }
0x93: {  	s2 =	sld [smem:$0x3FFC];
	_ =	sdelay $0x3  }
0x94: {  	_ =	strace s2  }
0x95: {  	s2 =	sld [smem:$0x3FFD];
	_ =	sdelay $0x3  }
0x96: {  	_ =	strace s2  }
0x97: {  	_ =	strace $0x8FFFFFFF  }
0x98: {  	s18 =	sld [smem:$0x3FDB];
	_ =	sdelay $0x1  }
0x99: {  	s19 =	simm.s32 $_scs_section_size  }
0x9a: {  	s4 =	simm.s32 $_size__tile_overlayer_lowered;
	s5 =	simm.s32 $_tile_overlayer_lowered  }
0x9b: {  	s22 =	simm.s32 $0x1BFF;
	s21 =	sshll.u32 s5, $0x1;
	s2 =	sadd.s32 s19, s18  }
0x9c: {  	s6 =	simm.s32 $0x0;
	s20 =	sshll.u32 s4, $0x1;
	s4 =	sadd.s32 s21, s2  }
0x9d: {  	[timem:s6], [sflag:s22] =	dma.local [hbm:s4], s20  }
0x9e: {  	_ =	swait.ge [sflag:s22], s20  }
0x9f: {  	s3 =	ssub.s32 $0x0, s20;
	[sflag:s22] =	ssyncset.done $0x0  }
0xa0: {  	[sflag:s22] =	ssyncadd.s32 s3;
	_ =	sdelay $0x1  }
0xa1: {  	s23 =	simm.s32 $0x1B8B  }
0xa2: {  	_ =	swait.ge [sflag:s23], $0x1  }
0xa3: {  	[sflag:s23] =	ssyncset.done $0x0  }
0xa4: {  	s25 =	simm.s32 $0x1B8E;
	s24 =	sld [smem:$0x3FFE];
	[sflag:s23] =	ssyncadd.s32 $0xFFFFFFFF  }
0xa5: {  	s26 =	simm.s32 $execute0_lowered;
	[smem:$0x3FD2] =	sst s25  }
0xa6: {  	s4 =	sshll.u32 s26, $0x1;
	_ =	strace $0x80000046;
	[dreg:$0x1] =	wrdreg $0xFFFFFFFF  }
0xa7: {  	s28 =	simm.s32 $_size_execute0_lowered;
	s2 =	sadd.s32 s2, s4;
	[dreg:$0x0] =	wrdreg $0x0  }
0xa8: {  	s4 =	sshll.u32 s28, $0x1;
	[dreg:$0x2] =	wrdreg s2  }
0xa9: {  	[dreg:$0x3] =	wrdreg s4  }
0xaa: {  	[dreg:$0x4] =	wrdreg $0xC0  }
0xab: {  	_ =	task [dreg:s6], $0x5FFFF  }
0xac: {  	[dreg:$0x1] =	wrdreg $0xFFFFFFFF  }
0xad: {  	[dreg:$0x0] =	wrdreg $0x60  }
0xae: {  	[dreg:$0x2] =	wrdreg s24  }
0xaf: {  	[dreg:$0x3] =	wrdreg $0x114000  }
0xb0: {  	[dreg:$0x4] =	wrdreg $0x9  }
0xb1: {  	_ =	task.clear_ibuf [dreg:s6], $0x5FFFF;
	_ =	strace $0x90000046  }
0xb2: {  	s29 =	simm.s32 $0x9;
	_ =	strace $0x80000048  }
0xb3: {  	_ =	swait.ge [sflag:s29], $0x1  }
0xb4: {  	[sflag:s29] =	ssyncadd.s32 $0xFFFFFFFF  }
0xb5: {  	_ =	strace $0x90000048  }
0xb6: {  	_ =	sfence  }
0xb7: {  	s30 =	sld [smem:$0x0];
	_ =	sdelay $0x2  }
0xb8: {  	s31 =	sshll.u32 s1, $0xD;
	s1 =	sshrl.u32 s1, $0x2  }
0xb9: {  	s3 =	sand.u32 $0x4000, s31;
	s1 =	sadd.s32 s1, s30  }
0xba: {  	s0 =	sor.u32 s3, s0;
	s1 =	sshll.u32 s1, $0x11  }
0xbb: {  	s0 =	sor.u32 s1, s0  }
0xbc: {  	s0 =	sadd.s32 $0x8F2B, s0  }
0xbd: {  	[sflag:s0] =	ssyncadd.remote.s32 $0x1  }
0xbe: {  	_ =	sfence.sel $0xFFFF  }
0xbf: {  	[dreg:$0x0] =	wrdreg $0xFFFFFFFF;
	(pc) =	sbr.abs _section_cstart, $3  }
0xc0: {  	[dreg:$0x1] =	wrdreg $0xFFFFFFFF  }
0xc1: {  	_ =	task.clear_ibuf [dreg:s6], $0x2FFFF;
	_ =	strace $0x9FFFFFFF  }
0xc2: {  	(tm) =	ssettm $0x7FFFFFFF  }
0xc3: {  	_ =	shalt  }
tec
execute0_lowered:
.L_overlay_start_1:
0x0: {  	(tag) =	ssettag $0x1  }
0x1: {  	s0 =	rddreg [dreg:$0x0]  }
0x2: {  	s2 =	rddreg [dreg:$0x1];
	s12 =	stileid.u32  }
0x3: {  	s1 =	srdreg.scid;
	s3 =	simm.s32 $0x0;
	s17 =	simm.s32 $0x3  }
0x4: {  	s18 =	simm.s32 $0x80;
	s20 =	simm.s32 $0x100;
	s23 =	simm.s32 $0x180  }
0x5: {  	s25 =	simm.s32 $0x200;
	s28 =	simm.s32 $0x300;
	s15 =	simm.s32 $0x2  }
0x6: {  	s4 =	smul.u32 $0xC800, s12;
	s1 =	sand.u32 $0x1, s1;
	[smem:$0x7FF] =	sst s3  }
0x7: {  	s13 =	sadd.s32 $0x1F200, s0;
	s5 =	sadd.s32 $0x1200, s0;
	s11 =	smul.u32 $0x14, s12  }
0x8: {  	s6 =	sadd.s32 $0x1A200, s0;
	s26 =	sshll.u32 s12, $0x6;
	s12 =	smul.u32 $0x3C, s12  }
0x9: {  	s7 =	smul.u32 $0xC8000, s1;
	_ =	strace $0x80000047;
	s8 =	ssub.s32 $0x2, s1  }
0xa: {  	s16 =	sor.u32 $0x1C03, s26;
	p0 =	seq.s32 s1, $0x0;
	s9 =	sshrl.u32 s4, $0x3  }
0xb: {  	s10 =	sshrl.u32 s8, $0x1;
	s1 =	sadd.s32 $0x3C, s12;
	[dreg:$0x4] =	wrdreg s16  }
0xc: {  	s7 =	sadd.s32 s4, s7;
	s9 =	sadd.s32 s9, s0;
	s8 =	ssub.s32 s8, s10  }
0xd: {  	s4 =	sadd.s32 s4, s2;
	s10 =	simm.s32 $0x1E;
	s7 =	sshrl.u32 s7, $0x3  }
0xe: {  	s9 =	sadd.s32 $0x33200, s9;
	s10 =	simm.s32 @!p0 $0xA;
	s31 =	smax.u32 s8, $0x1  }
0xf: {  	s4 =	sshrl.u32 s4, $0x3;
	s8 =	simm.s32 $0x0;
	[dreg:$0x3] =	wrdreg s9  }
0x10: {  	s7 =	sadd.s32 s7, s0;
	s9 =	sadd.s32 $0x3C0, s11;
	[dreg:$0x8] =	wrdreg s31  }
0x11: {  	s11 =	sadd.s32 $0x3D4, s11;
	s0 =	sadd.s32 $0x1F240, s0;
	[dreg:$0x9] =	wrdreg s4  }
0x12: {  	s9 =	smov.u32 @p0 s12;
	s11 =	smov.u32 @p0 s1;
	[dreg:$0x6] =	wrdreg s0  }
0x13: {  	s30 =	sadd.s32 $0x4C200, s7;
	s0 =	simm.s32 $0x380;
	s7 =	simm.s32 $0x1  }
0x14: {  	v0 =	vlaneseq.u32;
	s12 =	smov.u32 s9;
	s14 =	sshll.u32 s9, $0x6;
	s9 =	smov.u32 s13  }
0x15: {  	v0 =	vshrl.u32 v0, $0x3;
	[dreg:$0x7] =	wrdreg s30;
	s29 =	sadd.s32 s13, s14;
	s13 =	sadd.s32 $0xFFFFFFFF, s11  }
0x16: {  	v1 =	vor.u32 $0x2, v0;
	v2 =	vor.u32 $0x4, v0;
	v3 =	vor.u32 $0x6, v0;
	s11 =	simm.s32 $0xC400;
	s14 =	simm.s32 $0xEC00;
	[dreg:$0x5] =	wrdreg s29  }
.LBB2_1:
0x17: {  	[dreg:$0xa] =	wrdreg s8  }
0x18: {  	s1 =	rddreg [dreg:$0x3]  }
0x19: {  	[spmem:s4], [sflag:s16] =	dma.local [hbm:s1], $0x1900  }
0x1a: {  	_ =	swait.ge [sflag:s17], $0x1900  }
0x1b: {  	[sflag:s17] =	ssyncset.done $0x0  }
0x1c: {  	[sflag:s17] =	ssyncadd.s32 $0xFFFFE700  }
0x1d: {  	[bflag:$0x0] =	sbarrier.arrive $0xFFFF  }
0x1e: {  	s24 =	rddreg [dreg:$0x5]  }
0x1f: {  	[tilespmem:s3], [sflag:$0x3] =	stream.linear.gather [hbm4b:s24+s3], $0x200, $0x38;
	[tilespmem:$0x1DC00] =	vst v63  }
0x20: {  	_ =	swait.ge [sflag:s17], $0x200  }
0x21: {  	[sflag:s17] =	ssyncset.done $0x0  }
0x22: {  	s26 =	simm.s32 $0x400;
	[sflag:s17] =	ssyncadd.s32 $0xFFFFFE00  }
0x23: {  	[tilespmem:s26], [sflag:$0x1] =	stream.indirect.gather [hbm4b:s5+s18], $0x50, s3, s18, $0xb8;
	[tilespmem:$0x1DC00] =	vst v63  }
0x24: {  	s29 =	simm.s32 $0xA400  }
0x25: {  	[tilespmem:s29], [sflag:$0x1] =	stream.indirect.gather [hbm4b:s6+s18], $0x10, s20, s18, $0xb8;
	[tilespmem:$0x1DC00] =	vst v63  }
0x26: {  	s30 =	simm.s32 $0x2C00  }
0x27: {  	[tilespmem:s30], [sflag:$0x1] =	stream.indirect.gather [hbm4b:s5+s18], $0x50, s18, s18, $0xb8;
	[tilespmem:$0x1DC00] =	vst v63  }
0x28: {  	s31 =	simm.s32 $0xAC00;
	s16 =	simm.s32 $0x0  }
0x29: {  	[tilespmem:s31], [sflag:$0x1] =	stream.indirect.gather [hbm4b:s6+s18], $0x10, s23, s18, $0xb8;
	[tilespmem:$0x1DC00] =	vst v63  }
.LBB2_2:
0x2a: {  	s1 =	sshll.u32 s16, $0x1  }
0x2b: {  	s8 =	sadd.s32 s12, s1  }
0x2c: {  	s1 =	sshll.u32 s8, $0x6  }
0x2d: {  	s4 =	rddreg [dreg:$0x6];
	s1 =	sand.u32 $0x1FFFFF80, s1  }
0x2e: {  	s1 =	sadd.s32 s1, s4  }
0x2f: {  	[tilespmem:s25], [sflag:$0x3] =	stream.linear.gather [hbm4b:s1+s3], $0x200, $0x38;
	[tilespmem:$0x1DC00] =	vst v63  }
0x30: {  	_ =	swait.ge [sflag:s17], $0x200  }
0x31: {  	[sflag:s17] =	ssyncset.done $0x0  }
0x32: {  	s19 =	simm.s32 $0x5400;
	[sflag:s17] =	ssyncadd.s32 $0xFFFFFE00  }
0x33: {  	[tilespmem:s19], [sflag:$0x2] =	stream.indirect.gather [hbm4b:s5+s18], $0x50, s25, s18, $0xb8;
	[tilespmem:$0x1DC00] =	vst v63  }
0x34: {  	s21 =	simm.s32 $0xB400  }
0x35: {  	[tilespmem:s21], [sflag:$0x2] =	stream.indirect.gather [hbm4b:s6+s18], $0x10, s28, s18, $0xb8;
	[tilespmem:$0x1DC00] =	vst v63  }
0x36: {  	s22 =	simm.s32 $0x280;
	s24 =	simm.s32 $0x7C00  }
0x37: {  	[tilespmem:s24], [sflag:$0x2] =	stream.indirect.gather [hbm4b:s5+s18], $0x50, s22, s18, $0xb8;
	[tilespmem:$0x1DC00] =	vst v63  }
0x38: {  	s26 =	simm.s32 $0xBC00  }
0x39: {  	[tilespmem:s26], [sflag:$0x2] =	stream.indirect.gather [hbm4b:s6+s18], $0x10, s0, s18, $0xb8;
	[tilespmem:$0x1DC00] =	vst v63  }
0x3a: {  	_ =	swait.ge [sflag:s7], $0x5000  }
0x3b: {  	[sflag:s7] =	ssyncset.done $0x0  }
0x3c: {  	[sflag:s7] =	ssyncadd.s32 $0xFFFFB000  }
0x3d: {  	_ =	swait.ge [sflag:s7], $0x1000  }
0x3e: {  	[sflag:s7] =	ssyncset.done $0x0  }
0x3f: {  	s1 =	simm.s32 $0xA420;
	[sflag:s7] =	ssyncadd.s32 $0xFFFFF000  }
0x40: {  	s19 =	simm.s32 $0x4A0;
	v4 =	vld [tilespmem:s1+$0x10]  }
0x41: {  	v5 =	vld [tilespmem:s19+$0x90];
	_ =	sdelay $0x4  }
0x42: {  	v4 =	vadd.f32 v5, v4;
	_ =	sdelay $0x1  }
0x43: {  	v7 =	vld [tilespmem:s1+$0xFFFFFFF0];
	v6 =	vmul.f32 $2.000000030e-01, v4  }
0x44: {  	v8 =	vld [tilespmem:s19+$0xFFFFFFF0];
	vm0 =	vgt.f32 v4, $0.0e+00  }
0x45: {  	v5 =	vld [tilespmem:s19+$0xFFFFFFA0];
	v4 =	vsel vm0, v4, v6  }
0x46: {  	v6 =	vld [tilespmem:s1+$0xFFFFFFE0];
	v4 =	vmul.f32 $1.442695020e+00, v4  }
0x47: {  	v9 =	vld [tilespmem:s1+$0x0]  }
0x48: {  	v10 =	vld [tilespmem:s19+$0x40];
	(erf) = vpow2.f32 v4;
	_ =	sdelay $0x1  }
0x49: {  	v4 =	vadd.f32 v8, v7  }
0x4a: {  	v5 =	vadd.f32 v5, v6  }
0x4b: {  	v6 =	vmul.f32 $2.000000030e-01, v4  }
0x4c: {  	v7 =	vadd.f32 v10, v9;
	vm15 =	vgt.f32 v4, $0.0e+00;
	v8 =	vmul.f32 $2.000000030e-01, v5  }
0x4d: {  	vm1 =	vgt.f32 v5, $0.0e+00;
	v4 =	vsel vm15, v4, v6  }
0x4e: {  	v6 =	vmul.f32 $2.000000030e-01, v7;
	v4 =	vmul.f32 $1.442695020e+00, v4;
	v5 =	vsel vm1, v5, v8  }
0x4f: {  	s21 =	simm.s32 $0xA460;
	vm4 =	vgt.f32 v7, $0.0e+00;
	v5 =	vmul.f32 $1.442695020e+00, v5  }
0x50: {  	s29 =	simm.s32 $0xC4A0;
	s26 =	simm.s32 $0x5E0;
	v6 =	vsel vm4, v7, v6;
	(erf) = vpow2.f32 v4;
	v4 =	vld [tilespmem:s21+$0x10];
	v7 =	vpop (erf)  }
0x51: {  	(erf) = vpow2.f32 v5;
	v5 =	vld [tilespmem:s26+$0x90];
	[tilespmem:s29+$0x90] =	vst v7  }
0x52: {  	v6 =	vmul.f32 $1.442695020e+00, v6;
	v8 =	vld [tilespmem:s19+$0x50];
	_ =	sdelay $0x1  }
0x53: {  	(erf) = vpow2.f32 v6  }
0x54: {  	v11 =	vld [tilespmem:s26+$0xFFFFFFF0];
	v10 =	vperm.xlane v7, v0  }
0x55: {  	v12 =	vld [tilespmem:s21+$0x0]  }
0x56: {  	v9 =	vld [tilespmem:s21+$0xFFFFFFF0];
	v4 =	vadd.f32 v5, v4;
	v8 =	vmul.f32 v8, v10  }
0x57: {  	v13 =	vld [tilespmem:s21+$0xFFFFFFE0]  }
0x58: {  	v6 =	vld [tilespmem:s26+$0xFFFFFFA0];
	[tilespmem:s29+$0x50] =	vst v8;
	v8 =	vmul.f32 $2.000000030e-01, v4  }
0x59: {  	v5 =	vld [tilespmem:s26+$0x40];
	v10 =	vpop (erf);
	vm5 =	vgt.f32 v4, $0.0e+00  }
0x5a: {  	[tilespmem:s29+$0xFFFFFFF0] =	vst v10;
	v15 =	vld [tilespmem:s19+$0x60];
	v4 =	vsel vm5, v4, v8  }
0x5b: {  	v9 =	vadd.f32 v11, v9;
	v14 =	vpop (erf);
	v11 =	vld [tilespmem:s19+$0xFFFFFFB0];
	v4 =	vmul.f32 $1.442695020e+00, v4  }
0x5c: {  	v19 =	vperm.xlane v7, v1;
	v21 =	vperm.xlane v10, v2;
	[tilespmem:s29+$0xFFFFFFA0] =	vst v14;
	v16 =	vpop (erf)  }
0x5d: {  	v6 =	vadd.f32 v6, v13;
	v18 =	vperm.xlane v14, v0;
	v17 =	vld [tilespmem:s19+$0xFFFFFF60];
	[tilespmem:s29+$0x40] =	vst v16;
	(erf) = vpow2.f32 v4  }
0x5e: {  	v5 =	vadd.f32 v5, v12;
	v8 =	vperm.xlane v10, v0;
	v20 =	vperm.xlane v16, v0;
	v12 =	vld [tilespmem:s19+$0x0]  }
0x5f: {  	vm6 =	vgt.f32 v9, $0.0e+00;
	v4 =	vmul.f32 $2.000000030e-01, v9;
	v13 =	vmul.f32 v15, v19  }
0x60: {  	s31 =	simm.s32 $0x720;
	vm2 =	vgt.f32 v6, $0.0e+00;
	v8 =	vmul.f32 v11, v8;
	v15 =	vmul.f32 $2.000000030e-01, v5  }
0x61: {  	v24 =	vld [tilespmem:s31+$0xFFFFFFF0];
	v23 =	vperm.xlane v16, v2;
	vm7 =	vgt.f32 v5, $0.0e+00;
	v19 =	vmul.f32 $2.000000030e-01, v6;
	[tilespmem:s29+$0x60] =	vst v13  }
0x62: {  	v17 =	vmul.f32 v17, v18;
	v4 =	vsel vm6, v9, v4;
	[tilespmem:s29+$0xFFFFFFB0] =	vst v8;
	v5 =	vsel vm7, v5, v15;
	v9 =	vld [tilespmem:s19+$0x70]  }
0x63: {  	s22 =	simm.s32 $0xA4A0;
	v6 =	vsel vm2, v6, v19;
	v4 =	vmul.f32 $1.442695020e+00, v4;
	v11 =	vmul.f32 v12, v20;
	v8 =	vld [tilespmem:s19+$0xFFFFFFC0]  }
0x64: {  	v13 =	vld [tilespmem:s22+$0x10];
	[tilespmem:s29+$0xFFFFFF60] =	vst v17;
	v5 =	vmul.f32 $1.442695020e+00, v5;
	v6 =	vmul.f32 $1.442695020e+00, v6  }
0x65: {  	v12 =	vld [tilespmem:s19+$0xFFFFFF70];
	(erf) = vpow2.f32 v4;
	[tilespmem:s29+$0x0] =	vst v11;
	v4 =	vperm.xlane v7, v2  }
0x66: {  	s30 =	simm.s32 $0xC5E0;
	v18 =	vperm.xlane v16, v1;
	(erf) = vpow2.f32 v6;
	v11 =	vld [tilespmem:s19+$0x10];
	v15 =	vpop (erf)  }
0x67: {  	(erf) = vpow2.f32 v5;
	v4 =	vmul.f32 v9, v4;
	v9 =	vld [tilespmem:s31+$0x90];
	[tilespmem:s30+$0x90] =	vst v15  }
0x68: {  	v20 =	vperm.xlane v14, v2;
	v5 =	vperm.xlane v14, v1;
	v19 =	vld [tilespmem:s26+$0x50]  }
0x69: {  	v28 =	vld [tilespmem:s22+$0xFFFFFFE0];
	v17 =	vperm.xlane v10, v1;
	v6 =	vperm.xlane v14, v3  }
0x6a: {  	v14 =	vld [tilespmem:s31+$0xFFFFFFA0];
	v12 =	vmul.f32 v12, v5;
	v5 =	vperm.xlane v10, v3  }
0x6b: {  	v10 =	vld [tilespmem:s22+$0xFFFFFFF0];
	[tilespmem:s29+$0x70] =	vst v4;
	v4 =	vperm.xlane v16, v3;
	v16 =	vperm.xlane v15, v0  }
0x6c: {  	v8 =	vmul.f32 v8, v17;
	v11 =	vmul.f32 v11, v18;
	v18 =	vld [tilespmem:s22+$0x0]  }
0x6d: {  	v22 =	vld [tilespmem:s19+$0x80];
	[tilespmem:s29+$0xFFFFFF70] =	vst v12;
	v9 =	vadd.f32 v9, v13;
	v16 =	vmul.f32 v19, v16  }
0x6e: {  	v7 =	vperm.xlane v7, v3;
	[tilespmem:s29+$0xFFFFFFC0] =	vst v8;
	v8 =	vld [tilespmem:s19+$0xFFFFFF80];
	v17 =	vpop (erf)  }
0x6f: {  	v14 =	vadd.f32 v14, v28;
	v28 =	vperm.xlane v15, v1;
	v26 =	vpop (erf);
	v19 =	vld [tilespmem:s31+$0x40];
	[tilespmem:s30+$0x50] =	vst v16;
	v16 =	vmul.f32 $2.000000030e-01, v9  }
0x70: {  	v25 =	vperm.xlane v17, v0;
	v30 =	vperm.xlane v17, v1;
	v27 =	vpop (erf);
	[tilespmem:s30+$0xFFFFFFA0] =	vst v26;
	vm8 =	vgt.f32 v9, $0.0e+00  }
0x71: {  	v13 =	vperm.xlane v26, v0;
	v29 =	vperm.xlane v27, v0;
	v31 =	vld [tilespmem:s26+$0xFFFFFF60];
	v9 =	vsel vm8, v9, v16  }
0x72: {  	v22 =	vmul.f32 v22, v7;
	v7 =	vadd.f32 v24, v10;
	[tilespmem:s30+$0x40] =	vst v27;
	v10 =	vld [tilespmem:s26+$0x60];
	v9 =	vmul.f32 $1.442695020e+00, v9  }
0x73: {  	s24 =	simm.s32 $0xA4E0;
	[tilespmem:s30+$0xFFFFFFF0] =	vst v17;
	v24 =	vperm.xlane v26, v1;
	v32 =	vld [tilespmem:s26+$0x0];
	v20 =	vmul.f32 v8, v20  }
0x74: {  	s21 =	simm.s32 $0x860;
	[tilespmem:s29+$0x80] =	vst v22;
	v22 =	vld [tilespmem:s24+$0x0];
	v16 =	vmul.f32 $2.000000030e-01, v7;
	v18 =	vadd.f32 v19, v18;
	(erf) = vpow2.f32 v9  }
0x75: {  	v59 =	vperm.xlane v27, v2;
	v8 =	vperm.xlane v17, v3;
	vm9 =	vgt.f32 v7, $0.0e+00;
	[tilespmem:s29+$0xFFFFFF80] =	vst v20;
	v20 =	vld [tilespmem:s21+$0x40]  }
0x76: {  	v19 =	vld [tilespmem:s26+$0xFFFFFFB0];
	v7 =	vsel vm9, v7, v16;
	v33 =	vmul.f32 $2.000000030e-01, v18;
	v9 =	vmul.f32 $2.000000030e-01, v14  }
0x77: {  	vm11 =	vgt.f32 v14, $0.0e+00;
	v16 =	vld [tilespmem:s19+$0xFFFFFFD0];
	v7 =	vmul.f32 $1.442695020e+00, v7;
	v10 =	vmul.f32 v10, v28  }
0x78: {  	[tilespmem:s29+$0x10] =	vst v11;
	v13 =	vmul.f32 v31, v13;
	vm10 =	vgt.f32 v18, $0.0e+00;
	v28 =	vld [tilespmem:s24+$0x10];
	v9 =	vsel vm11, v14, v9  }
0x79: {  	v12 =	vsel vm10, v18, v33;
	v18 =	vld [tilespmem:s19+$0x20];
	(erf) = vpow2.f32 v7;
	[tilespmem:s30+$0x60] =	vst v10;
	v9 =	vmul.f32 $1.442695020e+00, v9  }
0x7a: {  	[tilespmem:s30+$0xFFFFFF60] =	vst v13;
	v7 =	vmul.f32 v32, v29;
	v12 =	vmul.f32 $1.442695020e+00, v12;
	v11 =	vld [tilespmem:s26+$0x70]  }
0x7b: {  	v10 =	vmul.f32 v19, v25;
	v19 =	vld [tilespmem:s26+$0xFFFFFF70];
	(erf) = vpow2.f32 v9  }
0x7c: {  	v31 =	vperm.xlane v17, v2;
	[tilespmem:s30+$0x0] =	vst v7;
	v21 =	vmul.f32 v16, v21;
	v16 =	vld [tilespmem:s21+$0x90]  }
0x7d: {  	s22 =	simm.s32 $0xC720;
	v7 =	vperm.xlane v15, v2;
	[tilespmem:s30+$0xFFFFFFB0] =	vst v10;
	(erf) = vpow2.f32 v12;
	v12 =	vld [tilespmem:s26+$0x10];
	v14 =	vpop (erf)  }
0x7e: {  	v13 =	vperm.xlane v27, v1;
	v25 =	vperm.xlane v26, v2;
	v10 =	vld [tilespmem:s26+$0xFFFFFFC0];
	[tilespmem:s22+$0x90] =	vst v14  }
0x7f: {  	v15 =	vperm.xlane v15, v3;
	v7 =	vmul.f32 v11, v7;
	v11 =	vld [tilespmem:s31+$0x50]  }
0x80: {  	v37 =	vld [tilespmem:s24+$0xFFFFFFE0];
	v9 =	vperm.xlane v26, v3;
	v23 =	vmul.f32 v18, v23  }
0x81: {  	v24 =	vmul.f32 v19, v24;
	v16 =	vadd.f32 v16, v28;
	[tilespmem:s30+$0x70] =	vst v7;
	v7 =	vperm.xlane v27, v3;
	v27 =	vld [tilespmem:s21+$0xFFFFFFA0]  }
0x82: {  	v20 =	vadd.f32 v20, v22;
	v18 =	vperm.xlane v14, v0;
	v29 =	vmul.f32 v12, v13;
	v13 =	vld [tilespmem:s24+$0xFFFFFFF0]  }
0x83: {  	[tilespmem:s29+$0x20] =	vst v23;
	v26 =	vmul.f32 v10, v30;
	v10 =	vpop (erf);
	v61 =	vmul.f32 $2.000000030e-01, v16;
	v17 =	vld [tilespmem:s26+$0x80]  }
0x84: {  	vm14 =	vgt.f32 v20, $0.0e+00;
	v30 =	vld [tilespmem:s21+$0xFFFFFFF0];
	[tilespmem:s30+$0x10] =	vst v29;
	v29 =	vmul.f32 $2.000000030e-01, v20;
	v12 =	vpop (erf);
	v35 =	vmul.f32 v11, v18  }
0x85: {  	vm12 =	vgt.f32 v16, $0.0e+00;
	v60 =	vperm.xlane v10, v0;
	[tilespmem:s30+$0xFFFFFFC0] =	vst v26;
	v34 =	vperm.xlane v12, v0  }
0x86: {  	v23 =	vld [tilespmem:s19+$0x30];
	v19 =	vperm.xlane v12, v1;
	v20 =	vsel vm14, v20, v29;
	v18 =	vperm.xlane v10, v1;
	[tilespmem:s22+$0x50] =	vst v35  }
0x87: {  	[tilespmem:s22+$0xFFFFFFA0] =	vst v12;
	v11 =	vpop (erf);
	v26 =	vadd.f32 v27, v37;
	v27 =	vperm.xlane v14, v1;
	v20 =	vmul.f32 $1.442695020e+00, v20;
	v39 =	vld [tilespmem:s31+$0x60]  }
0x88: {  	[tilespmem:s30+$0xFFFFFF70] =	vst v24;
	v38 =	vld [tilespmem:s31+$0xFFFFFF60];
	v36 =	vperm.xlane v11, v0;
	v28 =	vmul.f32 v17, v15;
	v35 =	vsel vm12, v16, v61  }
0x89: {  	v63 =	vld [tilespmem:s26+$0xFFFFFF80];
	[tilespmem:s22+$0xFFFFFFF0] =	vst v10;
	v30 =	vadd.f32 v30, v13;
	v17 =	vperm.xlane v11, v1;
	v22 =	vmul.f32 $1.442695020e+00, v35  }
0x8a: {  	v40 =	vld [tilespmem:s31+$0xFFFFFFB0];
	v15 =	vperm.xlane v12, v2;
	[tilespmem:s22+$0x40] =	vst v11;
	v13 =	vperm.xlane v11, v2  }
0x8b: {  	v24 =	vmul.f32 $2.000000030e-01, v30;
	v62 =	vld [tilespmem:s31+$0x0];
	(erf) = vpow2.f32 v22  }
0x8c: {  	[tilespmem:s29+$0xFFFFFFD0] =	vst v21;
	v41 =	vld [tilespmem:s26+$0xFFFFFFD0];
	vm13 =	vgt.f32 v30, $0.0e+00;
	v21 =	vmul.f32 v39, v27;
	v27 =	vmul.f32 $2.000000030e-01, v26  }
0x8d: {  	vm15 =	vgt.f32 v26, $0.0e+00;
	[tilespmem:s30+$0x80] =	vst v28;
	v24 =	vsel vm13, v30, v24;
	v30 =	vld [tilespmem:s26+$0x20];
	v28 =	vmul.f32 v38, v34  }
0x8e: {  	v16 =	vperm.xlane v10, v2;
	v22 =	vld [tilespmem:s19+$0xFFFFFF90];
	v24 =	vmul.f32 $1.442695020e+00, v24;
	v26 =	vsel vm15, v26, v27;
	[tilespmem:s22+$0x60] =	vst v21  }
0x8f: {  	v29 =	vmul.f32 v40, v60;
	[tilespmem:s22+$0xFFFFFF60] =	vst v28;
	v26 =	vmul.f32 $1.442695020e+00, v26;
	v27 =	vld [tilespmem:s31+$0x70]  }
0x90: {  	(erf) = vpow2.f32 v24;
	v24 =	vmul.f32 v62, v36;
	v28 =	vld [tilespmem:s31+$0xFFFFFF70]  }
0x91: {  	[tilespmem:s22+$0xFFFFFFB0] =	vst v29;
	v21 =	vld [tilespmem:s19+$0xFFFFFFE0];
	(erf) = vpow2.f32 v26;
	v26 =	vmul.f32 v63, v25  }
0x92: {  	s4 =	simm.s32 $0xA520;
	v29 =	vperm.xlane v14, v2;
	[tilespmem:s22+$0x0] =	vst v24;
	v25 =	vld [tilespmem:s31+$0xFFFFFFC0];
	(erf) = vpow2.f32 v20  }
0x93: {  	s1 =	simm.s32 $0xC720;
	s24 =	simm.s32 $0xC;
	v24 =	vld [tilespmem:s31+$0x10];
	s19 =	simm.s32 $0x860;
	v20 =	vmul.f32 v30, v59;
	[tilespmem:s30+$0xFFFFFF80] =	vst v26;
	v26 =	vmul.f32 v41, v31  }
.LBB2_3:
0x94: {  	v30 =	vld [tilespmem:s4+$0x10];
	s21 =	sadd.s32 $0x140, s21;
	v31 =	vpop (erf);
	v12 =	vperm.xlane v12, v3;
	v27 =	vmul.f32 v27, v29;
	s22 =	sadd.s32 $0x140, s22  }
0x95: {  	v10 =	vperm.xlane v10, v3;
	v29 =	vld [tilespmem:s21+$0x90];
	[tilespmem:s22+$0x90] =	vst v31;
	v19 =	vmul.f32 v28, v19  }
0x96: {  	v11 =	vperm.xlane v11, v3;
	v22 =	vmul.f32 v22, v6;
	v6 =	vmovc v9;
	v28 =	vld [tilespmem:s19+$0x50];
	[tilespmem:s1+$0x70] =	vst v27;
	v9 =	vmov v12  }
0x97: {  	v21 =	vmul.f32 v21, v5;
	v5 =	vmovc v8;
	v8 =	vmov v10;
	[tilespmem:s1+$0xFFFFFF70] =	vst v19;
	v19 =	vmul.f32 v25, v18;
	v18 =	vld [tilespmem:s31+$0x80]  }
0x98: {  	s24 =	sadd.s32 $0x4, s24;
	v23 =	vmul.f32 v23, v4;
	v4 =	vmovc v7;
	v7 =	vmov v11;
	v25 =	vld [tilespmem:s21+$0xFFFFFFA0];
	v24 =	vmul.f32 v24, v17;
	[tilespmem:s30+$0xFFFFFFD0] =	vst v26  }
0x99: {  	p0 =	slt.u32 s24, $0xFC;
	v34 =	vperm.xlane v31, v0;
	v26 =	vld [tilespmem:s4+$0xFFFFFFF0];
	v10 =	vpop (erf);
	[tilespmem:s1+$0xFFFFFFC0] =	vst v19  }
0x9a: {  	v17 =	vperm.xlane v14, v3;
	v14 =	vmov v31;
	v27 =	vld [tilespmem:s21+$0xFFFFFFF0];
	[tilespmem:s22+$0xFFFFFFF0] =	vst v10;
	v32 =	vperm.xlane v10, v0;
	v12 =	vpop (erf)  }
0x9b: {  	v31 =	vld [tilespmem:s4+$0x0];
	[tilespmem:s22+$0xFFFFFFA0] =	vst v12;
	v33 =	vperm.xlane v12, v0;
	v28 =	vmul.f32 v28, v34;
	v11 =	vpop (erf)  }
0x9c: {  	v29 =	vadd.f32 v29, v30;
	v34 =	vld [tilespmem:s21+$0x40];
	[tilespmem:s22+$0x40] =	vst v11;
	v30 =	vperm.xlane v11, v0;
	v35 =	vmul.f32 v18, v17  }
0x9d: {  	v19 =	vperm.xlane v12, v1;
	v18 =	vperm.xlane v10, v1;
	v36 =	vld [tilespmem:s4+$0xFFFFFFE0];
	[tilespmem:s22+$0x50] =	vst v28  }
0x9e: {  	v17 =	vperm.xlane v11, v1;
	v28 =	vmul.f32 $2.000000030e-01, v29;
	v37 =	vld [tilespmem:s19+$0xFFFFFF60];
	[tilespmem:s1+$0x80] =	vst v35  }
0x9f: {  	vm0 =	vgt.f32 v29, $0.0e+00;
	v35 =	vperm.xlane v12, v2;
	v26 =	vadd.f32 v27, v26;
	v27 =	vld [tilespmem:s19+$0x60];
	[tilespmem:s1+$0x10] =	vst v24  }
0xa0: {  	v38 =	vperm.xlane v10, v2;
	v39 =	vperm.xlane v11, v2;
	v24 =	vsel vm0, v29, v28;
	v28 =	vld [tilespmem:s19+$0xFFFFFFB0];
	[tilespmem:s30+$0x20] =	vst v20  }
0xa1: {  	v24 =	vmul.f32 $1.442695020e+00, v24;
	v20 =	vmul.f32 $2.000000030e-01, v26;
	v29 =	vadd.f32 v34, v31;
	v31 =	vld [tilespmem:s19+$0x0];
	[tilespmem:s29+$0xFFFFFF90] =	vst v22  }
0xa2: {  	vm0 =	vgt.f32 v26, $0.0e+00;
	v22 =	vperm.xlane v14, v1;
	v25 =	vadd.f32 v25, v36;
	v34 =	vld [tilespmem:s31+$0xFFFFFF80];
	[tilespmem:s29+$0xFFFFFFE0] =	vst v21  }
0xa3: {  	vm1 =	vgt.f32 v29, $0.0e+00;
	v21 =	vmul.f32 $2.000000030e-01, v29;
	(erf) = vpow2.f32 v24;
	v36 =	vld [tilespmem:s31+$0xFFFFFFD0];
	[tilespmem:s29+$0x30] =	vst v23;
	s29 =	smov.u32 s30;
	s30 =	smov.u32 s1;
	s1 =	smov.u32 s22  }
0xa4: {  	vm2 =	vgt.f32 v25, $0.0e+00;
	v23 =	vmul.f32 $2.000000030e-01, v25;
	v24 =	vmul.f32 v27, v22;
	v40 =	vld [tilespmem:s31+$0x20]  }
0xa5: {  	v20 =	vsel vm0, v26, v20;
	v26 =	vmul.f32 v37, v33;
	v21 =	vsel vm1, v29, v21;
	v22 =	vld [tilespmem:s26+$0xFFFFFF90]  }
0xa6: {  	v20 =	vmul.f32 $1.442695020e+00, v20;
	v23 =	vsel vm2, v25, v23;
	v25 =	vmul.f32 $1.442695020e+00, v21;
	[tilespmem:s22+$0x60] =	vst v24;
	v21 =	vld [tilespmem:s26+$0xFFFFFFE0]  }
.Ltmp0:
0xa7: {  	v24 =	vmul.f32 v28, v32;
	v23 =	vmul.f32 $1.442695020e+00, v23;
	[tilespmem:s22+$0xFFFFFF60] =	vst v26;
	v27 =	vld [tilespmem:s19+$0x70];
	(pc) =	sbr.rel @p0 .LBB2_3-.Ltmp0, $4  }
0xa8: {  	(erf) = vpow2.f32 v20;
	v28 =	vld [tilespmem:s19+$0xFFFFFF70];
	v20 =	vmul.f32 v31, v30  }
0xa9: {  	v26 =	vmul.f32 v34, v15;
	v15 =	vmov v35;
	(erf) = vpow2.f32 v23;
	[tilespmem:s22+$0xFFFFFFB0] =	vst v24;
	v23 =	vld [tilespmem:s26+$0x30];
	s26 =	smov.u32 s31;
	s31 =	smov.u32 s19;
	s19 =	smov.u32 s21  }
0xaa: {  	v29 =	vperm.xlane v14, v2;
	(erf) = vpow2.f32 v25;
	v25 =	vld [tilespmem:s31+$0xFFFFFFC0];
	[tilespmem:s22+$0x0] =	vst v20  }
0xab: {  	s4 =	sadd.s32 $0x40, s4;
	v20 =	vmul.f32 v40, v13;
	v13 =	vmovc v39;
	v24 =	vld [tilespmem:s31+$0x10];
	[tilespmem:s30+$0xFFFFFF80] =	vst v26;
	v26 =	vmul.f32 v36, v16;
	v16 =	vmov v38  }
0xac: {  	v30 =	vpop (erf);
	s4 =	sadd.s32 $0x140, s22  }
0xad: {  	[tilespmem:s4+$0x90] =	vst v30  }
0xae: {  	v31 =	vld [tilespmem:s19+$0x50];
	_ =	sdelay $0x2  }
0xaf: {  	v32 =	vperm.xlane v30, v0  }
0xb0: {  	v27 =	vmul.f32 v27, v29  }
0xb1: {  	v31 =	vmul.f32 v31, v32  }
0xb2: {  	[tilespmem:s30+$0xFFFFFFD0] =	vst v26  }
0xb3: {  	v19 =	vmul.f32 v28, v19;
	[tilespmem:s4+$0x50] =	vst v31  }
0xb4: {  	[tilespmem:s1+$0x70] =	vst v27;
	v27 =	vpop (erf);
	v28 =	vld [tilespmem:s19+$0x60]  }
0xb5: {  	[tilespmem:s1+$0xFFFFFF70] =	vst v19;
	v19 =	vld [tilespmem:s31+$0x80];
	v29 =	vpop (erf)  }
0xb6: {  	[tilespmem:s4+$0xFFFFFFA0] =	vst v29  }
0xb7: {  	v6 =	vmul.f32 v22, v6;
	v33 =	vperm.xlane v30, v1;
	[tilespmem:s4+$0xFFFFFFF0] =	vst v27;
	v56 =	vld [tilespmem:s19+$0xFFFFFF60];
	v31 =	vpop (erf)  }
0xb8: {  	v14 =	vperm.xlane v14, v3;
	v18 =	vmul.f32 v25, v18;
	v25 =	vld [tilespmem:s19+$0xFFFFFFB0];
	[tilespmem:s4+$0x40] =	vst v31  }
0xb9: {  	[tilespmem:s29+$0xFFFFFF90] =	vst v6;
	v26 =	vld [tilespmem:s19+$0x0];
	v28 =	vmul.f32 v28, v33  }
0xba: {  	[tilespmem:s1+$0xFFFFFFC0] =	vst v18;
	v18 =	vperm.xlane v29, v0;
	v14 =	vmul.f32 v19, v14  }
0xbb: {  	v17 =	vmul.f32 v24, v17;
	v19 =	vperm.xlane v27, v0;
	[tilespmem:s4+$0x60] =	vst v28  }
0xbc: {  	[tilespmem:s1+$0x80] =	vst v14;
	v24 =	vperm.xlane v31, v0;
	v14 =	vmul.f32 v56, v18;
	v18 =	vld [tilespmem:s19+$0x70]  }
0xbd: {  	[tilespmem:s1+$0x10] =	vst v17;
	v17 =	vmul.f32 v25, v19  }
0xbe: {  	v6 =	vld [tilespmem:s31+$0xFFFFFF80];
	[tilespmem:s4+$0xFFFFFF60] =	vst v14;
	v14 =	vmul.f32 v26, v24  }
0xbf: {  	[tilespmem:s4+$0xFFFFFFB0] =	vst v17;
	v17 =	vperm.xlane v30, v2;
	v19 =	vld [tilespmem:s19+$0xFFFFFF70]  }
0xc0: {  	v4 =	vmul.f32 v23, v4;
	v22 =	vld [tilespmem:s19+$0xFFFFFFC0];
	[tilespmem:s4+$0x0] =	vst v14  }
0xc1: {  	[tilespmem:s30+$0x20] =	vst v20;
	v14 =	vld [tilespmem:s19+$0x10];
	v17 =	vmul.f32 v18, v17  }
0xc2: {  	v5 =	vmul.f32 v21, v5;
	[tilespmem:s29+$0x30] =	vst v4;
	v21 =	vld [tilespmem:s31+$0xFFFFFFD0];
	v18 =	vperm.xlane v29, v1  }
0xc3: {  	v20 =	vperm.xlane v27, v1;
	v4 =	vld [tilespmem:s31+$0x20];
	[tilespmem:s4+$0x70] =	vst v17  }
0xc4: {  	[tilespmem:s29+$0xFFFFFFE0] =	vst v5;
	v17 =	vperm.xlane v31, v1;
	v5 =	vmul.f32 v19, v18;
	v18 =	vld [tilespmem:s19+$0x80]  }
0xc5: {  	v19 =	vmul.f32 v22, v20  }
0xc6: {  	v20 =	vld [tilespmem:s26+$0xFFFFFF90];
	[tilespmem:s4+$0xFFFFFF70] =	vst v5;
	v5 =	vmul.f32 v14, v17  }
0xc7: {  	v6 =	vmul.f32 v6, v15;
	[tilespmem:s4+$0xFFFFFFC0] =	vst v19;
	v14 =	vperm.xlane v30, v3;
	v15 =	vld [tilespmem:s19+$0xFFFFFF80]  }
0xc8: {  	v16 =	vmul.f32 v21, v16;
	[tilespmem:s4+$0x10] =	vst v5;
	v5 =	vld [tilespmem:s19+$0xFFFFFFD0]  }
0xc9: {  	[tilespmem:s1+$0xFFFFFF80] =	vst v6;
	v4 =	vmul.f32 v4, v13;
	v6 =	vmul.f32 v18, v14;
	v14 =	vld [tilespmem:s19+$0x20]  }
0xca: {  	[tilespmem:s1+$0xFFFFFFD0] =	vst v16;
	v17 =	vperm.xlane v29, v2;
	v18 =	vld [tilespmem:s26+$0xFFFFFFE0]  }
0xcb: {  	v13 =	vperm.xlane v27, v2;
	v16 =	vld [tilespmem:s26+$0x30];
	[tilespmem:s1+$0x20] =	vst v4;
	v9 =	vmul.f32 v20, v9  }
0xcc: {  	v4 =	vld [tilespmem:s31+$0xFFFFFF90];
	[tilespmem:s4+$0x80] =	vst v6;
	v6 =	vperm.xlane v31, v2;
	v15 =	vmul.f32 v15, v17  }
0xcd: {  	[tilespmem:s30+$0xFFFFFF90] =	vst v9;
	v9 =	vld [tilespmem:s31+$0xFFFFFFE0];
	v5 =	vmul.f32 v5, v13  }
0xce: {  	v13 =	vld [tilespmem:s31+$0x30];
	[tilespmem:s4+$0xFFFFFF80] =	vst v15;
	v6 =	vmul.f32 v14, v6  }
0xcf: {  	v12 =	vperm.xlane v12, v3;
	v8 =	vmul.f32 v18, v8;
	[tilespmem:s4+$0xFFFFFFD0] =	vst v5;
	v5 =	vld [tilespmem:s19+$0xFFFFFF90]  }
0xd0: {  	v10 =	vperm.xlane v10, v3;
	v7 =	vmul.f32 v16, v7;
	[tilespmem:s4+$0x20] =	vst v6;
	v6 =	vld [tilespmem:s19+$0xFFFFFFE0]  }
0xd1: {  	v11 =	vperm.xlane v11, v3;
	v4 =	vmul.f32 v4, v12;
	[tilespmem:s30+$0xFFFFFFE0] =	vst v8;
	v8 =	vld [tilespmem:s19+$0x30]  }
0xd2: {  	v12 =	vperm.xlane v29, v3;
	[tilespmem:s30+$0x30] =	vst v7;
	v7 =	vmul.f32 v9, v10  }
0xd3: {  	[tilespmem:s1+$0xFFFFFF90] =	vst v4;
	v9 =	vperm.xlane v27, v3;
	v10 =	vmul.f32 v13, v11  }
0xd4: {  	v4 =	vperm.xlane v31, v3;
	[tilespmem:s1+$0xFFFFFFE0] =	vst v7;
	v5 =	vmul.f32 v5, v12  }
0xd5: {  	[tilespmem:s1+$0x30] =	vst v10;
	v6 =	vmul.f32 v6, v9  }
0xd6: {  	[tilespmem:s4+$0xFFFFFF90] =	vst v5;
	v4 =	vmul.f32 v8, v4  }
0xd7: {  	[tilespmem:s4+$0xFFFFFFE0] =	vst v6  }
0xd8: {  	[tilespmem:s4+$0x30] =	vst v4  }
0xd9: {  	[spmem:s2] =	stream.indirect.scatter.add.f32 [tilespmem:s11], [sflag:$0x3], $0x50, s20, s18, $0xb8;
	[tilespmem:$0x1DC00] =	vst v63  }
0xda: {  	s1 =	sadd.s32 $0x2, s8;
	_ =	swait.ge [sflag:s17], $0x2800  }
0xdb: {  	p0 =	slt.s32 s1, s13;
	s4 =	smov.u32 s13;
	[sflag:s17] =	ssyncset.done $0x0  }
0xdc: {  	s4 =	smov.u32 @p0 s1;
	[sflag:s17] =	ssyncadd.s32 $0xFFFFD800  }
0xdd: {  	[spmem:s2] =	stream.indirect.scatter.add.f32 [tilespmem:s14], [sflag:$0x3], $0x50, s23, s18, $0xb8;
	[tilespmem:$0x1DC00] =	vst v63  }
0xde: {  	s1 =	sshll.u32 s4, $0x6;
	_ =	swait.ge [sflag:s17], $0x2800  }
0xdf: {  	s1 =	sand.u32 $0x1FFFFFC0, s1;
	[sflag:s17] =	ssyncset.done $0x0  }
0xe0: {  	s1 =	sadd.s32 s9, s1;
	[sflag:s17] =	ssyncadd.s32 $0xFFFFD800  }
0xe1: {  	[tilespmem:s3], [sflag:$0x3] =	stream.linear.gather [hbm4b:s1+s3], $0x200, $0x38;
	[tilespmem:$0x1DC00] =	vst v63  }
0xe2: {  	_ =	swait.ge [sflag:s17], $0x200  }
0xe3: {  	[sflag:s17] =	ssyncset.done $0x0  }
0xe4: {  	s24 =	simm.s32 $0x400;
	[sflag:s17] =	ssyncadd.s32 $0xFFFFFE00  }
0xe5: {  	[tilespmem:s24], [sflag:$0x1] =	stream.indirect.gather [hbm4b:s5+s18], $0x50, s3, s18, $0xb8;
	[tilespmem:$0x1DC00] =	vst v63  }
0xe6: {  	s26 =	simm.s32 $0xA400  }
0xe7: {  	[tilespmem:s26], [sflag:$0x1] =	stream.indirect.gather [hbm4b:s6+s18], $0x10, s20, s18, $0xb8;
	[tilespmem:$0x1DC00] =	vst v63  }
0xe8: {  	s31 =	simm.s32 $0x2C00  }
0xe9: {  	[tilespmem:s31], [sflag:$0x1] =	stream.indirect.gather [hbm4b:s5+s18], $0x50, s18, s18, $0xb8;
	[tilespmem:$0x1DC00] =	vst v63  }
0xea: {  	s4 =	simm.s32 $0xAC00  }
0xeb: {  	[tilespmem:s4], [sflag:$0x1] =	stream.indirect.gather [hbm4b:s6+s18], $0x10, s23, s18, $0xb8;
	[tilespmem:$0x1DC00] =	vst v63  }
0xec: {  	_ =	swait.ge [sflag:s15], $0x5000  }
0xed: {  	[sflag:s15] =	ssyncset.done $0x0  }
0xee: {  	[sflag:s15] =	ssyncadd.s32 $0xFFFFB000  }
0xef: {  	_ =	swait.ge [sflag:s15], $0x1000  }
0xf0: {  	[sflag:s15] =	ssyncset.done $0x0  }
0xf1: {  	s8 =	simm.s32 $0xB420;
	[sflag:s15] =	ssyncadd.s32 $0xFFFFF000  }
0xf2: {  	s19 =	simm.s32 $0x54A0;
	v4 =	vld [tilespmem:s8+$0x10]  }
0xf3: {  	v5 =	vld [tilespmem:s19+$0x90];
	_ =	sdelay $0x4  }
0xf4: {  	v4 =	vadd.f32 v5, v4;
	_ =	sdelay $0x1  }
0xf5: {  	v7 =	vld [tilespmem:s8+$0xFFFFFFF0];
	v6 =	vmul.f32 $2.000000030e-01, v4  }
0xf6: {  	v8 =	vld [tilespmem:s19+$0xFFFFFFF0];
	vm0 =	vgt.f32 v4, $0.0e+00  }
0xf7: {  	v5 =	vld [tilespmem:s19+$0xFFFFFFA0];
	v4 =	vsel vm0, v4, v6  }
0xf8: {  	v6 =	vld [tilespmem:s8+$0xFFFFFFE0];
	v4 =	vmul.f32 $1.442695020e+00, v4  }
0xf9: {  	v9 =	vld [tilespmem:s8+$0x0]  }
0xfa: {  	v10 =	vld [tilespmem:s19+$0x40];
	(erf) = vpow2.f32 v4;
	_ =	sdelay $0x1  }
0xfb: {  	v4 =	vadd.f32 v8, v7  }
0xfc: {  	v5 =	vadd.f32 v5, v6  }
0xfd: {  	v6 =	vmul.f32 $2.000000030e-01, v4  }
0xfe: {  	v7 =	vadd.f32 v10, v9;
	vm15 =	vgt.f32 v4, $0.0e+00;
	v8 =	vmul.f32 $2.000000030e-01, v5  }
0xff: {  	vm1 =	vgt.f32 v5, $0.0e+00;
	v4 =	vsel vm15, v4, v6  }
0x100: {  	v6 =	vmul.f32 $2.000000030e-01, v7;
	v4 =	vmul.f32 $1.442695020e+00, v4;
	v5 =	vsel vm1, v5, v8  }
0x101: {  	s22 =	simm.s32 $0xB460;
	vm4 =	vgt.f32 v7, $0.0e+00;
	v5 =	vmul.f32 $1.442695020e+00, v5  }
0x102: {  	s26 =	simm.s32 $0xC4A0;
	s8 =	simm.s32 $0x55E0;
	v6 =	vsel vm4, v7, v6;
	(erf) = vpow2.f32 v4;
	v4 =	vld [tilespmem:s22+$0x10];
	v7 =	vpop (erf)  }
0x103: {  	(erf) = vpow2.f32 v5;
	v5 =	vld [tilespmem:s8+$0x90];
	[tilespmem:s26+$0x90] =	vst v7  }
0x104: {  	v6 =	vmul.f32 $1.442695020e+00, v6;
	v8 =	vld [tilespmem:s19+$0x50];
	_ =	sdelay $0x1  }
0x105: {  	(erf) = vpow2.f32 v6  }
0x106: {  	v12 =	vld [tilespmem:s22+$0x0];
	v10 =	vperm.xlane v7, v0  }
0x107: {  	v11 =	vld [tilespmem:s8+$0xFFFFFFF0]  }
0x108: {  	v9 =	vld [tilespmem:s22+$0xFFFFFFF0];
	v4 =	vadd.f32 v5, v4;
	v8 =	vmul.f32 v8, v10  }
0x109: {  	v13 =	vld [tilespmem:s22+$0xFFFFFFE0]  }
0x10a: {  	v6 =	vld [tilespmem:s8+$0xFFFFFFA0];
	[tilespmem:s26+$0x50] =	vst v8;
	v8 =	vmul.f32 $2.000000030e-01, v4  }
0x10b: {  	v5 =	vld [tilespmem:s8+$0x40];
	v10 =	vpop (erf);
	vm5 =	vgt.f32 v4, $0.0e+00  }
0x10c: {  	[tilespmem:s26+$0xFFFFFFF0] =	vst v10;
	v15 =	vld [tilespmem:s19+$0x60];
	v4 =	vsel vm5, v4, v8  }
0x10d: {  	v9 =	vadd.f32 v11, v9;
	v14 =	vpop (erf);
	v11 =	vld [tilespmem:s19+$0xFFFFFFB0];
	v4 =	vmul.f32 $1.442695020e+00, v4  }
0x10e: {  	v19 =	vperm.xlane v7, v1;
	v21 =	vperm.xlane v10, v2;
	[tilespmem:s26+$0xFFFFFFA0] =	vst v14;
	v16 =	vpop (erf)  }
0x10f: {  	v6 =	vadd.f32 v6, v13;
	v18 =	vperm.xlane v14, v0;
	v17 =	vld [tilespmem:s19+$0xFFFFFF60];
	[tilespmem:s26+$0x40] =	vst v16;
	(erf) = vpow2.f32 v4  }
0x110: {  	v5 =	vadd.f32 v5, v12;
	v8 =	vperm.xlane v10, v0;
	v20 =	vperm.xlane v16, v0;
	v12 =	vld [tilespmem:s19+$0x0]  }
0x111: {  	vm6 =	vgt.f32 v9, $0.0e+00;
	v4 =	vmul.f32 $2.000000030e-01, v9;
	v13 =	vmul.f32 v15, v19  }
0x112: {  	s30 =	simm.s32 $0x5720;
	vm2 =	vgt.f32 v6, $0.0e+00;
	v8 =	vmul.f32 v11, v8;
	v15 =	vmul.f32 $2.000000030e-01, v5  }
0x113: {  	v24 =	vld [tilespmem:s30+$0xFFFFFFF0];
	v23 =	vperm.xlane v16, v2;
	vm7 =	vgt.f32 v5, $0.0e+00;
	v19 =	vmul.f32 $2.000000030e-01, v6;
	[tilespmem:s26+$0x60] =	vst v13  }
0x114: {  	v17 =	vmul.f32 v17, v18;
	v4 =	vsel vm6, v9, v4;
	[tilespmem:s26+$0xFFFFFFB0] =	vst v8;
	v5 =	vsel vm7, v5, v15;
	v9 =	vld [tilespmem:s19+$0x70]  }
0x115: {  	s24 =	simm.s32 $0xB4A0;
	v6 =	vsel vm2, v6, v19;
	v4 =	vmul.f32 $1.442695020e+00, v4;
	v11 =	vmul.f32 v12, v20;
	v8 =	vld [tilespmem:s19+$0xFFFFFFC0]  }
0x116: {  	v13 =	vld [tilespmem:s24+$0x10];
	[tilespmem:s26+$0xFFFFFF60] =	vst v17;
	v5 =	vmul.f32 $1.442695020e+00, v5;
	v6 =	vmul.f32 $1.442695020e+00, v6  }
0x117: {  	v12 =	vld [tilespmem:s19+$0xFFFFFF70];
	(erf) = vpow2.f32 v4;
	[tilespmem:s26+$0x0] =	vst v11;
	v4 =	vperm.xlane v7, v2  }
0x118: {  	s29 =	simm.s32 $0xC5E0;
	v18 =	vperm.xlane v16, v1;
	(erf) = vpow2.f32 v6;
	v11 =	vld [tilespmem:s19+$0x10];
	v15 =	vpop (erf)  }
0x119: {  	(erf) = vpow2.f32 v5;
	v4 =	vmul.f32 v9, v4;
	v9 =	vld [tilespmem:s30+$0x90];
	[tilespmem:s29+$0x90] =	vst v15  }
0x11a: {  	v20 =	vperm.xlane v14, v2;
	v5 =	vperm.xlane v14, v1;
	v19 =	vld [tilespmem:s8+$0x50]  }
0x11b: {  	v28 =	vld [tilespmem:s24+$0xFFFFFFE0];
	v17 =	vperm.xlane v10, v1;
	v6 =	vperm.xlane v14, v3  }
0x11c: {  	v14 =	vld [tilespmem:s30+$0xFFFFFFA0];
	v12 =	vmul.f32 v12, v5;
	v5 =	vperm.xlane v10, v3  }
0x11d: {  	v10 =	vld [tilespmem:s24+$0xFFFFFFF0];
	[tilespmem:s26+$0x70] =	vst v4;
	v4 =	vperm.xlane v16, v3;
	v16 =	vperm.xlane v15, v0  }
0x11e: {  	v8 =	vmul.f32 v8, v17;
	v11 =	vmul.f32 v11, v18;
	v18 =	vld [tilespmem:s24+$0x0]  }
0x11f: {  	v22 =	vld [tilespmem:s19+$0x80];
	[tilespmem:s26+$0xFFFFFF70] =	vst v12;
	v9 =	vadd.f32 v9, v13;
	v16 =	vmul.f32 v19, v16  }
0x120: {  	v7 =	vperm.xlane v7, v3;
	[tilespmem:s26+$0xFFFFFFC0] =	vst v8;
	v8 =	vld [tilespmem:s19+$0xFFFFFF80];
	v17 =	vpop (erf)  }
0x121: {  	v14 =	vadd.f32 v14, v28;
	v28 =	vperm.xlane v15, v1;
	v26 =	vpop (erf);
	v19 =	vld [tilespmem:s30+$0x40];
	[tilespmem:s29+$0x50] =	vst v16;
	v16 =	vmul.f32 $2.000000030e-01, v9  }
0x122: {  	v25 =	vperm.xlane v17, v0;
	v30 =	vperm.xlane v17, v1;
	v27 =	vpop (erf);
	[tilespmem:s29+$0xFFFFFFA0] =	vst v26;
	vm8 =	vgt.f32 v9, $0.0e+00  }
0x123: {  	v13 =	vperm.xlane v26, v0;
	v29 =	vperm.xlane v27, v0;
	v31 =	vld [tilespmem:s8+$0xFFFFFF60];
	v9 =	vsel vm8, v9, v16  }
0x124: {  	v22 =	vmul.f32 v22, v7;
	v7 =	vadd.f32 v24, v10;
	[tilespmem:s29+$0x40] =	vst v27;
	v10 =	vld [tilespmem:s8+$0x60];
	v9 =	vmul.f32 $1.442695020e+00, v9  }
0x125: {  	s31 =	simm.s32 $0xB4E0;
	[tilespmem:s29+$0xFFFFFFF0] =	vst v17;
	v24 =	vperm.xlane v26, v1;
	v57 =	vld [tilespmem:s8+$0x0];
	v20 =	vmul.f32 v8, v20  }
0x126: {  	s21 =	simm.s32 $0x5860;
	[tilespmem:s26+$0x80] =	vst v22;
	v22 =	vld [tilespmem:s31+$0x0];
	v16 =	vmul.f32 $2.000000030e-01, v7;
	v18 =	vadd.f32 v19, v18;
	(erf) = vpow2.f32 v9  }
0x127: {  	v59 =	vperm.xlane v27, v2;
	v8 =	vperm.xlane v17, v3;
	vm9 =	vgt.f32 v7, $0.0e+00;
	[tilespmem:s26+$0xFFFFFF80] =	vst v20;
	v20 =	vld [tilespmem:s21+$0x40]  }
0x128: {  	v19 =	vld [tilespmem:s8+$0xFFFFFFB0];
	v7 =	vsel vm9, v7, v16;
	v58 =	vmul.f32 $2.000000030e-01, v18;
	v9 =	vmul.f32 $2.000000030e-01, v14  }
0x129: {  	vm11 =	vgt.f32 v14, $0.0e+00;
	v16 =	vld [tilespmem:s19+$0xFFFFFFD0];
	v7 =	vmul.f32 $1.442695020e+00, v7;
	v10 =	vmul.f32 v10, v28  }
0x12a: {  	[tilespmem:s26+$0x10] =	vst v11;
	v13 =	vmul.f32 v31, v13;
	vm10 =	vgt.f32 v18, $0.0e+00;
	v28 =	vld [tilespmem:s31+$0x10];
	v9 =	vsel vm11, v14, v9  }
0x12b: {  	v12 =	vsel vm10, v18, v58;
	v18 =	vld [tilespmem:s19+$0x20];
	(erf) = vpow2.f32 v7;
	[tilespmem:s29+$0x60] =	vst v10;
	v9 =	vmul.f32 $1.442695020e+00, v9  }
0x12c: {  	[tilespmem:s29+$0xFFFFFF60] =	vst v13;
	v7 =	vmul.f32 v57, v29;
	v12 =	vmul.f32 $1.442695020e+00, v12;
	v11 =	vld [tilespmem:s8+$0x70]  }
0x12d: {  	v10 =	vmul.f32 v19, v25;
	v19 =	vld [tilespmem:s8+$0xFFFFFF70];
	(erf) = vpow2.f32 v9  }
0x12e: {  	v31 =	vperm.xlane v17, v2;
	[tilespmem:s29+$0x0] =	vst v7;
	v21 =	vmul.f32 v16, v21;
	v16 =	vld [tilespmem:s21+$0x90]  }
0x12f: {  	s22 =	simm.s32 $0xC720;
	v7 =	vperm.xlane v15, v2;
	[tilespmem:s29+$0xFFFFFFB0] =	vst v10;
	(erf) = vpow2.f32 v12;
	v12 =	vld [tilespmem:s8+$0x10];
	v14 =	vpop (erf)  }
0x130: {  	v13 =	vperm.xlane v27, v1;
	v25 =	vperm.xlane v26, v2;
	v10 =	vld [tilespmem:s8+$0xFFFFFFC0];
	[tilespmem:s22+$0x90] =	vst v14  }
0x131: {  	v15 =	vperm.xlane v15, v3;
	v7 =	vmul.f32 v11, v7;
	v11 =	vld [tilespmem:s30+$0x50]  }
0x132: {  	v37 =	vld [tilespmem:s31+$0xFFFFFFE0];
	v9 =	vperm.xlane v26, v3;
	v23 =	vmul.f32 v18, v23  }
0x133: {  	v24 =	vmul.f32 v19, v24;
	v16 =	vadd.f32 v16, v28;
	[tilespmem:s29+$0x70] =	vst v7;
	v7 =	vperm.xlane v27, v3;
	v27 =	vld [tilespmem:s21+$0xFFFFFFA0]  }
0x134: {  	v20 =	vadd.f32 v20, v22;
	v18 =	vperm.xlane v14, v0;
	v29 =	vmul.f32 v12, v13;
	v13 =	vld [tilespmem:s31+$0xFFFFFFF0]  }
0x135: {  	[tilespmem:s26+$0x20] =	vst v23;
	v26 =	vmul.f32 v10, v30;
	v10 =	vpop (erf);
	v61 =	vmul.f32 $2.000000030e-01, v16;
	v17 =	vld [tilespmem:s8+$0x80]  }
0x136: {  	vm14 =	vgt.f32 v20, $0.0e+00;
	v30 =	vld [tilespmem:s21+$0xFFFFFFF0];
	[tilespmem:s29+$0x10] =	vst v29;
	v29 =	vmul.f32 $2.000000030e-01, v20;
	v12 =	vpop (erf);
	v35 =	vmul.f32 v11, v18  }
0x137: {  	vm12 =	vgt.f32 v16, $0.0e+00;
	v60 =	vperm.xlane v10, v0;
	[tilespmem:s29+$0xFFFFFFC0] =	vst v26;
	v34 =	vperm.xlane v12, v0  }
0x138: {  	v23 =	vld [tilespmem:s19+$0x30];
	v19 =	vperm.xlane v12, v1;
	v20 =	vsel vm14, v20, v29;
	v18 =	vperm.xlane v10, v1;
	[tilespmem:s22+$0x50] =	vst v35  }
0x139: {  	[tilespmem:s22+$0xFFFFFFA0] =	vst v12;
	v11 =	vpop (erf);
	v26 =	vadd.f32 v27, v37;
	v27 =	vperm.xlane v14, v1;
	v20 =	vmul.f32 $1.442695020e+00, v20;
	v39 =	vld [tilespmem:s30+$0x60]  }
0x13a: {  	[tilespmem:s29+$0xFFFFFF70] =	vst v24;
	v38 =	vld [tilespmem:s30+$0xFFFFFF60];
	v36 =	vperm.xlane v11, v0;
	v28 =	vmul.f32 v17, v15;
	v35 =	vsel vm12, v16, v61  }
0x13b: {  	v63 =	vld [tilespmem:s8+$0xFFFFFF80];
	[tilespmem:s22+$0xFFFFFFF0] =	vst v10;
	v30 =	vadd.f32 v30, v13;
	v17 =	vperm.xlane v11, v1;
	v22 =	vmul.f32 $1.442695020e+00, v35  }
0x13c: {  	v40 =	vld [tilespmem:s30+$0xFFFFFFB0];
	v15 =	vperm.xlane v12, v2;
	[tilespmem:s22+$0x40] =	vst v11;
	v13 =	vperm.xlane v11, v2  }
0x13d: {  	v24 =	vmul.f32 $2.000000030e-01, v30;
	v62 =	vld [tilespmem:s30+$0x0];
	(erf) = vpow2.f32 v22  }
0x13e: {  	[tilespmem:s26+$0xFFFFFFD0] =	vst v21;
	v41 =	vld [tilespmem:s8+$0xFFFFFFD0];
	vm13 =	vgt.f32 v30, $0.0e+00;
	v21 =	vmul.f32 v39, v27;
	v27 =	vmul.f32 $2.000000030e-01, v26  }
0x13f: {  	vm15 =	vgt.f32 v26, $0.0e+00;
	[tilespmem:s29+$0x80] =	vst v28;
	v24 =	vsel vm13, v30, v24;
	v30 =	vld [tilespmem:s8+$0x20];
	v28 =	vmul.f32 v38, v34  }
0x140: {  	v16 =	vperm.xlane v10, v2;
	v22 =	vld [tilespmem:s19+$0xFFFFFF90];
	v24 =	vmul.f32 $1.442695020e+00, v24;
	v26 =	vsel vm15, v26, v27;
	[tilespmem:s22+$0x60] =	vst v21  }
0x141: {  	v29 =	vmul.f32 v40, v60;
	[tilespmem:s22+$0xFFFFFF60] =	vst v28;
	v26 =	vmul.f32 $1.442695020e+00, v26;
	v27 =	vld [tilespmem:s30+$0x70]  }
0x142: {  	(erf) = vpow2.f32 v24;
	v24 =	vmul.f32 v62, v36;
	v28 =	vld [tilespmem:s30+$0xFFFFFF70]  }
0x143: {  	[tilespmem:s22+$0xFFFFFFB0] =	vst v29;
	v21 =	vld [tilespmem:s19+$0xFFFFFFE0];
	(erf) = vpow2.f32 v26;
	v26 =	vmul.f32 v63, v25  }
0x144: {  	s1 =	simm.s32 $0xC720;
	v29 =	vperm.xlane v14, v2;
	[tilespmem:s22+$0x0] =	vst v24;
	v25 =	vld [tilespmem:s30+$0xFFFFFFC0];
	(erf) = vpow2.f32 v20  }
0x145: {  	s4 =	simm.s32 $0xB520;
	s24 =	simm.s32 $0xC;
	v24 =	vld [tilespmem:s30+$0x10];
	s19 =	simm.s32 $0x5860;
	v20 =	vmul.f32 v30, v59;
	[tilespmem:s29+$0xFFFFFF80] =	vst v26;
	v26 =	vmul.f32 v41, v31  }
.LBB2_5:
0x146: {  	v30 =	vld [tilespmem:s4+$0x10];
	s21 =	sadd.s32 $0x140, s21;
	v31 =	vpop (erf);
	v12 =	vperm.xlane v12, v3;
	v27 =	vmul.f32 v27, v29;
	s22 =	sadd.s32 $0x140, s22  }
0x147: {  	v10 =	vperm.xlane v10, v3;
	v29 =	vld [tilespmem:s21+$0x90];
	[tilespmem:s22+$0x90] =	vst v31;
	v19 =	vmul.f32 v28, v19  }
0x148: {  	v11 =	vperm.xlane v11, v3;
	v22 =	vmul.f32 v22, v6;
	v6 =	vmovc v9;
	v28 =	vld [tilespmem:s19+$0x50];
	[tilespmem:s1+$0x70] =	vst v27;
	v9 =	vmov v12  }
0x149: {  	v21 =	vmul.f32 v21, v5;
	v5 =	vmovc v8;
	v8 =	vmov v10;
	[tilespmem:s1+$0xFFFFFF70] =	vst v19;
	v19 =	vmul.f32 v25, v18;
	v18 =	vld [tilespmem:s30+$0x80]  }
0x14a: {  	s24 =	sadd.s32 $0x4, s24;
	v23 =	vmul.f32 v23, v4;
	v4 =	vmovc v7;
	v7 =	vmov v11;
	v25 =	vld [tilespmem:s21+$0xFFFFFFA0];
	v24 =	vmul.f32 v24, v17;
	[tilespmem:s29+$0xFFFFFFD0] =	vst v26  }
0x14b: {  	p0 =	slt.u32 s24, $0xFC;
	v34 =	vperm.xlane v31, v0;
	v26 =	vld [tilespmem:s4+$0xFFFFFFF0];
	v10 =	vpop (erf);
	[tilespmem:s1+$0xFFFFFFC0] =	vst v19  }
0x14c: {  	v17 =	vperm.xlane v14, v3;
	v14 =	vmov v31;
	v27 =	vld [tilespmem:s21+$0xFFFFFFF0];
	[tilespmem:s22+$0xFFFFFFF0] =	vst v10;
	v32 =	vperm.xlane v10, v0;
	v12 =	vpop (erf)  }
0x14d: {  	v31 =	vld [tilespmem:s4+$0x0];
	[tilespmem:s22+$0xFFFFFFA0] =	vst v12;
	v33 =	vperm.xlane v12, v0;
	v28 =	vmul.f32 v28, v34;
	v11 =	vpop (erf)  }
0x14e: {  	v29 =	vadd.f32 v29, v30;
	v34 =	vld [tilespmem:s21+$0x40];
	[tilespmem:s22+$0x40] =	vst v11;
	v30 =	vperm.xlane v11, v0;
	v35 =	vmul.f32 v18, v17  }
0x14f: {  	v19 =	vperm.xlane v12, v1;
	v18 =	vperm.xlane v10, v1;
	v36 =	vld [tilespmem:s4+$0xFFFFFFE0];
	[tilespmem:s22+$0x50] =	vst v28  }
0x150: {  	v17 =	vperm.xlane v11, v1;
	v28 =	vmul.f32 $2.000000030e-01, v29;
	v37 =	vld [tilespmem:s19+$0xFFFFFF60];
	[tilespmem:s1+$0x80] =	vst v35  }
0x151: {  	vm0 =	vgt.f32 v29, $0.0e+00;
	v35 =	vperm.xlane v12, v2;
	v26 =	vadd.f32 v27, v26;
	v27 =	vld [tilespmem:s19+$0x60];
	[tilespmem:s1+$0x10] =	vst v24  }
0x152: {  	v38 =	vperm.xlane v10, v2;
	v39 =	vperm.xlane v11, v2;
	v24 =	vsel vm0, v29, v28;
	v28 =	vld [tilespmem:s19+$0xFFFFFFB0];
	[tilespmem:s29+$0x20] =	vst v20  }
0x153: {  	v24 =	vmul.f32 $1.442695020e+00, v24;
	v20 =	vmul.f32 $2.000000030e-01, v26;
	v29 =	vadd.f32 v34, v31;
	v31 =	vld [tilespmem:s19+$0x0];
	[tilespmem:s26+$0xFFFFFF90] =	vst v22  }
0x154: {  	vm0 =	vgt.f32 v26, $0.0e+00;
	v22 =	vperm.xlane v14, v1;
	v25 =	vadd.f32 v25, v36;
	v34 =	vld [tilespmem:s30+$0xFFFFFF80];
	[tilespmem:s26+$0xFFFFFFE0] =	vst v21  }
0x155: {  	vm1 =	vgt.f32 v29, $0.0e+00;
	v21 =	vmul.f32 $2.000000030e-01, v29;
	(erf) = vpow2.f32 v24;
	v36 =	vld [tilespmem:s30+$0xFFFFFFD0];
	[tilespmem:s26+$0x30] =	vst v23;
	s26 =	smov.u32 s29;
	s29 =	smov.u32 s1;
	s1 =	smov.u32 s22  }
0x156: {  	vm2 =	vgt.f32 v25, $0.0e+00;
	v23 =	vmul.f32 $2.000000030e-01, v25;
	v24 =	vmul.f32 v27, v22;
	v40 =	vld [tilespmem:s30+$0x20]  }
0x157: {  	v20 =	vsel vm0, v26, v20;
	v26 =	vmul.f32 v37, v33;
	v21 =	vsel vm1, v29, v21;
	v22 =	vld [tilespmem:s8+$0xFFFFFF90]  }
0x158: {  	v20 =	vmul.f32 $1.442695020e+00, v20;
	v23 =	vsel vm2, v25, v23;
	v25 =	vmul.f32 $1.442695020e+00, v21;
	[tilespmem:s22+$0x60] =	vst v24;
	v21 =	vld [tilespmem:s8+$0xFFFFFFE0]  }
.Ltmp1:
0x159: {  	v24 =	vmul.f32 v28, v32;
	v23 =	vmul.f32 $1.442695020e+00, v23;
	[tilespmem:s22+$0xFFFFFF60] =	vst v26;
	v27 =	vld [tilespmem:s19+$0x70];
	(pc) =	sbr.rel @p0 .LBB2_5-.Ltmp1, $4  }
0x15a: {  	(erf) = vpow2.f32 v20;
	v28 =	vld [tilespmem:s19+$0xFFFFFF70];
	v20 =	vmul.f32 v31, v30  }
0x15b: {  	v26 =	vmul.f32 v34, v15;
	v15 =	vmov v35;
	(erf) = vpow2.f32 v23;
	[tilespmem:s22+$0xFFFFFFB0] =	vst v24;
	v23 =	vld [tilespmem:s8+$0x30];
	s8 =	smov.u32 s30;
	s30 =	smov.u32 s19;
	s19 =	smov.u32 s21  }
0x15c: {  	v29 =	vperm.xlane v14, v2;
	(erf) = vpow2.f32 v25;
	v25 =	vld [tilespmem:s30+$0xFFFFFFC0];
	[tilespmem:s22+$0x0] =	vst v20  }
0x15d: {  	s4 =	sadd.s32 $0x40, s4;
	v20 =	vmul.f32 v40, v13;
	v13 =	vmovc v39;
	v24 =	vld [tilespmem:s30+$0x10];
	[tilespmem:s29+$0xFFFFFF80] =	vst v26;
	v26 =	vmul.f32 v36, v16;
	v16 =	vmov v38  }
0x15e: {  	v30 =	vpop (erf);
	s4 =	sadd.s32 $0x140, s22  }
0x15f: {  	[tilespmem:s4+$0x90] =	vst v30  }
0x160: {  	v31 =	vld [tilespmem:s19+$0x50];
	_ =	sdelay $0x2  }
0x161: {  	v27 =	vmul.f32 v27, v29;
	v32 =	vperm.xlane v30, v0;
	_ =	sdelay $0x1  }
0x162: {  	v31 =	vmul.f32 v31, v32  }
0x163: {  	[tilespmem:s1+$0x70] =	vst v27  }
0x164: {  	v27 =	vpop (erf);
	[tilespmem:s4+$0x50] =	vst v31  }
0x165: {  	[tilespmem:s29+$0xFFFFFFD0] =	vst v26;
	v29 =	vpop (erf);
	v57 =	vld [tilespmem:s19+$0x60]  }
0x166: {  	[tilespmem:s4+$0xFFFFFFA0] =	vst v29  }
0x167: {  	[tilespmem:s4+$0xFFFFFFF0] =	vst v27;
	v59 =	vld [tilespmem:s19+$0xFFFFFF60];
	v31 =	vpop (erf)  }
0x168: {  	v6 =	vmul.f32 v22, v6;
	v33 =	vperm.xlane v30, v1;
	v60 =	vld [tilespmem:s19+$0xFFFFFFB0];
	[tilespmem:s4+$0x40] =	vst v31  }
0x169: {  	v5 =	vmul.f32 v21, v5;
	v19 =	vmul.f32 v28, v19;
	[tilespmem:s29+$0x20] =	vst v20;
	v61 =	vld [tilespmem:s19+$0x0]  }
0x16a: {  	[tilespmem:s26+$0xFFFFFF90] =	vst v6;
	v58 =	vld [tilespmem:s30+$0x80];
	v62 =	vperm.xlane v29, v0;
	v28 =	vmul.f32 v57, v33  }
0x16b: {  	[tilespmem:s26+$0xFFFFFFE0] =	vst v5;
	v63 =	vperm.xlane v27, v0  }
0x16c: {  	v32 =	vmul.f32 v59, v62;
	[tilespmem:s4+$0x60] =	vst v28;
	v28 =	vperm.xlane v31, v0  }
0x16d: {  	v14 =	vperm.xlane v14, v3;
	[tilespmem:s1+$0xFFFFFF70] =	vst v19;
	v34 =	vmul.f32 v60, v63  }
0x16e: {  	v46 =	vld [tilespmem:s8+$0xFFFFFF90];
	[tilespmem:s4+$0xFFFFFF60] =	vst v32;
	v35 =	vmul.f32 v61, v28  }
0x16f: {  	v14 =	vmul.f32 v58, v14;
	[tilespmem:s4+$0xFFFFFFB0] =	vst v34;
	v36 =	vld [tilespmem:s19+$0xFFFFFF70]  }
0x170: {  	v18 =	vmul.f32 v25, v18;
	v38 =	vld [tilespmem:s19+$0xFFFFFFC0];
	[tilespmem:s4+$0x0] =	vst v35  }
0x171: {  	v17 =	vmul.f32 v24, v17;
	[tilespmem:s1+$0x80] =	vst v14;
	v14 =	vld [tilespmem:s19+$0x10]  }
0x172: {  	v4 =	vmul.f32 v23, v4;
	v40 =	vld [tilespmem:s30+$0xFFFFFF80];
	[tilespmem:s1+$0xFFFFFFC0] =	vst v18;
	v39 =	vperm.xlane v29, v1  }
0x173: {  	v9 =	vmul.f32 v46, v9;
	[tilespmem:s1+$0x10] =	vst v17;
	v41 =	vperm.xlane v27, v1;
	v42 =	vld [tilespmem:s30+$0xFFFFFFD0]  }
0x174: {  	[tilespmem:s26+$0x30] =	vst v4;
	v4 =	vld [tilespmem:s30+$0x20];
	v43 =	vperm.xlane v31, v1;
	v5 =	vmul.f32 v36, v39  }
0x175: {  	v52 =	vld [tilespmem:s8+$0xFFFFFFE0];
	[tilespmem:s29+$0xFFFFFF90] =	vst v9;
	v45 =	vmul.f32 v38, v41  }
0x176: {  	v33 =	vld [tilespmem:s19+$0x70];
	[tilespmem:s4+$0xFFFFFF70] =	vst v5;
	v5 =	vmul.f32 v14, v43  }
0x177: {  	v6 =	vmul.f32 v40, v15;
	[tilespmem:s4+$0xFFFFFFC0] =	vst v45;
	v48 =	vld [tilespmem:s19+$0xFFFFFF80]  }
0x178: {  	v16 =	vmul.f32 v42, v16;
	[tilespmem:s4+$0x10] =	vst v5;
	v5 =	vld [tilespmem:s19+$0xFFFFFFD0]  }
0x179: {  	v37 =	vperm.xlane v30, v2;
	[tilespmem:s1+$0xFFFFFF80] =	vst v6;
	v4 =	vmul.f32 v4, v13;
	v50 =	vld [tilespmem:s19+$0x20]  }
0x17a: {  	v54 =	vld [tilespmem:s8+$0x30];
	v51 =	vperm.xlane v29, v2;
	v8 =	vmul.f32 v52, v8;
	[tilespmem:s1+$0xFFFFFFD0] =	vst v16  }
0x17b: {  	v53 =	vperm.xlane v27, v2;
	[tilespmem:s1+$0x20] =	vst v4;
	v4 =	vld [tilespmem:s30+$0xFFFFFF90];
	v17 =	vmul.f32 v33, v37  }
0x17c: {  	[tilespmem:s29+$0xFFFFFFE0] =	vst v8;
	v55 =	vperm.xlane v31, v2;
	v56 =	vld [tilespmem:s30+$0xFFFFFFE0];
	v15 =	vmul.f32 v48, v51  }
0x17d: {  	v57 =	vld [tilespmem:s30+$0x30];
	[tilespmem:s4+$0x70] =	vst v17;
	v5 =	vmul.f32 v5, v53  }
0x17e: {  	v12 =	vperm.xlane v12, v3;
	v44 =	vld [tilespmem:s19+$0x80];
	[tilespmem:s4+$0xFFFFFF80] =	vst v15;
	v6 =	vmul.f32 v50, v55  }
0x17f: {  	v10 =	vperm.xlane v10, v3;
	v7 =	vmul.f32 v54, v7;
	[tilespmem:s4+$0xFFFFFFD0] =	vst v5;
	v5 =	vld [tilespmem:s19+$0xFFFFFF90]  }
0x180: {  	v11 =	vperm.xlane v11, v3;
	v4 =	vmul.f32 v4, v12;
	[tilespmem:s4+$0x20] =	vst v6;
	v58 =	vld [tilespmem:s19+$0xFFFFFFE0]  }
0x181: {  	v47 =	vperm.xlane v30, v3;
	[tilespmem:s29+$0x30] =	vst v7;
	v61 =	vmul.f32 v56, v10;
	v59 =	vld [tilespmem:s19+$0x30]  }
0x182: {  	v60 =	vperm.xlane v29, v3;
	v63 =	vmul.f32 v57, v11;
	[tilespmem:s1+$0xFFFFFF90] =	vst v4  }
0x183: {  	v62 =	vperm.xlane v27, v3;
	[tilespmem:s1+$0xFFFFFFE0] =	vst v61;
	v49 =	vmul.f32 v44, v47  }
0x184: {  	v4 =	vperm.xlane v31, v3;
	[tilespmem:s1+$0x30] =	vst v63;
	v5 =	vmul.f32 v5, v60  }
0x185: {  	[tilespmem:s4+$0x80] =	vst v49;
	v6 =	vmul.f32 v58, v62  }
0x186: {  	v4 =	vmul.f32 v59, v4;
	[tilespmem:s4+$0xFFFFFF90] =	vst v5  }
0x187: {  	[tilespmem:s4+$0xFFFFFFE0] =	vst v6  }
0x188: {  	[tilespmem:s4+$0x30] =	vst v4  }
0x189: {  	[spmem:s2] =	stream.indirect.scatter.add.f32 [tilespmem:s11], [sflag:$0x3], $0x50, s28, s18, $0xb8;
	[tilespmem:$0x1DC00] =	vst v63  }
0x18a: {  	s16 =	sadd.s32 $0x1, s16;
	_ =	swait.ge [sflag:s17], $0x2800  }
0x18b: {  	p0 =	sne.s32 s16, s10;
	[sflag:s17] =	ssyncset.done $0x0  }
.Ltmp2:
0x18c: {  	[sflag:s17] =	ssyncadd.s32 $0xFFFFD800;
	(pc) =	sbr.rel @p0 .LBB2_2-.Ltmp2, $4  }
0x18d: {  	[spmem:s2] =	stream.indirect.scatter.add.f32 [tilespmem:s14], [sflag:$0x3], $0x50, s0, s18, $0xb8;
	[tilespmem:$0x1DC00] =	vst v63  }
0x18e: {  	_ =	swait.ge [sflag:s17], $0x2800  }
0x18f: {  	[sflag:s17] =	ssyncset.done $0x0  }
0x190: {  	[sflag:s17] =	ssyncadd.s32 $0xFFFFD800  }
0x191: {  	_ =	swait.ge [sflag:s7], $0x5000  }
0x192: {  	[sflag:s7] =	ssyncset.done $0x0  }
0x193: {  	[sflag:s7] =	ssyncadd.s32 $0xFFFFB000  }
0x194: {  	_ =	swait.ge [sflag:s7], $0x1000  }
0x195: {  	[sflag:s7] =	ssyncset.done $0x0  }
0x196: {  	[sflag:s7] =	ssyncadd.s32 $0xFFFFF000  }
0x197: {  	[bflag:$0x0] =	sbarrier.arrive $0xFFFF  }
0x198: {  	s16 =	rddreg [dreg:$0x4]  }
0x199: {  	s1 =	rddreg [dreg:$0x7]  }
0x19a: {  	s4 =	rddreg [dreg:$0x9]  }
0x19b: {  	[hbm:s1], [sflag:s16] =	dma.local [spmem:s4], $0x1900  }
0x19c: {  	_ =	swait.ge [sflag:s17], $0x1900  }
0x19d: {  	s8 =	rddreg [dreg:$0xa]  }
0x19e: {  	s31 =	rddreg [dreg:$0x8];
	s8 =	sadd.s32 $0x1, s8  }
0x19f: {  	p0 =	sne.s32 s8, s31  }
.Ltmp3:
0x1a0: {  	_ = 	snop;
	(pc) =	sbr.rel @p0 .LBB2_1-.Ltmp3, $3  }
0x1a1: {  	_ =	sdelay $0x1  }
0x1a2: {  	[sflag:s17] =	ssyncset.done $0x0  }
0x1a3: {  	[sflag:s17] =	ssyncadd.s32 $0xFFFFE700  }
0x1a4: {  	_ =	sfence.sel $0x180000  }
0x1a5: {  	[bflag:$0x0] =	sbarrier.arrive $0xFFFF  }
0x1a6: {  	_ =	strace $0x90000047  }
0x1a7: {  	s0 =	stileid.u32;
	[bflag:$0x2] =	sbarrier.arrive $0xFFFF  }
0x1a8: {  	p0 =	sne.s32 s0, $0x0;
	s0 =	rddreg [dreg:$0x2]  }
0x1a9: {  	s0 =	sadd.s32 @!p0 $0x100000, s0  }
0x1aa: {  	[sflag:s0] =	ssyncadd.tile.s32 @!p0 $0x1;
	_ =	shalt  }
.Lfunc_end2:
_tile_overlayer_lowered:
.L_overlay_start_2:
0x1ab: {  	(tag) =	ssettag $0x2  }
0x1ac: {  	s0 =	rddreg [dreg:$0x0];
	s2 =	stileid.u32  }
0x1ad: {  	s1 =	rddreg [dreg:$0x1];
	p0 =	sne.s32 s2, $0x0  }
0x1ae: {  	s3 =	rddreg [dreg:$0x2];
	[bflag:$0x3] =	sbarrier.arrive $0xFFFF;
	s2 =	simm.s32 @!p0 $0x1C03  }
0x1af: {  	[timem:s3], [sflag:s2] =	dma.local @!p0 [hbm:s0], s1  }
0x1b0: {  	s0 =	simm.s32 @!p0 $0x3  }
0x1b1: {  	_ =	swait.ge @!p0 [sflag:s0], s1  }
0x1b2: {  	s1 =	ssub.s32 @!p0 $0x0, s1;
	[sflag:s0] =	ssyncset.done @!p0 $0x0  }
0x1b3: {  	[sflag:s0] =	ssyncadd.s32 @!p0 s1  }
0x1b4: {  	[bflag:$0x3] =	sbarrier.arrive $0xFFFF  }
0x1b5: {  	_ =	shalt  }

</sc_bundles>
